<compile_context>
chip_gen: v7x
topology: tpu7x:2x2x1
jax: 0.10.2.dev20260603
libtpu: 0.0.44.dev20260713+nightly
codegen_flags: <defaults>
</compile_context>

<pallas_src>
import functools

import jax
import jax.numpy as jnp
from jax import lax
from jax.experimental import pallas as pl
from jax.experimental.pallas import tpu as pltpu
from jax.experimental.pallas import tpu_sc as plsc

_NC = 2
_NS = 16
_NW = _NC * _NS
_FEAT = 16
_CH = 320
_RING = 3
_UCH = 184
_NUM_IT = 3


@functools.lru_cache(maxsize=None)
def _make_wl_kernel(e_pad: int, chunks: int, acc_rows: int):
    wb_rows = acc_rows // _NS
    urows = acc_rows // _NW
    uch = urows // _UCH
    edges_per_tile = chunks * _CH
    assert (chunks - 1) % _RING == 0
    assert urows % _UCH == 0

    mesh = plsc.VectorSubcoreMesh(
        core_axis_name="c", subcore_axis_name="s",
        num_cores=_NC, num_subcores=_NS)

    table_t = jax.ShapeDtypeStruct((acc_rows, _FEAT), jnp.float32)

    @functools.partial(
        pl.kernel,
        out_type=(table_t, table_t, table_t,
                  jax.ShapeDtypeStruct((_NC * acc_rows, _FEAT), jnp.float32)),
        mesh=mesh,
        scratch_types=[
            pltpu.VMEM((_RING, _CH), jnp.int32),
            pltpu.VMEM((_RING, _CH), jnp.int32),
            pltpu.VMEM((_RING, _CH, _FEAT), jnp.float32),
            pltpu.VMEM((_UCH, _FEAT), jnp.float32),
            pltpu.VMEM((_UCH, _FEAT), jnp.float32),
            pltpu.VMEM((_UCH, _FEAT), jnp.float32),
            pltpu.VMEM_SHARED((acc_rows, _FEAT), jnp.float32),
            pltpu.SemaphoreType.DMA,
            pltpu.SemaphoreType.DMA,
            pltpu.SemaphoreType.DMA,
            pltpu.SemaphoreType.REGULAR,
        ],
        compiler_params=pltpu.CompilerParams(
            use_tc_tiling_on_sc=False, needs_layout_passes=False),
    )
    def wl_kernel(h0_hbm, src_hbm, dst_hbm, zeros_hbm,
                  out1, out2, out3, p_hbm,
                  src_v, dst_v, rows_v, po_v, own_v, h_v, acc,
                  sem_i, sem_g, sem_s, sem_x):
        c = lax.axis_index("c")
        s = lax.axis_index("s")
        wid = c * _NS + s
        base = wid * edges_per_tile
        max_e0 = e_pad - _CH
        lane = lax.iota(jnp.int32, 16)

        def cross_core_barrier():
            plsc.subcore_barrier()

            @pl.when(s == 0)
            def _():
                pl.semaphore_signal(sem_x, 1, core_index=1 - c)
                pl.semaphore_wait(sem_x, 1)

            plsc.subcore_barrier()

        def prefetch_idx(chunk, buf):
            e0 = jnp.minimum(base + chunk * _CH, max_e0)
            pltpu.async_copy(src_hbm.at[pl.ds(e0, _CH)], src_v.at[buf], sem_i)
            pltpu.async_copy(dst_hbm.at[pl.ds(e0, _CH)], dst_v.at[buf], sem_i)

        def wait_idx(buf):
            pltpu.make_async_copy(
                src_hbm.at[pl.ds(0, _CH)], src_v.at[buf], sem_i).wait()
            pltpu.make_async_copy(
                src_hbm.at[pl.ds(0, _CH)], dst_v.at[buf], sem_i).wait()

        def drain_rows(buf, sem):
            pltpu.make_async_copy(h0_hbm.at[pl.ds(0, _CH)],
                                  rows_v.at[buf], sem).wait()

        def scatter_phase(table):
            pltpu.sync_copy(zeros_hbm, acc.at[pl.ds(s * wb_rows, wb_rows)])
            plsc.subcore_barrier()

            def issue_gathers(buf):
                pltpu.async_copy(table.at[src_v.at[buf]], rows_v.at[buf],
                                 sem_g)

            def issue_scatters(buf):
                pltpu.async_copy(rows_v.at[buf], acc.at[dst_v.at[buf]],
                                 sem_s, add=True)

            prefetch_idx(0, 0)
            prefetch_idx(1, 1)
            wait_idx(0)
            issue_gathers(0)

            groups = (chunks - 1) // _RING

            @pl.loop(0, groups)
            def _(g):
                for b in range(_RING):
                    i = g * _RING + b
                    if b < 2:
                        @pl.when(g > 0)
                        def _():
                            drain_rows(b, sem_s)
                    else:
                        drain_rows(b, sem_s)
                    prefetch_idx(i + 2, (b + 2) % _RING)
                    wait_idx((b + 1) % _RING)
                    issue_gathers((b + 1) % _RING)
                    drain_rows(b, sem_g)
                    issue_scatters(b)

            drain_rows(0, sem_g)
            issue_scatters(0)
            for b in range(_RING):
                drain_rows(b, sem_s)
            wait_idx(1)
            plsc.subcore_barrier()

        def update_phase(table_prev, table_out):
            pltpu.sync_copy(
                acc.at[pl.ds(s * wb_rows, wb_rows)],
                p_hbm.at[pl.ds(c * acc_rows + s * wb_rows, wb_rows)])
            cross_core_barrier()

            @pl.loop(0, uch)
            def _(u):
                r0 = wid * urows + u * _UCH
                pltpu.sync_copy(
                    p_hbm.at[pl.ds((1 - c) * acc_rows + r0, _UCH)], po_v)
                pltpu.sync_copy(acc.at[pl.ds(r0, _UCH)], own_v)
                pltpu.sync_copy(table_prev.at[pl.ds(r0, _UCH)], h_v)

                @pl.loop(0, _UCH)
                def _(r):
                    agg = own_v[r] + po_v[r]
                    d = jnp.maximum(jnp.max(jnp.where(lane == 15, agg, -1.0)),
                                    1.0)
                    hn = 0.5 * (h_v[r] + agg / d)
                    h_v[r] = jnp.where(lane == 15, 1.0, hn)

                pltpu.sync_copy(h_v, table_out.at[pl.ds(r0, _UCH)])

            cross_core_barrier()

        tables = [h0_hbm, out1, out2, out3]
        for t in range(_NUM_IT):
            scatter_phase(tables[t])
            update_phase(tables[t], tables[t + 1])

    return wl_kernel


def kernel(x, edge_index, batch):
    n = x.shape[0]
    e = edge_index.shape[1]

    edges_per_sweep = _NW * _CH
    chunks = -(-e // edges_per_sweep)
    while (chunks - 1) % _RING:
        chunks += 1
    e_pad = chunks * edges_per_sweep
    acc_rows = -(-(n + 1) // (_NW * _UCH)) * (_NW * _UCH)
    wb_rows = acc_rows // _NS

    src = edge_index[0]
    dst = edge_index[1]
    pad = e_pad - e
    if pad:
        src = jnp.concatenate([src, jnp.zeros((pad,), jnp.int32)])
        dst = jnp.concatenate([dst, jnp.full((pad,), n, jnp.int32)])
    zeros = jnp.zeros((wb_rows, _FEAT), jnp.float32)

    h0 = jnp.concatenate(
        [
            x[:, :8],
            x[:, 9:10],
            x[:, 11:12],
            jnp.zeros((n, 5), jnp.float32),
            jnp.ones((n, 1), jnp.float32),
        ],
        axis=1,
    )
    h0 = jnp.concatenate(
        [h0, jnp.zeros((acc_rows - n, _FEAT), jnp.float32)], axis=0)

    wl = _make_wl_kernel(e_pad, chunks, acc_rows)
    h1, h2, h3, _ = wl(h0, src, dst, zeros)

    snaps = [h0[:n], h1[:n], h2[:n], h3[:n]]
    pieces = ([s[:, :8] for s in snaps]
              + [s[:, 8:9] for s in snaps]
              + [s[:, 9:10] for s in snaps])
    return jnp.concatenate(pieces, axis=1)

# --- scband reference (transcript-rebuilt; emitter-appended) ---
"""Pipeline reference for scband-wwl-encoder-continuous-and-categorical-57638461112695 (READ-ONLY COPY).

The authoritative reference and input builder live on the scoring server;
editing this copy changes nothing except your own understanding.
"""

import jax, jax.numpy as jnp
import numpy as np

N = 100000
E = 6400000
DIM_ATTR = 8
DIMS_OH = [2, 2]
NUM_IT = 3
STEP = 1


def setup_inputs(seed: int = 0) -> dict:
    key = jax.random.key(seed)
    k1, k2, k3 = jax.random.split(key, 3)
    x = jax.random.normal(k1, (N, DIM_ATTR + sum(DIMS_OH)), dtype=jnp.float32)
    edge_index = jax.random.randint(k2, (2, E), 0, N, dtype=jnp.int32)
    batch = jnp.sort(jax.random.randint(k3, (N,), 0, 128, dtype=jnp.int32))
    return {"x": x, "edge_index": edge_index, "batch": batch}


def _wl_continuous(h, src, dst, deg):
    # continuous WL iteration: h <- 0.5 * (h + mean of neighbor h), collect snapshots
    outs = [h]
    for _ in range(NUM_IT):
        for _ in range(STEP):
            agg = jax.ops.segment_sum(h[src], dst, num_segments=N) / deg[:, None]
            h = 0.5 * (h + agg)
        outs.append(h)
    return jnp.concatenate(outs, axis=-1)


def _wl_categorical(onehot, src, dst, deg):
    # continuous relaxation of categorical WL: scalar label = expected class index,
    # then same mean-aggregation iterations; one scalar per snapshot.
    d = onehot.shape[-1]
    lab = onehot @ jnp.arange(d, dtype=onehot.dtype)
    outs = [lab]
    for _ in range(NUM_IT):
        for _ in range(STEP):
            agg = jax.ops.segment_sum(lab[src], dst, num_segments=N) / deg
            lab = 0.5 * (lab + agg)
        outs.append(lab)
    return jnp.stack(outs, axis=-1)


def reference(x, edge_index, batch):
    src = edge_index[0]
    dst = edge_index[1]
    deg = jnp.maximum(
        jax.ops.segment_sum(jnp.ones((E,), dtype=x.dtype), dst, num_segments=N), 1.0
    )
    parts = [_wl_continuous(x[:, :DIM_ATTR], src, dst, deg)]
    start = DIM_ATTR
    for d in DIMS_OH:
        parts.append(_wl_categorical(x[:, start:start + d], src, dst, deg))
        start += d
    return jnp.concatenate(parts, axis=-1)

if __name__ == "__main__":
    import jax
    _d = setup_inputs()
    print(jax.jit(kernel)(*tuple(_d.values())))

</pallas_src>

<mosaic_0001>
#map = affine_map<(d0, d1) -> (0, 0)>
#map1 = affine_map<(d0, d1) -> (0)>
module attributes {stable_mosaic.version = 14 : i64} {
  func.func @wl_kernel(%arg0: i32, %arg1: i32, %arg2: memref<100096x16xf32, #tpu.memory_space<hbm>>, %arg3: memref<6400000xi32, #tpu.memory_space<hbm>>, %arg4: memref<6400000xi32, #tpu.memory_space<hbm>>, %arg5: memref<6256x16xf32, #tpu.memory_space<hbm>>, %arg6: memref<100096x16xf32, #tpu.memory_space<hbm>>, %arg7: memref<100096x16xf32, #tpu.memory_space<hbm>>, %arg8: memref<100096x16xf32, #tpu.memory_space<hbm>>, %arg9: memref<200192x16xf32, #tpu.memory_space<hbm>>, %arg10: memref<3x320xi32, #tpu.memory_space<vmem>>, %arg11: memref<3x320xi32, #tpu.memory_space<vmem>>, %arg12: memref<3x320x16xf32, #tpu.memory_space<vmem>>, %arg13: memref<184x16xf32, #tpu.memory_space<vmem>>, %arg14: memref<184x16xf32, #tpu.memory_space<vmem>>, %arg15: memref<184x16xf32, #tpu.memory_space<vmem>>, %arg16: memref<100096x16xf32, #tpu.memory_space<vmem_shared>>, %arg17: memref<!tpu.dma_semaphore, #tpu.memory_space<semaphore_mem>>, %arg18: memref<!tpu.dma_semaphore, #tpu.memory_space<semaphore_mem>>, %arg19: memref<!tpu.dma_semaphore, #tpu.memory_space<semaphore_mem>>, %arg20: memref<!tpu.semaphore, #tpu.memory_space<semaphore_mem>>) attributes {dimension_semantics = [#tpu.dimension_semantics<core_parallel>, #tpu.dimension_semantics<subcore_parallel>], iteration_bounds = array<i64: 2, 16>, scalar_prefetch = 0 : i64, scratch_operands = 11 : i64, tpu.core_type = #tpu.core_type<sc_vector_subcore>, window_params = [{transform_indices = #map}, {transform_indices = #map1}, {transform_indices = #map1}, {transform_indices = #map}, {transform_indices = #map}, {transform_indices = #map}, {transform_indices = #map}, {transform_indices = #map}]} {
    %mul3A = arith.constant 16 : i32
    %mul3A_0 = arith.muli %arg0, %mul3A : i32
    %add3A = arith.addi %mul3A_0, %arg1 : i32
    %mul3A_1 = arith.constant 200000 : i32
    %mul3A_2 = arith.muli %add3A, %mul3A_1 : i32
    %iota3A = tpu.iota {dimensions = array<i32: 0>} : vector<16xi32>
    %mul3A_3 = arith.constant 6256 : i32
    %mul3A_4 = arith.muli %arg1, %mul3A_3 : i32
    "tpu.region"() ({
      %run_scoped3A = tpu.sem_alloc : memref<!tpu.dma_semaphore, #tpu.memory_space<semaphore_mem>>
      %dma_start3A_616 = arith.constant 0 : i32
      %dma_start3A_617 = tpu.memref_slice %arg16[%mul3A_4, %dma_start3A_616] : memref<100096x16xf32, #tpu.memory_space<vmem_shared>> -> memref<6256x16xf32, #tpu.memory_space<vmem_shared>>
      tpu.enqueue_dma source(%arg5 : memref<6256x16xf32, #tpu.memory_space<hbm>>) target(%dma_start3A_617 : memref<6256x16xf32, #tpu.memory_space<vmem_shared>>) target_semaphore(%run_scoped3A : memref<!tpu.dma_semaphore, #tpu.memory_space<semaphore_mem>>)
      %dma_wait3A_618 = arith.constant 0 : i32
      %dma_wait3A_619 = tpu.memref_slice %arg16[%mul3A_4, %dma_wait3A_618] : memref<100096x16xf32, #tpu.memory_space<vmem_shared>> -> memref<6256x16xf32, #tpu.memory_space<vmem_shared>>
      tpu.wait_dma2 semaphore(%run_scoped3A : memref<!tpu.dma_semaphore, #tpu.memory_space<semaphore_mem>>) src(%arg5 : memref<6256x16xf32, #tpu.memory_space<hbm>>) dst(%dma_wait3A_619 : memref<6256x16xf32, #tpu.memory_space<vmem_shared>>)
      tpu.yield
    }) : () -> ()
    %barrier3A = arith.constant 0 : index
    tpu.barrier barrier_id(%barrier3A)
    %add3A_5 = arith.constant 0 : i32
    %add3A_6 = arith.addi %mul3A_2, %add3A_5 : i32
    %min3A = arith.constant 6399680 : i32
    %min3A_7 = arith.minsi %add3A_6, %min3A : i32
    %dma_start3A = arith.constant 0 : i32
    %dma_start3A_8 = arith.constant 0 : i32
    %dma_start3A_9 = tpu.memref_slice %arg10[%dma_start3A, %dma_start3A_8] : memref<3x320xi32, #tpu.memory_space<vmem>> -> memref<1x320xi32, #tpu.memory_space<vmem>>
    %dma_start3A_10 = tpu.memref_squeeze %dma_start3A_9 : memref<1x320xi32, #tpu.memory_space<vmem>> -> memref<320xi32, #tpu.memory_space<vmem>>
    %dma_start3A_11 = tpu.memref_slice %arg3[%min3A_7] : memref<6400000xi32, #tpu.memory_space<hbm>> -> memref<320xi32, #tpu.memory_space<hbm>>
    %dma_start3A_12 = arith.constant 0 : i32
    %dma_start3A_13 = tpu.memref_slice %arg10[%dma_start3A, %dma_start3A_12] : memref<3x320xi32, #tpu.memory_space<vmem>> -> memref<1x320xi32, #tpu.memory_space<vmem>>
    %dma_start3A_14 = tpu.memref_squeeze %dma_start3A_13 : memref<1x320xi32, #tpu.memory_space<vmem>> -> memref<320xi32, #tpu.memory_space<vmem>>
    %dma_start3A_15 = tpu.memref_slice %arg3[%min3A_7] : memref<6400000xi32, #tpu.memory_space<hbm>> -> memref<320xi32, #tpu.memory_space<hbm>>
    tpu.enqueue_dma source(%dma_start3A_15 : memref<320xi32, #tpu.memory_space<hbm>>) target(%dma_start3A_14 : memref<320xi32, #tpu.memory_space<vmem>>) target_semaphore(%arg17 : memref<!tpu.dma_semaphore, #tpu.memory_space<semaphore_mem>>)
    %dma_start3A_16 = arith.constant 0 : i32
    %dma_start3A_17 = arith.constant 0 : i32
    %dma_start3A_18 = tpu.memref_slice %arg11[%dma_start3A_16, %dma_start3A_17] : memref<3x320xi32, #tpu.memory_space<vmem>> -> memref<1x320xi32, #tpu.memory_space<vmem>>
    %dma_start3A_19 = tpu.memref_squeeze %dma_start3A_18 : memref<1x320xi32, #tpu.memory_space<vmem>> -> memref<320xi32, #tpu.memory_space<vmem>>
    %dma_start3A_20 = tpu.memref_slice %arg4[%min3A_7] : memref<6400000xi32, #tpu.memory_space<hbm>> -> memref<320xi32, #tpu.memory_space<hbm>>
    %dma_start3A_21 = arith.constant 0 : i32
    %dma_start3A_22 = tpu.memref_slice %arg11[%dma_start3A_16, %dma_start3A_21] : memref<3x320xi32, #tpu.memory_space<vmem>> -> memref<1x320xi32, #tpu.memory_space<vmem>>
    %dma_start3A_23 = tpu.memref_squeeze %dma_start3A_22 : memref<1x320xi32, #tpu.memory_space<vmem>> -> memref<320xi32, #tpu.memory_space<vmem>>
    %dma_start3A_24 = tpu.memref_slice %arg4[%min3A_7] : memref<6400000xi32, #tpu.memory_space<hbm>> -> memref<320xi32, #tpu.memory_space<hbm>>
    tpu.enqueue_dma source(%dma_start3A_24 : memref<320xi32, #tpu.memory_space<hbm>>) target(%dma_start3A_23 : memref<320xi32, #tpu.memory_space<vmem>>) target_semaphore(%arg17 : memref<!tpu.dma_semaphore, #tpu.memory_space<semaphore_mem>>)
    %add3A_25 = arith.constant 320 : i32
    %add3A_26 = arith.addi %mul3A_2, %add3A_25 : i32
    %min3A_27 = arith.constant 6399680 : i32
    %min3A_28 = arith.minsi %add3A_26, %min3A_27 : i32
    %dma_start3A_29 = arith.constant 1 : i32
    %dma_start3A_30 = arith.constant 0 : i32
    %dma_start3A_31 = tpu.memref_slice %arg10[%dma_start3A_29, %dma_start3A_30] : memref<3x320xi32, #tpu.memory_space<vmem>> -> memref<1x320xi32, #tpu.memory_space<vmem>>
    %dma_start3A_32 = tpu.memref_squeeze %dma_start3A_31 : memref<1x320xi32, #tpu.memory_space<vmem>> -> memref<320xi32, #tpu.memory_space<vmem>>
    %dma_start3A_33 = tpu.memref_slice %arg3[%min3A_28] : memref<6400000xi32, #tpu.memory_space<hbm>> -> memref<320xi32, #tpu.memory_space<hbm>>
    %dma_start3A_34 = arith.constant 0 : i32
    %dma_start3A_35 = tpu.memref_slice %arg10[%dma_start3A_29, %dma_start3A_34] : memref<3x320xi32, #tpu.memory_space<vmem>> -> memref<1x320xi32, #tpu.memory_space<vmem>>
    %dma_start3A_36 = tpu.memref_squeeze %dma_start3A_35 : memref<1x320xi32, #tpu.memory_space<vmem>> -> memref<320xi32, #tpu.memory_space<vmem>>
    %dma_start3A_37 = tpu.memref_slice %arg3[%min3A_28] : memref<6400000xi32, #tpu.memory_space<hbm>> -> memref<320xi32, #tpu.memory_space<hbm>>
    tpu.enqueue_dma source(%dma_start3A_37 : memref<320xi32, #tpu.memory_space<hbm>>) target(%dma_start3A_36 : memref<320xi32, #tpu.memory_space<vmem>>) target_semaphore(%arg17 : memref<!tpu.dma_semaphore, #tpu.memory_space<semaphore_mem>>)
    %dma_start3A_38 = arith.constant 1 : i32
    %dma_start3A_39 = arith.constant 0 : i32
    %dma_start3A_40 = tpu.memref_slice %arg11[%dma_start3A_38, %dma_start3A_39] : memref<3x320xi32, #tpu.memory_space<vmem>> -> memref<1x320xi32, #tpu.memory_space<vmem>>
    %dma_start3A_41 = tpu.memref_squeeze %dma_start3A_40 : memref<1x320xi32, #tpu.memory_space<vmem>> -> memref<320xi32, #tpu.memory_space<vmem>>
    %dma_start3A_42 = tpu.memref_slice %arg4[%min3A_28] : memref<6400000xi32, #tpu.memory_space<hbm>> -> memref<320xi32, #tpu.memory_space<hbm>>
    %dma_start3A_43 = arith.constant 0 : i32
    %dma_start3A_44 = tpu.memref_slice %arg11[%dma_start3A_38, %dma_start3A_43] : memref<3x320xi32, #tpu.memory_space<vmem>> -> memref<1x320xi32, #tpu.memory_space<vmem>>
    %dma_start3A_45 = tpu.memref_squeeze %dma_start3A_44 : memref<1x320xi32, #tpu.memory_space<vmem>> -> memref<320xi32, #tpu.memory_space<vmem>>
    %dma_start3A_46 = tpu.memref_slice %arg4[%min3A_28] : memref<6400000xi32, #tpu.memory_space<hbm>> -> memref<320xi32, #tpu.memory_space<hbm>>
    tpu.enqueue_dma source(%dma_start3A_46 : memref<320xi32, #tpu.memory_space<hbm>>) target(%dma_start3A_45 : memref<320xi32, #tpu.memory_space<vmem>>) target_semaphore(%arg17 : memref<!tpu.dma_semaphore, #tpu.memory_space<semaphore_mem>>)
    %dma_wait3A = arith.constant 0 : i32
    %dma_wait3A_47 = arith.constant 0 : i32
    %dma_wait3A_48 = tpu.memref_slice %arg10[%dma_wait3A, %dma_wait3A_47] : memref<3x320xi32, #tpu.memory_space<vmem>> -> memref<1x320xi32, #tpu.memory_space<vmem>>
    %dma_wait3A_49 = tpu.memref_squeeze %dma_wait3A_48 : memref<1x320xi32, #tpu.memory_space<vmem>> -> memref<320xi32, #tpu.memory_space<vmem>>
    %dma_wait3A_50 = arith.constant 0 : i32
    %dma_wait3A_51 = tpu.memref_slice %arg3[%dma_wait3A_50] : memref<6400000xi32, #tpu.memory_space<hbm>> -> memref<320xi32, #tpu.memory_space<hbm>>
    %dma_wait3A_52 = arith.constant 0 : i32
    %dma_wait3A_53 = tpu.memref_slice %arg10[%dma_wait3A, %dma_wait3A_52] : memref<3x320xi32, #tpu.memory_space<vmem>> -> memref<1x320xi32, #tpu.memory_space<vmem>>
    %dma_wait3A_54 = tpu.memref_squeeze %dma_wait3A_53 : memref<1x320xi32, #tpu.memory_space<vmem>> -> memref<320xi32, #tpu.memory_space<vmem>>
    %dma_wait3A_55 = arith.constant 0 : i32
    %dma_wait3A_56 = tpu.memref_slice %arg3[%dma_wait3A_55] : memref<6400000xi32, #tpu.memory_space<hbm>> -> memref<320xi32, #tpu.memory_space<hbm>>
    tpu.wait_dma2 semaphore(%arg17 : memref<!tpu.dma_semaphore, #tpu.memory_space<semaphore_mem>>) src(%dma_wait3A_56 : memref<320xi32, #tpu.memory_space<hbm>>) dst(%dma_wait3A_54 : memref<320xi32, #tpu.memory_space<vmem>>)
    %dma_wait3A_57 = arith.constant 0 : i32
    %dma_wait3A_58 = arith.constant 0 : i32
    %dma_wait3A_59 = tpu.memref_slice %arg11[%dma_wait3A_57, %dma_wait3A_58] : memref<3x320xi32, #tpu.memory_space<vmem>> -> memref<1x320xi32, #tpu.memory_space<vmem>>
    %dma_wait3A_60 = tpu.memref_squeeze %dma_wait3A_59 : memref<1x320xi32, #tpu.memory_space<vmem>> -> memref<320xi32, #tpu.memory_space<vmem>>
    %dma_wait3A_61 = arith.constant 0 : i32
    %dma_wait3A_62 = tpu.memref_slice %arg3[%dma_wait3A_61] : memref<6400000xi32, #tpu.memory_space<hbm>> -> memref<320xi32, #tpu.memory_space<hbm>>
    %dma_wait3A_63 = arith.constant 0 : i32
    %dma_wait3A_64 = tpu.memref_slice %arg11[%dma_wait3A_57, %dma_wait3A_63] : memref<3x320xi32, #tpu.memory_space<vmem>> -> memref<1x320xi32, #tpu.memory_space<vmem>>
    %dma_wait3A_65 = tpu.memref_squeeze %dma_wait3A_64 : memref<1x320xi32, #tpu.memory_space<vmem>> -> memref<320xi32, #tpu.memory_space<vmem>>
    %dma_wait3A_66 = arith.constant 0 : i32
    %dma_wait3A_67 = tpu.memref_slice %arg3[%dma_wait3A_66] : memref<6400000xi32, #tpu.memory_space<hbm>> -> memref<320xi32, #tpu.memory_space<hbm>>
    tpu.wait_dma2 semaphore(%arg17 : memref<!tpu.dma_semaphore, #tpu.memory_space<semaphore_mem>>) src(%dma_wait3A_67 : memref<320xi32, #tpu.memory_space<hbm>>) dst(%dma_wait3A_65 : memref<320xi32, #tpu.memory_space<vmem>>)
    %dma_start3A_68 = arith.constant 0 : i32
    %dma_start3A_69 = arith.constant 0 : i32
    %dma_start3A_70 = arith.constant 0 : i32
    %dma_start3A_71 = arith.constant 0 : i32
    %dma_start3A_72 = tpu.memref_slice %arg12[%dma_start3A_69, %dma_start3A_70, %dma_start3A_71] : memref<3x320x16xf32, #tpu.memory_space<vmem>> -> memref<1x320x16xf32, #tpu.memory_space<vmem>>
    %dma_start3A_73 = tpu.memref_squeeze %dma_start3A_72 : memref<1x320x16xf32, #tpu.memory_space<vmem>> -> memref<320x16xf32, #tpu.memory_space<vmem>>
    %dma_start3A_74 = arith.constant 0 : i32
    %dma_start3A_75 = tpu.memref_slice %arg10[%dma_start3A_68, %dma_start3A_74] : memref<3x320xi32, #tpu.memory_space<vmem>> -> memref<1x320xi32, #tpu.memory_space<vmem>>
    %dma_start3A_76 = tpu.memref_squeeze %dma_start3A_75 : memref<1x320xi32, #tpu.memory_space<vmem>> -> memref<320xi32, #tpu.memory_space<vmem>>
    %dma_start3A_77 = arith.constant 0 : i32
    %dma_start3A_78 = arith.constant 0 : i32
    %dma_start3A_79 = tpu.memref_slice %arg2[%dma_start3A_77, %dma_start3A_78] : memref<100096x16xf32, #tpu.memory_space<hbm>> -> memref<100096x16xf32, #tpu.memory_space<hbm>>
    tpu.enqueue_indirect_dma source(%dma_start3A_79 : memref<100096x16xf32, #tpu.memory_space<hbm>>) target(%dma_start3A_73 : memref<320x16xf32, #tpu.memory_space<vmem>>) offsets(%dma_start3A_76 : memref<320xi32, #tpu.memory_space<vmem>>) semaphore(%arg18 : memref<!tpu.dma_semaphore, #tpu.memory_space<semaphore_mem>>)
    %scan3A = arith.constant 0 : i32
    %scan3A_80 = arith.constant 208 : i32
    %scan3A_81 = arith.addi %scan3A, %scan3A_80 : i32
    %scan3A_82 = arith.constant 1 : i32
    scf.for %scan3A_616 = %scan3A to %scan3A_81 step %scan3A_82  : i32 {
      %mul3A_617 = arith.constant 1 : i32
      %mul3A_618 = arith.muli %scan3A_616, %mul3A_617 : i32
      %add3A_619 = arith.constant 0 : i32
      %add3A_620 = arith.addi %add3A_619, %mul3A_618 : i32
      %mul3A_621 = arith.constant 3 : i32
      %mul3A_622 = arith.muli %add3A_620, %mul3A_621 : i32
      %add3A_623 = arith.constant 0 : i32
      %add3A_624 = arith.addi %mul3A_622, %add3A_623 : i32
      %gt3A = arith.constant 0 : i32
      %gt3A_625 = arith.cmpi sgt, %add3A_620, %gt3A : i32
      %convert_element_type3A_626 = arith.extui %gt3A_625 : i1 to i32
      %cond3A_627 = arith.constant 0 : i32
      %cond3A_628 = arith.cmpi ne, %convert_element_type3A_626, %cond3A_627 : i32
      scf.if %cond3A_628 {
        %dma_wait3A_915 = arith.constant 0 : i32
        %dma_wait3A_916 = arith.constant 0 : i32
        %dma_wait3A_917 = arith.constant 0 : i32
        %dma_wait3A_918 = tpu.memref_slice %arg12[%dma_wait3A_915, %dma_wait3A_916, %dma_wait3A_917] : memref<3x320x16xf32, #tpu.memory_space<vmem>> -> memref<1x320x16xf32, #tpu.memory_space<vmem>>
        %dma_wait3A_919 = tpu.memref_squeeze %dma_wait3A_918 : memref<1x320x16xf32, #tpu.memory_space<vmem>> -> memref<320x16xf32, #tpu.memory_space<vmem>>
        %dma_wait3A_920 = arith.constant 0 : i32
        %dma_wait3A_921 = arith.constant 0 : i32
        %dma_wait3A_922 = tpu.memref_slice %arg2[%dma_wait3A_920, %dma_wait3A_921] : memref<100096x16xf32, #tpu.memory_space<hbm>> -> memref<320x16xf32, #tpu.memory_space<hbm>>
        %dma_wait3A_923 = arith.constant 0 : i32
        %dma_wait3A_924 = arith.constant 0 : i32
        %dma_wait3A_925 = tpu.memref_slice %arg12[%dma_wait3A_915, %dma_wait3A_923, %dma_wait3A_924] : memref<3x320x16xf32, #tpu.memory_space<vmem>> -> memref<1x320x16xf32, #tpu.memory_space<vmem>>
        %dma_wait3A_926 = tpu.memref_squeeze %dma_wait3A_925 : memref<1x320x16xf32, #tpu.memory_space<vmem>> -> memref<320x16xf32, #tpu.memory_space<vmem>>
        %dma_wait3A_927 = arith.constant 0 : i32
        %dma_wait3A_928 = arith.constant 0 : i32
        %dma_wait3A_929 = tpu.memref_slice %arg2[%dma_wait3A_927, %dma_wait3A_928] : memref<100096x16xf32, #tpu.memory_space<hbm>> -> memref<320x16xf32, #tpu.memory_space<hbm>>
        tpu.wait_dma2 semaphore(%arg19 : memref<!tpu.dma_semaphore, #tpu.memory_space<semaphore_mem>>) src(%dma_wait3A_929 : memref<320x16xf32, #tpu.memory_space<hbm>>) dst(%dma_wait3A_926 : memref<320x16xf32, #tpu.memory_space<vmem>>)
      } else {
      }
      %add3A_629 = arith.constant 2 : i32
      %add3A_630 = arith.addi %add3A_624, %add3A_629 : i32
      %mul3A_631 = arith.constant 320 : i32
      %mul3A_632 = arith.muli %add3A_630, %mul3A_631 : i32
      %add3A_633 = arith.addi %mul3A_2, %mul3A_632 : i32
      %min3A_634 = arith.constant 6399680 : i32
      %min3A_635 = arith.minsi %add3A_633, %min3A_634 : i32
      %dma_start3A_636 = arith.constant 2 : i32
      %dma_start3A_637 = arith.constant 0 : i32
      %dma_start3A_638 = tpu.memref_slice %arg10[%dma_start3A_636, %dma_start3A_637] : memref<3x320xi32, #tpu.memory_space<vmem>> -> memref<1x320xi32, #tpu.memory_space<vmem>>
      %dma_start3A_639 = tpu.memref_squeeze %dma_start3A_638 : memref<1x320xi32, #tpu.memory_space<vmem>> -> memref<320xi32, #tpu.memory_space<vmem>>
      %dma_start3A_640 = tpu.memref_slice %arg3[%min3A_635] : memref<6400000xi32, #tpu.memory_space<hbm>> -> memref<320xi32, #tpu.memory_space<hbm>>
      %dma_start3A_641 = arith.constant 0 : i32
      %dma_start3A_642 = tpu.memref_slice %arg10[%dma_start3A_636, %dma_start3A_641] : memref<3x320xi32, #tpu.memory_space<vmem>> -> memref<1x320xi32, #tpu.memory_space<vmem>>
      %dma_start3A_643 = tpu.memref_squeeze %dma_start3A_642 : memref<1x320xi32, #tpu.memory_space<vmem>> -> memref<320xi32, #tpu.memory_space<vmem>>
      %dma_start3A_644 = tpu.memref_slice %arg3[%min3A_635] : memref<6400000xi32, #tpu.memory_space<hbm>> -> memref<320xi32, #tpu.memory_space<hbm>>
      tpu.enqueue_dma source(%dma_start3A_644 : memref<320xi32, #tpu.memory_space<hbm>>) target(%dma_start3A_643 : memref<320xi32, #tpu.memory_space<vmem>>) target_semaphore(%arg17 : memref<!tpu.dma_semaphore, #tpu.memory_space<semaphore_mem>>)
      %dma_start3A_645 = arith.constant 2 : i32
      %dma_start3A_646 = arith.constant 0 : i32
      %dma_start3A_647 = tpu.memref_slice %arg11[%dma_start3A_645, %dma_start3A_646] : memref<3x320xi32, #tpu.memory_space<vmem>> -> memref<1x320xi32, #tpu.memory_space<vmem>>
      %dma_start3A_648 = tpu.memref_squeeze %dma_start3A_647 : memref<1x320xi32, #tpu.memory_space<vmem>> -> memref<320xi32, #tpu.memory_space<vmem>>
      %dma_start3A_649 = tpu.memref_slice %arg4[%min3A_635] : memref<6400000xi32, #tpu.memory_space<hbm>> -> memref<320xi32, #tpu.memory_space<hbm>>
      %dma_start3A_650 = arith.constant 0 : i32
      %dma_start3A_651 = tpu.memref_slice %arg11[%dma_start3A_645, %dma_start3A_650] : memref<3x320xi32, #tpu.memory_space<vmem>> -> memref<1x320xi32, #tpu.memory_space<vmem>>
      %dma_start3A_652 = tpu.memref_squeeze %dma_start3A_651 : memref<1x320xi32, #tpu.memory_space<vmem>> -> memref<320xi32, #tpu.memory_space<vmem>>
      %dma_start3A_653 = tpu.memref_slice %arg4[%min3A_635] : memref<6400000xi32, #tpu.memory_space<hbm>> -> memref<320xi32, #tpu.memory_space<hbm>>
      tpu.enqueue_dma source(%dma_start3A_653 : memref<320xi32, #tpu.memory_space<hbm>>) target(%dma_start3A_652 : memref<320xi32, #tpu.memory_space<vmem>>) target_semaphore(%arg17 : memref<!tpu.dma_semaphore, #tpu.memory_space<semaphore_mem>>)
      %dma_wait3A_654 = arith.constant 1 : i32
      %dma_wait3A_655 = arith.constant 0 : i32
      %dma_wait3A_656 = tpu.memref_slice %arg10[%dma_wait3A_654, %dma_wait3A_655] : memref<3x320xi32, #tpu.memory_space<vmem>> -> memref<1x320xi32, #tpu.memory_space<vmem>>
      %dma_wait3A_657 = tpu.memref_squeeze %dma_wait3A_656 : memref<1x320xi32, #tpu.memory_space<vmem>> -> memref<320xi32, #tpu.memory_space<vmem>>
      %dma_wait3A_658 = arith.constant 0 : i32
      %dma_wait3A_659 = tpu.memref_slice %arg3[%dma_wait3A_658] : memref<6400000xi32, #tpu.memory_space<hbm>> -> memref<320xi32, #tpu.memory_space<hbm>>
      %dma_wait3A_660 = arith.constant 0 : i32
      %dma_wait3A_661 = tpu.memref_slice %arg10[%dma_wait3A_654, %dma_wait3A_660] : memref<3x320xi32, #tpu.memory_space<vmem>> -> memref<1x320xi32, #tpu.memory_space<vmem>>
      %dma_wait3A_662 = tpu.memref_squeeze %dma_wait3A_661 : memref<1x320xi32, #tpu.memory_space<vmem>> -> memref<320xi32, #tpu.memory_space<vmem>>
      %dma_wait3A_663 = arith.constant 0 : i32
      %dma_wait3A_664 = tpu.memref_slice %arg3[%dma_wait3A_663] : memref<6400000xi32, #tpu.memory_space<hbm>> -> memref<320xi32, #tpu.memory_space<hbm>>
      tpu.wait_dma2 semaphore(%arg17 : memref<!tpu.dma_semaphore, #tpu.memory_space<semaphore_mem>>) src(%dma_wait3A_664 : memref<320xi32, #tpu.memory_space<hbm>>) dst(%dma_wait3A_662 : memref<320xi32, #tpu.memory_space<vmem>>)
      %dma_wait3A_665 = arith.constant 1 : i32
      %dma_wait3A_666 = arith.constant 0 : i32
      %dma_wait3A_667 = tpu.memref_slice %arg11[%dma_wait3A_665, %dma_wait3A_666] : memref<3x320xi32, #tpu.memory_space<vmem>> -> memref<1x320xi32, #tpu.memory_space<vmem>>
      %dma_wait3A_668 = tpu.memref_squeeze %dma_wait3A_667 : memref<1x320xi32, #tpu.memory_space<vmem>> -> memref<320xi32, #tpu.memory_space<vmem>>
      %dma_wait3A_669 = arith.constant 0 : i32
      %dma_wait3A_670 = tpu.memref_slice %arg3[%dma_wait3A_669] : memref<6400000xi32, #tpu.memory_space<hbm>> -> memref<320xi32, #tpu.memory_space<hbm>>
      %dma_wait3A_671 = arith.constant 0 : i32
      %dma_wait3A_672 = tpu.memref_slice %arg11[%dma_wait3A_665, %dma_wait3A_671] : memref<3x320xi32, #tpu.memory_space<vmem>> -> memref<1x320xi32, #tpu.memory_space<vmem>>
      %dma_wait3A_673 = tpu.memref_squeeze %dma_wait3A_672 : memref<1x320xi32, #tpu.memory_space<vmem>> -> memref<320xi32, #tpu.memory_space<vmem>>
      %dma_wait3A_674 = arith.constant 0 : i32
      %dma_wait3A_675 = tpu.memref_slice %arg3[%dma_wait3A_674] : memref<6400000xi32, #tpu.memory_space<hbm>> -> memref<320xi32, #tpu.memory_space<hbm>>
      tpu.wait_dma2 semaphore(%arg17 : memref<!tpu.dma_semaphore, #tpu.memory_space<semaphore_mem>>) src(%dma_wait3A_675 : memref<320xi32, #tpu.memory_space<hbm>>) dst(%dma_wait3A_673 : memref<320xi32, #tpu.memory_space<vmem>>)
      %dma_start3A_676 = arith.constant 1 : i32
      %dma_start3A_677 = arith.constant 1 : i32
      %dma_start3A_678 = arith.constant 0 : i32
      %dma_start3A_679 = arith.constant 0 : i32
      %dma_start3A_680 = tpu.memref_slice %arg12[%dma_start3A_677, %dma_start3A_678, %dma_start3A_679] : memref<3x320x16xf32, #tpu.memory_space<vmem>> -> memref<1x320x16xf32, #tpu.memory_space<vmem>>
      %dma_start3A_681 = tpu.memref_squeeze %dma_start3A_680 : memref<1x320x16xf32, #tpu.memory_space<vmem>> -> memref<320x16xf32, #tpu.memory_space<vmem>>
      %dma_start3A_682 = arith.constant 0 : i32
      %dma_start3A_683 = tpu.memref_slice %arg10[%dma_start3A_676, %dma_start3A_682] : memref<3x320xi32, #tpu.memory_space<vmem>> -> memref<1x320xi32, #tpu.memory_space<vmem>>
      %dma_start3A_684 = tpu.memref_squeeze %dma_start3A_683 : memref<1x320xi32, #tpu.memory_space<vmem>> -> memref<320xi32, #tpu.memory_space<vmem>>
      %dma_start3A_685 = arith.constant 0 : i32
      %dma_start3A_686 = arith.constant 0 : i32
      %dma_start3A_687 = tpu.memref_slice %arg2[%dma_start3A_685, %dma_start3A_686] : memref<100096x16xf32, #tpu.memory_space<hbm>> -> memref<100096x16xf32, #tpu.memory_space<hbm>>
      tpu.enqueue_indirect_dma source(%dma_start3A_687 : memref<100096x16xf32, #tpu.memory_space<hbm>>) target(%dma_start3A_681 : memref<320x16xf32, #tpu.memory_space<vmem>>) offsets(%dma_start3A_684 : memref<320xi32, #tpu.memory_space<vmem>>) semaphore(%arg18 : memref<!tpu.dma_semaphore, #tpu.memory_space<semaphore_mem>>)
      %dma_wait3A_688 = arith.constant 0 : i32
      %dma_wait3A_689 = arith.constant 0 : i32
      %dma_wait3A_690 = arith.constant 0 : i32
      %dma_wait3A_691 = tpu.memref_slice %arg12[%dma_wait3A_688, %dma_wait3A_689, %dma_wait3A_690] : memref<3x320x16xf32, #tpu.memory_space<vmem>> -> memref<1x320x16xf32, #tpu.memory_space<vmem>>
      %dma_wait3A_692 = tpu.memref_squeeze %dma_wait3A_691 : memref<1x320x16xf32, #tpu.memory_space<vmem>> -> memref<320x16xf32, #tpu.memory_space<vmem>>
      %dma_wait3A_693 = arith.constant 0 : i32
      %dma_wait3A_694 = arith.constant 0 : i32
      %dma_wait3A_695 = tpu.memref_slice %arg2[%dma_wait3A_693, %dma_wait3A_694] : memref<100096x16xf32, #tpu.memory_space<hbm>> -> memref<320x16xf32, #tpu.memory_space<hbm>>
      %dma_wait3A_696 = arith.constant 0 : i32
      %dma_wait3A_697 = arith.constant 0 : i32
      %dma_wait3A_698 = tpu.memref_slice %arg12[%dma_wait3A_688, %dma_wait3A_696, %dma_wait3A_697] : memref<3x320x16xf32, #tpu.memory_space<vmem>> -> memref<1x320x16xf32, #tpu.memory_space<vmem>>
      %dma_wait3A_699 = tpu.memref_squeeze %dma_wait3A_698 : memref<1x320x16xf32, #tpu.memory_space<vmem>> -> memref<320x16xf32, #tpu.memory_space<vmem>>
      %dma_wait3A_700 = arith.constant 0 : i32
      %dma_wait3A_701 = arith.constant 0 : i32
      %dma_wait3A_702 = tpu.memref_slice %arg2[%dma_wait3A_700, %dma_wait3A_701] : memref<100096x16xf32, #tpu.memory_space<hbm>> -> memref<320x16xf32, #tpu.memory_space<hbm>>
      tpu.wait_dma2 semaphore(%arg18 : memref<!tpu.dma_semaphore, #tpu.memory_space<semaphore_mem>>) src(%dma_wait3A_702 : memref<320x16xf32, #tpu.memory_space<hbm>>) dst(%dma_wait3A_699 : memref<320x16xf32, #tpu.memory_space<vmem>>)
      %dma_start3A_703 = arith.constant 0 : i32
      %dma_start3A_704 = arith.constant 0 : i32
      %dma_start3A_705 = arith.constant 0 : i32
      %dma_start3A_706 = arith.constant 0 : i32
      %dma_start3A_707 = tpu.memref_slice %arg12[%dma_start3A_703, %dma_start3A_705, %dma_start3A_706] : memref<3x320x16xf32, #tpu.memory_space<vmem>> -> memref<1x320x16xf32, #tpu.memory_space<vmem>>
      %dma_start3A_708 = tpu.memref_squeeze %dma_start3A_707 : memref<1x320x16xf32, #tpu.memory_space<vmem>> -> memref<320x16xf32, #tpu.memory_space<vmem>>
      %dma_start3A_709 = arith.constant 0 : i32
      %dma_start3A_710 = tpu.memref_slice %arg11[%dma_start3A_704, %dma_start3A_709] : memref<3x320xi32, #tpu.memory_space<vmem>> -> memref<1x320xi32, #tpu.memory_space<vmem>>
      %dma_start3A_711 = tpu.memref_squeeze %dma_start3A_710 : memref<1x320xi32, #tpu.memory_space<vmem>> -> memref<320xi32, #tpu.memory_space<vmem>>
      %dma_start3A_712 = arith.constant 0 : i32
      %dma_start3A_713 = arith.constant 0 : i32
      %dma_start3A_714 = tpu.memref_slice %arg16[%dma_start3A_712, %dma_start3A_713] : memref<100096x16xf32, #tpu.memory_space<vmem_shared>> -> memref<100096x16xf32, #tpu.memory_space<vmem_shared>>
      tpu.enqueue_indirect_dma source(%dma_start3A_708 : memref<320x16xf32, #tpu.memory_space<vmem>>) target(%dma_start3A_714 : memref<100096x16xf32, #tpu.memory_space<vmem_shared>>) offsets(%dma_start3A_711 : memref<320xi32, #tpu.memory_space<vmem>>) semaphore(%arg19 : memref<!tpu.dma_semaphore, #tpu.memory_space<semaphore_mem>>) {add = true}
      %mul3A_715 = arith.constant 3 : i32
      %mul3A_716 = arith.muli %add3A_620, %mul3A_715 : i32
      %add3A_717 = arith.constant 1 : i32
      %add3A_718 = arith.addi %mul3A_716, %add3A_717 : i32
      %gt3A_719 = arith.constant 0 : i32
      %gt3A_720 = arith.cmpi sgt, %add3A_620, %gt3A_719 : i32
      %convert_element_type3A_721 = arith.extui %gt3A_720 : i1 to i32
      %cond3A_722 = arith.constant 0 : i32
      %cond3A_723 = arith.cmpi ne, %convert_element_type3A_721, %cond3A_722 : i32
      scf.if %cond3A_723 {
        %dma_wait3A_915 = arith.constant 1 : i32
        %dma_wait3A_916 = arith.constant 0 : i32
        %dma_wait3A_917 = arith.constant 0 : i32
        %dma_wait3A_918 = tpu.memref_slice %arg12[%dma_wait3A_915, %dma_wait3A_916, %dma_wait3A_917] : memref<3x320x16xf32, #tpu.memory_space<vmem>> -> memref<1x320x16xf32, #tpu.memory_space<vmem>>
        %dma_wait3A_919 = tpu.memref_squeeze %dma_wait3A_918 : memref<1x320x16xf32, #tpu.memory_space<vmem>> -> memref<320x16xf32, #tpu.memory_space<vmem>>
        %dma_wait3A_920 = arith.constant 0 : i32
        %dma_wait3A_921 = arith.constant 0 : i32
        %dma_wait3A_922 = tpu.memref_slice %arg2[%dma_wait3A_920, %dma_wait3A_921] : memref<100096x16xf32, #tpu.memory_space<hbm>> -> memref<320x16xf32, #tpu.memory_space<hbm>>
        %dma_wait3A_923 = arith.constant 0 : i32
        %dma_wait3A_924 = arith.constant 0 : i32
        %dma_wait3A_925 = tpu.memref_slice %arg12[%dma_wait3A_915, %dma_wait3A_923, %dma_wait3A_924] : memref<3x320x16xf32, #tpu.memory_space<vmem>> -> memref<1x320x16xf32, #tpu.memory_space<vmem>>
        %dma_wait3A_926 = tpu.memref_squeeze %dma_wait3A_925 : memref<1x320x16xf32, #tpu.memory_space<vmem>> -> memref<320x16xf32, #tpu.memory_space<vmem>>
        %dma_wait3A_927 = arith.constant 0 : i32
        %dma_wait3A_928 = arith.constant 0 : i32
        %dma_wait3A_929 = tpu.memref_slice %arg2[%dma_wait3A_927, %dma_wait3A_928] : memref<100096x16xf32, #tpu.memory_space<hbm>> -> memref<320x16xf32, #tpu.memory_space<hbm>>
        tpu.wait_dma2 semaphore(%arg19 : memref<!tpu.dma_semaphore, #tpu.memory_space<semaphore_mem>>) src(%dma_wait3A_929 : memref<320x16xf32, #tpu.memory_space<hbm>>) dst(%dma_wait3A_926 : memref<320x16xf32, #tpu.memory_space<vmem>>)
      } else {
      }
      %add3A_724 = arith.constant 2 : i32
      %add3A_725 = arith.addi %add3A_718, %add3A_724 : i32
      %mul3A_726 = arith.constant 320 : i32
      %mul3A_727 = arith.muli %add3A_725, %mul3A_726 : i32
      %add3A_728 = arith.addi %mul3A_2, %mul3A_727 : i32
      %min3A_729 = arith.constant 6399680 : i32
      %min3A_730 = arith.minsi %add3A_728, %min3A_729 : i32
      %dma_start3A_731 = arith.constant 0 : i32
      %dma_start3A_732 = arith.constant 0 : i32
      %dma_start3A_733 = tpu.memref_slice %arg10[%dma_start3A_731, %dma_start3A_732] : memref<3x320xi32, #tpu.memory_space<vmem>> -> memref<1x320xi32, #tpu.memory_space<vmem>>
      %dma_start3A_734 = tpu.memref_squeeze %dma_start3A_733 : memref<1x320xi32, #tpu.memory_space<vmem>> -> memref<320xi32, #tpu.memory_space<vmem>>
      %dma_start3A_735 = tpu.memref_slice %arg3[%min3A_730] : memref<6400000xi32, #tpu.memory_space<hbm>> -> memref<320xi32, #tpu.memory_space<hbm>>
      %dma_start3A_736 = arith.constant 0 : i32
      %dma_start3A_737 = tpu.memref_slice %arg10[%dma_start3A_731, %dma_start3A_736] : memref<3x320xi32, #tpu.memory_space<vmem>> -> memref<1x320xi32, #tpu.memory_space<vmem>>
      %dma_start3A_738 = tpu.memref_squeeze %dma_start3A_737 : memref<1x320xi32, #tpu.memory_space<vmem>> -> memref<320xi32, #tpu.memory_space<vmem>>
      %dma_start3A_739 = tpu.memref_slice %arg3[%min3A_730] : memref<6400000xi32, #tpu.memory_space<hbm>> -> memref<320xi32, #tpu.memory_space<hbm>>
      tpu.enqueue_dma source(%dma_start3A_739 : memref<320xi32, #tpu.memory_space<hbm>>) target(%dma_start3A_738 : memref<320xi32, #tpu.memory_space<vmem>>) target_semaphore(%arg17 : memref<!tpu.dma_semaphore, #tpu.memory_space<semaphore_mem>>)
      %dma_start3A_740 = arith.constant 0 : i32
      %dma_start3A_741 = arith.constant 0 : i32
      %dma_start3A_742 = tpu.memref_slice %arg11[%dma_start3A_740, %dma_start3A_741] : memref<3x320xi32, #tpu.memory_space<vmem>> -> memref<1x320xi32, #tpu.memory_space<vmem>>
      %dma_start3A_743 = tpu.memref_squeeze %dma_start3A_742 : memref<1x320xi32, #tpu.memory_space<vmem>> -> memref<320xi32, #tpu.memory_space<vmem>>
      %dma_start3A_744 = tpu.memref_slice %arg4[%min3A_730] : memref<6400000xi32, #tpu.memory_space<hbm>> -> memref<320xi32, #tpu.memory_space<hbm>>
      %dma_start3A_745 = arith.constant 0 : i32
      %dma_start3A_746 = tpu.memref_slice %arg11[%dma_start3A_740, %dma_start3A_745] : memref<3x320xi32, #tpu.memory_space<vmem>> -> memref<1x320xi32, #tpu.memory_space<vmem>>
      %dma_start3A_747 = tpu.memref_squeeze %dma_start3A_746 : memref<1x320xi32, #tpu.memory_space<vmem>> -> memref<320xi32, #tpu.memory_space<vmem>>
      %dma_start3A_748 = tpu.memref_slice %arg4[%min3A_730] : memref<6400000xi32, #tpu.memory_space<hbm>> -> memref<320xi32, #tpu.memory_space<hbm>>
      tpu.enqueue_dma source(%dma_start3A_748 : memref<320xi32, #tpu.memory_space<hbm>>) target(%dma_start3A_747 : memref<320xi32, #tpu.memory_space<vmem>>) target_semaphore(%arg17 : memref<!tpu.dma_semaphore, #tpu.memory_space<semaphore_mem>>)
      %dma_wait3A_749 = arith.constant 2 : i32
      %dma_wait3A_750 = arith.constant 0 : i32
      %dma_wait3A_751 = tpu.memref_slice %arg10[%dma_wait3A_749, %dma_wait3A_750] : memref<3x320xi32, #tpu.memory_space<vmem>> -> memref<1x320xi32, #tpu.memory_space<vmem>>
      %dma_wait3A_752 = tpu.memref_squeeze %dma_wait3A_751 : memref<1x320xi32, #tpu.memory_space<vmem>> -> memref<320xi32, #tpu.memory_space<vmem>>
      %dma_wait3A_753 = arith.constant 0 : i32
      %dma_wait3A_754 = tpu.memref_slice %arg3[%dma_wait3A_753] : memref<6400000xi32, #tpu.memory_space<hbm>> -> memref<320xi32, #tpu.memory_space<hbm>>
      %dma_wait3A_755 = arith.constant 0 : i32
      %dma_wait3A_756 = tpu.memref_slice %arg10[%dma_wait3A_749, %dma_wait3A_755] : memref<3x320xi32, #tpu.memory_space<vmem>> -> memref<1x320xi32, #tpu.memory_space<vmem>>
      %dma_wait3A_757 = tpu.memref_squeeze %dma_wait3A_756 : memref<1x320xi32, #tpu.memory_space<vmem>> -> memref<320xi32, #tpu.memory_space<vmem>>
      %dma_wait3A_758 = arith.constant 0 : i32
      %dma_wait3A_759 = tpu.memref_slice %arg3[%dma_wait3A_758] : memref<6400000xi32, #tpu.memory_space<hbm>> -> memref<320xi32, #tpu.memory_space<hbm>>
      tpu.wait_dma2 semaphore(%arg17 : memref<!tpu.dma_semaphore, #tpu.memory_space<semaphore_mem>>) src(%dma_wait3A_759 : memref<320xi32, #tpu.memory_space<hbm>>) dst(%dma_wait3A_757 : memref<320xi32, #tpu.memory_space<vmem>>)
      %dma_wait3A_760 = arith.constant 2 : i32
      %dma_wait3A_761 = arith.constant 0 : i32
      %dma_wait3A_762 = tpu.memref_slice %arg11[%dma_wait3A_760, %dma_wait3A_761] : memref<3x320xi32, #tpu.memory_space<vmem>> -> memref<1x320xi32, #tpu.memory_space<vmem>>
      %dma_wait3A_763 = tpu.memref_squeeze %dma_wait3A_762 : memref<1x320xi32, #tpu.memory_space<vmem>> -> memref<320xi32, #tpu.memory_space<vmem>>
      %dma_wait3A_764 = arith.constant 0 : i32
      %dma_wait3A_765 = tpu.memref_slice %arg3[%dma_wait3A_764] : memref<6400000xi32, #tpu.memory_space<hbm>> -> memref<320xi32, #tpu.memory_space<hbm>>
      %dma_wait3A_766 = arith.constant 0 : i32
      %dma_wait3A_767 = tpu.memref_slice %arg11[%dma_wait3A_760, %dma_wait3A_766] : memref<3x320xi32, #tpu.memory_space<vmem>> -> memref<1x320xi32, #tpu.memory_space<vmem>>
      %dma_wait3A_768 = tpu.memref_squeeze %dma_wait3A_767 : memref<1x320xi32, #tpu.memory_space<vmem>> -> memref<320xi32, #tpu.memory_space<vmem>>
      %dma_wait3A_769 = arith.constant 0 : i32
      %dma_wait3A_770 = tpu.memref_slice %arg3[%dma_wait3A_769] : memref<6400000xi32, #tpu.memory_space<hbm>> -> memref<320xi32, #tpu.memory_space<hbm>>
      tpu.wait_dma2 semaphore(%arg17 : memref<!tpu.dma_semaphore, #tpu.memory_space<semaphore_mem>>) src(%dma_wait3A_770 : memref<320xi32, #tpu.memory_space<hbm>>) dst(%dma_wait3A_768 : memref<320xi32, #tpu.memory_space<vmem>>)
      %dma_start3A_771 = arith.constant 2 : i32
      %dma_start3A_772 = arith.constant 2 : i32
      %dma_start3A_773 = arith.constant 0 : i32
      %dma_start3A_774 = arith.constant 0 : i32
      %dma_start3A_775 = tpu.memref_slice %arg12[%dma_start3A_772, %dma_start3A_773, %dma_start3A_774] : memref<3x320x16xf32, #tpu.memory_space<vmem>> -> memref<1x320x16xf32, #tpu.memory_space<vmem>>
      %dma_start3A_776 = tpu.memref_squeeze %dma_start3A_775 : memref<1x320x16xf32, #tpu.memory_space<vmem>> -> memref<320x16xf32, #tpu.memory_space<vmem>>
      %dma_start3A_777 = arith.constant 0 : i32
      %dma_start3A_778 = tpu.memref_slice %arg10[%dma_start3A_771, %dma_start3A_777] : memref<3x320xi32, #tpu.memory_space<vmem>> -> memref<1x320xi32, #tpu.memory_space<vmem>>
      %dma_start3A_779 = tpu.memref_squeeze %dma_start3A_778 : memref<1x320xi32, #tpu.memory_space<vmem>> -> memref<320xi32, #tpu.memory_space<vmem>>
      %dma_start3A_780 = arith.constant 0 : i32
      %dma_start3A_781 = arith.constant 0 : i32
      %dma_start3A_782 = tpu.memref_slice %arg2[%dma_start3A_780, %dma_start3A_781] : memref<100096x16xf32, #tpu.memory_space<hbm>> -> memref<100096x16xf32, #tpu.memory_space<hbm>>
      tpu.enqueue_indirect_dma source(%dma_start3A_782 : memref<100096x16xf32, #tpu.memory_space<hbm>>) target(%dma_start3A_776 : memref<320x16xf32, #tpu.memory_space<vmem>>) offsets(%dma_start3A_779 : memref<320xi32, #tpu.memory_space<vmem>>) semaphore(%arg18 : memref<!tpu.dma_semaphore, #tpu.memory_space<semaphore_mem>>)
      %dma_wait3A_783 = arith.constant 1 : i32
      %dma_wait3A_784 = arith.constant 0 : i32
      %dma_wait3A_785 = arith.constant 0 : i32
      %dma_wait3A_786 = tpu.memref_slice %arg12[%dma_wait3A_783, %dma_wait3A_784, %dma_wait3A_785] : memref<3x320x16xf32, #tpu.memory_space<vmem>> -> memref<1x320x16xf32, #tpu.memory_space<vmem>>
      %dma_wait3A_787 = tpu.memref_squeeze %dma_wait3A_786 : memref<1x320x16xf32, #tpu.memory_space<vmem>> -> memref<320x16xf32, #tpu.memory_space<vmem>>
      %dma_wait3A_788 = arith.constant 0 : i32
      %dma_wait3A_789 = arith.constant 0 : i32
      %dma_wait3A_790 = tpu.memref_slice %arg2[%dma_wait3A_788, %dma_wait3A_789] : memref<100096x16xf32, #tpu.memory_space<hbm>> -> memref<320x16xf32, #tpu.memory_space<hbm>>
      %dma_wait3A_791 = arith.constant 0 : i32
      %dma_wait3A_792 = arith.constant 0 : i32
      %dma_wait3A_793 = tpu.memref_slice %arg12[%dma_wait3A_783, %dma_wait3A_791, %dma_wait3A_792] : memref<3x320x16xf32, #tpu.memory_space<vmem>> -> memref<1x320x16xf32, #tpu.memory_space<vmem>>
      %dma_wait3A_794 = tpu.memref_squeeze %dma_wait3A_793 : memref<1x320x16xf32, #tpu.memory_space<vmem>> -> memref<320x16xf32, #tpu.memory_space<vmem>>
      %dma_wait3A_795 = arith.constant 0 : i32
      %dma_wait3A_796 = arith.constant 0 : i32
      %dma_wait3A_797 = tpu.memref_slice %arg2[%dma_wait3A_795, %dma_wait3A_796] : memref<100096x16xf32, #tpu.memory_space<hbm>> -> memref<320x16xf32, #tpu.memory_space<hbm>>
      tpu.wait_dma2 semaphore(%arg18 : memref<!tpu.dma_semaphore, #tpu.memory_space<semaphore_mem>>) src(%dma_wait3A_797 : memref<320x16xf32, #tpu.memory_space<hbm>>) dst(%dma_wait3A_794 : memref<320x16xf32, #tpu.memory_space<vmem>>)
      %dma_start3A_798 = arith.constant 1 : i32
      %dma_start3A_799 = arith.constant 1 : i32
      %dma_start3A_800 = arith.constant 0 : i32
      %dma_start3A_801 = arith.constant 0 : i32
      %dma_start3A_802 = tpu.memref_slice %arg12[%dma_start3A_798, %dma_start3A_800, %dma_start3A_801] : memref<3x320x16xf32, #tpu.memory_space<vmem>> -> memref<1x320x16xf32, #tpu.memory_space<vmem>>
      %dma_start3A_803 = tpu.memref_squeeze %dma_start3A_802 : memref<1x320x16xf32, #tpu.memory_space<vmem>> -> memref<320x16xf32, #tpu.memory_space<vmem>>
      %dma_start3A_804 = arith.constant 0 : i32
      %dma_start3A_805 = tpu.memref_slice %arg11[%dma_start3A_799, %dma_start3A_804] : memref<3x320xi32, #tpu.memory_space<vmem>> -> memref<1x320xi32, #tpu.memory_space<vmem>>
      %dma_start3A_806 = tpu.memref_squeeze %dma_start3A_805 : memref<1x320xi32, #tpu.memory_space<vmem>> -> memref<320xi32, #tpu.memory_space<vmem>>
      %dma_start3A_807 = arith.constant 0 : i32
      %dma_start3A_808 = arith.constant 0 : i32
      %dma_start3A_809 = tpu.memref_slice %arg16[%dma_start3A_807, %dma_start3A_808] : memref<100096x16xf32, #tpu.memory_space<vmem_shared>> -> memref<100096x16xf32, #tpu.memory_space<vmem_shared>>
      tpu.enqueue_indirect_dma source(%dma_start3A_803 : memref<320x16xf32, #tpu.memory_space<vmem>>) target(%dma_start3A_809 : memref<100096x16xf32, #tpu.memory_space<vmem_shared>>) offsets(%dma_start3A_806 : memref<320xi32, #tpu.memory_space<vmem>>) semaphore(%arg19 : memref<!tpu.dma_semaphore, #tpu.memory_space<semaphore_mem>>) {add = true}
      %mul3A_810 = arith.constant 3 : i32
      %mul3A_811 = arith.muli %add3A_620, %mul3A_810 : i32
      %add3A_812 = arith.constant 2 : i32
      %add3A_813 = arith.addi %mul3A_811, %add3A_812 : i32
      %dma_wait3A_814 = arith.constant 2 : i32
      %dma_wait3A_815 = arith.constant 0 : i32
      %dma_wait3A_816 = arith.constant 0 : i32
      %dma_wait3A_817 = tpu.memref_slice %arg12[%dma_wait3A_814, %dma_wait3A_815, %dma_wait3A_816] : memref<3x320x16xf32, #tpu.memory_space<vmem>> -> memref<1x320x16xf32, #tpu.memory_space<vmem>>
      %dma_wait3A_818 = tpu.memref_squeeze %dma_wait3A_817 : memref<1x320x16xf32, #tpu.memory_space<vmem>> -> memref<320x16xf32, #tpu.memory_space<vmem>>
      %dma_wait3A_819 = arith.constant 0 : i32
      %dma_wait3A_820 = arith.constant 0 : i32
      %dma_wait3A_821 = tpu.memref_slice %arg2[%dma_wait3A_819, %dma_wait3A_820] : memref<100096x16xf32, #tpu.memory_space<hbm>> -> memref<320x16xf32, #tpu.memory_space<hbm>>
      %dma_wait3A_822 = arith.constant 0 : i32
      %dma_wait3A_823 = arith.constant 0 : i32
      %dma_wait3A_824 = tpu.memref_slice %arg12[%dma_wait3A_814, %dma_wait3A_822, %dma_wait3A_823] : memref<3x320x16xf32, #tpu.memory_space<vmem>> -> memref<1x320x16xf32, #tpu.memory_space<vmem>>
      %dma_wait3A_825 = tpu.memref_squeeze %dma_wait3A_824 : memref<1x320x16xf32, #tpu.memory_space<vmem>> -> memref<320x16xf32, #tpu.memory_space<vmem>>
      %dma_wait3A_826 = arith.constant 0 : i32
      %dma_wait3A_827 = arith.constant 0 : i32
      %dma_wait3A_828 = tpu.memref_slice %arg2[%dma_wait3A_826, %dma_wait3A_827] : memref<100096x16xf32, #tpu.memory_space<hbm>> -> memref<320x16xf32, #tpu.memory_space<hbm>>
      tpu.wait_dma2 semaphore(%arg19 : memref<!tpu.dma_semaphore, #tpu.memory_space<semaphore_mem>>) src(%dma_wait3A_828 : memref<320x16xf32, #tpu.memory_space<hbm>>) dst(%dma_wait3A_825 : memref<320x16xf32, #tpu.memory_space<vmem>>)
      %add3A_829 = arith.constant 2 : i32
      %add3A_830 = arith.addi %add3A_813, %add3A_829 : i32
      %mul3A_831 = arith.constant 320 : i32
      %mul3A_832 = arith.muli %add3A_830, %mul3A_831 : i32
      %add3A_833 = arith.addi %mul3A_2, %mul3A_832 : i32
      %min3A_834 = arith.constant 6399680 : i32
      %min3A_835 = arith.minsi %add3A_833, %min3A_834 : i32
      %dma_start3A_836 = arith.constant 1 : i32
      %dma_start3A_837 = arith.constant 0 : i32
      %dma_start3A_838 = tpu.memref_slice %arg10[%dma_start3A_836, %dma_start3A_837] : memref<3x320xi32, #tpu.memory_space<vmem>> -> memref<1x320xi32, #tpu.memory_space<vmem>>
      %dma_start3A_839 = tpu.memref_squeeze %dma_start3A_838 : memref<1x320xi32, #tpu.memory_space<vmem>> -> memref<320xi32, #tpu.memory_space<vmem>>
      %dma_start3A_840 = tpu.memref_slice %arg3[%min3A_835] : memref<6400000xi32, #tpu.memory_space<hbm>> -> memref<320xi32, #tpu.memory_space<hbm>>
      %dma_start3A_841 = arith.constant 0 : i32
      %dma_start3A_842 = tpu.memref_slice %arg10[%dma_start3A_836, %dma_start3A_841] : memref<3x320xi32, #tpu.memory_space<vmem>> -> memref<1x320xi32, #tpu.memory_space<vmem>>
      %dma_start3A_843 = tpu.memref_squeeze %dma_start3A_842 : memref<1x320xi32, #tpu.memory_space<vmem>> -> memref<320xi32, #tpu.memory_space<vmem>>
      %dma_start3A_844 = tpu.memref_slice %arg3[%min3A_835] : memref<6400000xi32, #tpu.memory_space<hbm>> -> memref<320xi32, #tpu.memory_space<hbm>>
      tpu.enqueue_dma source(%dma_start3A_844 : memref<320xi32, #tpu.memory_space<hbm>>) target(%dma_start3A_843 : memref<320xi32, #tpu.memory_space<vmem>>) target_semaphore(%arg17 : memref<!tpu.dma_semaphore, #tpu.memory_space<semaphore_mem>>)
      %dma_start3A_845 = arith.constant 1 : i32
      %dma_start3A_846 = arith.constant 0 : i32
      %dma_start3A_847 = tpu.memref_slice %arg11[%dma_start3A_845, %dma_start3A_846] : memref<3x320xi32, #tpu.memory_space<vmem>> -> memref<1x320xi32, #tpu.memory_space<vmem>>
      %dma_start3A_848 = tpu.memref_squeeze %dma_start3A_847 : memref<1x320xi32, #tpu.memory_space<vmem>> -> memref<320xi32, #tpu.memory_space<vmem>>
      %dma_start3A_849 = tpu.memref_slice %arg4[%min3A_835] : memref<6400000xi32, #tpu.memory_space<hbm>> -> memref<320xi32, #tpu.memory_space<hbm>>
      %dma_start3A_850 = arith.constant 0 : i32
      %dma_start3A_851 = tpu.memref_slice %arg11[%dma_start3A_845, %dma_start3A_850] : memref<3x320xi32, #tpu.memory_space<vmem>> -> memref<1x320xi32, #tpu.memory_space<vmem>>
      %dma_start3A_852 = tpu.memref_squeeze %dma_start3A_851 : memref<1x320xi32, #tpu.memory_space<vmem>> -> memref<320xi32, #tpu.memory_space<vmem>>
      %dma_start3A_853 = tpu.memref_slice %arg4[%min3A_835] : memref<6400000xi32, #tpu.memory_space<hbm>> -> memref<320xi32, #tpu.memory_space<hbm>>
      tpu.enqueue_dma source(%dma_start3A_853 : memref<320xi32, #tpu.memory_space<hbm>>) target(%dma_start3A_852 : memref<320xi32, #tpu.memory_space<vmem>>) target_semaphore(%arg17 : memref<!tpu.dma_semaphore, #tpu.memory_space<semaphore_mem>>)
      %dma_wait3A_854 = arith.constant 0 : i32
      %dma_wait3A_855 = arith.constant 0 : i32
      %dma_wait3A_856 = tpu.memref_slice %arg10[%dma_wait3A_854, %dma_wait3A_855] : memref<3x320xi32, #tpu.memory_space<vmem>> -> memref<1x320xi32, #tpu.memory_space<vmem>>
      %dma_wait3A_857 = tpu.memref_squeeze %dma_wait3A_856 : memref<1x320xi32, #tpu.memory_space<vmem>> -> memref<320xi32, #tpu.memory_space<vmem>>
      %dma_wait3A_858 = arith.constant 0 : i32
      %dma_wait3A_859 = tpu.memref_slice %arg3[%dma_wait3A_858] : memref<6400000xi32, #tpu.memory_space<hbm>> -> memref<320xi32, #tpu.memory_space<hbm>>
      %dma_wait3A_860 = arith.constant 0 : i32
      %dma_wait3A_861 = tpu.memref_slice %arg10[%dma_wait3A_854, %dma_wait3A_860] : memref<3x320xi32, #tpu.memory_space<vmem>> -> memref<1x320xi32, #tpu.memory_space<vmem>>
      %dma_wait3A_862 = tpu.memref_squeeze %dma_wait3A_861 : memref<1x320xi32, #tpu.memory_space<vmem>> -> memref<320xi32, #tpu.memory_space<vmem>>
      %dma_wait3A_863 = arith.constant 0 : i32
      %dma_wait3A_864 = tpu.memref_slice %arg3[%dma_wait3A_863] : memref<6400000xi32, #tpu.memory_space<hbm>> -> memref<320xi32, #tpu.memory_space<hbm>>
      tpu.wait_dma2 semaphore(%arg17 : memref<!tpu.dma_semaphore, #tpu.memory_space<semaphore_mem>>) src(%dma_wait3A_864 : memref<320xi32, #tpu.memory_space<hbm>>) dst(%dma_wait3A_862 : memref<320xi32, #tpu.memory_space<vmem>>)
      %dma_wait3A_865 = arith.constant 0 : i32
      %dma_wait3A_866 = arith.constant 0 : i32
      %dma_wait3A_867 = tpu.memref_slice %arg11[%dma_wait3A_865, %dma_wait3A_866] : memref<3x320xi32, #tpu.memory_space<vmem>> -> memref<1x320xi32, #tpu.memory_space<vmem>>
      %dma_wait3A_868 = tpu.memref_squeeze %dma_wait3A_867 : memref<1x320xi32, #tpu.memory_space<vmem>> -> memref<320xi32, #tpu.memory_space<vmem>>
      %dma_wait3A_869 = arith.constant 0 : i32
      %dma_wait3A_870 = tpu.memref_slice %arg3[%dma_wait3A_869] : memref<6400000xi32, #tpu.memory_space<hbm>> -> memref<320xi32, #tpu.memory_space<hbm>>
      %dma_wait3A_871 = arith.constant 0 : i32
      %dma_wait3A_872 = tpu.memref_slice %arg11[%dma_wait3A_865, %dma_wait3A_871] : memref<3x320xi32, #tpu.memory_space<vmem>> -> memref<1x320xi32, #tpu.memory_space<vmem>>
      %dma_wait3A_873 = tpu.memref_squeeze %dma_wait3A_872 : memref<1x320xi32, #tpu.memory_space<vmem>> -> memref<320xi32, #tpu.memory_space<vmem>>
      %dma_wait3A_874 = arith.constant 0 : i32
      %dma_wait3A_875 = tpu.memref_slice %arg3[%dma_wait3A_874] : memref<6400000xi32, #tpu.memory_space<hbm>> -> memref<320xi32, #tpu.memory_space<hbm>>
      tpu.wait_dma2 semaphore(%arg17 : memref<!tpu.dma_semaphore, #tpu.memory_space<semaphore_mem>>) src(%dma_wait3A_875 : memref<320xi32, #tpu.memory_space<hbm>>) dst(%dma_wait3A_873 : memref<320xi32, #tpu.memory_space<vmem>>)
      %dma_start3A_876 = arith.constant 0 : i32
      %dma_start3A_877 = arith.constant 0 : i32
      %dma_start3A_878 = arith.constant 0 : i32
      %dma_start3A_879 = arith.constant 0 : i32
      %dma_start3A_880 = tpu.memref_slice %arg12[%dma_start3A_877, %dma_start3A_878, %dma_start3A_879] : memref<3x320x16xf32, #tpu.memory_space<vmem>> -> memref<1x320x16xf32, #tpu.memory_space<vmem>>
      %dma_start3A_881 = tpu.memref_squeeze %dma_start3A_880 : memref<1x320x16xf32, #tpu.memory_space<vmem>> -> memref<320x16xf32, #tpu.memory_space<vmem>>
      %dma_start3A_882 = arith.constant 0 : i32
      %dma_start3A_883 = tpu.memref_slice %arg10[%dma_start3A_876, %dma_start3A_882] : memref<3x320xi32, #tpu.memory_space<vmem>> -> memref<1x320xi32, #tpu.memory_space<vmem>>
      %dma_start3A_884 = tpu.memref_squeeze %dma_start3A_883 : memref<1x320xi32, #tpu.memory_space<vmem>> -> memref<320xi32, #tpu.memory_space<vmem>>
      %dma_start3A_885 = arith.constant 0 : i32
      %dma_start3A_886 = arith.constant 0 : i32
      %dma_start3A_887 = tpu.memref_slice %arg2[%dma_start3A_885, %dma_start3A_886] : memref<100096x16xf32, #tpu.memory_space<hbm>> -> memref<100096x16xf32, #tpu.memory_space<hbm>>
      tpu.enqueue_indirect_dma source(%dma_start3A_887 : memref<100096x16xf32, #tpu.memory_space<hbm>>) target(%dma_start3A_881 : memref<320x16xf32, #tpu.memory_space<vmem>>) offsets(%dma_start3A_884 : memref<320xi32, #tpu.memory_space<vmem>>) semaphore(%arg18 : memref<!tpu.dma_semaphore, #tpu.memory_space<semaphore_mem>>)
      %dma_wait3A_888 = arith.constant 2 : i32
      %dma_wait3A_889 = arith.constant 0 : i32
      %dma_wait3A_890 = arith.constant 0 : i32
      %dma_wait3A_891 = tpu.memref_slice %arg12[%dma_wait3A_888, %dma_wait3A_889, %dma_wait3A_890] : memref<3x320x16xf32, #tpu.memory_space<vmem>> -> memref<1x320x16xf32, #tpu.memory_space<vmem>>
      %dma_wait3A_892 = tpu.memref_squeeze %dma_wait3A_891 : memref<1x320x16xf32, #tpu.memory_space<vmem>> -> memref<320x16xf32, #tpu.memory_space<vmem>>
      %dma_wait3A_893 = arith.constant 0 : i32
      %dma_wait3A_894 = arith.constant 0 : i32
      %dma_wait3A_895 = tpu.memref_slice %arg2[%dma_wait3A_893, %dma_wait3A_894] : memref<100096x16xf32, #tpu.memory_space<hbm>> -> memref<320x16xf32, #tpu.memory_space<hbm>>
      %dma_wait3A_896 = arith.constant 0 : i32
      %dma_wait3A_897 = arith.constant 0 : i32
      %dma_wait3A_898 = tpu.memref_slice %arg12[%dma_wait3A_888, %dma_wait3A_896, %dma_wait3A_897] : memref<3x320x16xf32, #tpu.memory_space<vmem>> -> memref<1x320x16xf32, #tpu.memory_space<vmem>>
      %dma_wait3A_899 = tpu.memref_squeeze %dma_wait3A_898 : memref<1x320x16xf32, #tpu.memory_space<vmem>> -> memref<320x16xf32, #tpu.memory_space<vmem>>
      %dma_wait3A_900 = arith.constant 0 : i32
      %dma_wait3A_901 = arith.constant 0 : i32
      %dma_wait3A_902 = tpu.memref_slice %arg2[%dma_wait3A_900, %dma_wait3A_901] : memref<100096x16xf32, #tpu.memory_space<hbm>> -> memref<320x16xf32, #tpu.memory_space<hbm>>
      tpu.wait_dma2 semaphore(%arg18 : memref<!tpu.dma_semaphore, #tpu.memory_space<semaphore_mem>>) src(%dma_wait3A_902 : memref<320x16xf32, #tpu.memory_space<hbm>>) dst(%dma_wait3A_899 : memref<320x16xf32, #tpu.memory_space<vmem>>)
      %dma_start3A_903 = arith.constant 2 : i32
      %dma_start3A_904 = arith.constant 2 : i32
      %dma_start3A_905 = arith.constant 0 : i32
      %dma_start3A_906 = arith.constant 0 : i32
      %dma_start3A_907 = tpu.memref_slice %arg12[%dma_start3A_903, %dma_start3A_905, %dma_start3A_906] : memref<3x320x16xf32, #tpu.memory_space<vmem>> -> memref<1x320x16xf32, #tpu.memory_space<vmem>>
      %dma_start3A_908 = tpu.memref_squeeze %dma_start3A_907 : memref<1x320x16xf32, #tpu.memory_space<vmem>> -> memref<320x16xf32, #tpu.memory_space<vmem>>
      %dma_start3A_909 = arith.constant 0 : i32
      %dma_start3A_910 = tpu.memref_slice %arg11[%dma_start3A_904, %dma_start3A_909] : memref<3x320xi32, #tpu.memory_space<vmem>> -> memref<1x320xi32, #tpu.memory_space<vmem>>
      %dma_start3A_911 = tpu.memref_squeeze %dma_start3A_910 : memref<1x320xi32, #tpu.memory_space<vmem>> -> memref<320xi32, #tpu.memory_space<vmem>>
      %dma_start3A_912 = arith.constant 0 : i32
      %dma_start3A_913 = arith.constant 0 : i32
      %dma_start3A_914 = tpu.memref_slice %arg16[%dma_start3A_912, %dma_start3A_913] : memref<100096x16xf32, #tpu.memory_space<vmem_shared>> -> memref<100096x16xf32, #tpu.memory_space<vmem_shared>>
      tpu.enqueue_indirect_dma source(%dma_start3A_908 : memref<320x16xf32, #tpu.memory_space<vmem>>) target(%dma_start3A_914 : memref<100096x16xf32, #tpu.memory_space<vmem_shared>>) offsets(%dma_start3A_911 : memref<320xi32, #tpu.memory_space<vmem>>) semaphore(%arg19 : memref<!tpu.dma_semaphore, #tpu.memory_space<semaphore_mem>>) {add = true}
    }
    %scan3A_83 = arith.constant 208 : i32
    %dma_wait3A_84 = arith.constant 0 : i32
    %dma_wait3A_85 = arith.constant 0 : i32
    %dma_wait3A_86 = arith.constant 0 : i32
    %dma_wait3A_87 = tpu.memref_slice %arg12[%dma_wait3A_84, %dma_wait3A_85, %dma_wait3A_86] : memref<3x320x16xf32, #tpu.memory_space<vmem>> -> memref<1x320x16xf32, #tpu.memory_space<vmem>>
    %dma_wait3A_88 = tpu.memref_squeeze %dma_wait3A_87 : memref<1x320x16xf32, #tpu.memory_space<vmem>> -> memref<320x16xf32, #tpu.memory_space<vmem>>
    %dma_wait3A_89 = arith.constant 0 : i32
    %dma_wait3A_90 = arith.constant 0 : i32
    %dma_wait3A_91 = tpu.memref_slice %arg2[%dma_wait3A_89, %dma_wait3A_90] : memref<100096x16xf32, #tpu.memory_space<hbm>> -> memref<320x16xf32, #tpu.memory_space<hbm>>
    %dma_wait3A_92 = arith.constant 0 : i32
    %dma_wait3A_93 = arith.constant 0 : i32
    %dma_wait3A_94 = tpu.memref_slice %arg12[%dma_wait3A_84, %dma_wait3A_92, %dma_wait3A_93] : memref<3x320x16xf32, #tpu.memory_space<vmem>> -> memref<1x320x16xf32, #tpu.memory_space<vmem>>
    %dma_wait3A_95 = tpu.memref_squeeze %dma_wait3A_94 : memref<1x320x16xf32, #tpu.memory_space<vmem>> -> memref<320x16xf32, #tpu.memory_space<vmem>>
    %dma_wait3A_96 = arith.constant 0 : i32
    %dma_wait3A_97 = arith.constant 0 : i32
    %dma_wait3A_98 = tpu.memref_slice %arg2[%dma_wait3A_96, %dma_wait3A_97] : memref<100096x16xf32, #tpu.memory_space<hbm>> -> memref<320x16xf32, #tpu.memory_space<hbm>>
    tpu.wait_dma2 semaphore(%arg18 : memref<!tpu.dma_semaphore, #tpu.memory_space<semaphore_mem>>) src(%dma_wait3A_98 : memref<320x16xf32, #tpu.memory_space<hbm>>) dst(%dma_wait3A_95 : memref<320x16xf32, #tpu.memory_space<vmem>>)
    %dma_start3A_99 = arith.constant 0 : i32
    %dma_start3A_100 = arith.constant 0 : i32
    %dma_start3A_101 = arith.constant 0 : i32
    %dma_start3A_102 = arith.constant 0 : i32
    %dma_start3A_103 = tpu.memref_slice %arg12[%dma_start3A_99, %dma_start3A_101, %dma_start3A_102] : memref<3x320x16xf32, #tpu.memory_space<vmem>> -> memref<1x320x16xf32, #tpu.memory_space<vmem>>
    %dma_start3A_104 = tpu.memref_squeeze %dma_start3A_103 : memref<1x320x16xf32, #tpu.memory_space<vmem>> -> memref<320x16xf32, #tpu.memory_space<vmem>>
    %dma_start3A_105 = arith.constant 0 : i32
    %dma_start3A_106 = tpu.memref_slice %arg11[%dma_start3A_100, %dma_start3A_105] : memref<3x320xi32, #tpu.memory_space<vmem>> -> memref<1x320xi32, #tpu.memory_space<vmem>>
    %dma_start3A_107 = tpu.memref_squeeze %dma_start3A_106 : memref<1x320xi32, #tpu.memory_space<vmem>> -> memref<320xi32, #tpu.memory_space<vmem>>
    %dma_start3A_108 = arith.constant 0 : i32
    %dma_start3A_109 = arith.constant 0 : i32
    %dma_start3A_110 = tpu.memref_slice %arg16[%dma_start3A_108, %dma_start3A_109] : memref<100096x16xf32, #tpu.memory_space<vmem_shared>> -> memref<100096x16xf32, #tpu.memory_space<vmem_shared>>
    tpu.enqueue_indirect_dma source(%dma_start3A_104 : memref<320x16xf32, #tpu.memory_space<vmem>>) target(%dma_start3A_110 : memref<100096x16xf32, #tpu.memory_space<vmem_shared>>) offsets(%dma_start3A_107 : memref<320xi32, #tpu.memory_space<vmem>>) semaphore(%arg19 : memref<!tpu.dma_semaphore, #tpu.memory_space<semaphore_mem>>) {add = true}
    %dma_wait3A_111 = arith.constant 0 : i32
    %dma_wait3A_112 = arith.constant 0 : i32
    %dma_wait3A_113 = arith.constant 0 : i32
    %dma_wait3A_114 = tpu.memref_slice %arg12[%dma_wait3A_111, %dma_wait3A_112, %dma_wait3A_113] : memref<3x320x16xf32, #tpu.memory_space<vmem>> -> memref<1x320x16xf32, #tpu.memory_space<vmem>>
    %dma_wait3A_115 = tpu.memref_squeeze %dma_wait3A_114 : memref<1x320x16xf32, #tpu.memory_space<vmem>> -> memref<320x16xf32, #tpu.memory_space<vmem>>
    %dma_wait3A_116 = arith.constant 0 : i32
    %dma_wait3A_117 = arith.constant 0 : i32
    %dma_wait3A_118 = tpu.memref_slice %arg2[%dma_wait3A_116, %dma_wait3A_117] : memref<100096x16xf32, #tpu.memory_space<hbm>> -> memref<320x16xf32, #tpu.memory_space<hbm>>
    %dma_wait3A_119 = arith.constant 0 : i32
    %dma_wait3A_120 = arith.constant 0 : i32
    %dma_wait3A_121 = tpu.memref_slice %arg12[%dma_wait3A_111, %dma_wait3A_119, %dma_wait3A_120] : memref<3x320x16xf32, #tpu.memory_space<vmem>> -> memref<1x320x16xf32, #tpu.memory_space<vmem>>
    %dma_wait3A_122 = tpu.memref_squeeze %dma_wait3A_121 : memref<1x320x16xf32, #tpu.memory_space<vmem>> -> memref<320x16xf32, #tpu.memory_space<vmem>>
    %dma_wait3A_123 = arith.constant 0 : i32
    %dma_wait3A_124 = arith.constant 0 : i32
    %dma_wait3A_125 = tpu.memref_slice %arg2[%dma_wait3A_123, %dma_wait3A_124] : memref<100096x16xf32, #tpu.memory_space<hbm>> -> memref<320x16xf32, #tpu.memory_space<hbm>>
    tpu.wait_dma2 semaphore(%arg19 : memref<!tpu.dma_semaphore, #tpu.memory_space<semaphore_mem>>) src(%dma_wait3A_125 : memref<320x16xf32, #tpu.memory_space<hbm>>) dst(%dma_wait3A_122 : memref<320x16xf32, #tpu.memory_space<vmem>>)
    %dma_wait3A_126 = arith.constant 1 : i32
    %dma_wait3A_127 = arith.constant 0 : i32
    %dma_wait3A_128 = arith.constant 0 : i32
    %dma_wait3A_129 = tpu.memref_slice %arg12[%dma_wait3A_126, %dma_wait3A_127, %dma_wait3A_128] : memref<3x320x16xf32, #tpu.memory_space<vmem>> -> memref<1x320x16xf32, #tpu.memory_space<vmem>>
    %dma_wait3A_130 = tpu.memref_squeeze %dma_wait3A_129 : memref<1x320x16xf32, #tpu.memory_space<vmem>> -> memref<320x16xf32, #tpu.memory_space<vmem>>
    %dma_wait3A_131 = arith.constant 0 : i32
    %dma_wait3A_132 = arith.constant 0 : i32
    %dma_wait3A_133 = tpu.memref_slice %arg2[%dma_wait3A_131, %dma_wait3A_132] : memref<100096x16xf32, #tpu.memory_space<hbm>> -> memref<320x16xf32, #tpu.memory_space<hbm>>
    %dma_wait3A_134 = arith.constant 0 : i32
    %dma_wait3A_135 = arith.constant 0 : i32
    %dma_wait3A_136 = tpu.memref_slice %arg12[%dma_wait3A_126, %dma_wait3A_134, %dma_wait3A_135] : memref<3x320x16xf32, #tpu.memory_space<vmem>> -> memref<1x320x16xf32, #tpu.memory_space<vmem>>
    %dma_wait3A_137 = tpu.memref_squeeze %dma_wait3A_136 : memref<1x320x16xf32, #tpu.memory_space<vmem>> -> memref<320x16xf32, #tpu.memory_space<vmem>>
    %dma_wait3A_138 = arith.constant 0 : i32
    %dma_wait3A_139 = arith.constant 0 : i32
    %dma_wait3A_140 = tpu.memref_slice %arg2[%dma_wait3A_138, %dma_wait3A_139] : memref<100096x16xf32, #tpu.memory_space<hbm>> -> memref<320x16xf32, #tpu.memory_space<hbm>>
    tpu.wait_dma2 semaphore(%arg19 : memref<!tpu.dma_semaphore, #tpu.memory_space<semaphore_mem>>) src(%dma_wait3A_140 : memref<320x16xf32, #tpu.memory_space<hbm>>) dst(%dma_wait3A_137 : memref<320x16xf32, #tpu.memory_space<vmem>>)
    %dma_wait3A_141 = arith.constant 2 : i32
    %dma_wait3A_142 = arith.constant 0 : i32
    %dma_wait3A_143 = arith.constant 0 : i32
    %dma_wait3A_144 = tpu.memref_slice %arg12[%dma_wait3A_141, %dma_wait3A_142, %dma_wait3A_143] : memref<3x320x16xf32, #tpu.memory_space<vmem>> -> memref<1x320x16xf32, #tpu.memory_space<vmem>>
    %dma_wait3A_145 = tpu.memref_squeeze %dma_wait3A_144 : memref<1x320x16xf32, #tpu.memory_space<vmem>> -> memref<320x16xf32, #tpu.memory_space<vmem>>
    %dma_wait3A_146 = arith.constant 0 : i32
    %dma_wait3A_147 = arith.constant 0 : i32
    %dma_wait3A_148 = tpu.memref_slice %arg2[%dma_wait3A_146, %dma_wait3A_147] : memref<100096x16xf32, #tpu.memory_space<hbm>> -> memref<320x16xf32, #tpu.memory_space<hbm>>
    %dma_wait3A_149 = arith.constant 0 : i32
    %dma_wait3A_150 = arith.constant 0 : i32
    %dma_wait3A_151 = tpu.memref_slice %arg12[%dma_wait3A_141, %dma_wait3A_149, %dma_wait3A_150] : memref<3x320x16xf32, #tpu.memory_space<vmem>> -> memref<1x320x16xf32, #tpu.memory_space<vmem>>
    %dma_wait3A_152 = tpu.memref_squeeze %dma_wait3A_151 : memref<1x320x16xf32, #tpu.memory_space<vmem>> -> memref<320x16xf32, #tpu.memory_space<vmem>>
    %dma_wait3A_153 = arith.constant 0 : i32
    %dma_wait3A_154 = arith.constant 0 : i32
    %dma_wait3A_155 = tpu.memref_slice %arg2[%dma_wait3A_153, %dma_wait3A_154] : memref<100096x16xf32, #tpu.memory_space<hbm>> -> memref<320x16xf32, #tpu.memory_space<hbm>>
    tpu.wait_dma2 semaphore(%arg19 : memref<!tpu.dma_semaphore, #tpu.memory_space<semaphore_mem>>) src(%dma_wait3A_155 : memref<320x16xf32, #tpu.memory_space<hbm>>) dst(%dma_wait3A_152 : memref<320x16xf32, #tpu.memory_space<vmem>>)
    %dma_wait3A_156 = arith.constant 1 : i32
    %dma_wait3A_157 = arith.constant 0 : i32
    %dma_wait3A_158 = tpu.memref_slice %arg10[%dma_wait3A_156, %dma_wait3A_157] : memref<3x320xi32, #tpu.memory_space<vmem>> -> memref<1x320xi32, #tpu.memory_space<vmem>>
    %dma_wait3A_159 = tpu.memref_squeeze %dma_wait3A_158 : memref<1x320xi32, #tpu.memory_space<vmem>> -> memref<320xi32, #tpu.memory_space<vmem>>
    %dma_wait3A_160 = arith.constant 0 : i32
    %dma_wait3A_161 = tpu.memref_slice %arg3[%dma_wait3A_160] : memref<6400000xi32, #tpu.memory_space<hbm>> -> memref<320xi32, #tpu.memory_space<hbm>>
    %dma_wait3A_162 = arith.constant 0 : i32
    %dma_wait3A_163 = tpu.memref_slice %arg10[%dma_wait3A_156, %dma_wait3A_162] : memref<3x320xi32, #tpu.memory_space<vmem>> -> memref<1x320xi32, #tpu.memory_space<vmem>>
    %dma_wait3A_164 = tpu.memref_squeeze %dma_wait3A_163 : memref<1x320xi32, #tpu.memory_space<vmem>> -> memref<320xi32, #tpu.memory_space<vmem>>
    %dma_wait3A_165 = arith.constant 0 : i32
    %dma_wait3A_166 = tpu.memref_slice %arg3[%dma_wait3A_165] : memref<6400000xi32, #tpu.memory_space<hbm>> -> memref<320xi32, #tpu.memory_space<hbm>>
    tpu.wait_dma2 semaphore(%arg17 : memref<!tpu.dma_semaphore, #tpu.memory_space<semaphore_mem>>) src(%dma_wait3A_166 : memref<320xi32, #tpu.memory_space<hbm>>) dst(%dma_wait3A_164 : memref<320xi32, #tpu.memory_space<vmem>>)
    %dma_wait3A_167 = arith.constant 1 : i32
    %dma_wait3A_168 = arith.constant 0 : i32
    %dma_wait3A_169 = tpu.memref_slice %arg11[%dma_wait3A_167, %dma_wait3A_168] : memref<3x320xi32, #tpu.memory_space<vmem>> -> memref<1x320xi32, #tpu.memory_space<vmem>>
    %dma_wait3A_170 = tpu.memref_squeeze %dma_wait3A_169 : memref<1x320xi32, #tpu.memory_space<vmem>> -> memref<320xi32, #tpu.memory_space<vmem>>
    %dma_wait3A_171 = arith.constant 0 : i32
    %dma_wait3A_172 = tpu.memref_slice %arg3[%dma_wait3A_171] : memref<6400000xi32, #tpu.memory_space<hbm>> -> memref<320xi32, #tpu.memory_space<hbm>>
    %dma_wait3A_173 = arith.constant 0 : i32
    %dma_wait3A_174 = tpu.memref_slice %arg11[%dma_wait3A_167, %dma_wait3A_173] : memref<3x320xi32, #tpu.memory_space<vmem>> -> memref<1x320xi32, #tpu.memory_space<vmem>>
    %dma_wait3A_175 = tpu.memref_squeeze %dma_wait3A_174 : memref<1x320xi32, #tpu.memory_space<vmem>> -> memref<320xi32, #tpu.memory_space<vmem>>
    %dma_wait3A_176 = arith.constant 0 : i32
    %dma_wait3A_177 = tpu.memref_slice %arg3[%dma_wait3A_176] : memref<6400000xi32, #tpu.memory_space<hbm>> -> memref<320xi32, #tpu.memory_space<hbm>>
    tpu.wait_dma2 semaphore(%arg17 : memref<!tpu.dma_semaphore, #tpu.memory_space<semaphore_mem>>) src(%dma_wait3A_177 : memref<320xi32, #tpu.memory_space<hbm>>) dst(%dma_wait3A_175 : memref<320xi32, #tpu.memory_space<vmem>>)
    %barrier3A_178 = arith.constant 0 : index
    tpu.barrier barrier_id(%barrier3A_178)
    %mul3A_179 = arith.constant 6256 : i32
    %mul3A_180 = arith.muli %arg1, %mul3A_179 : i32
    %mul3A_181 = arith.constant 100096 : i32
    %mul3A_182 = arith.muli %arg0, %mul3A_181 : i32
    %mul3A_183 = arith.constant 6256 : i32
    %mul3A_184 = arith.muli %arg1, %mul3A_183 : i32
    %add3A_185 = arith.addi %mul3A_182, %mul3A_184 : i32
    "tpu.region"() ({
      %run_scoped3A = tpu.sem_alloc : memref<!tpu.dma_semaphore, #tpu.memory_space<semaphore_mem>>
      %dma_start3A_616 = arith.constant 0 : i32
      %dma_start3A_617 = tpu.memref_slice %arg9[%add3A_185, %dma_start3A_616] : memref<200192x16xf32, #tpu.memory_space<hbm>> -> memref<6256x16xf32, #tpu.memory_space<hbm>>
      %dma_start3A_618 = arith.constant 0 : i32
      %dma_start3A_619 = tpu.memref_slice %arg16[%mul3A_180, %dma_start3A_618] : memref<100096x16xf32, #tpu.memory_space<vmem_shared>> -> memref<6256x16xf32, #tpu.memory_space<vmem_shared>>
      tpu.enqueue_dma source(%dma_start3A_619 : memref<6256x16xf32, #tpu.memory_space<vmem_shared>>) target(%dma_start3A_617 : memref<6256x16xf32, #tpu.memory_space<hbm>>) target_semaphore(%run_scoped3A : memref<!tpu.dma_semaphore, #tpu.memory_space<semaphore_mem>>)
      %dma_wait3A_620 = arith.constant 0 : i32
      %dma_wait3A_621 = tpu.memref_slice %arg9[%add3A_185, %dma_wait3A_620] : memref<200192x16xf32, #tpu.memory_space<hbm>> -> memref<6256x16xf32, #tpu.memory_space<hbm>>
      %dma_wait3A_622 = arith.constant 0 : i32
      %dma_wait3A_623 = tpu.memref_slice %arg16[%mul3A_180, %dma_wait3A_622] : memref<100096x16xf32, #tpu.memory_space<vmem_shared>> -> memref<6256x16xf32, #tpu.memory_space<vmem_shared>>
      tpu.wait_dma2 semaphore(%run_scoped3A : memref<!tpu.dma_semaphore, #tpu.memory_space<semaphore_mem>>) src(%dma_wait3A_623 : memref<6256x16xf32, #tpu.memory_space<vmem_shared>>) dst(%dma_wait3A_621 : memref<6256x16xf32, #tpu.memory_space<hbm>>)
      tpu.yield
    }) : () -> ()
    %barrier3A_186 = arith.constant 0 : index
    tpu.barrier barrier_id(%barrier3A_186)
    %eq3A = arith.constant 0 : i32
    %eq3A_187 = arith.cmpi eq, %arg1, %eq3A : i32
    %convert_element_type3A = arith.extui %eq3A_187 : i1 to i32
    %cond3A = arith.constant 0 : i32
    %cond3A_188 = arith.cmpi ne, %convert_element_type3A, %cond3A : i32
    scf.if %cond3A_188 {
      %sub3A = arith.constant 1 : i32
      %sub3A_616 = arith.subi %sub3A, %arg0 : i32
      %semaphore_signal3A = arith.constant 1 : i32
      tpu.sem_signal %arg20, %semaphore_signal3A core_id %sub3A_616 : memref<!tpu.semaphore, #tpu.memory_space<semaphore_mem>>
      %semaphore_wait3A = arith.constant 1 : i32
      %semaphore_wait3A_617 = arith.constant true
      tpu.sem_wait %arg20, %semaphore_wait3A : memref<!tpu.semaphore, #tpu.memory_space<semaphore_mem>>
    } else {
    }
    %barrier3A_189 = arith.constant 0 : index
    tpu.barrier barrier_id(%barrier3A_189)
    %scan3A_190 = arith.constant 0 : i32
    %scan3A_191 = arith.constant 17 : i32
    %scan3A_192 = arith.addi %scan3A_190, %scan3A_191 : i32
    %scan3A_193 = arith.constant 1 : i32
    scf.for %scan3A_616 = %scan3A_190 to %scan3A_192 step %scan3A_193  : i32 {
      %mul3A_617 = arith.constant 1 : i32
      %mul3A_618 = arith.muli %scan3A_616, %mul3A_617 : i32
      %add3A_619 = arith.constant 0 : i32
      %add3A_620 = arith.addi %add3A_619, %mul3A_618 : i32
      %mul3A_621 = arith.constant 3128 : i32
      %mul3A_622 = arith.muli %add3A, %mul3A_621 : i32
      %mul3A_623 = arith.constant 184 : i32
      %mul3A_624 = arith.muli %add3A_620, %mul3A_623 : i32
      %add3A_625 = arith.addi %mul3A_622, %mul3A_624 : i32
      %sub3A = arith.constant 1 : i32
      %sub3A_626 = arith.subi %sub3A, %arg0 : i32
      %mul3A_627 = arith.constant 100096 : i32
      %mul3A_628 = arith.muli %sub3A_626, %mul3A_627 : i32
      %add3A_629 = arith.addi %mul3A_628, %add3A_625 : i32
      "tpu.region"() ({
        %run_scoped3A = tpu.sem_alloc : memref<!tpu.dma_semaphore, #tpu.memory_space<semaphore_mem>>
        %dma_start3A_635 = arith.constant 0 : i32
        %dma_start3A_636 = tpu.memref_slice %arg9[%add3A_629, %dma_start3A_635] : memref<200192x16xf32, #tpu.memory_space<hbm>> -> memref<184x16xf32, #tpu.memory_space<hbm>>
        %dma_start3A_637 = arith.constant 0 : i32
        %dma_start3A_638 = tpu.memref_slice %arg9[%add3A_629, %dma_start3A_637] : memref<200192x16xf32, #tpu.memory_space<hbm>> -> memref<184x16xf32, #tpu.memory_space<hbm>>
        tpu.enqueue_dma source(%dma_start3A_638 : memref<184x16xf32, #tpu.memory_space<hbm>>) target(%arg13 : memref<184x16xf32, #tpu.memory_space<vmem>>) target_semaphore(%run_scoped3A : memref<!tpu.dma_semaphore, #tpu.memory_space<semaphore_mem>>)
        %dma_wait3A_639 = arith.constant 0 : i32
        %dma_wait3A_640 = tpu.memref_slice %arg9[%add3A_629, %dma_wait3A_639] : memref<200192x16xf32, #tpu.memory_space<hbm>> -> memref<184x16xf32, #tpu.memory_space<hbm>>
        %dma_wait3A_641 = arith.constant 0 : i32
        %dma_wait3A_642 = tpu.memref_slice %arg9[%add3A_629, %dma_wait3A_641] : memref<200192x16xf32, #tpu.memory_space<hbm>> -> memref<184x16xf32, #tpu.memory_space<hbm>>
        tpu.wait_dma2 semaphore(%run_scoped3A : memref<!tpu.dma_semaphore, #tpu.memory_space<semaphore_mem>>) src(%dma_wait3A_642 : memref<184x16xf32, #tpu.memory_space<hbm>>) dst(%arg13 : memref<184x16xf32, #tpu.memory_space<vmem>>)
        tpu.yield
      }) : () -> ()
      "tpu.region"() ({
        %run_scoped3A = tpu.sem_alloc : memref<!tpu.dma_semaphore, #tpu.memory_space<semaphore_mem>>
        %dma_start3A_635 = arith.constant 0 : i32
        %dma_start3A_636 = tpu.memref_slice %arg16[%add3A_625, %dma_start3A_635] : memref<100096x16xf32, #tpu.memory_space<vmem_shared>> -> memref<184x16xf32, #tpu.memory_space<vmem_shared>>
        %dma_start3A_637 = arith.constant 0 : i32
        %dma_start3A_638 = tpu.memref_slice %arg16[%add3A_625, %dma_start3A_637] : memref<100096x16xf32, #tpu.memory_space<vmem_shared>> -> memref<184x16xf32, #tpu.memory_space<vmem_shared>>
        tpu.enqueue_dma source(%dma_start3A_638 : memref<184x16xf32, #tpu.memory_space<vmem_shared>>) target(%arg14 : memref<184x16xf32, #tpu.memory_space<vmem>>) target_semaphore(%run_scoped3A : memref<!tpu.dma_semaphore, #tpu.memory_space<semaphore_mem>>)
        %dma_wait3A_639 = arith.constant 0 : i32
        %dma_wait3A_640 = tpu.memref_slice %arg16[%add3A_625, %dma_wait3A_639] : memref<100096x16xf32, #tpu.memory_space<vmem_shared>> -> memref<184x16xf32, #tpu.memory_space<vmem_shared>>
        %dma_wait3A_641 = arith.constant 0 : i32
        %dma_wait3A_642 = tpu.memref_slice %arg16[%add3A_625, %dma_wait3A_641] : memref<100096x16xf32, #tpu.memory_space<vmem_shared>> -> memref<184x16xf32, #tpu.memory_space<vmem_shared>>
        tpu.wait_dma2 semaphore(%run_scoped3A : memref<!tpu.dma_semaphore, #tpu.memory_space<semaphore_mem>>) src(%dma_wait3A_642 : memref<184x16xf32, #tpu.memory_space<vmem_shared>>) dst(%arg14 : memref<184x16xf32, #tpu.memory_space<vmem>>)
        tpu.yield
      }) : () -> ()
      "tpu.region"() ({
        %run_scoped3A = tpu.sem_alloc : memref<!tpu.dma_semaphore, #tpu.memory_space<semaphore_mem>>
        %dma_start3A_635 = arith.constant 0 : i32
        %dma_start3A_636 = tpu.memref_slice %arg2[%add3A_625, %dma_start3A_635] : memref<100096x16xf32, #tpu.memory_space<hbm>> -> memref<184x16xf32, #tpu.memory_space<hbm>>
        %dma_start3A_637 = arith.constant 0 : i32
        %dma_start3A_638 = tpu.memref_slice %arg2[%add3A_625, %dma_start3A_637] : memref<100096x16xf32, #tpu.memory_space<hbm>> -> memref<184x16xf32, #tpu.memory_space<hbm>>
        tpu.enqueue_dma source(%dma_start3A_638 : memref<184x16xf32, #tpu.memory_space<hbm>>) target(%arg15 : memref<184x16xf32, #tpu.memory_space<vmem>>) target_semaphore(%run_scoped3A : memref<!tpu.dma_semaphore, #tpu.memory_space<semaphore_mem>>)
        %dma_wait3A_639 = arith.constant 0 : i32
        %dma_wait3A_640 = tpu.memref_slice %arg2[%add3A_625, %dma_wait3A_639] : memref<100096x16xf32, #tpu.memory_space<hbm>> -> memref<184x16xf32, #tpu.memory_space<hbm>>
        %dma_wait3A_641 = arith.constant 0 : i32
        %dma_wait3A_642 = tpu.memref_slice %arg2[%add3A_625, %dma_wait3A_641] : memref<100096x16xf32, #tpu.memory_space<hbm>> -> memref<184x16xf32, #tpu.memory_space<hbm>>
        tpu.wait_dma2 semaphore(%run_scoped3A : memref<!tpu.dma_semaphore, #tpu.memory_space<semaphore_mem>>) src(%dma_wait3A_642 : memref<184x16xf32, #tpu.memory_space<hbm>>) dst(%arg15 : memref<184x16xf32, #tpu.memory_space<vmem>>)
        tpu.yield
      }) : () -> ()
      %scan3A_630 = arith.constant 0 : i32
      %scan3A_631 = arith.constant 184 : i32
      %scan3A_632 = arith.addi %scan3A_630, %scan3A_631 : i32
      %scan3A_633 = arith.constant 1 : i32
      scf.for %scan3A_635 = %scan3A_630 to %scan3A_632 step %scan3A_633  : i32 {
        %mul3A_636 = arith.constant 1 : i32
        %mul3A_637 = arith.muli %scan3A_635, %mul3A_636 : i32
        %add3A_638 = arith.constant 0 : i32
        %add3A_639 = arith.addi %add3A_638, %mul3A_637 : i32
        %get3A = arith.index_cast %add3A_639 : i32 to index
        %get3A_640 = arith.constant 0 : index
        %get3A_641 = tpu.vector_load %arg14[%get3A, %get3A_640] {strides = array<i32>} : memref<184x16xf32, #tpu.memory_space<vmem>>, vector<16xf32>,
        %get3A_642 = arith.index_cast %add3A_639 : i32 to index
        %get3A_643 = arith.constant 0 : index
        %get3A_644 = tpu.vector_load %arg13[%get3A_642, %get3A_643] {strides = array<i32>} : memref<184x16xf32, #tpu.memory_space<vmem>>, vector<16xf32>,
        %add3A_645 = arith.addf %get3A_641, %get3A_644 : vector<16xf32>
        %eq3A_646 = arith.constant 15 : i32
        %eq3A_647 = vector.broadcast %eq3A_646 : i32 to vector<16xi32>
        %eq3A_648 = arith.cmpi eq, %iota3A, %eq3A_647 : vector<16xi32>
        %jit3A = arith.constant -1.000000e+00 : f32
        %broadcast_in_dim3A = vector.broadcast %jit3A : f32 to vector<16xf32>
        %select_n3A = arith.select %eq3A_648, %add3A_645, %broadcast_in_dim3A : vector<16xi1>, vector<16xf32>
        %reduce_max3A = arith.constant true
        %reduce_max3A_649 = vector.broadcast %reduce_max3A : i1 to vector<16xi1>
        %reduce_max3A_650 = tpu.scan <max>, %select_n3A masked %reduce_max3A_649 : vector<16xf32>, vector<16xi1> -> vector<16xf32>
        %reduce_max3A_651 = vector.extract %reduce_max3A_650[15] : f32 from vector<16xf32>
        %max3A = arith.constant 1.000000e+00 : f32
        %max3A_652 = arith.maximumf %reduce_max3A_651, %max3A : f32
        %get3A_653 = arith.index_cast %add3A_639 : i32 to index
        %get3A_654 = arith.constant 0 : index
        %get3A_655 = tpu.vector_load %arg15[%get3A_653, %get3A_654] {strides = array<i32>} : memref<184x16xf32, #tpu.memory_space<vmem>>, vector<16xf32>,
        %div3A = vector.broadcast %max3A_652 : f32 to vector<16xf32>
        %div3A_656 = arith.divf %add3A_645, %div3A : vector<16xf32>
        %add3A_657 = arith.addf %get3A_655, %div3A_656 : vector<16xf32>
        %mul3A_658 = arith.constant 5.000000e-01 : f32
        %mul3A_659 = vector.broadcast %mul3A_658 : f32 to vector<16xf32>
        %mul3A_660 = arith.mulf %mul3A_659, %add3A_657 : vector<16xf32>
        %eq3A_661 = arith.constant 15 : i32
        %eq3A_662 = vector.broadcast %eq3A_661 : i32 to vector<16xi32>
        %eq3A_663 = arith.cmpi eq, %iota3A, %eq3A_662 : vector<16xi32>
        %jit3A_664 = arith.constant 1.000000e+00 : f32
        %broadcast_in_dim3A_665 = vector.broadcast %jit3A_664 : f32 to vector<16xf32>
        %select_n3A_666 = arith.select %eq3A_663, %broadcast_in_dim3A_665, %mul3A_660 : vector<16xi1>, vector<16xf32>
        %swap3A = arith.index_cast %add3A_639 : i32 to index
        %swap3A_667 = arith.constant 0 : index
        %swap3A_668 = tpu.vector_load %arg15[%swap3A, %swap3A_667] {strides = array<i32>} : memref<184x16xf32, #tpu.memory_space<vmem>>, vector<16xf32>,
        tpu.vector_store %arg15[%swap3A, %swap3A_667], %select_n3A_666 {strides = array<i32>} : memref<184x16xf32, #tpu.memory_space<vmem>>, vector<16xf32>,
      }
      %scan3A_634 = arith.constant 184 : i32
      "tpu.region"() ({
        %run_scoped3A = tpu.sem_alloc : memref<!tpu.dma_semaphore, #tpu.memory_space<semaphore_mem>>
        %dma_start3A_635 = arith.constant 0 : i32
        %dma_start3A_636 = tpu.memref_slice %arg6[%add3A_625, %dma_start3A_635] : memref<100096x16xf32, #tpu.memory_space<hbm>> -> memref<184x16xf32, #tpu.memory_space<hbm>>
        %dma_start3A_637 = arith.constant 0 : i32
        %dma_start3A_638 = tpu.memref_slice %arg6[%add3A_625, %dma_start3A_637] : memref<100096x16xf32, #tpu.memory_space<hbm>> -> memref<184x16xf32, #tpu.memory_space<hbm>>
        tpu.enqueue_dma source(%arg15 : memref<184x16xf32, #tpu.memory_space<vmem>>) target(%dma_start3A_638 : memref<184x16xf32, #tpu.memory_space<hbm>>) target_semaphore(%run_scoped3A : memref<!tpu.dma_semaphore, #tpu.memory_space<semaphore_mem>>)
        %dma_wait3A_639 = arith.constant 0 : i32
        %dma_wait3A_640 = tpu.memref_slice %arg6[%add3A_625, %dma_wait3A_639] : memref<100096x16xf32, #tpu.memory_space<hbm>> -> memref<184x16xf32, #tpu.memory_space<hbm>>
        %dma_wait3A_641 = arith.constant 0 : i32
        %dma_wait3A_642 = tpu.memref_slice %arg6[%add3A_625, %dma_wait3A_641] : memref<100096x16xf32, #tpu.memory_space<hbm>> -> memref<184x16xf32, #tpu.memory_space<hbm>>
        tpu.wait_dma2 semaphore(%run_scoped3A : memref<!tpu.dma_semaphore, #tpu.memory_space<semaphore_mem>>) src(%arg15 : memref<184x16xf32, #tpu.memory_space<vmem>>) dst(%dma_wait3A_642 : memref<184x16xf32, #tpu.memory_space<hbm>>)
        tpu.yield
      }) : () -> ()
    }
    %scan3A_194 = arith.constant 17 : i32
    %barrier3A_195 = arith.constant 0 : index
    tpu.barrier barrier_id(%barrier3A_195)
    %eq3A_196 = arith.constant 0 : i32
    %eq3A_197 = arith.cmpi eq, %arg1, %eq3A_196 : i32
    %convert_element_type3A_198 = arith.extui %eq3A_197 : i1 to i32
    %cond3A_199 = arith.constant 0 : i32
    %cond3A_200 = arith.cmpi ne, %convert_element_type3A_198, %cond3A_199 : i32
    scf.if %cond3A_200 {
      %sub3A = arith.constant 1 : i32
      %sub3A_616 = arith.subi %sub3A, %arg0 : i32
      %semaphore_signal3A = arith.constant 1 : i32
      tpu.sem_signal %arg20, %semaphore_signal3A core_id %sub3A_616 : memref<!tpu.semaphore, #tpu.memory_space<semaphore_mem>>
      %semaphore_wait3A = arith.constant 1 : i32
      %semaphore_wait3A_617 = arith.constant true
      tpu.sem_wait %arg20, %semaphore_wait3A : memref<!tpu.semaphore, #tpu.memory_space<semaphore_mem>>
    } else {
    }
    %barrier3A_201 = arith.constant 0 : index
    tpu.barrier barrier_id(%barrier3A_201)
    %mul3A_202 = arith.constant 6256 : i32
    %mul3A_203 = arith.muli %arg1, %mul3A_202 : i32
    "tpu.region"() ({
      %run_scoped3A = tpu.sem_alloc : memref<!tpu.dma_semaphore, #tpu.memory_space<semaphore_mem>>
      %dma_start3A_616 = arith.constant 0 : i32
      %dma_start3A_617 = tpu.memref_slice %arg16[%mul3A_203, %dma_start3A_616] : memref<100096x16xf32, #tpu.memory_space<vmem_shared>> -> memref<6256x16xf32, #tpu.memory_space<vmem_shared>>
      tpu.enqueue_dma source(%arg5 : memref<6256x16xf32, #tpu.memory_space<hbm>>) target(%dma_start3A_617 : memref<6256x16xf32, #tpu.memory_space<vmem_shared>>) target_semaphore(%run_scoped3A : memref<!tpu.dma_semaphore, #tpu.memory_space<semaphore_mem>>)
      %dma_wait3A_618 = arith.constant 0 : i32
      %dma_wait3A_619 = tpu.memref_slice %arg16[%mul3A_203, %dma_wait3A_618] : memref<100096x16xf32, #tpu.memory_space<vmem_shared>> -> memref<6256x16xf32, #tpu.memory_space<vmem_shared>>
      tpu.wait_dma2 semaphore(%run_scoped3A : memref<!tpu.dma_semaphore, #tpu.memory_space<semaphore_mem>>) src(%arg5 : memref<6256x16xf32, #tpu.memory_space<hbm>>) dst(%dma_wait3A_619 : memref<6256x16xf32, #tpu.memory_space<vmem_shared>>)
      tpu.yield
    }) : () -> ()
    %barrier3A_204 = arith.constant 0 : index
    tpu.barrier barrier_id(%barrier3A_204)
    %add3A_205 = arith.constant 0 : i32
    %add3A_206 = arith.addi %mul3A_2, %add3A_205 : i32
    %min3A_207 = arith.constant 6399680 : i32
    %min3A_208 = arith.minsi %add3A_206, %min3A_207 : i32
    %dma_start3A_209 = arith.constant 0 : i32
    %dma_start3A_210 = arith.constant 0 : i32
    %dma_start3A_211 = tpu.memref_slice %arg10[%dma_start3A_209, %dma_start3A_210] : memref<3x320xi32, #tpu.memory_space<vmem>> -> memref<1x320xi32, #tpu.memory_space<vmem>>
    %dma_start3A_212 = tpu.memref_squeeze %dma_start3A_211 : memref<1x320xi32, #tpu.memory_space<vmem>> -> memref<320xi32, #tpu.memory_space<vmem>>
    %dma_start3A_213 = tpu.memref_slice %arg3[%min3A_208] : memref<6400000xi32, #tpu.memory_space<hbm>> -> memref<320xi32, #tpu.memory_space<hbm>>
    %dma_start3A_214 = arith.constant 0 : i32
    %dma_start3A_215 = tpu.memref_slice %arg10[%dma_start3A_209, %dma_start3A_214] : memref<3x320xi32, #tpu.memory_space<vmem>> -> memref<1x320xi32, #tpu.memory_space<vmem>>
    %dma_start3A_216 = tpu.memref_squeeze %dma_start3A_215 : memref<1x320xi32, #tpu.memory_space<vmem>> -> memref<320xi32, #tpu.memory_space<vmem>>
    %dma_start3A_217 = tpu.memref_slice %arg3[%min3A_208] : memref<6400000xi32, #tpu.memory_space<hbm>> -> memref<320xi32, #tpu.memory_space<hbm>>
    tpu.enqueue_dma source(%dma_start3A_217 : memref<320xi32, #tpu.memory_space<hbm>>) target(%dma_start3A_216 : memref<320xi32, #tpu.memory_space<vmem>>) target_semaphore(%arg17 : memref<!tpu.dma_semaphore, #tpu.memory_space<semaphore_mem>>)
    %dma_start3A_218 = arith.constant 0 : i32
    %dma_start3A_219 = arith.constant 0 : i32
    %dma_start3A_220 = tpu.memref_slice %arg11[%dma_start3A_218, %dma_start3A_219] : memref<3x320xi32, #tpu.memory_space<vmem>> -> memref<1x320xi32, #tpu.memory_space<vmem>>
    %dma_start3A_221 = tpu.memref_squeeze %dma_start3A_220 : memref<1x320xi32, #tpu.memory_space<vmem>> -> memref<320xi32, #tpu.memory_space<vmem>>
    %dma_start3A_222 = tpu.memref_slice %arg4[%min3A_208] : memref<6400000xi32, #tpu.memory_space<hbm>> -> memref<320xi32, #tpu.memory_space<hbm>>
    %dma_start3A_223 = arith.constant 0 : i32
    %dma_start3A_224 = tpu.memref_slice %arg11[%dma_start3A_218, %dma_start3A_223] : memref<3x320xi32, #tpu.memory_space<vmem>> -> memref<1x320xi32, #tpu.memory_space<vmem>>
    %dma_start3A_225 = tpu.memref_squeeze %dma_start3A_224 : memref<1x320xi32, #tpu.memory_space<vmem>> -> memref<320xi32, #tpu.memory_space<vmem>>
    %dma_start3A_226 = tpu.memref_slice %arg4[%min3A_208] : memref<6400000xi32, #tpu.memory_space<hbm>> -> memref<320xi32, #tpu.memory_space<hbm>>
    tpu.enqueue_dma source(%dma_start3A_226 : memref<320xi32, #tpu.memory_space<hbm>>) target(%dma_start3A_225 : memref<320xi32, #tpu.memory_space<vmem>>) target_semaphore(%arg17 : memref<!tpu.dma_semaphore, #tpu.memory_space<semaphore_mem>>)
    %add3A_227 = arith.constant 320 : i32
    %add3A_228 = arith.addi %mul3A_2, %add3A_227 : i32
    %min3A_229 = arith.constant 6399680 : i32
    %min3A_230 = arith.minsi %add3A_228, %min3A_229 : i32
    %dma_start3A_231 = arith.constant 1 : i32
    %dma_start3A_232 = arith.constant 0 : i32
    %dma_start3A_233 = tpu.memref_slice %arg10[%dma_start3A_231, %dma_start3A_232] : memref<3x320xi32, #tpu.memory_space<vmem>> -> memref<1x320xi32, #tpu.memory_space<vmem>>
    %dma_start3A_234 = tpu.memref_squeeze %dma_start3A_233 : memref<1x320xi32, #tpu.memory_space<vmem>> -> memref<320xi32, #tpu.memory_space<vmem>>
    %dma_start3A_235 = tpu.memref_slice %arg3[%min3A_230] : memref<6400000xi32, #tpu.memory_space<hbm>> -> memref<320xi32, #tpu.memory_space<hbm>>
    %dma_start3A_236 = arith.constant 0 : i32
    %dma_start3A_237 = tpu.memref_slice %arg10[%dma_start3A_231, %dma_start3A_236] : memref<3x320xi32, #tpu.memory_space<vmem>> -> memref<1x320xi32, #tpu.memory_space<vmem>>
    %dma_start3A_238 = tpu.memref_squeeze %dma_start3A_237 : memref<1x320xi32, #tpu.memory_space<vmem>> -> memref<320xi32, #tpu.memory_space<vmem>>
    %dma_start3A_239 = tpu.memref_slice %arg3[%min3A_230] : memref<6400000xi32, #tpu.memory_space<hbm>> -> memref<320xi32, #tpu.memory_space<hbm>>
    tpu.enqueue_dma source(%dma_start3A_239 : memref<320xi32, #tpu.memory_space<hbm>>) target(%dma_start3A_238 : memref<320xi32, #tpu.memory_space<vmem>>) target_semaphore(%arg17 : memref<!tpu.dma_semaphore, #tpu.memory_space<semaphore_mem>>)
    %dma_start3A_240 = arith.constant 1 : i32
    %dma_start3A_241 = arith.constant 0 : i32
    %dma_start3A_242 = tpu.memref_slice %arg11[%dma_start3A_240, %dma_start3A_241] : memref<3x320xi32, #tpu.memory_space<vmem>> -> memref<1x320xi32, #tpu.memory_space<vmem>>
    %dma_start3A_243 = tpu.memref_squeeze %dma_start3A_242 : memref<1x320xi32, #tpu.memory_space<vmem>> -> memref<320xi32, #tpu.memory_space<vmem>>
    %dma_start3A_244 = tpu.memref_slice %arg4[%min3A_230] : memref<6400000xi32, #tpu.memory_space<hbm>> -> memref<320xi32, #tpu.memory_space<hbm>>
    %dma_start3A_245 = arith.constant 0 : i32
    %dma_start3A_246 = tpu.memref_slice %arg11[%dma_start3A_240, %dma_start3A_245] : memref<3x320xi32, #tpu.memory_space<vmem>> -> memref<1x320xi32, #tpu.memory_space<vmem>>
    %dma_start3A_247 = tpu.memref_squeeze %dma_start3A_246 : memref<1x320xi32, #tpu.memory_space<vmem>> -> memref<320xi32, #tpu.memory_space<vmem>>
    %dma_start3A_248 = tpu.memref_slice %arg4[%min3A_230] : memref<6400000xi32, #tpu.memory_space<hbm>> -> memref<320xi32, #tpu.memory_space<hbm>>
    tpu.enqueue_dma source(%dma_start3A_248 : memref<320xi32, #tpu.memory_space<hbm>>) target(%dma_start3A_247 : memref<320xi32, #tpu.memory_space<vmem>>) target_semaphore(%arg17 : memref<!tpu.dma_semaphore, #tpu.memory_space<semaphore_mem>>)
    %dma_wait3A_249 = arith.constant 0 : i32
    %dma_wait3A_250 = arith.constant 0 : i32
    %dma_wait3A_251 = tpu.memref_slice %arg10[%dma_wait3A_249, %dma_wait3A_250] : memref<3x320xi32, #tpu.memory_space<vmem>> -> memref<1x320xi32, #tpu.memory_space<vmem>>
    %dma_wait3A_252 = tpu.memref_squeeze %dma_wait3A_251 : memref<1x320xi32, #tpu.memory_space<vmem>> -> memref<320xi32, #tpu.memory_space<vmem>>
    %dma_wait3A_253 = arith.constant 0 : i32
    %dma_wait3A_254 = tpu.memref_slice %arg3[%dma_wait3A_253] : memref<6400000xi32, #tpu.memory_space<hbm>> -> memref<320xi32, #tpu.memory_space<hbm>>
    %dma_wait3A_255 = arith.constant 0 : i32
    %dma_wait3A_256 = tpu.memref_slice %arg10[%dma_wait3A_249, %dma_wait3A_255] : memref<3x320xi32, #tpu.memory_space<vmem>> -> memref<1x320xi32, #tpu.memory_space<vmem>>
    %dma_wait3A_257 = tpu.memref_squeeze %dma_wait3A_256 : memref<1x320xi32, #tpu.memory_space<vmem>> -> memref<320xi32, #tpu.memory_space<vmem>>
    %dma_wait3A_258 = arith.constant 0 : i32
    %dma_wait3A_259 = tpu.memref_slice %arg3[%dma_wait3A_258] : memref<6400000xi32, #tpu.memory_space<hbm>> -> memref<320xi32, #tpu.memory_space<hbm>>
    tpu.wait_dma2 semaphore(%arg17 : memref<!tpu.dma_semaphore, #tpu.memory_space<semaphore_mem>>) src(%dma_wait3A_259 : memref<320xi32, #tpu.memory_space<hbm>>) dst(%dma_wait3A_257 : memref<320xi32, #tpu.memory_space<vmem>>)
    %dma_wait3A_260 = arith.constant 0 : i32
    %dma_wait3A_261 = arith.constant 0 : i32
    %dma_wait3A_262 = tpu.memref_slice %arg11[%dma_wait3A_260, %dma_wait3A_261] : memref<3x320xi32, #tpu.memory_space<vmem>> -> memref<1x320xi32, #tpu.memory_space<vmem>>
    %dma_wait3A_263 = tpu.memref_squeeze %dma_wait3A_262 : memref<1x320xi32, #tpu.memory_space<vmem>> -> memref<320xi32, #tpu.memory_space<vmem>>
    %dma_wait3A_264 = arith.constant 0 : i32
    %dma_wait3A_265 = tpu.memref_slice %arg3[%dma_wait3A_264] : memref<6400000xi32, #tpu.memory_space<hbm>> -> memref<320xi32, #tpu.memory_space<hbm>>
    %dma_wait3A_266 = arith.constant 0 : i32
    %dma_wait3A_267 = tpu.memref_slice %arg11[%dma_wait3A_260, %dma_wait3A_266] : memref<3x320xi32, #tpu.memory_space<vmem>> -> memref<1x320xi32, #tpu.memory_space<vmem>>
    %dma_wait3A_268 = tpu.memref_squeeze %dma_wait3A_267 : memref<1x320xi32, #tpu.memory_space<vmem>> -> memref<320xi32, #tpu.memory_space<vmem>>
    %dma_wait3A_269 = arith.constant 0 : i32
    %dma_wait3A_270 = tpu.memref_slice %arg3[%dma_wait3A_269] : memref<6400000xi32, #tpu.memory_space<hbm>> -> memref<320xi32, #tpu.memory_space<hbm>>
    tpu.wait_dma2 semaphore(%arg17 : memref<!tpu.dma_semaphore, #tpu.memory_space<semaphore_mem>>) src(%dma_wait3A_270 : memref<320xi32, #tpu.memory_space<hbm>>) dst(%dma_wait3A_268 : memref<320xi32, #tpu.memory_space<vmem>>)
    %dma_start3A_271 = arith.constant 0 : i32
    %dma_start3A_272 = arith.constant 0 : i32
    %dma_start3A_273 = arith.constant 0 : i32
    %dma_start3A_274 = arith.constant 0 : i32
    %dma_start3A_275 = tpu.memref_slice %arg12[%dma_start3A_272, %dma_start3A_273, %dma_start3A_274] : memref<3x320x16xf32, #tpu.memory_space<vmem>> -> memref<1x320x16xf32, #tpu.memory_space<vmem>>
    %dma_start3A_276 = tpu.memref_squeeze %dma_start3A_275 : memref<1x320x16xf32, #tpu.memory_space<vmem>> -> memref<320x16xf32, #tpu.memory_space<vmem>>
    %dma_start3A_277 = arith.constant 0 : i32
    %dma_start3A_278 = tpu.memref_slice %arg10[%dma_start3A_271, %dma_start3A_277] : memref<3x320xi32, #tpu.memory_space<vmem>> -> memref<1x320xi32, #tpu.memory_space<vmem>>
    %dma_start3A_279 = tpu.memref_squeeze %dma_start3A_278 : memref<1x320xi32, #tpu.memory_space<vmem>> -> memref<320xi32, #tpu.memory_space<vmem>>
    %dma_start3A_280 = arith.constant 0 : i32
    %dma_start3A_281 = arith.constant 0 : i32
    %dma_start3A_282 = tpu.memref_slice %arg6[%dma_start3A_280, %dma_start3A_281] : memref<100096x16xf32, #tpu.memory_space<hbm>> -> memref<100096x16xf32, #tpu.memory_space<hbm>>
    tpu.enqueue_indirect_dma source(%dma_start3A_282 : memref<100096x16xf32, #tpu.memory_space<hbm>>) target(%dma_start3A_276 : memref<320x16xf32, #tpu.memory_space<vmem>>) offsets(%dma_start3A_279 : memref<320xi32, #tpu.memory_space<vmem>>) semaphore(%arg18 : memref<!tpu.dma_semaphore, #tpu.memory_space<semaphore_mem>>)
    %scan3A_283 = arith.constant 0 : i32
    %scan3A_284 = arith.constant 208 : i32
    %scan3A_285 = arith.addi %scan3A_283, %scan3A_284 : i32
    %scan3A_286 = arith.constant 1 : i32
    scf.for %scan3A_616 = %scan3A_283 to %scan3A_285 step %scan3A_286  : i32 {
      %mul3A_617 = arith.constant 1 : i32
      %mul3A_618 = arith.muli %scan3A_616, %mul3A_617 : i32
      %add3A_619 = arith.constant 0 : i32
      %add3A_620 = arith.addi %add3A_619, %mul3A_618 : i32
      %mul3A_621 = arith.constant 3 : i32
      %mul3A_622 = arith.muli %add3A_620, %mul3A_621 : i32
      %add3A_623 = arith.constant 0 : i32
      %add3A_624 = arith.addi %mul3A_622, %add3A_623 : i32
      %gt3A = arith.constant 0 : i32
      %gt3A_625 = arith.cmpi sgt, %add3A_620, %gt3A : i32
      %convert_element_type3A_626 = arith.extui %gt3A_625 : i1 to i32
      %cond3A_627 = arith.constant 0 : i32
      %cond3A_628 = arith.cmpi ne, %convert_element_type3A_626, %cond3A_627 : i32
      scf.if %cond3A_628 {
        %dma_wait3A_915 = arith.constant 0 : i32
        %dma_wait3A_916 = arith.constant 0 : i32
        %dma_wait3A_917 = arith.constant 0 : i32
        %dma_wait3A_918 = tpu.memref_slice %arg12[%dma_wait3A_915, %dma_wait3A_916, %dma_wait3A_917] : memref<3x320x16xf32, #tpu.memory_space<vmem>> -> memref<1x320x16xf32, #tpu.memory_space<vmem>>
        %dma_wait3A_919 = tpu.memref_squeeze %dma_wait3A_918 : memref<1x320x16xf32, #tpu.memory_space<vmem>> -> memref<320x16xf32, #tpu.memory_space<vmem>>
        %dma_wait3A_920 = arith.constant 0 : i32
        %dma_wait3A_921 = arith.constant 0 : i32
        %dma_wait3A_922 = tpu.memref_slice %arg2[%dma_wait3A_920, %dma_wait3A_921] : memref<100096x16xf32, #tpu.memory_space<hbm>> -> memref<320x16xf32, #tpu.memory_space<hbm>>
        %dma_wait3A_923 = arith.constant 0 : i32
        %dma_wait3A_924 = arith.constant 0 : i32
        %dma_wait3A_925 = tpu.memref_slice %arg12[%dma_wait3A_915, %dma_wait3A_923, %dma_wait3A_924] : memref<3x320x16xf32, #tpu.memory_space<vmem>> -> memref<1x320x16xf32, #tpu.memory_space<vmem>>
        %dma_wait3A_926 = tpu.memref_squeeze %dma_wait3A_925 : memref<1x320x16xf32, #tpu.memory_space<vmem>> -> memref<320x16xf32, #tpu.memory_space<vmem>>
        %dma_wait3A_927 = arith.constant 0 : i32
        %dma_wait3A_928 = arith.constant 0 : i32
        %dma_wait3A_929 = tpu.memref_slice %arg2[%dma_wait3A_927, %dma_wait3A_928] : memref<100096x16xf32, #tpu.memory_space<hbm>> -> memref<320x16xf32, #tpu.memory_space<hbm>>
        tpu.wait_dma2 semaphore(%arg19 : memref<!tpu.dma_semaphore, #tpu.memory_space<semaphore_mem>>) src(%dma_wait3A_929 : memref<320x16xf32, #tpu.memory_space<hbm>>) dst(%dma_wait3A_926 : memref<320x16xf32, #tpu.memory_space<vmem>>)
      } else {
      }
      %add3A_629 = arith.constant 2 : i32
      %add3A_630 = arith.addi %add3A_624, %add3A_629 : i32
      %mul3A_631 = arith.constant 320 : i32
      %mul3A_632 = arith.muli %add3A_630, %mul3A_631 : i32
      %add3A_633 = arith.addi %mul3A_2, %mul3A_632 : i32
      %min3A_634 = arith.constant 6399680 : i32
      %min3A_635 = arith.minsi %add3A_633, %min3A_634 : i32
      %dma_start3A_636 = arith.constant 2 : i32
      %dma_start3A_637 = arith.constant 0 : i32
      %dma_start3A_638 = tpu.memref_slice %arg10[%dma_start3A_636, %dma_start3A_637] : memref<3x320xi32, #tpu.memory_space<vmem>> -> memref<1x320xi32, #tpu.memory_space<vmem>>
      %dma_start3A_639 = tpu.memref_squeeze %dma_start3A_638 : memref<1x320xi32, #tpu.memory_space<vmem>> -> memref<320xi32, #tpu.memory_space<vmem>>
      %dma_start3A_640 = tpu.memref_slice %arg3[%min3A_635] : memref<6400000xi32, #tpu.memory_space<hbm>> -> memref<320xi32, #tpu.memory_space<hbm>>
      %dma_start3A_641 = arith.constant 0 : i32
      %dma_start3A_642 = tpu.memref_slice %arg10[%dma_start3A_636, %dma_start3A_641] : memref<3x320xi32, #tpu.memory_space<vmem>> -> memref<1x320xi32, #tpu.memory_space<vmem>>
      %dma_start3A_643 = tpu.memref_squeeze %dma_start3A_642 : memref<1x320xi32, #tpu.memory_space<vmem>> -> memref<320xi32, #tpu.memory_space<vmem>>
      %dma_start3A_644 = tpu.memref_slice %arg3[%min3A_635] : memref<6400000xi32, #tpu.memory_space<hbm>> -> memref<320xi32, #tpu.memory_space<hbm>>
      tpu.enqueue_dma source(%dma_start3A_644 : memref<320xi32, #tpu.memory_space<hbm>>) target(%dma_start3A_643 : memref<320xi32, #tpu.memory_space<vmem>>) target_semaphore(%arg17 : memref<!tpu.dma_semaphore, #tpu.memory_space<semaphore_mem>>)
      %dma_start3A_645 = arith.constant 2 : i32
      %dma_start3A_646 = arith.constant 0 : i32
      %dma_start3A_647 = tpu.memref_slice %arg11[%dma_start3A_645, %dma_start3A_646] : memref<3x320xi32, #tpu.memory_space<vmem>> -> memref<1x320xi32, #tpu.memory_space<vmem>>
      %dma_start3A_648 = tpu.memref_squeeze %dma_start3A_647 : memref<1x320xi32, #tpu.memory_space<vmem>> -> memref<320xi32, #tpu.memory_space<vmem>>
      %dma_start3A_649 = tpu.memref_slice %arg4[%min3A_635] : memref<6400000xi32, #tpu.memory_space<hbm>> -> memref<320xi32, #tpu.memory_space<hbm>>
      %dma_start3A_650 = arith.constant 0 : i32
      %dma_start3A_651 = tpu.memref_slice %arg11[%dma_start3A_645, %dma_start3A_650] : memref<3x320xi32, #tpu.memory_space<vmem>> -> memref<1x320xi32, #tpu.memory_space<vmem>>
      %dma_start3A_652 = tpu.memref_squeeze %dma_start3A_651 : memref<1x320xi32, #tpu.memory_space<vmem>> -> memref<320xi32, #tpu.memory_space<vmem>>
      %dma_start3A_653 = tpu.memref_slice %arg4[%min3A_635] : memref<6400000xi32, #tpu.memory_space<hbm>> -> memref<320xi32, #tpu.memory_space<hbm>>
      tpu.enqueue_dma source(%dma_start3A_653 : memref<320xi32, #tpu.memory_space<hbm>>) target(%dma_start3A_652 : memref<320xi32, #tpu.memory_space<vmem>>) target_semaphore(%arg17 : memref<!tpu.dma_semaphore, #tpu.memory_space<semaphore_mem>>)
      %dma_wait3A_654 = arith.constant 1 : i32
      %dma_wait3A_655 = arith.constant 0 : i32
      %dma_wait3A_656 = tpu.memref_slice %arg10[%dma_wait3A_654, %dma_wait3A_655] : memref<3x320xi32, #tpu.memory_space<vmem>> -> memref<1x320xi32, #tpu.memory_space<vmem>>
      %dma_wait3A_657 = tpu.memref_squeeze %dma_wait3A_656 : memref<1x320xi32, #tpu.memory_space<vmem>> -> memref<320xi32, #tpu.memory_space<vmem>>
      %dma_wait3A_658 = arith.constant 0 : i32
      %dma_wait3A_659 = tpu.memref_slice %arg3[%dma_wait3A_658] : memref<6400000xi32, #tpu.memory_space<hbm>> -> memref<320xi32, #tpu.memory_space<hbm>>
      %dma_wait3A_660 = arith.constant 0 : i32
      %dma_wait3A_661 = tpu.memref_slice %arg10[%dma_wait3A_654, %dma_wait3A_660] : memref<3x320xi32, #tpu.memory_space<vmem>> -> memref<1x320xi32, #tpu.memory_space<vmem>>
      %dma_wait3A_662 = tpu.memref_squeeze %dma_wait3A_661 : memref<1x320xi32, #tpu.memory_space<vmem>> -> memref<320xi32, #tpu.memory_space<vmem>>
      %dma_wait3A_663 = arith.constant 0 : i32
      %dma_wait3A_664 = tpu.memref_slice %arg3[%dma_wait3A_663] : memref<6400000xi32, #tpu.memory_space<hbm>> -> memref<320xi32, #tpu.memory_space<hbm>>
      tpu.wait_dma2 semaphore(%arg17 : memref<!tpu.dma_semaphore, #tpu.memory_space<semaphore_mem>>) src(%dma_wait3A_664 : memref<320xi32, #tpu.memory_space<hbm>>) dst(%dma_wait3A_662 : memref<320xi32, #tpu.memory_space<vmem>>)
      %dma_wait3A_665 = arith.constant 1 : i32
      %dma_wait3A_666 = arith.constant 0 : i32
      %dma_wait3A_667 = tpu.memref_slice %arg11[%dma_wait3A_665, %dma_wait3A_666] : memref<3x320xi32, #tpu.memory_space<vmem>> -> memref<1x320xi32, #tpu.memory_space<vmem>>
      %dma_wait3A_668 = tpu.memref_squeeze %dma_wait3A_667 : memref<1x320xi32, #tpu.memory_space<vmem>> -> memref<320xi32, #tpu.memory_space<vmem>>
      %dma_wait3A_669 = arith.constant 0 : i32
      %dma_wait3A_670 = tpu.memref_slice %arg3[%dma_wait3A_669] : memref<6400000xi32, #tpu.memory_space<hbm>> -> memref<320xi32, #tpu.memory_space<hbm>>
      %dma_wait3A_671 = arith.constant 0 : i32
      %dma_wait3A_672 = tpu.memref_slice %arg11[%dma_wait3A_665, %dma_wait3A_671] : memref<3x320xi32, #tpu.memory_space<vmem>> -> memref<1x320xi32, #tpu.memory_space<vmem>>
      %dma_wait3A_673 = tpu.memref_squeeze %dma_wait3A_672 : memref<1x320xi32, #tpu.memory_space<vmem>> -> memref<320xi32, #tpu.memory_space<vmem>>
      %dma_wait3A_674 = arith.constant 0 : i32
      %dma_wait3A_675 = tpu.memref_slice %arg3[%dma_wait3A_674] : memref<6400000xi32, #tpu.memory_space<hbm>> -> memref<320xi32, #tpu.memory_space<hbm>>
      tpu.wait_dma2 semaphore(%arg17 : memref<!tpu.dma_semaphore, #tpu.memory_space<semaphore_mem>>) src(%dma_wait3A_675 : memref<320xi32, #tpu.memory_space<hbm>>) dst(%dma_wait3A_673 : memref<320xi32, #tpu.memory_space<vmem>>)
      %dma_start3A_676 = arith.constant 1 : i32
      %dma_start3A_677 = arith.constant 1 : i32
      %dma_start3A_678 = arith.constant 0 : i32
      %dma_start3A_679 = arith.constant 0 : i32
      %dma_start3A_680 = tpu.memref_slice %arg12[%dma_start3A_677, %dma_start3A_678, %dma_start3A_679] : memref<3x320x16xf32, #tpu.memory_space<vmem>> -> memref<1x320x16xf32, #tpu.memory_space<vmem>>
      %dma_start3A_681 = tpu.memref_squeeze %dma_start3A_680 : memref<1x320x16xf32, #tpu.memory_space<vmem>> -> memref<320x16xf32, #tpu.memory_space<vmem>>
      %dma_start3A_682 = arith.constant 0 : i32
      %dma_start3A_683 = tpu.memref_slice %arg10[%dma_start3A_676, %dma_start3A_682] : memref<3x320xi32, #tpu.memory_space<vmem>> -> memref<1x320xi32, #tpu.memory_space<vmem>>
      %dma_start3A_684 = tpu.memref_squeeze %dma_start3A_683 : memref<1x320xi32, #tpu.memory_space<vmem>> -> memref<320xi32, #tpu.memory_space<vmem>>
      %dma_start3A_685 = arith.constant 0 : i32
      %dma_start3A_686 = arith.constant 0 : i32
      %dma_start3A_687 = tpu.memref_slice %arg6[%dma_start3A_685, %dma_start3A_686] : memref<100096x16xf32, #tpu.memory_space<hbm>> -> memref<100096x16xf32, #tpu.memory_space<hbm>>
      tpu.enqueue_indirect_dma source(%dma_start3A_687 : memref<100096x16xf32, #tpu.memory_space<hbm>>) target(%dma_start3A_681 : memref<320x16xf32, #tpu.memory_space<vmem>>) offsets(%dma_start3A_684 : memref<320xi32, #tpu.memory_space<vmem>>) semaphore(%arg18 : memref<!tpu.dma_semaphore, #tpu.memory_space<semaphore_mem>>)
      %dma_wait3A_688 = arith.constant 0 : i32
      %dma_wait3A_689 = arith.constant 0 : i32
      %dma_wait3A_690 = arith.constant 0 : i32
      %dma_wait3A_691 = tpu.memref_slice %arg12[%dma_wait3A_688, %dma_wait3A_689, %dma_wait3A_690] : memref<3x320x16xf32, #tpu.memory_space<vmem>> -> memref<1x320x16xf32, #tpu.memory_space<vmem>>
      %dma_wait3A_692 = tpu.memref_squeeze %dma_wait3A_691 : memref<1x320x16xf32, #tpu.memory_space<vmem>> -> memref<320x16xf32, #tpu.memory_space<vmem>>
      %dma_wait3A_693 = arith.constant 0 : i32
      %dma_wait3A_694 = arith.constant 0 : i32
      %dma_wait3A_695 = tpu.memref_slice %arg2[%dma_wait3A_693, %dma_wait3A_694] : memref<100096x16xf32, #tpu.memory_space<hbm>> -> memref<320x16xf32, #tpu.memory_space<hbm>>
      %dma_wait3A_696 = arith.constant 0 : i32
      %dma_wait3A_697 = arith.constant 0 : i32
      %dma_wait3A_698 = tpu.memref_slice %arg12[%dma_wait3A_688, %dma_wait3A_696, %dma_wait3A_697] : memref<3x320x16xf32, #tpu.memory_space<vmem>> -> memref<1x320x16xf32, #tpu.memory_space<vmem>>
      %dma_wait3A_699 = tpu.memref_squeeze %dma_wait3A_698 : memref<1x320x16xf32, #tpu.memory_space<vmem>> -> memref<320x16xf32, #tpu.memory_space<vmem>>
      %dma_wait3A_700 = arith.constant 0 : i32
      %dma_wait3A_701 = arith.constant 0 : i32
      %dma_wait3A_702 = tpu.memref_slice %arg2[%dma_wait3A_700, %dma_wait3A_701] : memref<100096x16xf32, #tpu.memory_space<hbm>> -> memref<320x16xf32, #tpu.memory_space<hbm>>
      tpu.wait_dma2 semaphore(%arg18 : memref<!tpu.dma_semaphore, #tpu.memory_space<semaphore_mem>>) src(%dma_wait3A_702 : memref<320x16xf32, #tpu.memory_space<hbm>>) dst(%dma_wait3A_699 : memref<320x16xf32, #tpu.memory_space<vmem>>)
      %dma_start3A_703 = arith.constant 0 : i32
      %dma_start3A_704 = arith.constant 0 : i32
      %dma_start3A_705 = arith.constant 0 : i32
      %dma_start3A_706 = arith.constant 0 : i32
      %dma_start3A_707 = tpu.memref_slice %arg12[%dma_start3A_703, %dma_start3A_705, %dma_start3A_706] : memref<3x320x16xf32, #tpu.memory_space<vmem>> -> memref<1x320x16xf32, #tpu.memory_space<vmem>>
      %dma_start3A_708 = tpu.memref_squeeze %dma_start3A_707 : memref<1x320x16xf32, #tpu.memory_space<vmem>> -> memref<320x16xf32, #tpu.memory_space<vmem>>
      %dma_start3A_709 = arith.constant 0 : i32
      %dma_start3A_710 = tpu.memref_slice %arg11[%dma_start3A_704, %dma_start3A_709] : memref<3x320xi32, #tpu.memory_space<vmem>> -> memref<1x320xi32, #tpu.memory_space<vmem>>
      %dma_start3A_711 = tpu.memref_squeeze %dma_start3A_710 : memref<1x320xi32, #tpu.memory_space<vmem>> -> memref<320xi32, #tpu.memory_space<vmem>>
      %dma_start3A_712 = arith.constant 0 : i32
      %dma_start3A_713 = arith.constant 0 : i32
      %dma_start3A_714 = tpu.memref_slice %arg16[%dma_start3A_712, %dma_start3A_713] : memref<100096x16xf32, #tpu.memory_space<vmem_shared>> -> memref<100096x16xf32, #tpu.memory_space<vmem_shared>>
      tpu.enqueue_indirect_dma source(%dma_start3A_708 : memref<320x16xf32, #tpu.memory_space<vmem>>) target(%dma_start3A_714 : memref<100096x16xf32, #tpu.memory_space<vmem_shared>>) offsets(%dma_start3A_711 : memref<320xi32, #tpu.memory_space<vmem>>) semaphore(%arg19 : memref<!tpu.dma_semaphore, #tpu.memory_space<semaphore_mem>>) {add = true}
      %mul3A_715 = arith.constant 3 : i32
      %mul3A_716 = arith.muli %add3A_620, %mul3A_715 : i32
      %add3A_717 = arith.constant 1 : i32
      %add3A_718 = arith.addi %mul3A_716, %add3A_717 : i32
      %gt3A_719 = arith.constant 0 : i32
      %gt3A_720 = arith.cmpi sgt, %add3A_620, %gt3A_719 : i32
      %convert_element_type3A_721 = arith.extui %gt3A_720 : i1 to i32
      %cond3A_722 = arith.constant 0 : i32
      %cond3A_723 = arith.cmpi ne, %convert_element_type3A_721, %cond3A_722 : i32
      scf.if %cond3A_723 {
        %dma_wait3A_915 = arith.constant 1 : i32
        %dma_wait3A_916 = arith.constant 0 : i32
        %dma_wait3A_917 = arith.constant 0 : i32
        %dma_wait3A_918 = tpu.memref_slice %arg12[%dma_wait3A_915, %dma_wait3A_916, %dma_wait3A_917] : memref<3x320x16xf32, #tpu.memory_space<vmem>> -> memref<1x320x16xf32, #tpu.memory_space<vmem>>
        %dma_wait3A_919 = tpu.memref_squeeze %dma_wait3A_918 : memref<1x320x16xf32, #tpu.memory_space<vmem>> -> memref<320x16xf32, #tpu.memory_space<vmem>>
        %dma_wait3A_920 = arith.constant 0 : i32
        %dma_wait3A_921 = arith.constant 0 : i32
        %dma_wait3A_922 = tpu.memref_slice %arg2[%dma_wait3A_920, %dma_wait3A_921] : memref<100096x16xf32, #tpu.memory_space<hbm>> -> memref<320x16xf32, #tpu.memory_space<hbm>>
        %dma_wait3A_923 = arith.constant 0 : i32
        %dma_wait3A_924 = arith.constant 0 : i32
        %dma_wait3A_925 = tpu.memref_slice %arg12[%dma_wait3A_915, %dma_wait3A_923, %dma_wait3A_924] : memref<3x320x16xf32, #tpu.memory_space<vmem>> -> memref<1x320x16xf32, #tpu.memory_space<vmem>>
        %dma_wait3A_926 = tpu.memref_squeeze %dma_wait3A_925 : memref<1x320x16xf32, #tpu.memory_space<vmem>> -> memref<320x16xf32, #tpu.memory_space<vmem>>
        %dma_wait3A_927 = arith.constant 0 : i32
        %dma_wait3A_928 = arith.constant 0 : i32
        %dma_wait3A_929 = tpu.memref_slice %arg2[%dma_wait3A_927, %dma_wait3A_928] : memref<100096x16xf32, #tpu.memory_space<hbm>> -> memref<320x16xf32, #tpu.memory_space<hbm>>
        tpu.wait_dma2 semaphore(%arg19 : memref<!tpu.dma_semaphore, #tpu.memory_space<semaphore_mem>>) src(%dma_wait3A_929 : memref<320x16xf32, #tpu.memory_space<hbm>>) dst(%dma_wait3A_926 : memref<320x16xf32, #tpu.memory_space<vmem>>)
      } else {
      }
      %add3A_724 = arith.constant 2 : i32
      %add3A_725 = arith.addi %add3A_718, %add3A_724 : i32
      %mul3A_726 = arith.constant 320 : i32
      %mul3A_727 = arith.muli %add3A_725, %mul3A_726 : i32
      %add3A_728 = arith.addi %mul3A_2, %mul3A_727 : i32
      %min3A_729 = arith.constant 6399680 : i32
      %min3A_730 = arith.minsi %add3A_728, %min3A_729 : i32
      %dma_start3A_731 = arith.constant 0 : i32
      %dma_start3A_732 = arith.constant 0 : i32
      %dma_start3A_733 = tpu.memref_slice %arg10[%dma_start3A_731, %dma_start3A_732] : memref<3x320xi32, #tpu.memory_space<vmem>> -> memref<1x320xi32, #tpu.memory_space<vmem>>
      %dma_start3A_734 = tpu.memref_squeeze %dma_start3A_733 : memref<1x320xi32, #tpu.memory_space<vmem>> -> memref<320xi32, #tpu.memory_space<vmem>>
      %dma_start3A_735 = tpu.memref_slice %arg3[%min3A_730] : memref<6400000xi32, #tpu.memory_space<hbm>> -> memref<320xi32, #tpu.memory_space<hbm>>
      %dma_start3A_736 = arith.constant 0 : i32
      %dma_start3A_737 = tpu.memref_slice %arg10[%dma_start3A_731, %dma_start3A_736] : memref<3x320xi32, #tpu.memory_space<vmem>> -> memref<1x320xi32, #tpu.memory_space<vmem>>
      %dma_start3A_738 = tpu.memref_squeeze %dma_start3A_737 : memref<1x320xi32, #tpu.memory_space<vmem>> -> memref<320xi32, #tpu.memory_space<vmem>>
      %dma_start3A_739 = tpu.memref_slice %arg3[%min3A_730] : memref<6400000xi32, #tpu.memory_space<hbm>> -> memref<320xi32, #tpu.memory_space<hbm>>
      tpu.enqueue_dma source(%dma_start3A_739 : memref<320xi32, #tpu.memory_space<hbm>>) target(%dma_start3A_738 : memref<320xi32, #tpu.memory_space<vmem>>) target_semaphore(%arg17 : memref<!tpu.dma_semaphore, #tpu.memory_space<semaphore_mem>>)
      %dma_start3A_740 = arith.constant 0 : i32
      %dma_start3A_741 = arith.constant 0 : i32
      %dma_start3A_742 = tpu.memref_slice %arg11[%dma_start3A_740, %dma_start3A_741] : memref<3x320xi32, #tpu.memory_space<vmem>> -> memref<1x320xi32, #tpu.memory_space<vmem>>
      %dma_start3A_743 = tpu.memref_squeeze %dma_start3A_742 : memref<1x320xi32, #tpu.memory_space<vmem>> -> memref<320xi32, #tpu.memory_space<vmem>>
      %dma_start3A_744 = tpu.memref_slice %arg4[%min3A_730] : memref<6400000xi32, #tpu.memory_space<hbm>> -> memref<320xi32, #tpu.memory_space<hbm>>
      %dma_start3A_745 = arith.constant 0 : i32
      %dma_start3A_746 = tpu.memref_slice %arg11[%dma_start3A_740, %dma_start3A_745] : memref<3x320xi32, #tpu.memory_space<vmem>> -> memref<1x320xi32, #tpu.memory_space<vmem>>
      %dma_start3A_747 = tpu.memref_squeeze %dma_start3A_746 : memref<1x320xi32, #tpu.memory_space<vmem>> -> memref<320xi32, #tpu.memory_space<vmem>>
      %dma_start3A_748 = tpu.memref_slice %arg4[%min3A_730] : memref<6400000xi32, #tpu.memory_space<hbm>> -> memref<320xi32, #tpu.memory_space<hbm>>
      tpu.enqueue_dma source(%dma_start3A_748 : memref<320xi32, #tpu.memory_space<hbm>>) target(%dma_start3A_747 : memref<320xi32, #tpu.memory_space<vmem>>) target_semaphore(%arg17 : memref<!tpu.dma_semaphore, #tpu.memory_space<semaphore_mem>>)
      %dma_wait3A_749 = arith.constant 2 : i32
      %dma_wait3A_750 = arith.constant 0 : i32
      %dma_wait3A_751 = tpu.memref_slice %arg10[%dma_wait3A_749, %dma_wait3A_750] : memref<3x320xi32, #tpu.memory_space<vmem>> -> memref<1x320xi32, #tpu.memory_space<vmem>>
      %dma_wait3A_752 = tpu.memref_squeeze %dma_wait3A_751 : memref<1x320xi32, #tpu.memory_space<vmem>> -> memref<320xi32, #tpu.memory_space<vmem>>
      %dma_wait3A_753 = arith.constant 0 : i32
      %dma_wait3A_754 = tpu.memref_slice %arg3[%dma_wait3A_753] : memref<6400000xi32, #tpu.memory_space<hbm>> -> memref<320xi32, #tpu.memory_space<hbm>>
      %dma_wait3A_755 = arith.constant 0 : i32
      %dma_wait3A_756 = tpu.memref_slice %arg10[%dma_wait3A_749, %dma_wait3A_755] : memref<3x320xi32, #tpu.memory_space<vmem>> -> memref<1x320xi32, #tpu.memory_space<vmem>>
      %dma_wait3A_757 = tpu.memref_squeeze %dma_wait3A_756 : memref<1x320xi32, #tpu.memory_space<vmem>> -> memref<320xi32, #tpu.memory_space<vmem>>
      %dma_wait3A_758 = arith.constant 0 : i32
      %dma_wait3A_759 = tpu.memref_slice %arg3[%dma_wait3A_758] : memref<6400000xi32, #tpu.memory_space<hbm>> -> memref<320xi32, #tpu.memory_space<hbm>>
      tpu.wait_dma2 semaphore(%arg17 : memref<!tpu.dma_semaphore, #tpu.memory_space<semaphore_mem>>) src(%dma_wait3A_759 : memref<320xi32, #tpu.memory_space<hbm>>) dst(%dma_wait3A_757 : memref<320xi32, #tpu.memory_space<vmem>>)
      %dma_wait3A_760 = arith.constant 2 : i32
      %dma_wait3A_761 = arith.constant 0 : i32
      %dma_wait3A_762 = tpu.memref_slice %arg11[%dma_wait3A_760, %dma_wait3A_761] : memref<3x320xi32, #tpu.memory_space<vmem>> -> memref<1x320xi32, #tpu.memory_space<vmem>>
      %dma_wait3A_763 = tpu.memref_squeeze %dma_wait3A_762 : memref<1x320xi32, #tpu.memory_space<vmem>> -> memref<320xi32, #tpu.memory_space<vmem>>
      %dma_wait3A_764 = arith.constant 0 : i32
      %dma_wait3A_765 = tpu.memref_slice %arg3[%dma_wait3A_764] : memref<6400000xi32, #tpu.memory_space<hbm>> -> memref<320xi32, #tpu.memory_space<hbm>>
      %dma_wait3A_766 = arith.constant 0 : i32
      %dma_wait3A_767 = tpu.memref_slice %arg11[%dma_wait3A_760, %dma_wait3A_766] : memref<3x320xi32, #tpu.memory_space<vmem>> -> memref<1x320xi32, #tpu.memory_space<vmem>>
      %dma_wait3A_768 = tpu.memref_squeeze %dma_wait3A_767 : memref<1x320xi32, #tpu.memory_space<vmem>> -> memref<320xi32, #tpu.memory_space<vmem>>
      %dma_wait3A_769 = arith.constant 0 : i32
      %dma_wait3A_770 = tpu.memref_slice %arg3[%dma_wait3A_769] : memref<6400000xi32, #tpu.memory_space<hbm>> -> memref<320xi32, #tpu.memory_space<hbm>>
      tpu.wait_dma2 semaphore(%arg17 : memref<!tpu.dma_semaphore, #tpu.memory_space<semaphore_mem>>) src(%dma_wait3A_770 : memref<320xi32, #tpu.memory_space<hbm>>) dst(%dma_wait3A_768 : memref<320xi32, #tpu.memory_space<vmem>>)
      %dma_start3A_771 = arith.constant 2 : i32
      %dma_start3A_772 = arith.constant 2 : i32
      %dma_start3A_773 = arith.constant 0 : i32
      %dma_start3A_774 = arith.constant 0 : i32
      %dma_start3A_775 = tpu.memref_slice %arg12[%dma_start3A_772, %dma_start3A_773, %dma_start3A_774] : memref<3x320x16xf32, #tpu.memory_space<vmem>> -> memref<1x320x16xf32, #tpu.memory_space<vmem>>
      %dma_start3A_776 = tpu.memref_squeeze %dma_start3A_775 : memref<1x320x16xf32, #tpu.memory_space<vmem>> -> memref<320x16xf32, #tpu.memory_space<vmem>>
      %dma_start3A_777 = arith.constant 0 : i32
      %dma_start3A_778 = tpu.memref_slice %arg10[%dma_start3A_771, %dma_start3A_777] : memref<3x320xi32, #tpu.memory_space<vmem>> -> memref<1x320xi32, #tpu.memory_space<vmem>>
      %dma_start3A_779 = tpu.memref_squeeze %dma_start3A_778 : memref<1x320xi32, #tpu.memory_space<vmem>> -> memref<320xi32, #tpu.memory_space<vmem>>
      %dma_start3A_780 = arith.constant 0 : i32
      %dma_start3A_781 = arith.constant 0 : i32
      %dma_start3A_782 = tpu.memref_slice %arg6[%dma_start3A_780, %dma_start3A_781] : memref<100096x16xf32, #tpu.memory_space<hbm>> -> memref<100096x16xf32, #tpu.memory_space<hbm>>
      tpu.enqueue_indirect_dma source(%dma_start3A_782 : memref<100096x16xf32, #tpu.memory_space<hbm>>) target(%dma_start3A_776 : memref<320x16xf32, #tpu.memory_space<vmem>>) offsets(%dma_start3A_779 : memref<320xi32, #tpu.memory_space<vmem>>) semaphore(%arg18 : memref<!tpu.dma_semaphore, #tpu.memory_space<semaphore_mem>>)
      %dma_wait3A_783 = arith.constant 1 : i32
      %dma_wait3A_784 = arith.constant 0 : i32
      %dma_wait3A_785 = arith.constant 0 : i32
      %dma_wait3A_786 = tpu.memref_slice %arg12[%dma_wait3A_783, %dma_wait3A_784, %dma_wait3A_785] : memref<3x320x16xf32, #tpu.memory_space<vmem>> -> memref<1x320x16xf32, #tpu.memory_space<vmem>>
      %dma_wait3A_787 = tpu.memref_squeeze %dma_wait3A_786 : memref<1x320x16xf32, #tpu.memory_space<vmem>> -> memref<320x16xf32, #tpu.memory_space<vmem>>
      %dma_wait3A_788 = arith.constant 0 : i32
      %dma_wait3A_789 = arith.constant 0 : i32
      %dma_wait3A_790 = tpu.memref_slice %arg2[%dma_wait3A_788, %dma_wait3A_789] : memref<100096x16xf32, #tpu.memory_space<hbm>> -> memref<320x16xf32, #tpu.memory_space<hbm>>
      %dma_wait3A_791 = arith.constant 0 : i32
      %dma_wait3A_792 = arith.constant 0 : i32
      %dma_wait3A_793 = tpu.memref_slice %arg12[%dma_wait3A_783, %dma_wait3A_791, %dma_wait3A_792] : memref<3x320x16xf32, #tpu.memory_space<vmem>> -> memref<1x320x16xf32, #tpu.memory_space<vmem>>
      %dma_wait3A_794 = tpu.memref_squeeze %dma_wait3A_793 : memref<1x320x16xf32, #tpu.memory_space<vmem>> -> memref<320x16xf32, #tpu.memory_space<vmem>>
      %dma_wait3A_795 = arith.constant 0 : i32
      %dma_wait3A_796 = arith.constant 0 : i32
      %dma_wait3A_797 = tpu.memref_slice %arg2[%dma_wait3A_795, %dma_wait3A_796] : memref<100096x16xf32, #tpu.memory_space<hbm>> -> memref<320x16xf32, #tpu.memory_space<hbm>>
      tpu.wait_dma2 semaphore(%arg18 : memref<!tpu.dma_semaphore, #tpu.memory_space<semaphore_mem>>) src(%dma_wait3A_797 : memref<320x16xf32, #tpu.memory_space<hbm>>) dst(%dma_wait3A_794 : memref<320x16xf32, #tpu.memory_space<vmem>>)
      %dma_start3A_798 = arith.constant 1 : i32
      %dma_start3A_799 = arith.constant 1 : i32
      %dma_start3A_800 = arith.constant 0 : i32
      %dma_start3A_801 = arith.constant 0 : i32
      %dma_start3A_802 = tpu.memref_slice %arg12[%dma_start3A_798, %dma_start3A_800, %dma_start3A_801] : memref<3x320x16xf32, #tpu.memory_space<vmem>> -> memref<1x320x16xf32, #tpu.memory_space<vmem>>
      %dma_start3A_803 = tpu.memref_squeeze %dma_start3A_802 : memref<1x320x16xf32, #tpu.memory_space<vmem>> -> memref<320x16xf32, #tpu.memory_space<vmem>>
      %dma_start3A_804 = arith.constant 0 : i32
      %dma_start3A_805 = tpu.memref_slice %arg11[%dma_start3A_799, %dma_start3A_804] : memref<3x320xi32, #tpu.memory_space<vmem>> -> memref<1x320xi32, #tpu.memory_space<vmem>>
      %dma_start3A_806 = tpu.memref_squeeze %dma_start3A_805 : memref<1x320xi32, #tpu.memory_space<vmem>> -> memref<320xi32, #tpu.memory_space<vmem>>
      %dma_start3A_807 = arith.constant 0 : i32
      %dma_start3A_808 = arith.constant 0 : i32
      %dma_start3A_809 = tpu.memref_slice %arg16[%dma_start3A_807, %dma_start3A_808] : memref<100096x16xf32, #tpu.memory_space<vmem_shared>> -> memref<100096x16xf32, #tpu.memory_space<vmem_shared>>
      tpu.enqueue_indirect_dma source(%dma_start3A_803 : memref<320x16xf32, #tpu.memory_space<vmem>>) target(%dma_start3A_809 : memref<100096x16xf32, #tpu.memory_space<vmem_shared>>) offsets(%dma_start3A_806 : memref<320xi32, #tpu.memory_space<vmem>>) semaphore(%arg19 : memref<!tpu.dma_semaphore, #tpu.memory_space<semaphore_mem>>) {add = true}
      %mul3A_810 = arith.constant 3 : i32
      %mul3A_811 = arith.muli %add3A_620, %mul3A_810 : i32
      %add3A_812 = arith.constant 2 : i32
      %add3A_813 = arith.addi %mul3A_811, %add3A_812 : i32
      %dma_wait3A_814 = arith.constant 2 : i32
      %dma_wait3A_815 = arith.constant 0 : i32
      %dma_wait3A_816 = arith.constant 0 : i32
      %dma_wait3A_817 = tpu.memref_slice %arg12[%dma_wait3A_814, %dma_wait3A_815, %dma_wait3A_816] : memref<3x320x16xf32, #tpu.memory_space<vmem>> -> memref<1x320x16xf32, #tpu.memory_space<vmem>>
      %dma_wait3A_818 = tpu.memref_squeeze %dma_wait3A_817 : memref<1x320x16xf32, #tpu.memory_space<vmem>> -> memref<320x16xf32, #tpu.memory_space<vmem>>
      %dma_wait3A_819 = arith.constant 0 : i32
      %dma_wait3A_820 = arith.constant 0 : i32
      %dma_wait3A_821 = tpu.memref_slice %arg2[%dma_wait3A_819, %dma_wait3A_820] : memref<100096x16xf32, #tpu.memory_space<hbm>> -> memref<320x16xf32, #tpu.memory_space<hbm>>
      %dma_wait3A_822 = arith.constant 0 : i32
      %dma_wait3A_823 = arith.constant 0 : i32
      %dma_wait3A_824 = tpu.memref_slice %arg12[%dma_wait3A_814, %dma_wait3A_822, %dma_wait3A_823] : memref<3x320x16xf32, #tpu.memory_space<vmem>> -> memref<1x320x16xf32, #tpu.memory_space<vmem>>
      %dma_wait3A_825 = tpu.memref_squeeze %dma_wait3A_824 : memref<1x320x16xf32, #tpu.memory_space<vmem>> -> memref<320x16xf32, #tpu.memory_space<vmem>>
      %dma_wait3A_826 = arith.constant 0 : i32
      %dma_wait3A_827 = arith.constant 0 : i32
      %dma_wait3A_828 = tpu.memref_slice %arg2[%dma_wait3A_826, %dma_wait3A_827] : memref<100096x16xf32, #tpu.memory_space<hbm>> -> memref<320x16xf32, #tpu.memory_space<hbm>>
      tpu.wait_dma2 semaphore(%arg19 : memref<!tpu.dma_semaphore, #tpu.memory_space<semaphore_mem>>) src(%dma_wait3A_828 : memref<320x16xf32, #tpu.memory_space<hbm>>) dst(%dma_wait3A_825 : memref<320x16xf32, #tpu.memory_space<vmem>>)
      %add3A_829 = arith.constant 2 : i32
      %add3A_830 = arith.addi %add3A_813, %add3A_829 : i32
      %mul3A_831 = arith.constant 320 : i32
      %mul3A_832 = arith.muli %add3A_830, %mul3A_831 : i32
      %add3A_833 = arith.addi %mul3A_2, %mul3A_832 : i32
      %min3A_834 = arith.constant 6399680 : i32
      %min3A_835 = arith.minsi %add3A_833, %min3A_834 : i32
      %dma_start3A_836 = arith.constant 1 : i32
      %dma_start3A_837 = arith.constant 0 : i32
      %dma_start3A_838 = tpu.memref_slice %arg10[%dma_start3A_836, %dma_start3A_837] : memref<3x320xi32, #tpu.memory_space<vmem>> -> memref<1x320xi32, #tpu.memory_space<vmem>>
      %dma_start3A_839 = tpu.memref_squeeze %dma_start3A_838 : memref<1x320xi32, #tpu.memory_space<vmem>> -> memref<320xi32, #tpu.memory_space<vmem>>
      %dma_start3A_840 = tpu.memref_slice %arg3[%min3A_835] : memref<6400000xi32, #tpu.memory_space<hbm>> -> memref<320xi32, #tpu.memory_space<hbm>>
      %dma_start3A_841 = arith.constant 0 : i32
      %dma_start3A_842 = tpu.memref_slice %arg10[%dma_start3A_836, %dma_start3A_841] : memref<3x320xi32, #tpu.memory_space<vmem>> -> memref<1x320xi32, #tpu.memory_space<vmem>>
      %dma_start3A_843 = tpu.memref_squeeze %dma_start3A_842 : memref<1x320xi32, #tpu.memory_space<vmem>> -> memref<320xi32, #tpu.memory_space<vmem>>
      %dma_start3A_844 = tpu.memref_slice %arg3[%min3A_835] : memref<6400000xi32, #tpu.memory_space<hbm>> -> memref<320xi32, #tpu.memory_space<hbm>>
      tpu.enqueue_dma source(%dma_start3A_844 : memref<320xi32, #tpu.memory_space<hbm>>) target(%dma_start3A_843 : memref<320xi32, #tpu.memory_space<vmem>>) target_semaphore(%arg17 : memref<!tpu.dma_semaphore, #tpu.memory_space<semaphore_mem>>)
      %dma_start3A_845 = arith.constant 1 : i32
      %dma_start3A_846 = arith.constant 0 : i32
      %dma_start3A_847 = tpu.memref_slice %arg11[%dma_start3A_845, %dma_start3A_846] : memref<3x320xi32, #tpu.memory_space<vmem>> -> memref<1x320xi32, #tpu.memory_space<vmem>>
      %dma_start3A_848 = tpu.memref_squeeze %dma_start3A_847 : memref<1x320xi32, #tpu.memory_space<vmem>> -> memref<320xi32, #tpu.memory_space<vmem>>
      %dma_start3A_849 = tpu.memref_slice %arg4[%min3A_835] : memref<6400000xi32, #tpu.memory_space<hbm>> -> memref<320xi32, #tpu.memory_space<hbm>>
      %dma_start3A_850 = arith.constant 0 : i32
      %dma_start3A_851 = tpu.memref_slice %arg11[%dma_start3A_845, %dma_start3A_850] : memref<3x320xi32, #tpu.memory_space<vmem>> -> memref<1x320xi32, #tpu.memory_space<vmem>>
      %dma_start3A_852 = tpu.memref_squeeze %dma_start3A_851 : memref<1x320xi32, #tpu.memory_space<vmem>> -> memref<320xi32, #tpu.memory_space<vmem>>
      %dma_start3A_853 = tpu.memref_slice %arg4[%min3A_835] : memref<6400000xi32, #tpu.memory_space<hbm>> -> memref<320xi32, #tpu.memory_space<hbm>>
      tpu.enqueue_dma source(%dma_start3A_853 : memref<320xi32, #tpu.memory_space<hbm>>) target(%dma_start3A_852 : memref<320xi32, #tpu.memory_space<vmem>>) target_semaphore(%arg17 : memref<!tpu.dma_semaphore, #tpu.memory_space<semaphore_mem>>)
      %dma_wait3A_854 = arith.constant 0 : i32
      %dma_wait3A_855 = arith.constant 0 : i32
      %dma_wait3A_856 = tpu.memref_slice %arg10[%dma_wait3A_854, %dma_wait3A_855] : memref<3x320xi32, #tpu.memory_space<vmem>> -> memref<1x320xi32, #tpu.memory_space<vmem>>
      %dma_wait3A_857 = tpu.memref_squeeze %dma_wait3A_856 : memref<1x320xi32, #tpu.memory_space<vmem>> -> memref<320xi32, #tpu.memory_space<vmem>>
      %dma_wait3A_858 = arith.constant 0 : i32
      %dma_wait3A_859 = tpu.memref_slice %arg3[%dma_wait3A_858] : memref<6400000xi32, #tpu.memory_space<hbm>> -> memref<320xi32, #tpu.memory_space<hbm>>
      %dma_wait3A_860 = arith.constant 0 : i32
      %dma_wait3A_861 = tpu.memref_slice %arg10[%dma_wait3A_854, %dma_wait3A_860] : memref<3x320xi32, #tpu.memory_space<vmem>> -> memref<1x320xi32, #tpu.memory_space<vmem>>
      %dma_wait3A_862 = tpu.memref_squeeze %dma_wait3A_861 : memref<1x320xi32, #tpu.memory_space<vmem>> -> memref<320xi32, #tpu.memory_space<vmem>>
      %dma_wait3A_863 = arith.constant 0 : i32
      %dma_wait3A_864 = tpu.memref_slice %arg3[%dma_wait3A_863] : memref<6400000xi32, #tpu.memory_space<hbm>> -> memref<320xi32, #tpu.memory_space<hbm>>
      tpu.wait_dma2 semaphore(%arg17 : memref<!tpu.dma_semaphore, #tpu.memory_space<semaphore_mem>>) src(%dma_wait3A_864 : memref<320xi32, #tpu.memory_space<hbm>>) dst(%dma_wait3A_862 : memref<320xi32, #tpu.memory_space<vmem>>)
      %dma_wait3A_865 = arith.constant 0 : i32
      %dma_wait3A_866 = arith.constant 0 : i32
      %dma_wait3A_867 = tpu.memref_slice %arg11[%dma_wait3A_865, %dma_wait3A_866] : memref<3x320xi32, #tpu.memory_space<vmem>> -> memref<1x320xi32, #tpu.memory_space<vmem>>
      %dma_wait3A_868 = tpu.memref_squeeze %dma_wait3A_867 : memref<1x320xi32, #tpu.memory_space<vmem>> -> memref<320xi32, #tpu.memory_space<vmem>>
      %dma_wait3A_869 = arith.constant 0 : i32
      %dma_wait3A_870 = tpu.memref_slice %arg3[%dma_wait3A_869] : memref<6400000xi32, #tpu.memory_space<hbm>> -> memref<320xi32, #tpu.memory_space<hbm>>
      %dma_wait3A_871 = arith.constant 0 : i32
      %dma_wait3A_872 = tpu.memref_slice %arg11[%dma_wait3A_865, %dma_wait3A_871] : memref<3x320xi32, #tpu.memory_space<vmem>> -> memref<1x320xi32, #tpu.memory_space<vmem>>
      %dma_wait3A_873 = tpu.memref_squeeze %dma_wait3A_872 : memref<1x320xi32, #tpu.memory_space<vmem>> -> memref<320xi32, #tpu.memory_space<vmem>>
      %dma_wait3A_874 = arith.constant 0 : i32
      %dma_wait3A_875 = tpu.memref_slice %arg3[%dma_wait3A_874] : memref<6400000xi32, #tpu.memory_space<hbm>> -> memref<320xi32, #tpu.memory_space<hbm>>
      tpu.wait_dma2 semaphore(%arg17 : memref<!tpu.dma_semaphore, #tpu.memory_space<semaphore_mem>>) src(%dma_wait3A_875 : memref<320xi32, #tpu.memory_space<hbm>>) dst(%dma_wait3A_873 : memref<320xi32, #tpu.memory_space<vmem>>)
      %dma_start3A_876 = arith.constant 0 : i32
      %dma_start3A_877 = arith.constant 0 : i32
      %dma_start3A_878 = arith.constant 0 : i32
      %dma_start3A_879 = arith.constant 0 : i32
      %dma_start3A_880 = tpu.memref_slice %arg12[%dma_start3A_877, %dma_start3A_878, %dma_start3A_879] : memref<3x320x16xf32, #tpu.memory_space<vmem>> -> memref<1x320x16xf32, #tpu.memory_space<vmem>>
      %dma_start3A_881 = tpu.memref_squeeze %dma_start3A_880 : memref<1x320x16xf32, #tpu.memory_space<vmem>> -> memref<320x16xf32, #tpu.memory_space<vmem>>
      %dma_start3A_882 = arith.constant 0 : i32
      %dma_start3A_883 = tpu.memref_slice %arg10[%dma_start3A_876, %dma_start3A_882] : memref<3x320xi32, #tpu.memory_space<vmem>> -> memref<1x320xi32, #tpu.memory_space<vmem>>
      %dma_start3A_884 = tpu.memref_squeeze %dma_start3A_883 : memref<1x320xi32, #tpu.memory_space<vmem>> -> memref<320xi32, #tpu.memory_space<vmem>>
      %dma_start3A_885 = arith.constant 0 : i32
      %dma_start3A_886 = arith.constant 0 : i32
      %dma_start3A_887 = tpu.memref_slice %arg6[%dma_start3A_885, %dma_start3A_886] : memref<100096x16xf32, #tpu.memory_space<hbm>> -> memref<100096x16xf32, #tpu.memory_space<hbm>>
      tpu.enqueue_indirect_dma source(%dma_start3A_887 : memref<100096x16xf32, #tpu.memory_space<hbm>>) target(%dma_start3A_881 : memref<320x16xf32, #tpu.memory_space<vmem>>) offsets(%dma_start3A_884 : memref<320xi32, #tpu.memory_space<vmem>>) semaphore(%arg18 : memref<!tpu.dma_semaphore, #tpu.memory_space<semaphore_mem>>)
      %dma_wait3A_888 = arith.constant 2 : i32
      %dma_wait3A_889 = arith.constant 0 : i32
      %dma_wait3A_890 = arith.constant 0 : i32
      %dma_wait3A_891 = tpu.memref_slice %arg12[%dma_wait3A_888, %dma_wait3A_889, %dma_wait3A_890] : memref<3x320x16xf32, #tpu.memory_space<vmem>> -> memref<1x320x16xf32, #tpu.memory_space<vmem>>
      %dma_wait3A_892 = tpu.memref_squeeze %dma_wait3A_891 : memref<1x320x16xf32, #tpu.memory_space<vmem>> -> memref<320x16xf32, #tpu.memory_space<vmem>>
      %dma_wait3A_893 = arith.constant 0 : i32
      %dma_wait3A_894 = arith.constant 0 : i32
      %dma_wait3A_895 = tpu.memref_slice %arg2[%dma_wait3A_893, %dma_wait3A_894] : memref<100096x16xf32, #tpu.memory_space<hbm>> -> memref<320x16xf32, #tpu.memory_space<hbm>>
      %dma_wait3A_896 = arith.constant 0 : i32
      %dma_wait3A_897 = arith.constant 0 : i32
      %dma_wait3A_898 = tpu.memref_slice %arg12[%dma_wait3A_888, %dma_wait3A_896, %dma_wait3A_897] : memref<3x320x16xf32, #tpu.memory_space<vmem>> -> memref<1x320x16xf32, #tpu.memory_space<vmem>>
      %dma_wait3A_899 = tpu.memref_squeeze %dma_wait3A_898 : memref<1x320x16xf32, #tpu.memory_space<vmem>> -> memref<320x16xf32, #tpu.memory_space<vmem>>
      %dma_wait3A_900 = arith.constant 0 : i32
      %dma_wait3A_901 = arith.constant 0 : i32
      %dma_wait3A_902 = tpu.memref_slice %arg2[%dma_wait3A_900, %dma_wait3A_901] : memref<100096x16xf32, #tpu.memory_space<hbm>> -> memref<320x16xf32, #tpu.memory_space<hbm>>
      tpu.wait_dma2 semaphore(%arg18 : memref<!tpu.dma_semaphore, #tpu.memory_space<semaphore_mem>>) src(%dma_wait3A_902 : memref<320x16xf32, #tpu.memory_space<hbm>>) dst(%dma_wait3A_899 : memref<320x16xf32, #tpu.memory_space<vmem>>)
      %dma_start3A_903 = arith.constant 2 : i32
      %dma_start3A_904 = arith.constant 2 : i32
      %dma_start3A_905 = arith.constant 0 : i32
      %dma_start3A_906 = arith.constant 0 : i32
      %dma_start3A_907 = tpu.memref_slice %arg12[%dma_start3A_903, %dma_start3A_905, %dma_start3A_906] : memref<3x320x16xf32, #tpu.memory_space<vmem>> -> memref<1x320x16xf32, #tpu.memory_space<vmem>>
      %dma_start3A_908 = tpu.memref_squeeze %dma_start3A_907 : memref<1x320x16xf32, #tpu.memory_space<vmem>> -> memref<320x16xf32, #tpu.memory_space<vmem>>
      %dma_start3A_909 = arith.constant 0 : i32
      %dma_start3A_910 = tpu.memref_slice %arg11[%dma_start3A_904, %dma_start3A_909] : memref<3x320xi32, #tpu.memory_space<vmem>> -> memref<1x320xi32, #tpu.memory_space<vmem>>
      %dma_start3A_911 = tpu.memref_squeeze %dma_start3A_910 : memref<1x320xi32, #tpu.memory_space<vmem>> -> memref<320xi32, #tpu.memory_space<vmem>>
      %dma_start3A_912 = arith.constant 0 : i32
      %dma_start3A_913 = arith.constant 0 : i32
      %dma_start3A_914 = tpu.memref_slice %arg16[%dma_start3A_912, %dma_start3A_913] : memref<100096x16xf32, #tpu.memory_space<vmem_shared>> -> memref<100096x16xf32, #tpu.memory_space<vmem_shared>>
      tpu.enqueue_indirect_dma source(%dma_start3A_908 : memref<320x16xf32, #tpu.memory_space<vmem>>) target(%dma_start3A_914 : memref<100096x16xf32, #tpu.memory_space<vmem_shared>>) offsets(%dma_start3A_911 : memref<320xi32, #tpu.memory_space<vmem>>) semaphore(%arg19 : memref<!tpu.dma_semaphore, #tpu.memory_space<semaphore_mem>>) {add = true}
    }
    %scan3A_287 = arith.constant 208 : i32
    %dma_wait3A_288 = arith.constant 0 : i32
    %dma_wait3A_289 = arith.constant 0 : i32
    %dma_wait3A_290 = arith.constant 0 : i32
    %dma_wait3A_291 = tpu.memref_slice %arg12[%dma_wait3A_288, %dma_wait3A_289, %dma_wait3A_290] : memref<3x320x16xf32, #tpu.memory_space<vmem>> -> memref<1x320x16xf32, #tpu.memory_space<vmem>>
    %dma_wait3A_292 = tpu.memref_squeeze %dma_wait3A_291 : memref<1x320x16xf32, #tpu.memory_space<vmem>> -> memref<320x16xf32, #tpu.memory_space<vmem>>
    %dma_wait3A_293 = arith.constant 0 : i32
    %dma_wait3A_294 = arith.constant 0 : i32
    %dma_wait3A_295 = tpu.memref_slice %arg2[%dma_wait3A_293, %dma_wait3A_294] : memref<100096x16xf32, #tpu.memory_space<hbm>> -> memref<320x16xf32, #tpu.memory_space<hbm>>
    %dma_wait3A_296 = arith.constant 0 : i32
    %dma_wait3A_297 = arith.constant 0 : i32
    %dma_wait3A_298 = tpu.memref_slice %arg12[%dma_wait3A_288, %dma_wait3A_296, %dma_wait3A_297] : memref<3x320x16xf32, #tpu.memory_space<vmem>> -> memref<1x320x16xf32, #tpu.memory_space<vmem>>
    %dma_wait3A_299 = tpu.memref_squeeze %dma_wait3A_298 : memref<1x320x16xf32, #tpu.memory_space<vmem>> -> memref<320x16xf32, #tpu.memory_space<vmem>>
    %dma_wait3A_300 = arith.constant 0 : i32
    %dma_wait3A_301 = arith.constant 0 : i32
    %dma_wait3A_302 = tpu.memref_slice %arg2[%dma_wait3A_300, %dma_wait3A_301] : memref<100096x16xf32, #tpu.memory_space<hbm>> -> memref<320x16xf32, #tpu.memory_space<hbm>>
    tpu.wait_dma2 semaphore(%arg18 : memref<!tpu.dma_semaphore, #tpu.memory_space<semaphore_mem>>) src(%dma_wait3A_302 : memref<320x16xf32, #tpu.memory_space<hbm>>) dst(%dma_wait3A_299 : memref<320x16xf32, #tpu.memory_space<vmem>>)
    %dma_start3A_303 = arith.constant 0 : i32
    %dma_start3A_304 = arith.constant 0 : i32
    %dma_start3A_305 = arith.constant 0 : i32
    %dma_start3A_306 = arith.constant 0 : i32
    %dma_start3A_307 = tpu.memref_slice %arg12[%dma_start3A_303, %dma_start3A_305, %dma_start3A_306] : memref<3x320x16xf32, #tpu.memory_space<vmem>> -> memref<1x320x16xf32, #tpu.memory_space<vmem>>
    %dma_start3A_308 = tpu.memref_squeeze %dma_start3A_307 : memref<1x320x16xf32, #tpu.memory_space<vmem>> -> memref<320x16xf32, #tpu.memory_space<vmem>>
    %dma_start3A_309 = arith.constant 0 : i32
    %dma_start3A_310 = tpu.memref_slice %arg11[%dma_start3A_304, %dma_start3A_309] : memref<3x320xi32, #tpu.memory_space<vmem>> -> memref<1x320xi32, #tpu.memory_space<vmem>>
    %dma_start3A_311 = tpu.memref_squeeze %dma_start3A_310 : memref<1x320xi32, #tpu.memory_space<vmem>> -> memref<320xi32, #tpu.memory_space<vmem>>
    %dma_start3A_312 = arith.constant 0 : i32
    %dma_start3A_313 = arith.constant 0 : i32
    %dma_start3A_314 = tpu.memref_slice %arg16[%dma_start3A_312, %dma_start3A_313] : memref<100096x16xf32, #tpu.memory_space<vmem_shared>> -> memref<100096x16xf32, #tpu.memory_space<vmem_shared>>
    tpu.enqueue_indirect_dma source(%dma_start3A_308 : memref<320x16xf32, #tpu.memory_space<vmem>>) target(%dma_start3A_314 : memref<100096x16xf32, #tpu.memory_space<vmem_shared>>) offsets(%dma_start3A_311 : memref<320xi32, #tpu.memory_space<vmem>>) semaphore(%arg19 : memref<!tpu.dma_semaphore, #tpu.memory_space<semaphore_mem>>) {add = true}
    %dma_wait3A_315 = arith.constant 0 : i32
    %dma_wait3A_316 = arith.constant 0 : i32
    %dma_wait3A_317 = arith.constant 0 : i32
    %dma_wait3A_318 = tpu.memref_slice %arg12[%dma_wait3A_315, %dma_wait3A_316, %dma_wait3A_317] : memref<3x320x16xf32, #tpu.memory_space<vmem>> -> memref<1x320x16xf32, #tpu.memory_space<vmem>>
    %dma_wait3A_319 = tpu.memref_squeeze %dma_wait3A_318 : memref<1x320x16xf32, #tpu.memory_space<vmem>> -> memref<320x16xf32, #tpu.memory_space<vmem>>
    %dma_wait3A_320 = arith.constant 0 : i32
    %dma_wait3A_321 = arith.constant 0 : i32
    %dma_wait3A_322 = tpu.memref_slice %arg2[%dma_wait3A_320, %dma_wait3A_321] : memref<100096x16xf32, #tpu.memory_space<hbm>> -> memref<320x16xf32, #tpu.memory_space<hbm>>
    %dma_wait3A_323 = arith.constant 0 : i32
    %dma_wait3A_324 = arith.constant 0 : i32
    %dma_wait3A_325 = tpu.memref_slice %arg12[%dma_wait3A_315, %dma_wait3A_323, %dma_wait3A_324] : memref<3x320x16xf32, #tpu.memory_space<vmem>> -> memref<1x320x16xf32, #tpu.memory_space<vmem>>
    %dma_wait3A_326 = tpu.memref_squeeze %dma_wait3A_325 : memref<1x320x16xf32, #tpu.memory_space<vmem>> -> memref<320x16xf32, #tpu.memory_space<vmem>>
    %dma_wait3A_327 = arith.constant 0 : i32
    %dma_wait3A_328 = arith.constant 0 : i32
    %dma_wait3A_329 = tpu.memref_slice %arg2[%dma_wait3A_327, %dma_wait3A_328] : memref<100096x16xf32, #tpu.memory_space<hbm>> -> memref<320x16xf32, #tpu.memory_space<hbm>>
    tpu.wait_dma2 semaphore(%arg19 : memref<!tpu.dma_semaphore, #tpu.memory_space<semaphore_mem>>) src(%dma_wait3A_329 : memref<320x16xf32, #tpu.memory_space<hbm>>) dst(%dma_wait3A_326 : memref<320x16xf32, #tpu.memory_space<vmem>>)
    %dma_wait3A_330 = arith.constant 1 : i32
    %dma_wait3A_331 = arith.constant 0 : i32
    %dma_wait3A_332 = arith.constant 0 : i32
    %dma_wait3A_333 = tpu.memref_slice %arg12[%dma_wait3A_330, %dma_wait3A_331, %dma_wait3A_332] : memref<3x320x16xf32, #tpu.memory_space<vmem>> -> memref<1x320x16xf32, #tpu.memory_space<vmem>>
    %dma_wait3A_334 = tpu.memref_squeeze %dma_wait3A_333 : memref<1x320x16xf32, #tpu.memory_space<vmem>> -> memref<320x16xf32, #tpu.memory_space<vmem>>
    %dma_wait3A_335 = arith.constant 0 : i32
    %dma_wait3A_336 = arith.constant 0 : i32
    %dma_wait3A_337 = tpu.memref_slice %arg2[%dma_wait3A_335, %dma_wait3A_336] : memref<100096x16xf32, #tpu.memory_space<hbm>> -> memref<320x16xf32, #tpu.memory_space<hbm>>
    %dma_wait3A_338 = arith.constant 0 : i32
    %dma_wait3A_339 = arith.constant 0 : i32
    %dma_wait3A_340 = tpu.memref_slice %arg12[%dma_wait3A_330, %dma_wait3A_338, %dma_wait3A_339] : memref<3x320x16xf32, #tpu.memory_space<vmem>> -> memref<1x320x16xf32, #tpu.memory_space<vmem>>
    %dma_wait3A_341 = tpu.memref_squeeze %dma_wait3A_340 : memref<1x320x16xf32, #tpu.memory_space<vmem>> -> memref<320x16xf32, #tpu.memory_space<vmem>>
    %dma_wait3A_342 = arith.constant 0 : i32
    %dma_wait3A_343 = arith.constant 0 : i32
    %dma_wait3A_344 = tpu.memref_slice %arg2[%dma_wait3A_342, %dma_wait3A_343] : memref<100096x16xf32, #tpu.memory_space<hbm>> -> memref<320x16xf32, #tpu.memory_space<hbm>>
    tpu.wait_dma2 semaphore(%arg19 : memref<!tpu.dma_semaphore, #tpu.memory_space<semaphore_mem>>) src(%dma_wait3A_344 : memref<320x16xf32, #tpu.memory_space<hbm>>) dst(%dma_wait3A_341 : memref<320x16xf32, #tpu.memory_space<vmem>>)
    %dma_wait3A_345 = arith.constant 2 : i32
    %dma_wait3A_346 = arith.constant 0 : i32
    %dma_wait3A_347 = arith.constant 0 : i32
    %dma_wait3A_348 = tpu.memref_slice %arg12[%dma_wait3A_345, %dma_wait3A_346, %dma_wait3A_347] : memref<3x320x16xf32, #tpu.memory_space<vmem>> -> memref<1x320x16xf32, #tpu.memory_space<vmem>>
    %dma_wait3A_349 = tpu.memref_squeeze %dma_wait3A_348 : memref<1x320x16xf32, #tpu.memory_space<vmem>> -> memref<320x16xf32, #tpu.memory_space<vmem>>
    %dma_wait3A_350 = arith.constant 0 : i32
    %dma_wait3A_351 = arith.constant 0 : i32
    %dma_wait3A_352 = tpu.memref_slice %arg2[%dma_wait3A_350, %dma_wait3A_351] : memref<100096x16xf32, #tpu.memory_space<hbm>> -> memref<320x16xf32, #tpu.memory_space<hbm>>
    %dma_wait3A_353 = arith.constant 0 : i32
    %dma_wait3A_354 = arith.constant 0 : i32
    %dma_wait3A_355 = tpu.memref_slice %arg12[%dma_wait3A_345, %dma_wait3A_353, %dma_wait3A_354] : memref<3x320x16xf32, #tpu.memory_space<vmem>> -> memref<1x320x16xf32, #tpu.memory_space<vmem>>
    %dma_wait3A_356 = tpu.memref_squeeze %dma_wait3A_355 : memref<1x320x16xf32, #tpu.memory_space<vmem>> -> memref<320x16xf32, #tpu.memory_space<vmem>>
    %dma_wait3A_357 = arith.constant 0 : i32
    %dma_wait3A_358 = arith.constant 0 : i32
    %dma_wait3A_359 = tpu.memref_slice %arg2[%dma_wait3A_357, %dma_wait3A_358] : memref<100096x16xf32, #tpu.memory_space<hbm>> -> memref<320x16xf32, #tpu.memory_space<hbm>>
    tpu.wait_dma2 semaphore(%arg19 : memref<!tpu.dma_semaphore, #tpu.memory_space<semaphore_mem>>) src(%dma_wait3A_359 : memref<320x16xf32, #tpu.memory_space<hbm>>) dst(%dma_wait3A_356 : memref<320x16xf32, #tpu.memory_space<vmem>>)
    %dma_wait3A_360 = arith.constant 1 : i32
    %dma_wait3A_361 = arith.constant 0 : i32
    %dma_wait3A_362 = tpu.memref_slice %arg10[%dma_wait3A_360, %dma_wait3A_361] : memref<3x320xi32, #tpu.memory_space<vmem>> -> memref<1x320xi32, #tpu.memory_space<vmem>>
    %dma_wait3A_363 = tpu.memref_squeeze %dma_wait3A_362 : memref<1x320xi32, #tpu.memory_space<vmem>> -> memref<320xi32, #tpu.memory_space<vmem>>
    %dma_wait3A_364 = arith.constant 0 : i32
    %dma_wait3A_365 = tpu.memref_slice %arg3[%dma_wait3A_364] : memref<6400000xi32, #tpu.memory_space<hbm>> -> memref<320xi32, #tpu.memory_space<hbm>>
    %dma_wait3A_366 = arith.constant 0 : i32
    %dma_wait3A_367 = tpu.memref_slice %arg10[%dma_wait3A_360, %dma_wait3A_366] : memref<3x320xi32, #tpu.memory_space<vmem>> -> memref<1x320xi32, #tpu.memory_space<vmem>>
    %dma_wait3A_368 = tpu.memref_squeeze %dma_wait3A_367 : memref<1x320xi32, #tpu.memory_space<vmem>> -> memref<320xi32, #tpu.memory_space<vmem>>
    %dma_wait3A_369 = arith.constant 0 : i32
    %dma_wait3A_370 = tpu.memref_slice %arg3[%dma_wait3A_369] : memref<6400000xi32, #tpu.memory_space<hbm>> -> memref<320xi32, #tpu.memory_space<hbm>>
    tpu.wait_dma2 semaphore(%arg17 : memref<!tpu.dma_semaphore, #tpu.memory_space<semaphore_mem>>) src(%dma_wait3A_370 : memref<320xi32, #tpu.memory_space<hbm>>) dst(%dma_wait3A_368 : memref<320xi32, #tpu.memory_space<vmem>>)
    %dma_wait3A_371 = arith.constant 1 : i32
    %dma_wait3A_372 = arith.constant 0 : i32
    %dma_wait3A_373 = tpu.memref_slice %arg11[%dma_wait3A_371, %dma_wait3A_372] : memref<3x320xi32, #tpu.memory_space<vmem>> -> memref<1x320xi32, #tpu.memory_space<vmem>>
    %dma_wait3A_374 = tpu.memref_squeeze %dma_wait3A_373 : memref<1x320xi32, #tpu.memory_space<vmem>> -> memref<320xi32, #tpu.memory_space<vmem>>
    %dma_wait3A_375 = arith.constant 0 : i32
    %dma_wait3A_376 = tpu.memref_slice %arg3[%dma_wait3A_375] : memref<6400000xi32, #tpu.memory_space<hbm>> -> memref<320xi32, #tpu.memory_space<hbm>>
    %dma_wait3A_377 = arith.constant 0 : i32
    %dma_wait3A_378 = tpu.memref_slice %arg11[%dma_wait3A_371, %dma_wait3A_377] : memref<3x320xi32, #tpu.memory_space<vmem>> -> memref<1x320xi32, #tpu.memory_space<vmem>>
    %dma_wait3A_379 = tpu.memref_squeeze %dma_wait3A_378 : memref<1x320xi32, #tpu.memory_space<vmem>> -> memref<320xi32, #tpu.memory_space<vmem>>
    %dma_wait3A_380 = arith.constant 0 : i32
    %dma_wait3A_381 = tpu.memref_slice %arg3[%dma_wait3A_380] : memref<6400000xi32, #tpu.memory_space<hbm>> -> memref<320xi32, #tpu.memory_space<hbm>>
    tpu.wait_dma2 semaphore(%arg17 : memref<!tpu.dma_semaphore, #tpu.memory_space<semaphore_mem>>) src(%dma_wait3A_381 : memref<320xi32, #tpu.memory_space<hbm>>) dst(%dma_wait3A_379 : memref<320xi32, #tpu.memory_space<vmem>>)
    %barrier3A_382 = arith.constant 0 : index
    tpu.barrier barrier_id(%barrier3A_382)
    %mul3A_383 = arith.constant 6256 : i32
    %mul3A_384 = arith.muli %arg1, %mul3A_383 : i32
    %mul3A_385 = arith.constant 100096 : i32
    %mul3A_386 = arith.muli %arg0, %mul3A_385 : i32
    %mul3A_387 = arith.constant 6256 : i32
    %mul3A_388 = arith.muli %arg1, %mul3A_387 : i32
    %add3A_389 = arith.addi %mul3A_386, %mul3A_388 : i32
    "tpu.region"() ({
      %run_scoped3A = tpu.sem_alloc : memref<!tpu.dma_semaphore, #tpu.memory_space<semaphore_mem>>
      %dma_start3A_616 = arith.constant 0 : i32
      %dma_start3A_617 = tpu.memref_slice %arg9[%add3A_389, %dma_start3A_616] : memref<200192x16xf32, #tpu.memory_space<hbm>> -> memref<6256x16xf32, #tpu.memory_space<hbm>>
      %dma_start3A_618 = arith.constant 0 : i32
      %dma_start3A_619 = tpu.memref_slice %arg16[%mul3A_384, %dma_start3A_618] : memref<100096x16xf32, #tpu.memory_space<vmem_shared>> -> memref<6256x16xf32, #tpu.memory_space<vmem_shared>>
      tpu.enqueue_dma source(%dma_start3A_619 : memref<6256x16xf32, #tpu.memory_space<vmem_shared>>) target(%dma_start3A_617 : memref<6256x16xf32, #tpu.memory_space<hbm>>) target_semaphore(%run_scoped3A : memref<!tpu.dma_semaphore, #tpu.memory_space<semaphore_mem>>)
      %dma_wait3A_620 = arith.constant 0 : i32
      %dma_wait3A_621 = tpu.memref_slice %arg9[%add3A_389, %dma_wait3A_620] : memref<200192x16xf32, #tpu.memory_space<hbm>> -> memref<6256x16xf32, #tpu.memory_space<hbm>>
      %dma_wait3A_622 = arith.constant 0 : i32
      %dma_wait3A_623 = tpu.memref_slice %arg16[%mul3A_384, %dma_wait3A_622] : memref<100096x16xf32, #tpu.memory_space<vmem_shared>> -> memref<6256x16xf32, #tpu.memory_space<vmem_shared>>
      tpu.wait_dma2 semaphore(%run_scoped3A : memref<!tpu.dma_semaphore, #tpu.memory_space<semaphore_mem>>) src(%dma_wait3A_623 : memref<6256x16xf32, #tpu.memory_space<vmem_shared>>) dst(%dma_wait3A_621 : memref<6256x16xf32, #tpu.memory_space<hbm>>)
      tpu.yield
    }) : () -> ()
    %barrier3A_390 = arith.constant 0 : index
    tpu.barrier barrier_id(%barrier3A_390)
    %eq3A_391 = arith.constant 0 : i32
    %eq3A_392 = arith.cmpi eq, %arg1, %eq3A_391 : i32
    %convert_element_type3A_393 = arith.extui %eq3A_392 : i1 to i32
    %cond3A_394 = arith.constant 0 : i32
    %cond3A_395 = arith.cmpi ne, %convert_element_type3A_393, %cond3A_394 : i32
    scf.if %cond3A_395 {
      %sub3A = arith.constant 1 : i32
      %sub3A_616 = arith.subi %sub3A, %arg0 : i32
      %semaphore_signal3A = arith.constant 1 : i32
      tpu.sem_signal %arg20, %semaphore_signal3A core_id %sub3A_616 : memref<!tpu.semaphore, #tpu.memory_space<semaphore_mem>>
      %semaphore_wait3A = arith.constant 1 : i32
      %semaphore_wait3A_617 = arith.constant true
      tpu.sem_wait %arg20, %semaphore_wait3A : memref<!tpu.semaphore, #tpu.memory_space<semaphore_mem>>
    } else {
    }
    %barrier3A_396 = arith.constant 0 : index
    tpu.barrier barrier_id(%barrier3A_396)
    %scan3A_397 = arith.constant 0 : i32
    %scan3A_398 = arith.constant 17 : i32
    %scan3A_399 = arith.addi %scan3A_397, %scan3A_398 : i32
    %scan3A_400 = arith.constant 1 : i32
    scf.for %scan3A_616 = %scan3A_397 to %scan3A_399 step %scan3A_400  : i32 {
      %mul3A_617 = arith.constant 1 : i32
      %mul3A_618 = arith.muli %scan3A_616, %mul3A_617 : i32
      %add3A_619 = arith.constant 0 : i32
      %add3A_620 = arith.addi %add3A_619, %mul3A_618 : i32
      %mul3A_621 = arith.constant 3128 : i32
      %mul3A_622 = arith.muli %add3A, %mul3A_621 : i32
      %mul3A_623 = arith.constant 184 : i32
      %mul3A_624 = arith.muli %add3A_620, %mul3A_623 : i32
      %add3A_625 = arith.addi %mul3A_622, %mul3A_624 : i32
      %sub3A = arith.constant 1 : i32
      %sub3A_626 = arith.subi %sub3A, %arg0 : i32
      %mul3A_627 = arith.constant 100096 : i32
      %mul3A_628 = arith.muli %sub3A_626, %mul3A_627 : i32
      %add3A_629 = arith.addi %mul3A_628, %add3A_625 : i32
      "tpu.region"() ({
        %run_scoped3A = tpu.sem_alloc : memref<!tpu.dma_semaphore, #tpu.memory_space<semaphore_mem>>
        %dma_start3A_635 = arith.constant 0 : i32
        %dma_start3A_636 = tpu.memref_slice %arg9[%add3A_629, %dma_start3A_635] : memref<200192x16xf32, #tpu.memory_space<hbm>> -> memref<184x16xf32, #tpu.memory_space<hbm>>
        %dma_start3A_637 = arith.constant 0 : i32
        %dma_start3A_638 = tpu.memref_slice %arg9[%add3A_629, %dma_start3A_637] : memref<200192x16xf32, #tpu.memory_space<hbm>> -> memref<184x16xf32, #tpu.memory_space<hbm>>
        tpu.enqueue_dma source(%dma_start3A_638 : memref<184x16xf32, #tpu.memory_space<hbm>>) target(%arg13 : memref<184x16xf32, #tpu.memory_space<vmem>>) target_semaphore(%run_scoped3A : memref<!tpu.dma_semaphore, #tpu.memory_space<semaphore_mem>>)
        %dma_wait3A_639 = arith.constant 0 : i32
        %dma_wait3A_640 = tpu.memref_slice %arg9[%add3A_629, %dma_wait3A_639] : memref<200192x16xf32, #tpu.memory_space<hbm>> -> memref<184x16xf32, #tpu.memory_space<hbm>>
        %dma_wait3A_641 = arith.constant 0 : i32
        %dma_wait3A_642 = tpu.memref_slice %arg9[%add3A_629, %dma_wait3A_641] : memref<200192x16xf32, #tpu.memory_space<hbm>> -> memref<184x16xf32, #tpu.memory_space<hbm>>
        tpu.wait_dma2 semaphore(%run_scoped3A : memref<!tpu.dma_semaphore, #tpu.memory_space<semaphore_mem>>) src(%dma_wait3A_642 : memref<184x16xf32, #tpu.memory_space<hbm>>) dst(%arg13 : memref<184x16xf32, #tpu.memory_space<vmem>>)
        tpu.yield
      }) : () -> ()
      "tpu.region"() ({
        %run_scoped3A = tpu.sem_alloc : memref<!tpu.dma_semaphore, #tpu.memory_space<semaphore_mem>>
        %dma_start3A_635 = arith.constant 0 : i32
        %dma_start3A_636 = tpu.memref_slice %arg16[%add3A_625, %dma_start3A_635] : memref<100096x16xf32, #tpu.memory_space<vmem_shared>> -> memref<184x16xf32, #tpu.memory_space<vmem_shared>>
        %dma_start3A_637 = arith.constant 0 : i32
        %dma_start3A_638 = tpu.memref_slice %arg16[%add3A_625, %dma_start3A_637] : memref<100096x16xf32, #tpu.memory_space<vmem_shared>> -> memref<184x16xf32, #tpu.memory_space<vmem_shared>>
        tpu.enqueue_dma source(%dma_start3A_638 : memref<184x16xf32, #tpu.memory_space<vmem_shared>>) target(%arg14 : memref<184x16xf32, #tpu.memory_space<vmem>>) target_semaphore(%run_scoped3A : memref<!tpu.dma_semaphore, #tpu.memory_space<semaphore_mem>>)
        %dma_wait3A_639 = arith.constant 0 : i32
        %dma_wait3A_640 = tpu.memref_slice %arg16[%add3A_625, %dma_wait3A_639] : memref<100096x16xf32, #tpu.memory_space<vmem_shared>> -> memref<184x16xf32, #tpu.memory_space<vmem_shared>>
        %dma_wait3A_641 = arith.constant 0 : i32
        %dma_wait3A_642 = tpu.memref_slice %arg16[%add3A_625, %dma_wait3A_641] : memref<100096x16xf32, #tpu.memory_space<vmem_shared>> -> memref<184x16xf32, #tpu.memory_space<vmem_shared>>
        tpu.wait_dma2 semaphore(%run_scoped3A : memref<!tpu.dma_semaphore, #tpu.memory_space<semaphore_mem>>) src(%dma_wait3A_642 : memref<184x16xf32, #tpu.memory_space<vmem_shared>>) dst(%arg14 : memref<184x16xf32, #tpu.memory_space<vmem>>)
        tpu.yield
      }) : () -> ()
      "tpu.region"() ({
        %run_scoped3A = tpu.sem_alloc : memref<!tpu.dma_semaphore, #tpu.memory_space<semaphore_mem>>
        %dma_start3A_635 = arith.constant 0 : i32
        %dma_start3A_636 = tpu.memref_slice %arg6[%add3A_625, %dma_start3A_635] : memref<100096x16xf32, #tpu.memory_space<hbm>> -> memref<184x16xf32, #tpu.memory_space<hbm>>
        %dma_start3A_637 = arith.constant 0 : i32
        %dma_start3A_638 = tpu.memref_slice %arg6[%add3A_625, %dma_start3A_637] : memref<100096x16xf32, #tpu.memory_space<hbm>> -> memref<184x16xf32, #tpu.memory_space<hbm>>
        tpu.enqueue_dma source(%dma_start3A_638 : memref<184x16xf32, #tpu.memory_space<hbm>>) target(%arg15 : memref<184x16xf32, #tpu.memory_space<vmem>>) target_semaphore(%run_scoped3A : memref<!tpu.dma_semaphore, #tpu.memory_space<semaphore_mem>>)
        %dma_wait3A_639 = arith.constant 0 : i32
        %dma_wait3A_640 = tpu.memref_slice %arg6[%add3A_625, %dma_wait3A_639] : memref<100096x16xf32, #tpu.memory_space<hbm>> -> memref<184x16xf32, #tpu.memory_space<hbm>>
        %dma_wait3A_641 = arith.constant 0 : i32
        %dma_wait3A_642 = tpu.memref_slice %arg6[%add3A_625, %dma_wait3A_641] : memref<100096x16xf32, #tpu.memory_space<hbm>> -> memref<184x16xf32, #tpu.memory_space<hbm>>
        tpu.wait_dma2 semaphore(%run_scoped3A : memref<!tpu.dma_semaphore, #tpu.memory_space<semaphore_mem>>) src(%dma_wait3A_642 : memref<184x16xf32, #tpu.memory_space<hbm>>) dst(%arg15 : memref<184x16xf32, #tpu.memory_space<vmem>>)
        tpu.yield
      }) : () -> ()
      %scan3A_630 = arith.constant 0 : i32
      %scan3A_631 = arith.constant 184 : i32
      %scan3A_632 = arith.addi %scan3A_630, %scan3A_631 : i32
      %scan3A_633 = arith.constant 1 : i32
      scf.for %scan3A_635 = %scan3A_630 to %scan3A_632 step %scan3A_633  : i32 {
        %mul3A_636 = arith.constant 1 : i32
        %mul3A_637 = arith.muli %scan3A_635, %mul3A_636 : i32
        %add3A_638 = arith.constant 0 : i32
        %add3A_639 = arith.addi %add3A_638, %mul3A_637 : i32
        %get3A = arith.index_cast %add3A_639 : i32 to index
        %get3A_640 = arith.constant 0 : index
        %get3A_641 = tpu.vector_load %arg14[%get3A, %get3A_640] {strides = array<i32>} : memref<184x16xf32, #tpu.memory_space<vmem>>, vector<16xf32>,
        %get3A_642 = arith.index_cast %add3A_639 : i32 to index
        %get3A_643 = arith.constant 0 : index
        %get3A_644 = tpu.vector_load %arg13[%get3A_642, %get3A_643] {strides = array<i32>} : memref<184x16xf32, #tpu.memory_space<vmem>>, vector<16xf32>,
        %add3A_645 = arith.addf %get3A_641, %get3A_644 : vector<16xf32>
        %eq3A_646 = arith.constant 15 : i32
        %eq3A_647 = vector.broadcast %eq3A_646 : i32 to vector<16xi32>
        %eq3A_648 = arith.cmpi eq, %iota3A, %eq3A_647 : vector<16xi32>
        %jit3A = arith.constant -1.000000e+00 : f32
        %broadcast_in_dim3A = vector.broadcast %jit3A : f32 to vector<16xf32>
        %select_n3A = arith.select %eq3A_648, %add3A_645, %broadcast_in_dim3A : vector<16xi1>, vector<16xf32>
        %reduce_max3A = arith.constant true
        %reduce_max3A_649 = vector.broadcast %reduce_max3A : i1 to vector<16xi1>
        %reduce_max3A_650 = tpu.scan <max>, %select_n3A masked %reduce_max3A_649 : vector<16xf32>, vector<16xi1> -> vector<16xf32>
        %reduce_max3A_651 = vector.extract %reduce_max3A_650[15] : f32 from vector<16xf32>
        %max3A = arith.constant 1.000000e+00 : f32
        %max3A_652 = arith.maximumf %reduce_max3A_651, %max3A : f32
        %get3A_653 = arith.index_cast %add3A_639 : i32 to index
        %get3A_654 = arith.constant 0 : index
        %get3A_655 = tpu.vector_load %arg15[%get3A_653, %get3A_654] {strides = array<i32>} : memref<184x16xf32, #tpu.memory_space<vmem>>, vector<16xf32>,
        %div3A = vector.broadcast %max3A_652 : f32 to vector<16xf32>
        %div3A_656 = arith.divf %add3A_645, %div3A : vector<16xf32>
        %add3A_657 = arith.addf %get3A_655, %div3A_656 : vector<16xf32>
        %mul3A_658 = arith.constant 5.000000e-01 : f32
        %mul3A_659 = vector.broadcast %mul3A_658 : f32 to vector<16xf32>
        %mul3A_660 = arith.mulf %mul3A_659, %add3A_657 : vector<16xf32>
        %eq3A_661 = arith.constant 15 : i32
        %eq3A_662 = vector.broadcast %eq3A_661 : i32 to vector<16xi32>
        %eq3A_663 = arith.cmpi eq, %iota3A, %eq3A_662 : vector<16xi32>
        %jit3A_664 = arith.constant 1.000000e+00 : f32
        %broadcast_in_dim3A_665 = vector.broadcast %jit3A_664 : f32 to vector<16xf32>
        %select_n3A_666 = arith.select %eq3A_663, %broadcast_in_dim3A_665, %mul3A_660 : vector<16xi1>, vector<16xf32>
        %swap3A = arith.index_cast %add3A_639 : i32 to index
        %swap3A_667 = arith.constant 0 : index
        %swap3A_668 = tpu.vector_load %arg15[%swap3A, %swap3A_667] {strides = array<i32>} : memref<184x16xf32, #tpu.memory_space<vmem>>, vector<16xf32>,
        tpu.vector_store %arg15[%swap3A, %swap3A_667], %select_n3A_666 {strides = array<i32>} : memref<184x16xf32, #tpu.memory_space<vmem>>, vector<16xf32>,
      }
      %scan3A_634 = arith.constant 184 : i32
      "tpu.region"() ({
        %run_scoped3A = tpu.sem_alloc : memref<!tpu.dma_semaphore, #tpu.memory_space<semaphore_mem>>
        %dma_start3A_635 = arith.constant 0 : i32
        %dma_start3A_636 = tpu.memref_slice %arg7[%add3A_625, %dma_start3A_635] : memref<100096x16xf32, #tpu.memory_space<hbm>> -> memref<184x16xf32, #tpu.memory_space<hbm>>
        %dma_start3A_637 = arith.constant 0 : i32
        %dma_start3A_638 = tpu.memref_slice %arg7[%add3A_625, %dma_start3A_637] : memref<100096x16xf32, #tpu.memory_space<hbm>> -> memref<184x16xf32, #tpu.memory_space<hbm>>
        tpu.enqueue_dma source(%arg15 : memref<184x16xf32, #tpu.memory_space<vmem>>) target(%dma_start3A_638 : memref<184x16xf32, #tpu.memory_space<hbm>>) target_semaphore(%run_scoped3A : memref<!tpu.dma_semaphore, #tpu.memory_space<semaphore_mem>>)
        %dma_wait3A_639 = arith.constant 0 : i32
        %dma_wait3A_640 = tpu.memref_slice %arg7[%add3A_625, %dma_wait3A_639] : memref<100096x16xf32, #tpu.memory_space<hbm>> -> memref<184x16xf32, #tpu.memory_space<hbm>>
        %dma_wait3A_641 = arith.constant 0 : i32
        %dma_wait3A_642 = tpu.memref_slice %arg7[%add3A_625, %dma_wait3A_641] : memref<100096x16xf32, #tpu.memory_space<hbm>> -> memref<184x16xf32, #tpu.memory_space<hbm>>
        tpu.wait_dma2 semaphore(%run_scoped3A : memref<!tpu.dma_semaphore, #tpu.memory_space<semaphore_mem>>) src(%arg15 : memref<184x16xf32, #tpu.memory_space<vmem>>) dst(%dma_wait3A_642 : memref<184x16xf32, #tpu.memory_space<hbm>>)
        tpu.yield
      }) : () -> ()
    }
    %scan3A_401 = arith.constant 17 : i32
    %barrier3A_402 = arith.constant 0 : index
    tpu.barrier barrier_id(%barrier3A_402)
    %eq3A_403 = arith.constant 0 : i32
    %eq3A_404 = arith.cmpi eq, %arg1, %eq3A_403 : i32
    %convert_element_type3A_405 = arith.extui %eq3A_404 : i1 to i32
    %cond3A_406 = arith.constant 0 : i32
    %cond3A_407 = arith.cmpi ne, %convert_element_type3A_405, %cond3A_406 : i32
    scf.if %cond3A_407 {
      %sub3A = arith.constant 1 : i32
      %sub3A_616 = arith.subi %sub3A, %arg0 : i32
      %semaphore_signal3A = arith.constant 1 : i32
      tpu.sem_signal %arg20, %semaphore_signal3A core_id %sub3A_616 : memref<!tpu.semaphore, #tpu.memory_space<semaphore_mem>>
      %semaphore_wait3A = arith.constant 1 : i32
      %semaphore_wait3A_617 = arith.constant true
      tpu.sem_wait %arg20, %semaphore_wait3A : memref<!tpu.semaphore, #tpu.memory_space<semaphore_mem>>
    } else {
    }
    %barrier3A_408 = arith.constant 0 : index
    tpu.barrier barrier_id(%barrier3A_408)
    %mul3A_409 = arith.constant 6256 : i32
    %mul3A_410 = arith.muli %arg1, %mul3A_409 : i32
    "tpu.region"() ({
      %run_scoped3A = tpu.sem_alloc : memref<!tpu.dma_semaphore, #tpu.memory_space<semaphore_mem>>
      %dma_start3A_616 = arith.constant 0 : i32
      %dma_start3A_617 = tpu.memref_slice %arg16[%mul3A_410, %dma_start3A_616] : memref<100096x16xf32, #tpu.memory_space<vmem_shared>> -> memref<6256x16xf32, #tpu.memory_space<vmem_shared>>
      tpu.enqueue_dma source(%arg5 : memref<6256x16xf32, #tpu.memory_space<hbm>>) target(%dma_start3A_617 : memref<6256x16xf32, #tpu.memory_space<vmem_shared>>) target_semaphore(%run_scoped3A : memref<!tpu.dma_semaphore, #tpu.memory_space<semaphore_mem>>)
      %dma_wait3A_618 = arith.constant 0 : i32
      %dma_wait3A_619 = tpu.memref_slice %arg16[%mul3A_410, %dma_wait3A_618] : memref<100096x16xf32, #tpu.memory_space<vmem_shared>> -> memref<6256x16xf32, #tpu.memory_space<vmem_shared>>
      tpu.wait_dma2 semaphore(%run_scoped3A : memref<!tpu.dma_semaphore, #tpu.memory_space<semaphore_mem>>) src(%arg5 : memref<6256x16xf32, #tpu.memory_space<hbm>>) dst(%dma_wait3A_619 : memref<6256x16xf32, #tpu.memory_space<vmem_shared>>)
      tpu.yield
    }) : () -> ()
    %barrier3A_411 = arith.constant 0 : index
    tpu.barrier barrier_id(%barrier3A_411)
    %add3A_412 = arith.constant 0 : i32
    %add3A_413 = arith.addi %mul3A_2, %add3A_412 : i32
    %min3A_414 = arith.constant 6399680 : i32
    %min3A_415 = arith.minsi %add3A_413, %min3A_414 : i32
    %dma_start3A_416 = arith.constant 0 : i32
    %dma_start3A_417 = arith.constant 0 : i32
    %dma_start3A_418 = tpu.memref_slice %arg10[%dma_start3A_416, %dma_start3A_417] : memref<3x320xi32, #tpu.memory_space<vmem>> -> memref<1x320xi32, #tpu.memory_space<vmem>>
    %dma_start3A_419 = tpu.memref_squeeze %dma_start3A_418 : memref<1x320xi32, #tpu.memory_space<vmem>> -> memref<320xi32, #tpu.memory_space<vmem>>
    %dma_start3A_420 = tpu.memref_slice %arg3[%min3A_415] : memref<6400000xi32, #tpu.memory_space<hbm>> -> memref<320xi32, #tpu.memory_space<hbm>>
    %dma_start3A_421 = arith.constant 0 : i32
    %dma_start3A_422 = tpu.memref_slice %arg10[%dma_start3A_416, %dma_start3A_421] : memref<3x320xi32, #tpu.memory_space<vmem>> -> memref<1x320xi32, #tpu.memory_space<vmem>>
    %dma_start3A_423 = tpu.memref_squeeze %dma_start3A_422 : memref<1x320xi32, #tpu.memory_space<vmem>> -> memref<320xi32, #tpu.memory_space<vmem>>
    %dma_start3A_424 = tpu.memref_slice %arg3[%min3A_415] : memref<6400000xi32, #tpu.memory_space<hbm>> -> memref<320xi32, #tpu.memory_space<hbm>>
    tpu.enqueue_dma source(%dma_start3A_424 : memref<320xi32, #tpu.memory_space<hbm>>) target(%dma_start3A_423 : memref<320xi32, #tpu.memory_space<vmem>>) target_semaphore(%arg17 : memref<!tpu.dma_semaphore, #tpu.memory_space<semaphore_mem>>)
    %dma_start3A_425 = arith.constant 0 : i32
    %dma_start3A_426 = arith.constant 0 : i32
    %dma_start3A_427 = tpu.memref_slice %arg11[%dma_start3A_425, %dma_start3A_426] : memref<3x320xi32, #tpu.memory_space<vmem>> -> memref<1x320xi32, #tpu.memory_space<vmem>>
    %dma_start3A_428 = tpu.memref_squeeze %dma_start3A_427 : memref<1x320xi32, #tpu.memory_space<vmem>> -> memref<320xi32, #tpu.memory_space<vmem>>
    %dma_start3A_429 = tpu.memref_slice %arg4[%min3A_415] : memref<6400000xi32, #tpu.memory_space<hbm>> -> memref<320xi32, #tpu.memory_space<hbm>>
    %dma_start3A_430 = arith.constant 0 : i32
    %dma_start3A_431 = tpu.memref_slice %arg11[%dma_start3A_425, %dma_start3A_430] : memref<3x320xi32, #tpu.memory_space<vmem>> -> memref<1x320xi32, #tpu.memory_space<vmem>>
    %dma_start3A_432 = tpu.memref_squeeze %dma_start3A_431 : memref<1x320xi32, #tpu.memory_space<vmem>> -> memref<320xi32, #tpu.memory_space<vmem>>
    %dma_start3A_433 = tpu.memref_slice %arg4[%min3A_415] : memref<6400000xi32, #tpu.memory_space<hbm>> -> memref<320xi32, #tpu.memory_space<hbm>>
    tpu.enqueue_dma source(%dma_start3A_433 : memref<320xi32, #tpu.memory_space<hbm>>) target(%dma_start3A_432 : memref<320xi32, #tpu.memory_space<vmem>>) target_semaphore(%arg17 : memref<!tpu.dma_semaphore, #tpu.memory_space<semaphore_mem>>)
    %add3A_434 = arith.constant 320 : i32
    %add3A_435 = arith.addi %mul3A_2, %add3A_434 : i32
    %min3A_436 = arith.constant 6399680 : i32
    %min3A_437 = arith.minsi %add3A_435, %min3A_436 : i32
    %dma_start3A_438 = arith.constant 1 : i32
    %dma_start3A_439 = arith.constant 0 : i32
    %dma_start3A_440 = tpu.memref_slice %arg10[%dma_start3A_438, %dma_start3A_439] : memref<3x320xi32, #tpu.memory_space<vmem>> -> memref<1x320xi32, #tpu.memory_space<vmem>>
    %dma_start3A_441 = tpu.memref_squeeze %dma_start3A_440 : memref<1x320xi32, #tpu.memory_space<vmem>> -> memref<320xi32, #tpu.memory_space<vmem>>
    %dma_start3A_442 = tpu.memref_slice %arg3[%min3A_437] : memref<6400000xi32, #tpu.memory_space<hbm>> -> memref<320xi32, #tpu.memory_space<hbm>>
    %dma_start3A_443 = arith.constant 0 : i32
    %dma_start3A_444 = tpu.memref_slice %arg10[%dma_start3A_438, %dma_start3A_443] : memref<3x320xi32, #tpu.memory_space<vmem>> -> memref<1x320xi32, #tpu.memory_space<vmem>>
    %dma_start3A_445 = tpu.memref_squeeze %dma_start3A_444 : memref<1x320xi32, #tpu.memory_space<vmem>> -> memref<320xi32, #tpu.memory_space<vmem>>
    %dma_start3A_446 = tpu.memref_slice %arg3[%min3A_437] : memref<6400000xi32, #tpu.memory_space<hbm>> -> memref<320xi32, #tpu.memory_space<hbm>>
    tpu.enqueue_dma source(%dma_start3A_446 : memref<320xi32, #tpu.memory_space<hbm>>) target(%dma_start3A_445 : memref<320xi32, #tpu.memory_space<vmem>>) target_semaphore(%arg17 : memref<!tpu.dma_semaphore, #tpu.memory_space<semaphore_mem>>)
    %dma_start3A_447 = arith.constant 1 : i32
    %dma_start3A_448 = arith.constant 0 : i32
    %dma_start3A_449 = tpu.memref_slice %arg11[%dma_start3A_447, %dma_start3A_448] : memref<3x320xi32, #tpu.memory_space<vmem>> -> memref<1x320xi32, #tpu.memory_space<vmem>>
    %dma_start3A_450 = tpu.memref_squeeze %dma_start3A_449 : memref<1x320xi32, #tpu.memory_space<vmem>> -> memref<320xi32, #tpu.memory_space<vmem>>
    %dma_start3A_451 = tpu.memref_slice %arg4[%min3A_437] : memref<6400000xi32, #tpu.memory_space<hbm>> -> memref<320xi32, #tpu.memory_space<hbm>>
    %dma_start3A_452 = arith.constant 0 : i32
    %dma_start3A_453 = tpu.memref_slice %arg11[%dma_start3A_447, %dma_start3A_452] : memref<3x320xi32, #tpu.memory_space<vmem>> -> memref<1x320xi32, #tpu.memory_space<vmem>>
    %dma_start3A_454 = tpu.memref_squeeze %dma_start3A_453 : memref<1x320xi32, #tpu.memory_space<vmem>> -> memref<320xi32, #tpu.memory_space<vmem>>
    %dma_start3A_455 = tpu.memref_slice %arg4[%min3A_437] : memref<6400000xi32, #tpu.memory_space<hbm>> -> memref<320xi32, #tpu.memory_space<hbm>>
    tpu.enqueue_dma source(%dma_start3A_455 : memref<320xi32, #tpu.memory_space<hbm>>) target(%dma_start3A_454 : memref<320xi32, #tpu.memory_space<vmem>>) target_semaphore(%arg17 : memref<!tpu.dma_semaphore, #tpu.memory_space<semaphore_mem>>)
    %dma_wait3A_456 = arith.constant 0 : i32
    %dma_wait3A_457 = arith.constant 0 : i32
    %dma_wait3A_458 = tpu.memref_slice %arg10[%dma_wait3A_456, %dma_wait3A_457] : memref<3x320xi32, #tpu.memory_space<vmem>> -> memref<1x320xi32, #tpu.memory_space<vmem>>
    %dma_wait3A_459 = tpu.memref_squeeze %dma_wait3A_458 : memref<1x320xi32, #tpu.memory_space<vmem>> -> memref<320xi32, #tpu.memory_space<vmem>>
    %dma_wait3A_460 = arith.constant 0 : i32
    %dma_wait3A_461 = tpu.memref_slice %arg3[%dma_wait3A_460] : memref<6400000xi32, #tpu.memory_space<hbm>> -> memref<320xi32, #tpu.memory_space<hbm>>
    %dma_wait3A_462 = arith.constant 0 : i32
    %dma_wait3A_463 = tpu.memref_slice %arg10[%dma_wait3A_456, %dma_wait3A_462] : memref<3x320xi32, #tpu.memory_space<vmem>> -> memref<1x320xi32, #tpu.memory_space<vmem>>
    %dma_wait3A_464 = tpu.memref_squeeze %dma_wait3A_463 : memref<1x320xi32, #tpu.memory_space<vmem>> -> memref<320xi32, #tpu.memory_space<vmem>>
    %dma_wait3A_465 = arith.constant 0 : i32
    %dma_wait3A_466 = tpu.memref_slice %arg3[%dma_wait3A_465] : memref<6400000xi32, #tpu.memory_space<hbm>> -> memref<320xi32, #tpu.memory_space<hbm>>
    tpu.wait_dma2 semaphore(%arg17 : memref<!tpu.dma_semaphore, #tpu.memory_space<semaphore_mem>>) src(%dma_wait3A_466 : memref<320xi32, #tpu.memory_space<hbm>>) dst(%dma_wait3A_464 : memref<320xi32, #tpu.memory_space<vmem>>)
    %dma_wait3A_467 = arith.constant 0 : i32
    %dma_wait3A_468 = arith.constant 0 : i32
    %dma_wait3A_469 = tpu.memref_slice %arg11[%dma_wait3A_467, %dma_wait3A_468] : memref<3x320xi32, #tpu.memory_space<vmem>> -> memref<1x320xi32, #tpu.memory_space<vmem>>
    %dma_wait3A_470 = tpu.memref_squeeze %dma_wait3A_469 : memref<1x320xi32, #tpu.memory_space<vmem>> -> memref<320xi32, #tpu.memory_space<vmem>>
    %dma_wait3A_471 = arith.constant 0 : i32
    %dma_wait3A_472 = tpu.memref_slice %arg3[%dma_wait3A_471] : memref<6400000xi32, #tpu.memory_space<hbm>> -> memref<320xi32, #tpu.memory_space<hbm>>
    %dma_wait3A_473 = arith.constant 0 : i32
    %dma_wait3A_474 = tpu.memref_slice %arg11[%dma_wait3A_467, %dma_wait3A_473] : memref<3x320xi32, #tpu.memory_space<vmem>> -> memref<1x320xi32, #tpu.memory_space<vmem>>
    %dma_wait3A_475 = tpu.memref_squeeze %dma_wait3A_474 : memref<1x320xi32, #tpu.memory_space<vmem>> -> memref<320xi32, #tpu.memory_space<vmem>>
    %dma_wait3A_476 = arith.constant 0 : i32
    %dma_wait3A_477 = tpu.memref_slice %arg3[%dma_wait3A_476] : memref<6400000xi32, #tpu.memory_space<hbm>> -> memref<320xi32, #tpu.memory_space<hbm>>
    tpu.wait_dma2 semaphore(%arg17 : memref<!tpu.dma_semaphore, #tpu.memory_space<semaphore_mem>>) src(%dma_wait3A_477 : memref<320xi32, #tpu.memory_space<hbm>>) dst(%dma_wait3A_475 : memref<320xi32, #tpu.memory_space<vmem>>)
    %dma_start3A_478 = arith.constant 0 : i32
    %dma_start3A_479 = arith.constant 0 : i32
    %dma_start3A_480 = arith.constant 0 : i32
    %dma_start3A_481 = arith.constant 0 : i32
    %dma_start3A_482 = tpu.memref_slice %arg12[%dma_start3A_479, %dma_start3A_480, %dma_start3A_481] : memref<3x320x16xf32, #tpu.memory_space<vmem>> -> memref<1x320x16xf32, #tpu.memory_space<vmem>>
    %dma_start3A_483 = tpu.memref_squeeze %dma_start3A_482 : memref<1x320x16xf32, #tpu.memory_space<vmem>> -> memref<320x16xf32, #tpu.memory_space<vmem>>
    %dma_start3A_484 = arith.constant 0 : i32
    %dma_start3A_485 = tpu.memref_slice %arg10[%dma_start3A_478, %dma_start3A_484] : memref<3x320xi32, #tpu.memory_space<vmem>> -> memref<1x320xi32, #tpu.memory_space<vmem>>
    %dma_start3A_486 = tpu.memref_squeeze %dma_start3A_485 : memref<1x320xi32, #tpu.memory_space<vmem>> -> memref<320xi32, #tpu.memory_space<vmem>>
    %dma_start3A_487 = arith.constant 0 : i32
    %dma_start3A_488 = arith.constant 0 : i32
    %dma_start3A_489 = tpu.memref_slice %arg7[%dma_start3A_487, %dma_start3A_488] : memref<100096x16xf32, #tpu.memory_space<hbm>> -> memref<100096x16xf32, #tpu.memory_space<hbm>>
    tpu.enqueue_indirect_dma source(%dma_start3A_489 : memref<100096x16xf32, #tpu.memory_space<hbm>>) target(%dma_start3A_483 : memref<320x16xf32, #tpu.memory_space<vmem>>) offsets(%dma_start3A_486 : memref<320xi32, #tpu.memory_space<vmem>>) semaphore(%arg18 : memref<!tpu.dma_semaphore, #tpu.memory_space<semaphore_mem>>)
    %scan3A_490 = arith.constant 0 : i32
    %scan3A_491 = arith.constant 208 : i32
    %scan3A_492 = arith.addi %scan3A_490, %scan3A_491 : i32
    %scan3A_493 = arith.constant 1 : i32
    scf.for %scan3A_616 = %scan3A_490 to %scan3A_492 step %scan3A_493  : i32 {
      %mul3A_617 = arith.constant 1 : i32
      %mul3A_618 = arith.muli %scan3A_616, %mul3A_617 : i32
      %add3A_619 = arith.constant 0 : i32
      %add3A_620 = arith.addi %add3A_619, %mul3A_618 : i32
      %mul3A_621 = arith.constant 3 : i32
      %mul3A_622 = arith.muli %add3A_620, %mul3A_621 : i32
      %add3A_623 = arith.constant 0 : i32
      %add3A_624 = arith.addi %mul3A_622, %add3A_623 : i32
      %gt3A = arith.constant 0 : i32
      %gt3A_625 = arith.cmpi sgt, %add3A_620, %gt3A : i32
      %convert_element_type3A_626 = arith.extui %gt3A_625 : i1 to i32
      %cond3A_627 = arith.constant 0 : i32
      %cond3A_628 = arith.cmpi ne, %convert_element_type3A_626, %cond3A_627 : i32
      scf.if %cond3A_628 {
        %dma_wait3A_915 = arith.constant 0 : i32
        %dma_wait3A_916 = arith.constant 0 : i32
        %dma_wait3A_917 = arith.constant 0 : i32
        %dma_wait3A_918 = tpu.memref_slice %arg12[%dma_wait3A_915, %dma_wait3A_916, %dma_wait3A_917] : memref<3x320x16xf32, #tpu.memory_space<vmem>> -> memref<1x320x16xf32, #tpu.memory_space<vmem>>
        %dma_wait3A_919 = tpu.memref_squeeze %dma_wait3A_918 : memref<1x320x16xf32, #tpu.memory_space<vmem>> -> memref<320x16xf32, #tpu.memory_space<vmem>>
        %dma_wait3A_920 = arith.constant 0 : i32
        %dma_wait3A_921 = arith.constant 0 : i32
        %dma_wait3A_922 = tpu.memref_slice %arg2[%dma_wait3A_920, %dma_wait3A_921] : memref<100096x16xf32, #tpu.memory_space<hbm>> -> memref<320x16xf32, #tpu.memory_space<hbm>>
        %dma_wait3A_923 = arith.constant 0 : i32
        %dma_wait3A_924 = arith.constant 0 : i32
        %dma_wait3A_925 = tpu.memref_slice %arg12[%dma_wait3A_915, %dma_wait3A_923, %dma_wait3A_924] : memref<3x320x16xf32, #tpu.memory_space<vmem>> -> memref<1x320x16xf32, #tpu.memory_space<vmem>>
        %dma_wait3A_926 = tpu.memref_squeeze %dma_wait3A_925 : memref<1x320x16xf32, #tpu.memory_space<vmem>> -> memref<320x16xf32, #tpu.memory_space<vmem>>
        %dma_wait3A_927 = arith.constant 0 : i32
        %dma_wait3A_928 = arith.constant 0 : i32
        %dma_wait3A_929 = tpu.memref_slice %arg2[%dma_wait3A_927, %dma_wait3A_928] : memref<100096x16xf32, #tpu.memory_space<hbm>> -> memref<320x16xf32, #tpu.memory_space<hbm>>
        tpu.wait_dma2 semaphore(%arg19 : memref<!tpu.dma_semaphore, #tpu.memory_space<semaphore_mem>>) src(%dma_wait3A_929 : memref<320x16xf32, #tpu.memory_space<hbm>>) dst(%dma_wait3A_926 : memref<320x16xf32, #tpu.memory_space<vmem>>)
      } else {
      }
      %add3A_629 = arith.constant 2 : i32
      %add3A_630 = arith.addi %add3A_624, %add3A_629 : i32
      %mul3A_631 = arith.constant 320 : i32
      %mul3A_632 = arith.muli %add3A_630, %mul3A_631 : i32
      %add3A_633 = arith.addi %mul3A_2, %mul3A_632 : i32
      %min3A_634 = arith.constant 6399680 : i32
      %min3A_635 = arith.minsi %add3A_633, %min3A_634 : i32
      %dma_start3A_636 = arith.constant 2 : i32
      %dma_start3A_637 = arith.constant 0 : i32
      %dma_start3A_638 = tpu.memref_slice %arg10[%dma_start3A_636, %dma_start3A_637] : memref<3x320xi32, #tpu.memory_space<vmem>> -> memref<1x320xi32, #tpu.memory_space<vmem>>
      %dma_start3A_639 = tpu.memref_squeeze %dma_start3A_638 : memref<1x320xi32, #tpu.memory_space<vmem>> -> memref<320xi32, #tpu.memory_space<vmem>>
      %dma_start3A_640 = tpu.memref_slice %arg3[%min3A_635] : memref<6400000xi32, #tpu.memory_space<hbm>> -> memref<320xi32, #tpu.memory_space<hbm>>
      %dma_start3A_641 = arith.constant 0 : i32
      %dma_start3A_642 = tpu.memref_slice %arg10[%dma_start3A_636, %dma_start3A_641] : memref<3x320xi32, #tpu.memory_space<vmem>> -> memref<1x320xi32, #tpu.memory_space<vmem>>
      %dma_start3A_643 = tpu.memref_squeeze %dma_start3A_642 : memref<1x320xi32, #tpu.memory_space<vmem>> -> memref<320xi32, #tpu.memory_space<vmem>>
      %dma_start3A_644 = tpu.memref_slice %arg3[%min3A_635] : memref<6400000xi32, #tpu.memory_space<hbm>> -> memref<320xi32, #tpu.memory_space<hbm>>
      tpu.enqueue_dma source(%dma_start3A_644 : memref<320xi32, #tpu.memory_space<hbm>>) target(%dma_start3A_643 : memref<320xi32, #tpu.memory_space<vmem>>) target_semaphore(%arg17 : memref<!tpu.dma_semaphore, #tpu.memory_space<semaphore_mem>>)
      %dma_start3A_645 = arith.constant 2 : i32
      %dma_start3A_646 = arith.constant 0 : i32
      %dma_start3A_647 = tpu.memref_slice %arg11[%dma_start3A_645, %dma_start3A_646] : memref<3x320xi32, #tpu.memory_space<vmem>> -> memref<1x320xi32, #tpu.memory_space<vmem>>
      %dma_start3A_648 = tpu.memref_squeeze %dma_start3A_647 : memref<1x320xi32, #tpu.memory_space<vmem>> -> memref<320xi32, #tpu.memory_space<vmem>>
      %dma_start3A_649 = tpu.memref_slice %arg4[%min3A_635] : memref<6400000xi32, #tpu.memory_space<hbm>> -> memref<320xi32, #tpu.memory_space<hbm>>
      %dma_start3A_650 = arith.constant 0 : i32
      %dma_start3A_651 = tpu.memref_slice %arg11[%dma_start3A_645, %dma_start3A_650] : memref<3x320xi32, #tpu.memory_space<vmem>> -> memref<1x320xi32, #tpu.memory_space<vmem>>
      %dma_start3A_652 = tpu.memref_squeeze %dma_start3A_651 : memref<1x320xi32, #tpu.memory_space<vmem>> -> memref<320xi32, #tpu.memory_space<vmem>>
      %dma_start3A_653 = tpu.memref_slice %arg4[%min3A_635] : memref<6400000xi32, #tpu.memory_space<hbm>> -> memref<320xi32, #tpu.memory_space<hbm>>
      tpu.enqueue_dma source(%dma_start3A_653 : memref<320xi32, #tpu.memory_space<hbm>>) target(%dma_start3A_652 : memref<320xi32, #tpu.memory_space<vmem>>) target_semaphore(%arg17 : memref<!tpu.dma_semaphore, #tpu.memory_space<semaphore_mem>>)
      %dma_wait3A_654 = arith.constant 1 : i32
      %dma_wait3A_655 = arith.constant 0 : i32
      %dma_wait3A_656 = tpu.memref_slice %arg10[%dma_wait3A_654, %dma_wait3A_655] : memref<3x320xi32, #tpu.memory_space<vmem>> -> memref<1x320xi32, #tpu.memory_space<vmem>>
      %dma_wait3A_657 = tpu.memref_squeeze %dma_wait3A_656 : memref<1x320xi32, #tpu.memory_space<vmem>> -> memref<320xi32, #tpu.memory_space<vmem>>
      %dma_wait3A_658 = arith.constant 0 : i32
      %dma_wait3A_659 = tpu.memref_slice %arg3[%dma_wait3A_658] : memref<6400000xi32, #tpu.memory_space<hbm>> -> memref<320xi32, #tpu.memory_space<hbm>>
      %dma_wait3A_660 = arith.constant 0 : i32
      %dma_wait3A_661 = tpu.memref_slice %arg10[%dma_wait3A_654, %dma_wait3A_660] : memref<3x320xi32, #tpu.memory_space<vmem>> -> memref<1x320xi32, #tpu.memory_space<vmem>>
      %dma_wait3A_662 = tpu.memref_squeeze %dma_wait3A_661 : memref<1x320xi32, #tpu.memory_space<vmem>> -> memref<320xi32, #tpu.memory_space<vmem>>
      %dma_wait3A_663 = arith.constant 0 : i32
      %dma_wait3A_664 = tpu.memref_slice %arg3[%dma_wait3A_663] : memref<6400000xi32, #tpu.memory_space<hbm>> -> memref<320xi32, #tpu.memory_space<hbm>>
      tpu.wait_dma2 semaphore(%arg17 : memref<!tpu.dma_semaphore, #tpu.memory_space<semaphore_mem>>) src(%dma_wait3A_664 : memref<320xi32, #tpu.memory_space<hbm>>) dst(%dma_wait3A_662 : memref<320xi32, #tpu.memory_space<vmem>>)
      %dma_wait3A_665 = arith.constant 1 : i32
      %dma_wait3A_666 = arith.constant 0 : i32
      %dma_wait3A_667 = tpu.memref_slice %arg11[%dma_wait3A_665, %dma_wait3A_666] : memref<3x320xi32, #tpu.memory_space<vmem>> -> memref<1x320xi32, #tpu.memory_space<vmem>>
      %dma_wait3A_668 = tpu.memref_squeeze %dma_wait3A_667 : memref<1x320xi32, #tpu.memory_space<vmem>> -> memref<320xi32, #tpu.memory_space<vmem>>
      %dma_wait3A_669 = arith.constant 0 : i32
      %dma_wait3A_670 = tpu.memref_slice %arg3[%dma_wait3A_669] : memref<6400000xi32, #tpu.memory_space<hbm>> -> memref<320xi32, #tpu.memory_space<hbm>>
      %dma_wait3A_671 = arith.constant 0 : i32
      %dma_wait3A_672 = tpu.memref_slice %arg11[%dma_wait3A_665, %dma_wait3A_671] : memref<3x320xi32, #tpu.memory_space<vmem>> -> memref<1x320xi32, #tpu.memory_space<vmem>>
      %dma_wait3A_673 = tpu.memref_squeeze %dma_wait3A_672 : memref<1x320xi32, #tpu.memory_space<vmem>> -> memref<320xi32, #tpu.memory_space<vmem>>
      %dma_wait3A_674 = arith.constant 0 : i32
      %dma_wait3A_675 = tpu.memref_slice %arg3[%dma_wait3A_674] : memref<6400000xi32, #tpu.memory_space<hbm>> -> memref<320xi32, #tpu.memory_space<hbm>>
      tpu.wait_dma2 semaphore(%arg17 : memref<!tpu.dma_semaphore, #tpu.memory_space<semaphore_mem>>) src(%dma_wait3A_675 : memref<320xi32, #tpu.memory_space<hbm>>) dst(%dma_wait3A_673 : memref<320xi32, #tpu.memory_space<vmem>>)
      %dma_start3A_676 = arith.constant 1 : i32
      %dma_start3A_677 = arith.constant 1 : i32
      %dma_start3A_678 = arith.constant 0 : i32
      %dma_start3A_679 = arith.constant 0 : i32
      %dma_start3A_680 = tpu.memref_slice %arg12[%dma_start3A_677, %dma_start3A_678, %dma_start3A_679] : memref<3x320x16xf32, #tpu.memory_space<vmem>> -> memref<1x320x16xf32, #tpu.memory_space<vmem>>
      %dma_start3A_681 = tpu.memref_squeeze %dma_start3A_680 : memref<1x320x16xf32, #tpu.memory_space<vmem>> -> memref<320x16xf32, #tpu.memory_space<vmem>>
      %dma_start3A_682 = arith.constant 0 : i32
      %dma_start3A_683 = tpu.memref_slice %arg10[%dma_start3A_676, %dma_start3A_682] : memref<3x320xi32, #tpu.memory_space<vmem>> -> memref<1x320xi32, #tpu.memory_space<vmem>>
      %dma_start3A_684 = tpu.memref_squeeze %dma_start3A_683 : memref<1x320xi32, #tpu.memory_space<vmem>> -> memref<320xi32, #tpu.memory_space<vmem>>
      %dma_start3A_685 = arith.constant 0 : i32
      %dma_start3A_686 = arith.constant 0 : i32
      %dma_start3A_687 = tpu.memref_slice %arg7[%dma_start3A_685, %dma_start3A_686] : memref<100096x16xf32, #tpu.memory_space<hbm>> -> memref<100096x16xf32, #tpu.memory_space<hbm>>
      tpu.enqueue_indirect_dma source(%dma_start3A_687 : memref<100096x16xf32, #tpu.memory_space<hbm>>) target(%dma_start3A_681 : memref<320x16xf32, #tpu.memory_space<vmem>>) offsets(%dma_start3A_684 : memref<320xi32, #tpu.memory_space<vmem>>) semaphore(%arg18 : memref<!tpu.dma_semaphore, #tpu.memory_space<semaphore_mem>>)
      %dma_wait3A_688 = arith.constant 0 : i32
      %dma_wait3A_689 = arith.constant 0 : i32
      %dma_wait3A_690 = arith.constant 0 : i32
      %dma_wait3A_691 = tpu.memref_slice %arg12[%dma_wait3A_688, %dma_wait3A_689, %dma_wait3A_690] : memref<3x320x16xf32, #tpu.memory_space<vmem>> -> memref<1x320x16xf32, #tpu.memory_space<vmem>>
      %dma_wait3A_692 = tpu.memref_squeeze %dma_wait3A_691 : memref<1x320x16xf32, #tpu.memory_space<vmem>> -> memref<320x16xf32, #tpu.memory_space<vmem>>
      %dma_wait3A_693 = arith.constant 0 : i32
      %dma_wait3A_694 = arith.constant 0 : i32
      %dma_wait3A_695 = tpu.memref_slice %arg2[%dma_wait3A_693, %dma_wait3A_694] : memref<100096x16xf32, #tpu.memory_space<hbm>> -> memref<320x16xf32, #tpu.memory_space<hbm>>
      %dma_wait3A_696 = arith.constant 0 : i32
      %dma_wait3A_697 = arith.constant 0 : i32
      %dma_wait3A_698 = tpu.memref_slice %arg12[%dma_wait3A_688, %dma_wait3A_696, %dma_wait3A_697] : memref<3x320x16xf32, #tpu.memory_space<vmem>> -> memref<1x320x16xf32, #tpu.memory_space<vmem>>
      %dma_wait3A_699 = tpu.memref_squeeze %dma_wait3A_698 : memref<1x320x16xf32, #tpu.memory_space<vmem>> -> memref<320x16xf32, #tpu.memory_space<vmem>>
      %dma_wait3A_700 = arith.constant 0 : i32
      %dma_wait3A_701 = arith.constant 0 : i32
      %dma_wait3A_702 = tpu.memref_slice %arg2[%dma_wait3A_700, %dma_wait3A_701] : memref<100096x16xf32, #tpu.memory_space<hbm>> -> memref<320x16xf32, #tpu.memory_space<hbm>>
      tpu.wait_dma2 semaphore(%arg18 : memref<!tpu.dma_semaphore, #tpu.memory_space<semaphore_mem>>) src(%dma_wait3A_702 : memref<320x16xf32, #tpu.memory_space<hbm>>) dst(%dma_wait3A_699 : memref<320x16xf32, #tpu.memory_space<vmem>>)
      %dma_start3A_703 = arith.constant 0 : i32
      %dma_start3A_704 = arith.constant 0 : i32
      %dma_start3A_705 = arith.constant 0 : i32
      %dma_start3A_706 = arith.constant 0 : i32
      %dma_start3A_707 = tpu.memref_slice %arg12[%dma_start3A_703, %dma_start3A_705, %dma_start3A_706] : memref<3x320x16xf32, #tpu.memory_space<vmem>> -> memref<1x320x16xf32, #tpu.memory_space<vmem>>
      %dma_start3A_708 = tpu.memref_squeeze %dma_start3A_707 : memref<1x320x16xf32, #tpu.memory_space<vmem>> -> memref<320x16xf32, #tpu.memory_space<vmem>>
      %dma_start3A_709 = arith.constant 0 : i32
      %dma_start3A_710 = tpu.memref_slice %arg11[%dma_start3A_704, %dma_start3A_709] : memref<3x320xi32, #tpu.memory_space<vmem>> -> memref<1x320xi32, #tpu.memory_space<vmem>>
      %dma_start3A_711 = tpu.memref_squeeze %dma_start3A_710 : memref<1x320xi32, #tpu.memory_space<vmem>> -> memref<320xi32, #tpu.memory_space<vmem>>
      %dma_start3A_712 = arith.constant 0 : i32
      %dma_start3A_713 = arith.constant 0 : i32
      %dma_start3A_714 = tpu.memref_slice %arg16[%dma_start3A_712, %dma_start3A_713] : memref<100096x16xf32, #tpu.memory_space<vmem_shared>> -> memref<100096x16xf32, #tpu.memory_space<vmem_shared>>
      tpu.enqueue_indirect_dma source(%dma_start3A_708 : memref<320x16xf32, #tpu.memory_space<vmem>>) target(%dma_start3A_714 : memref<100096x16xf32, #tpu.memory_space<vmem_shared>>) offsets(%dma_start3A_711 : memref<320xi32, #tpu.memory_space<vmem>>) semaphore(%arg19 : memref<!tpu.dma_semaphore, #tpu.memory_space<semaphore_mem>>) {add = true}
      %mul3A_715 = arith.constant 3 : i32
      %mul3A_716 = arith.muli %add3A_620, %mul3A_715 : i32
      %add3A_717 = arith.constant 1 : i32
      %add3A_718 = arith.addi %mul3A_716, %add3A_717 : i32
      %gt3A_719 = arith.constant 0 : i32
      %gt3A_720 = arith.cmpi sgt, %add3A_620, %gt3A_719 : i32
      %convert_element_type3A_721 = arith.extui %gt3A_720 : i1 to i32
      %cond3A_722 = arith.constant 0 : i32
      %cond3A_723 = arith.cmpi ne, %convert_element_type3A_721, %cond3A_722 : i32
      scf.if %cond3A_723 {
        %dma_wait3A_915 = arith.constant 1 : i32
        %dma_wait3A_916 = arith.constant 0 : i32
        %dma_wait3A_917 = arith.constant 0 : i32
        %dma_wait3A_918 = tpu.memref_slice %arg12[%dma_wait3A_915, %dma_wait3A_916, %dma_wait3A_917] : memref<3x320x16xf32, #tpu.memory_space<vmem>> -> memref<1x320x16xf32, #tpu.memory_space<vmem>>
        %dma_wait3A_919 = tpu.memref_squeeze %dma_wait3A_918 : memref<1x320x16xf32, #tpu.memory_space<vmem>> -> memref<320x16xf32, #tpu.memory_space<vmem>>
        %dma_wait3A_920 = arith.constant 0 : i32
        %dma_wait3A_921 = arith.constant 0 : i32
        %dma_wait3A_922 = tpu.memref_slice %arg2[%dma_wait3A_920, %dma_wait3A_921] : memref<100096x16xf32, #tpu.memory_space<hbm>> -> memref<320x16xf32, #tpu.memory_space<hbm>>
        %dma_wait3A_923 = arith.constant 0 : i32
        %dma_wait3A_924 = arith.constant 0 : i32
        %dma_wait3A_925 = tpu.memref_slice %arg12[%dma_wait3A_915, %dma_wait3A_923, %dma_wait3A_924] : memref<3x320x16xf32, #tpu.memory_space<vmem>> -> memref<1x320x16xf32, #tpu.memory_space<vmem>>
        %dma_wait3A_926 = tpu.memref_squeeze %dma_wait3A_925 : memref<1x320x16xf32, #tpu.memory_space<vmem>> -> memref<320x16xf32, #tpu.memory_space<vmem>>
        %dma_wait3A_927 = arith.constant 0 : i32
        %dma_wait3A_928 = arith.constant 0 : i32
        %dma_wait3A_929 = tpu.memref_slice %arg2[%dma_wait3A_927, %dma_wait3A_928] : memref<100096x16xf32, #tpu.memory_space<hbm>> -> memref<320x16xf32, #tpu.memory_space<hbm>>
        tpu.wait_dma2 semaphore(%arg19 : memref<!tpu.dma_semaphore, #tpu.memory_space<semaphore_mem>>) src(%dma_wait3A_929 : memref<320x16xf32, #tpu.memory_space<hbm>>) dst(%dma_wait3A_926 : memref<320x16xf32, #tpu.memory_space<vmem>>)
      } else {
      }
      %add3A_724 = arith.constant 2 : i32
      %add3A_725 = arith.addi %add3A_718, %add3A_724 : i32
      %mul3A_726 = arith.constant 320 : i32
      %mul3A_727 = arith.muli %add3A_725, %mul3A_726 : i32
      %add3A_728 = arith.addi %mul3A_2, %mul3A_727 : i32
      %min3A_729 = arith.constant 6399680 : i32
      %min3A_730 = arith.minsi %add3A_728, %min3A_729 : i32
      %dma_start3A_731 = arith.constant 0 : i32
      %dma_start3A_732 = arith.constant 0 : i32
      %dma_start3A_733 = tpu.memref_slice %arg10[%dma_start3A_731, %dma_start3A_732] : memref<3x320xi32, #tpu.memory_space<vmem>> -> memref<1x320xi32, #tpu.memory_space<vmem>>
      %dma_start3A_734 = tpu.memref_squeeze %dma_start3A_733 : memref<1x320xi32, #tpu.memory_space<vmem>> -> memref<320xi32, #tpu.memory_space<vmem>>
      %dma_start3A_735 = tpu.memref_slice %arg3[%min3A_730] : memref<6400000xi32, #tpu.memory_space<hbm>> -> memref<320xi32, #tpu.memory_space<hbm>>
      %dma_start3A_736 = arith.constant 0 : i32
      %dma_start3A_737 = tpu.memref_slice %arg10[%dma_start3A_731, %dma_start3A_736] : memref<3x320xi32, #tpu.memory_space<vmem>> -> memref<1x320xi32, #tpu.memory_space<vmem>>
      %dma_start3A_738 = tpu.memref_squeeze %dma_start3A_737 : memref<1x320xi32, #tpu.memory_space<vmem>> -> memref<320xi32, #tpu.memory_space<vmem>>
      %dma_start3A_739 = tpu.memref_slice %arg3[%min3A_730] : memref<6400000xi32, #tpu.memory_space<hbm>> -> memref<320xi32, #tpu.memory_space<hbm>>
      tpu.enqueue_dma source(%dma_start3A_739 : memref<320xi32, #tpu.memory_space<hbm>>) target(%dma_start3A_738 : memref<320xi32, #tpu.memory_space<vmem>>) target_semaphore(%arg17 : memref<!tpu.dma_semaphore, #tpu.memory_space<semaphore_mem>>)
      %dma_start3A_740 = arith.constant 0 : i32
      %dma_start3A_741 = arith.constant 0 : i32
      %dma_start3A_742 = tpu.memref_slice %arg11[%dma_start3A_740, %dma_start3A_741] : memref<3x320xi32, #tpu.memory_space<vmem>> -> memref<1x320xi32, #tpu.memory_space<vmem>>
      %dma_start3A_743 = tpu.memref_squeeze %dma_start3A_742 : memref<1x320xi32, #tpu.memory_space<vmem>> -> memref<320xi32, #tpu.memory_space<vmem>>
      %dma_start3A_744 = tpu.memref_slice %arg4[%min3A_730] : memref<6400000xi32, #tpu.memory_space<hbm>> -> memref<320xi32, #tpu.memory_space<hbm>>
      %dma_start3A_745 = arith.constant 0 : i32
      %dma_start3A_746 = tpu.memref_slice %arg11[%dma_start3A_740, %dma_start3A_745] : memref<3x320xi32, #tpu.memory_space<vmem>> -> memref<1x320xi32, #tpu.memory_space<vmem>>
      %dma_start3A_747 = tpu.memref_squeeze %dma_start3A_746 : memref<1x320xi32, #tpu.memory_space<vmem>> -> memref<320xi32, #tpu.memory_space<vmem>>
      %dma_start3A_748 = tpu.memref_slice %arg4[%min3A_730] : memref<6400000xi32, #tpu.memory_space<hbm>> -> memref<320xi32, #tpu.memory_space<hbm>>
      tpu.enqueue_dma source(%dma_start3A_748 : memref<320xi32, #tpu.memory_space<hbm>>) target(%dma_start3A_747 : memref<320xi32, #tpu.memory_space<vmem>>) target_semaphore(%arg17 : memref<!tpu.dma_semaphore, #tpu.memory_space<semaphore_mem>>)
      %dma_wait3A_749 = arith.constant 2 : i32
      %dma_wait3A_750 = arith.constant 0 : i32
      %dma_wait3A_751 = tpu.memref_slice %arg10[%dma_wait3A_749, %dma_wait3A_750] : memref<3x320xi32, #tpu.memory_space<vmem>> -> memref<1x320xi32, #tpu.memory_space<vmem>>
      %dma_wait3A_752 = tpu.memref_squeeze %dma_wait3A_751 : memref<1x320xi32, #tpu.memory_space<vmem>> -> memref<320xi32, #tpu.memory_space<vmem>>
      %dma_wait3A_753 = arith.constant 0 : i32
      %dma_wait3A_754 = tpu.memref_slice %arg3[%dma_wait3A_753] : memref<6400000xi32, #tpu.memory_space<hbm>> -> memref<320xi32, #tpu.memory_space<hbm>>
      %dma_wait3A_755 = arith.constant 0 : i32
      %dma_wait3A_756 = tpu.memref_slice %arg10[%dma_wait3A_749, %dma_wait3A_755] : memref<3x320xi32, #tpu.memory_space<vmem>> -> memref<1x320xi32, #tpu.memory_space<vmem>>
      %dma_wait3A_757 = tpu.memref_squeeze %dma_wait3A_756 : memref<1x320xi32, #tpu.memory_space<vmem>> -> memref<320xi32, #tpu.memory_space<vmem>>
      %dma_wait3A_758 = arith.constant 0 : i32
      %dma_wait3A_759 = tpu.memref_slice %arg3[%dma_wait3A_758] : memref<6400000xi32, #tpu.memory_space<hbm>> -> memref<320xi32, #tpu.memory_space<hbm>>
      tpu.wait_dma2 semaphore(%arg17 : memref<!tpu.dma_semaphore, #tpu.memory_space<semaphore_mem>>) src(%dma_wait3A_759 : memref<320xi32, #tpu.memory_space<hbm>>) dst(%dma_wait3A_757 : memref<320xi32, #tpu.memory_space<vmem>>)
      %dma_wait3A_760 = arith.constant 2 : i32
      %dma_wait3A_761 = arith.constant 0 : i32
      %dma_wait3A_762 = tpu.memref_slice %arg11[%dma_wait3A_760, %dma_wait3A_761] : memref<3x320xi32, #tpu.memory_space<vmem>> -> memref<1x320xi32, #tpu.memory_space<vmem>>
      %dma_wait3A_763 = tpu.memref_squeeze %dma_wait3A_762 : memref<1x320xi32, #tpu.memory_space<vmem>> -> memref<320xi32, #tpu.memory_space<vmem>>
      %dma_wait3A_764 = arith.constant 0 : i32
      %dma_wait3A_765 = tpu.memref_slice %arg3[%dma_wait3A_764] : memref<6400000xi32, #tpu.memory_space<hbm>> -> memref<320xi32, #tpu.memory_space<hbm>>
      %dma_wait3A_766 = arith.constant 0 : i32
      %dma_wait3A_767 = tpu.memref_slice %arg11[%dma_wait3A_760, %dma_wait3A_766] : memref<3x320xi32, #tpu.memory_space<vmem>> -> memref<1x320xi32, #tpu.memory_space<vmem>>
      %dma_wait3A_768 = tpu.memref_squeeze %dma_wait3A_767 : memref<1x320xi32, #tpu.memory_space<vmem>> -> memref<320xi32, #tpu.memory_space<vmem>>
      %dma_wait3A_769 = arith.constant 0 : i32
      %dma_wait3A_770 = tpu.memref_slice %arg3[%dma_wait3A_769] : memref<6400000xi32, #tpu.memory_space<hbm>> -> memref<320xi32, #tpu.memory_space<hbm>>
      tpu.wait_dma2 semaphore(%arg17 : memref<!tpu.dma_semaphore, #tpu.memory_space<semaphore_mem>>) src(%dma_wait3A_770 : memref<320xi32, #tpu.memory_space<hbm>>) dst(%dma_wait3A_768 : memref<320xi32, #tpu.memory_space<vmem>>)
      %dma_start3A_771 = arith.constant 2 : i32
      %dma_start3A_772 = arith.constant 2 : i32
      %dma_start3A_773 = arith.constant 0 : i32
      %dma_start3A_774 = arith.constant 0 : i32
      %dma_start3A_775 = tpu.memref_slice %arg12[%dma_start3A_772, %dma_start3A_773, %dma_start3A_774] : memref<3x320x16xf32, #tpu.memory_space<vmem>> -> memref<1x320x16xf32, #tpu.memory_space<vmem>>
      %dma_start3A_776 = tpu.memref_squeeze %dma_start3A_775 : memref<1x320x16xf32, #tpu.memory_space<vmem>> -> memref<320x16xf32, #tpu.memory_space<vmem>>
      %dma_start3A_777 = arith.constant 0 : i32
      %dma_start3A_778 = tpu.memref_slice %arg10[%dma_start3A_771, %dma_start3A_777] : memref<3x320xi32, #tpu.memory_space<vmem>> -> memref<1x320xi32, #tpu.memory_space<vmem>>
      %dma_start3A_779 = tpu.memref_squeeze %dma_start3A_778 : memref<1x320xi32, #tpu.memory_space<vmem>> -> memref<320xi32, #tpu.memory_space<vmem>>
      %dma_start3A_780 = arith.constant 0 : i32
      %dma_start3A_781 = arith.constant 0 : i32
      %dma_start3A_782 = tpu.memref_slice %arg7[%dma_start3A_780, %dma_start3A_781] : memref<100096x16xf32, #tpu.memory_space<hbm>> -> memref<100096x16xf32, #tpu.memory_space<hbm>>
      tpu.enqueue_indirect_dma source(%dma_start3A_782 : memref<100096x16xf32, #tpu.memory_space<hbm>>) target(%dma_start3A_776 : memref<320x16xf32, #tpu.memory_space<vmem>>) offsets(%dma_start3A_779 : memref<320xi32, #tpu.memory_space<vmem>>) semaphore(%arg18 : memref<!tpu.dma_semaphore, #tpu.memory_space<semaphore_mem>>)
      %dma_wait3A_783 = arith.constant 1 : i32
      %dma_wait3A_784 = arith.constant 0 : i32
      %dma_wait3A_785 = arith.constant 0 : i32
      %dma_wait3A_786 = tpu.memref_slice %arg12[%dma_wait3A_783, %dma_wait3A_784, %dma_wait3A_785] : memref<3x320x16xf32, #tpu.memory_space<vmem>> -> memref<1x320x16xf32, #tpu.memory_space<vmem>>
      %dma_wait3A_787 = tpu.memref_squeeze %dma_wait3A_786 : memref<1x320x16xf32, #tpu.memory_space<vmem>> -> memref<320x16xf32, #tpu.memory_space<vmem>>
      %dma_wait3A_788 = arith.constant 0 : i32
      %dma_wait3A_789 = arith.constant 0 : i32
      %dma_wait3A_790 = tpu.memref_slice %arg2[%dma_wait3A_788, %dma_wait3A_789] : memref<100096x16xf32, #tpu.memory_space<hbm>> -> memref<320x16xf32, #tpu.memory_space<hbm>>
      %dma_wait3A_791 = arith.constant 0 : i32
      %dma_wait3A_792 = arith.constant 0 : i32
      %dma_wait3A_793 = tpu.memref_slice %arg12[%dma_wait3A_783, %dma_wait3A_791, %dma_wait3A_792] : memref<3x320x16xf32, #tpu.memory_space<vmem>> -> memref<1x320x16xf32, #tpu.memory_space<vmem>>
      %dma_wait3A_794 = tpu.memref_squeeze %dma_wait3A_793 : memref<1x320x16xf32, #tpu.memory_space<vmem>> -> memref<320x16xf32, #tpu.memory_space<vmem>>
      %dma_wait3A_795 = arith.constant 0 : i32
      %dma_wait3A_796 = arith.constant 0 : i32
      %dma_wait3A_797 = tpu.memref_slice %arg2[%dma_wait3A_795, %dma_wait3A_796] : memref<100096x16xf32, #tpu.memory_space<hbm>> -> memref<320x16xf32, #tpu.memory_space<hbm>>
      tpu.wait_dma2 semaphore(%arg18 : memref<!tpu.dma_semaphore, #tpu.memory_space<semaphore_mem>>) src(%dma_wait3A_797 : memref<320x16xf32, #tpu.memory_space<hbm>>) dst(%dma_wait3A_794 : memref<320x16xf32, #tpu.memory_space<vmem>>)
      %dma_start3A_798 = arith.constant 1 : i32
      %dma_start3A_799 = arith.constant 1 : i32
      %dma_start3A_800 = arith.constant 0 : i32
      %dma_start3A_801 = arith.constant 0 : i32
      %dma_start3A_802 = tpu.memref_slice %arg12[%dma_start3A_798, %dma_start3A_800, %dma_start3A_801] : memref<3x320x16xf32, #tpu.memory_space<vmem>> -> memref<1x320x16xf32, #tpu.memory_space<vmem>>
      %dma_start3A_803 = tpu.memref_squeeze %dma_start3A_802 : memref<1x320x16xf32, #tpu.memory_space<vmem>> -> memref<320x16xf32, #tpu.memory_space<vmem>>
      %dma_start3A_804 = arith.constant 0 : i32
      %dma_start3A_805 = tpu.memref_slice %arg11[%dma_start3A_799, %dma_start3A_804] : memref<3x320xi32, #tpu.memory_space<vmem>> -> memref<1x320xi32, #tpu.memory_space<vmem>>
      %dma_start3A_806 = tpu.memref_squeeze %dma_start3A_805 : memref<1x320xi32, #tpu.memory_space<vmem>> -> memref<320xi32, #tpu.memory_space<vmem>>
      %dma_start3A_807 = arith.constant 0 : i32
      %dma_start3A_808 = arith.constant 0 : i32
      %dma_start3A_809 = tpu.memref_slice %arg16[%dma_start3A_807, %dma_start3A_808] : memref<100096x16xf32, #tpu.memory_space<vmem_shared>> -> memref<100096x16xf32, #tpu.memory_space<vmem_shared>>
      tpu.enqueue_indirect_dma source(%dma_start3A_803 : memref<320x16xf32, #tpu.memory_space<vmem>>) target(%dma_start3A_809 : memref<100096x16xf32, #tpu.memory_space<vmem_shared>>) offsets(%dma_start3A_806 : memref<320xi32, #tpu.memory_space<vmem>>) semaphore(%arg19 : memref<!tpu.dma_semaphore, #tpu.memory_space<semaphore_mem>>) {add = true}
      %mul3A_810 = arith.constant 3 : i32
      %mul3A_811 = arith.muli %add3A_620, %mul3A_810 : i32
      %add3A_812 = arith.constant 2 : i32
      %add3A_813 = arith.addi %mul3A_811, %add3A_812 : i32
      %dma_wait3A_814 = arith.constant 2 : i32
      %dma_wait3A_815 = arith.constant 0 : i32
      %dma_wait3A_816 = arith.constant 0 : i32
      %dma_wait3A_817 = tpu.memref_slice %arg12[%dma_wait3A_814, %dma_wait3A_815, %dma_wait3A_816] : memref<3x320x16xf32, #tpu.memory_space<vmem>> -> memref<1x320x16xf32, #tpu.memory_space<vmem>>
      %dma_wait3A_818 = tpu.memref_squeeze %dma_wait3A_817 : memref<1x320x16xf32, #tpu.memory_space<vmem>> -> memref<320x16xf32, #tpu.memory_space<vmem>>
      %dma_wait3A_819 = arith.constant 0 : i32
      %dma_wait3A_820 = arith.constant 0 : i32
      %dma_wait3A_821 = tpu.memref_slice %arg2[%dma_wait3A_819, %dma_wait3A_820] : memref<100096x16xf32, #tpu.memory_space<hbm>> -> memref<320x16xf32, #tpu.memory_space<hbm>>
      %dma_wait3A_822 = arith.constant 0 : i32
      %dma_wait3A_823 = arith.constant 0 : i32
      %dma_wait3A_824 = tpu.memref_slice %arg12[%dma_wait3A_814, %dma_wait3A_822, %dma_wait3A_823] : memref<3x320x16xf32, #tpu.memory_space<vmem>> -> memref<1x320x16xf32, #tpu.memory_space<vmem>>
      %dma_wait3A_825 = tpu.memref_squeeze %dma_wait3A_824 : memref<1x320x16xf32, #tpu.memory_space<vmem>> -> memref<320x16xf32, #tpu.memory_space<vmem>>
      %dma_wait3A_826 = arith.constant 0 : i32
      %dma_wait3A_827 = arith.constant 0 : i32
      %dma_wait3A_828 = tpu.memref_slice %arg2[%dma_wait3A_826, %dma_wait3A_827] : memref<100096x16xf32, #tpu.memory_space<hbm>> -> memref<320x16xf32, #tpu.memory_space<hbm>>
      tpu.wait_dma2 semaphore(%arg19 : memref<!tpu.dma_semaphore, #tpu.memory_space<semaphore_mem>>) src(%dma_wait3A_828 : memref<320x16xf32, #tpu.memory_space<hbm>>) dst(%dma_wait3A_825 : memref<320x16xf32, #tpu.memory_space<vmem>>)
      %add3A_829 = arith.constant 2 : i32
      %add3A_830 = arith.addi %add3A_813, %add3A_829 : i32
      %mul3A_831 = arith.constant 320 : i32
      %mul3A_832 = arith.muli %add3A_830, %mul3A_831 : i32
      %add3A_833 = arith.addi %mul3A_2, %mul3A_832 : i32
      %min3A_834 = arith.constant 6399680 : i32
      %min3A_835 = arith.minsi %add3A_833, %min3A_834 : i32
      %dma_start3A_836 = arith.constant 1 : i32
      %dma_start3A_837 = arith.constant 0 : i32
      %dma_start3A_838 = tpu.memref_slice %arg10[%dma_start3A_836, %dma_start3A_837] : memref<3x320xi32, #tpu.memory_space<vmem>> -> memref<1x320xi32, #tpu.memory_space<vmem>>
      %dma_start3A_839 = tpu.memref_squeeze %dma_start3A_838 : memref<1x320xi32, #tpu.memory_space<vmem>> -> memref<320xi32, #tpu.memory_space<vmem>>
      %dma_start3A_840 = tpu.memref_slice %arg3[%min3A_835] : memref<6400000xi32, #tpu.memory_space<hbm>> -> memref<320xi32, #tpu.memory_space<hbm>>
      %dma_start3A_841 = arith.constant 0 : i32
      %dma_start3A_842 = tpu.memref_slice %arg10[%dma_start3A_836, %dma_start3A_841] : memref<3x320xi32, #tpu.memory_space<vmem>> -> memref<1x320xi32, #tpu.memory_space<vmem>>
      %dma_start3A_843 = tpu.memref_squeeze %dma_start3A_842 : memref<1x320xi32, #tpu.memory_space<vmem>> -> memref<320xi32, #tpu.memory_space<vmem>>
      %dma_start3A_844 = tpu.memref_slice %arg3[%min3A_835] : memref<6400000xi32, #tpu.memory_space<hbm>> -> memref<320xi32, #tpu.memory_space<hbm>>
      tpu.enqueue_dma source(%dma_start3A_844 : memref<320xi32, #tpu.memory_space<hbm>>) target(%dma_start3A_843 : memref<320xi32, #tpu.memory_space<vmem>>) target_semaphore(%arg17 : memref<!tpu.dma_semaphore, #tpu.memory_space<semaphore_mem>>)
      %dma_start3A_845 = arith.constant 1 : i32
      %dma_start3A_846 = arith.constant 0 : i32
      %dma_start3A_847 = tpu.memref_slice %arg11[%dma_start3A_845, %dma_start3A_846] : memref<3x320xi32, #tpu.memory_space<vmem>> -> memref<1x320xi32, #tpu.memory_space<vmem>>
      %dma_start3A_848 = tpu.memref_squeeze %dma_start3A_847 : memref<1x320xi32, #tpu.memory_space<vmem>> -> memref<320xi32, #tpu.memory_space<vmem>>
      %dma_start3A_849 = tpu.memref_slice %arg4[%min3A_835] : memref<6400000xi32, #tpu.memory_space<hbm>> -> memref<320xi32, #tpu.memory_space<hbm>>
      %dma_start3A_850 = arith.constant 0 : i32
      %dma_start3A_851 = tpu.memref_slice %arg11[%dma_start3A_845, %dma_start3A_850] : memref<3x320xi32, #tpu.memory_space<vmem>> -> memref<1x320xi32, #tpu.memory_space<vmem>>
      %dma_start3A_852 = tpu.memref_squeeze %dma_start3A_851 : memref<1x320xi32, #tpu.memory_space<vmem>> -> memref<320xi32, #tpu.memory_space<vmem>>
      %dma_start3A_853 = tpu.memref_slice %arg4[%min3A_835] : memref<6400000xi32, #tpu.memory_space<hbm>> -> memref<320xi32, #tpu.memory_space<hbm>>
      tpu.enqueue_dma source(%dma_start3A_853 : memref<320xi32, #tpu.memory_space<hbm>>) target(%dma_start3A_852 : memref<320xi32, #tpu.memory_space<vmem>>) target_semaphore(%arg17 : memref<!tpu.dma_semaphore, #tpu.memory_space<semaphore_mem>>)
      %dma_wait3A_854 = arith.constant 0 : i32
      %dma_wait3A_855 = arith.constant 0 : i32
      %dma_wait3A_856 = tpu.memref_slice %arg10[%dma_wait3A_854, %dma_wait3A_855] : memref<3x320xi32, #tpu.memory_space<vmem>> -> memref<1x320xi32, #tpu.memory_space<vmem>>
      %dma_wait3A_857 = tpu.memref_squeeze %dma_wait3A_856 : memref<1x320xi32, #tpu.memory_space<vmem>> -> memref<320xi32, #tpu.memory_space<vmem>>
      %dma_wait3A_858 = arith.constant 0 : i32
      %dma_wait3A_859 = tpu.memref_slice %arg3[%dma_wait3A_858] : memref<6400000xi32, #tpu.memory_space<hbm>> -> memref<320xi32, #tpu.memory_space<hbm>>
      %dma_wait3A_860 = arith.constant 0 : i32
      %dma_wait3A_861 = tpu.memref_slice %arg10[%dma_wait3A_854, %dma_wait3A_860] : memref<3x320xi32, #tpu.memory_space<vmem>> -> memref<1x320xi32, #tpu.memory_space<vmem>>
      %dma_wait3A_862 = tpu.memref_squeeze %dma_wait3A_861 : memref<1x320xi32, #tpu.memory_space<vmem>> -> memref<320xi32, #tpu.memory_space<vmem>>
      %dma_wait3A_863 = arith.constant 0 : i32
      %dma_wait3A_864 = tpu.memref_slice %arg3[%dma_wait3A_863] : memref<6400000xi32, #tpu.memory_space<hbm>> -> memref<320xi32, #tpu.memory_space<hbm>>
      tpu.wait_dma2 semaphore(%arg17 : memref<!tpu.dma_semaphore, #tpu.memory_space<semaphore_mem>>) src(%dma_wait3A_864 : memref<320xi32, #tpu.memory_space<hbm>>) dst(%dma_wait3A_862 : memref<320xi32, #tpu.memory_space<vmem>>)
      %dma_wait3A_865 = arith.constant 0 : i32
      %dma_wait3A_866 = arith.constant 0 : i32
      %dma_wait3A_867 = tpu.memref_slice %arg11[%dma_wait3A_865, %dma_wait3A_866] : memref<3x320xi32, #tpu.memory_space<vmem>> -> memref<1x320xi32, #tpu.memory_space<vmem>>
      %dma_wait3A_868 = tpu.memref_squeeze %dma_wait3A_867 : memref<1x320xi32, #tpu.memory_space<vmem>> -> memref<320xi32, #tpu.memory_space<vmem>>
      %dma_wait3A_869 = arith.constant 0 : i32
      %dma_wait3A_870 = tpu.memref_slice %arg3[%dma_wait3A_869] : memref<6400000xi32, #tpu.memory_space<hbm>> -> memref<320xi32, #tpu.memory_space<hbm>>
      %dma_wait3A_871 = arith.constant 0 : i32
      %dma_wait3A_872 = tpu.memref_slice %arg11[%dma_wait3A_865, %dma_wait3A_871] : memref<3x320xi32, #tpu.memory_space<vmem>> -> memref<1x320xi32, #tpu.memory_space<vmem>>
      %dma_wait3A_873 = tpu.memref_squeeze %dma_wait3A_872 : memref<1x320xi32, #tpu.memory_space<vmem>> -> memref<320xi32, #tpu.memory_space<vmem>>
      %dma_wait3A_874 = arith.constant 0 : i32
      %dma_wait3A_875 = tpu.memref_slice %arg3[%dma_wait3A_874] : memref<6400000xi32, #tpu.memory_space<hbm>> -> memref<320xi32, #tpu.memory_space<hbm>>
      tpu.wait_dma2 semaphore(%arg17 : memref<!tpu.dma_semaphore, #tpu.memory_space<semaphore_mem>>) src(%dma_wait3A_875 : memref<320xi32, #tpu.memory_space<hbm>>) dst(%dma_wait3A_873 : memref<320xi32, #tpu.memory_space<vmem>>)
      %dma_start3A_876 = arith.constant 0 : i32
      %dma_start3A_877 = arith.constant 0 : i32
      %dma_start3A_878 = arith.constant 0 : i32
      %dma_start3A_879 = arith.constant 0 : i32
      %dma_start3A_880 = tpu.memref_slice %arg12[%dma_start3A_877, %dma_start3A_878, %dma_start3A_879] : memref<3x320x16xf32, #tpu.memory_space<vmem>> -> memref<1x320x16xf32, #tpu.memory_space<vmem>>
      %dma_start3A_881 = tpu.memref_squeeze %dma_start3A_880 : memref<1x320x16xf32, #tpu.memory_space<vmem>> -> memref<320x16xf32, #tpu.memory_space<vmem>>
      %dma_start3A_882 = arith.constant 0 : i32
      %dma_start3A_883 = tpu.memref_slice %arg10[%dma_start3A_876, %dma_start3A_882] : memref<3x320xi32, #tpu.memory_space<vmem>> -> memref<1x320xi32, #tpu.memory_space<vmem>>
      %dma_start3A_884 = tpu.memref_squeeze %dma_start3A_883 : memref<1x320xi32, #tpu.memory_space<vmem>> -> memref<320xi32, #tpu.memory_space<vmem>>
      %dma_start3A_885 = arith.constant 0 : i32
      %dma_start3A_886 = arith.constant 0 : i32
      %dma_start3A_887 = tpu.memref_slice %arg7[%dma_start3A_885, %dma_start3A_886] : memref<100096x16xf32, #tpu.memory_space<hbm>> -> memref<100096x16xf32, #tpu.memory_space<hbm>>
      tpu.enqueue_indirect_dma source(%dma_start3A_887 : memref<100096x16xf32, #tpu.memory_space<hbm>>) target(%dma_start3A_881 : memref<320x16xf32, #tpu.memory_space<vmem>>) offsets(%dma_start3A_884 : memref<320xi32, #tpu.memory_space<vmem>>) semaphore(%arg18 : memref<!tpu.dma_semaphore, #tpu.memory_space<semaphore_mem>>)
      %dma_wait3A_888 = arith.constant 2 : i32
      %dma_wait3A_889 = arith.constant 0 : i32
      %dma_wait3A_890 = arith.constant 0 : i32
      %dma_wait3A_891 = tpu.memref_slice %arg12[%dma_wait3A_888, %dma_wait3A_889, %dma_wait3A_890] : memref<3x320x16xf32, #tpu.memory_space<vmem>> -> memref<1x320x16xf32, #tpu.memory_space<vmem>>
      %dma_wait3A_892 = tpu.memref_squeeze %dma_wait3A_891 : memref<1x320x16xf32, #tpu.memory_space<vmem>> -> memref<320x16xf32, #tpu.memory_space<vmem>>
      %dma_wait3A_893 = arith.constant 0 : i32
      %dma_wait3A_894 = arith.constant 0 : i32
      %dma_wait3A_895 = tpu.memref_slice %arg2[%dma_wait3A_893, %dma_wait3A_894] : memref<100096x16xf32, #tpu.memory_space<hbm>> -> memref<320x16xf32, #tpu.memory_space<hbm>>
      %dma_wait3A_896 = arith.constant 0 : i32
      %dma_wait3A_897 = arith.constant 0 : i32
      %dma_wait3A_898 = tpu.memref_slice %arg12[%dma_wait3A_888, %dma_wait3A_896, %dma_wait3A_897] : memref<3x320x16xf32, #tpu.memory_space<vmem>> -> memref<1x320x16xf32, #tpu.memory_space<vmem>>
      %dma_wait3A_899 = tpu.memref_squeeze %dma_wait3A_898 : memref<1x320x16xf32, #tpu.memory_space<vmem>> -> memref<320x16xf32, #tpu.memory_space<vmem>>
      %dma_wait3A_900 = arith.constant 0 : i32
      %dma_wait3A_901 = arith.constant 0 : i32
      %dma_wait3A_902 = tpu.memref_slice %arg2[%dma_wait3A_900, %dma_wait3A_901] : memref<100096x16xf32, #tpu.memory_space<hbm>> -> memref<320x16xf32, #tpu.memory_space<hbm>>
      tpu.wait_dma2 semaphore(%arg18 : memref<!tpu.dma_semaphore, #tpu.memory_space<semaphore_mem>>) src(%dma_wait3A_902 : memref<320x16xf32, #tpu.memory_space<hbm>>) dst(%dma_wait3A_899 : memref<320x16xf32, #tpu.memory_space<vmem>>)
      %dma_start3A_903 = arith.constant 2 : i32
      %dma_start3A_904 = arith.constant 2 : i32
      %dma_start3A_905 = arith.constant 0 : i32
      %dma_start3A_906 = arith.constant 0 : i32
      %dma_start3A_907 = tpu.memref_slice %arg12[%dma_start3A_903, %dma_start3A_905, %dma_start3A_906] : memref<3x320x16xf32, #tpu.memory_space<vmem>> -> memref<1x320x16xf32, #tpu.memory_space<vmem>>
      %dma_start3A_908 = tpu.memref_squeeze %dma_start3A_907 : memref<1x320x16xf32, #tpu.memory_space<vmem>> -> memref<320x16xf32, #tpu.memory_space<vmem>>
      %dma_start3A_909 = arith.constant 0 : i32
      %dma_start3A_910 = tpu.memref_slice %arg11[%dma_start3A_904, %dma_start3A_909] : memref<3x320xi32, #tpu.memory_space<vmem>> -> memref<1x320xi32, #tpu.memory_space<vmem>>
      %dma_start3A_911 = tpu.memref_squeeze %dma_start3A_910 : memref<1x320xi32, #tpu.memory_space<vmem>> -> memref<320xi32, #tpu.memory_space<vmem>>
      %dma_start3A_912 = arith.constant 0 : i32
      %dma_start3A_913 = arith.constant 0 : i32
      %dma_start3A_914 = tpu.memref_slice %arg16[%dma_start3A_912, %dma_start3A_913] : memref<100096x16xf32, #tpu.memory_space<vmem_shared>> -> memref<100096x16xf32, #tpu.memory_space<vmem_shared>>
      tpu.enqueue_indirect_dma source(%dma_start3A_908 : memref<320x16xf32, #tpu.memory_space<vmem>>) target(%dma_start3A_914 : memref<100096x16xf32, #tpu.memory_space<vmem_shared>>) offsets(%dma_start3A_911 : memref<320xi32, #tpu.memory_space<vmem>>) semaphore(%arg19 : memref<!tpu.dma_semaphore, #tpu.memory_space<semaphore_mem>>) {add = true}
    }
    %scan3A_494 = arith.constant 208 : i32
    %dma_wait3A_495 = arith.constant 0 : i32
    %dma_wait3A_496 = arith.constant 0 : i32
    %dma_wait3A_497 = arith.constant 0 : i32
    %dma_wait3A_498 = tpu.memref_slice %arg12[%dma_wait3A_495, %dma_wait3A_496, %dma_wait3A_497] : memref<3x320x16xf32, #tpu.memory_space<vmem>> -> memref<1x320x16xf32, #tpu.memory_space<vmem>>
    %dma_wait3A_499 = tpu.memref_squeeze %dma_wait3A_498 : memref<1x320x16xf32, #tpu.memory_space<vmem>> -> memref<320x16xf32, #tpu.memory_space<vmem>>
    %dma_wait3A_500 = arith.constant 0 : i32
    %dma_wait3A_501 = arith.constant 0 : i32
    %dma_wait3A_502 = tpu.memref_slice %arg2[%dma_wait3A_500, %dma_wait3A_501] : memref<100096x16xf32, #tpu.memory_space<hbm>> -> memref<320x16xf32, #tpu.memory_space<hbm>>
    %dma_wait3A_503 = arith.constant 0 : i32
    %dma_wait3A_504 = arith.constant 0 : i32
    %dma_wait3A_505 = tpu.memref_slice %arg12[%dma_wait3A_495, %dma_wait3A_503, %dma_wait3A_504] : memref<3x320x16xf32, #tpu.memory_space<vmem>> -> memref<1x320x16xf32, #tpu.memory_space<vmem>>
    %dma_wait3A_506 = tpu.memref_squeeze %dma_wait3A_505 : memref<1x320x16xf32, #tpu.memory_space<vmem>> -> memref<320x16xf32, #tpu.memory_space<vmem>>
    %dma_wait3A_507 = arith.constant 0 : i32
    %dma_wait3A_508 = arith.constant 0 : i32
    %dma_wait3A_509 = tpu.memref_slice %arg2[%dma_wait3A_507, %dma_wait3A_508] : memref<100096x16xf32, #tpu.memory_space<hbm>> -> memref<320x16xf32, #tpu.memory_space<hbm>>
    tpu.wait_dma2 semaphore(%arg18 : memref<!tpu.dma_semaphore, #tpu.memory_space<semaphore_mem>>) src(%dma_wait3A_509 : memref<320x16xf32, #tpu.memory_space<hbm>>) dst(%dma_wait3A_506 : memref<320x16xf32, #tpu.memory_space<vmem>>)
    %dma_start3A_510 = arith.constant 0 : i32
    %dma_start3A_511 = arith.constant 0 : i32
    %dma_start3A_512 = arith.constant 0 : i32
    %dma_start3A_513 = arith.constant 0 : i32
    %dma_start3A_514 = tpu.memref_slice %arg12[%dma_start3A_510, %dma_start3A_512, %dma_start3A_513] : memref<3x320x16xf32, #tpu.memory_space<vmem>> -> memref<1x320x16xf32, #tpu.memory_space<vmem>>
    %dma_start3A_515 = tpu.memref_squeeze %dma_start3A_514 : memref<1x320x16xf32, #tpu.memory_space<vmem>> -> memref<320x16xf32, #tpu.memory_space<vmem>>
    %dma_start3A_516 = arith.constant 0 : i32
    %dma_start3A_517 = tpu.memref_slice %arg11[%dma_start3A_511, %dma_start3A_516] : memref<3x320xi32, #tpu.memory_space<vmem>> -> memref<1x320xi32, #tpu.memory_space<vmem>>
    %dma_start3A_518 = tpu.memref_squeeze %dma_start3A_517 : memref<1x320xi32, #tpu.memory_space<vmem>> -> memref<320xi32, #tpu.memory_space<vmem>>
    %dma_start3A_519 = arith.constant 0 : i32
    %dma_start3A_520 = arith.constant 0 : i32
    %dma_start3A_521 = tpu.memref_slice %arg16[%dma_start3A_519, %dma_start3A_520] : memref<100096x16xf32, #tpu.memory_space<vmem_shared>> -> memref<100096x16xf32, #tpu.memory_space<vmem_shared>>
    tpu.enqueue_indirect_dma source(%dma_start3A_515 : memref<320x16xf32, #tpu.memory_space<vmem>>) target(%dma_start3A_521 : memref<100096x16xf32, #tpu.memory_space<vmem_shared>>) offsets(%dma_start3A_518 : memref<320xi32, #tpu.memory_space<vmem>>) semaphore(%arg19 : memref<!tpu.dma_semaphore, #tpu.memory_space<semaphore_mem>>) {add = true}
    %dma_wait3A_522 = arith.constant 0 : i32
    %dma_wait3A_523 = arith.constant 0 : i32
    %dma_wait3A_524 = arith.constant 0 : i32
    %dma_wait3A_525 = tpu.memref_slice %arg12[%dma_wait3A_522, %dma_wait3A_523, %dma_wait3A_524] : memref<3x320x16xf32, #tpu.memory_space<vmem>> -> memref<1x320x16xf32, #tpu.memory_space<vmem>>
    %dma_wait3A_526 = tpu.memref_squeeze %dma_wait3A_525 : memref<1x320x16xf32, #tpu.memory_space<vmem>> -> memref<320x16xf32, #tpu.memory_space<vmem>>
    %dma_wait3A_527 = arith.constant 0 : i32
    %dma_wait3A_528 = arith.constant 0 : i32
    %dma_wait3A_529 = tpu.memref_slice %arg2[%dma_wait3A_527, %dma_wait3A_528] : memref<100096x16xf32, #tpu.memory_space<hbm>> -> memref<320x16xf32, #tpu.memory_space<hbm>>
    %dma_wait3A_530 = arith.constant 0 : i32
    %dma_wait3A_531 = arith.constant 0 : i32
    %dma_wait3A_532 = tpu.memref_slice %arg12[%dma_wait3A_522, %dma_wait3A_530, %dma_wait3A_531] : memref<3x320x16xf32, #tpu.memory_space<vmem>> -> memref<1x320x16xf32, #tpu.memory_space<vmem>>
    %dma_wait3A_533 = tpu.memref_squeeze %dma_wait3A_532 : memref<1x320x16xf32, #tpu.memory_space<vmem>> -> memref<320x16xf32, #tpu.memory_space<vmem>>
    %dma_wait3A_534 = arith.constant 0 : i32
    %dma_wait3A_535 = arith.constant 0 : i32
    %dma_wait3A_536 = tpu.memref_slice %arg2[%dma_wait3A_534, %dma_wait3A_535] : memref<100096x16xf32, #tpu.memory_space<hbm>> -> memref<320x16xf32, #tpu.memory_space<hbm>>
    tpu.wait_dma2 semaphore(%arg19 : memref<!tpu.dma_semaphore, #tpu.memory_space<semaphore_mem>>) src(%dma_wait3A_536 : memref<320x16xf32, #tpu.memory_space<hbm>>) dst(%dma_wait3A_533 : memref<320x16xf32, #tpu.memory_space<vmem>>)
    %dma_wait3A_537 = arith.constant 1 : i32
    %dma_wait3A_538 = arith.constant 0 : i32
    %dma_wait3A_539 = arith.constant 0 : i32
    %dma_wait3A_540 = tpu.memref_slice %arg12[%dma_wait3A_537, %dma_wait3A_538, %dma_wait3A_539] : memref<3x320x16xf32, #tpu.memory_space<vmem>> -> memref<1x320x16xf32, #tpu.memory_space<vmem>>
    %dma_wait3A_541 = tpu.memref_squeeze %dma_wait3A_540 : memref<1x320x16xf32, #tpu.memory_space<vmem>> -> memref<320x16xf32, #tpu.memory_space<vmem>>
    %dma_wait3A_542 = arith.constant 0 : i32
    %dma_wait3A_543 = arith.constant 0 : i32
    %dma_wait3A_544 = tpu.memref_slice %arg2[%dma_wait3A_542, %dma_wait3A_543] : memref<100096x16xf32, #tpu.memory_space<hbm>> -> memref<320x16xf32, #tpu.memory_space<hbm>>
    %dma_wait3A_545 = arith.constant 0 : i32
    %dma_wait3A_546 = arith.constant 0 : i32
    %dma_wait3A_547 = tpu.memref_slice %arg12[%dma_wait3A_537, %dma_wait3A_545, %dma_wait3A_546] : memref<3x320x16xf32, #tpu.memory_space<vmem>> -> memref<1x320x16xf32, #tpu.memory_space<vmem>>
    %dma_wait3A_548 = tpu.memref_squeeze %dma_wait3A_547 : memref<1x320x16xf32, #tpu.memory_space<vmem>> -> memref<320x16xf32, #tpu.memory_space<vmem>>
    %dma_wait3A_549 = arith.constant 0 : i32
    %dma_wait3A_550 = arith.constant 0 : i32
    %dma_wait3A_551 = tpu.memref_slice %arg2[%dma_wait3A_549, %dma_wait3A_550] : memref<100096x16xf32, #tpu.memory_space<hbm>> -> memref<320x16xf32, #tpu.memory_space<hbm>>
    tpu.wait_dma2 semaphore(%arg19 : memref<!tpu.dma_semaphore, #tpu.memory_space<semaphore_mem>>) src(%dma_wait3A_551 : memref<320x16xf32, #tpu.memory_space<hbm>>) dst(%dma_wait3A_548 : memref<320x16xf32, #tpu.memory_space<vmem>>)
    %dma_wait3A_552 = arith.constant 2 : i32
    %dma_wait3A_553 = arith.constant 0 : i32
    %dma_wait3A_554 = arith.constant 0 : i32
    %dma_wait3A_555 = tpu.memref_slice %arg12[%dma_wait3A_552, %dma_wait3A_553, %dma_wait3A_554] : memref<3x320x16xf32, #tpu.memory_space<vmem>> -> memref<1x320x16xf32, #tpu.memory_space<vmem>>
    %dma_wait3A_556 = tpu.memref_squeeze %dma_wait3A_555 : memref<1x320x16xf32, #tpu.memory_space<vmem>> -> memref<320x16xf32, #tpu.memory_space<vmem>>
    %dma_wait3A_557 = arith.constant 0 : i32
    %dma_wait3A_558 = arith.constant 0 : i32
    %dma_wait3A_559 = tpu.memref_slice %arg2[%dma_wait3A_557, %dma_wait3A_558] : memref<100096x16xf32, #tpu.memory_space<hbm>> -> memref<320x16xf32, #tpu.memory_space<hbm>>
    %dma_wait3A_560 = arith.constant 0 : i32
    %dma_wait3A_561 = arith.constant 0 : i32
    %dma_wait3A_562 = tpu.memref_slice %arg12[%dma_wait3A_552, %dma_wait3A_560, %dma_wait3A_561] : memref<3x320x16xf32, #tpu.memory_space<vmem>> -> memref<1x320x16xf32, #tpu.memory_space<vmem>>
    %dma_wait3A_563 = tpu.memref_squeeze %dma_wait3A_562 : memref<1x320x16xf32, #tpu.memory_space<vmem>> -> memref<320x16xf32, #tpu.memory_space<vmem>>
    %dma_wait3A_564 = arith.constant 0 : i32
    %dma_wait3A_565 = arith.constant 0 : i32
    %dma_wait3A_566 = tpu.memref_slice %arg2[%dma_wait3A_564, %dma_wait3A_565] : memref<100096x16xf32, #tpu.memory_space<hbm>> -> memref<320x16xf32, #tpu.memory_space<hbm>>
    tpu.wait_dma2 semaphore(%arg19 : memref<!tpu.dma_semaphore, #tpu.memory_space<semaphore_mem>>) src(%dma_wait3A_566 : memref<320x16xf32, #tpu.memory_space<hbm>>) dst(%dma_wait3A_563 : memref<320x16xf32, #tpu.memory_space<vmem>>)
    %dma_wait3A_567 = arith.constant 1 : i32
    %dma_wait3A_568 = arith.constant 0 : i32
    %dma_wait3A_569 = tpu.memref_slice %arg10[%dma_wait3A_567, %dma_wait3A_568] : memref<3x320xi32, #tpu.memory_space<vmem>> -> memref<1x320xi32, #tpu.memory_space<vmem>>
    %dma_wait3A_570 = tpu.memref_squeeze %dma_wait3A_569 : memref<1x320xi32, #tpu.memory_space<vmem>> -> memref<320xi32, #tpu.memory_space<vmem>>
    %dma_wait3A_571 = arith.constant 0 : i32
    %dma_wait3A_572 = tpu.memref_slice %arg3[%dma_wait3A_571] : memref<6400000xi32, #tpu.memory_space<hbm>> -> memref<320xi32, #tpu.memory_space<hbm>>
    %dma_wait3A_573 = arith.constant 0 : i32
    %dma_wait3A_574 = tpu.memref_slice %arg10[%dma_wait3A_567, %dma_wait3A_573] : memref<3x320xi32, #tpu.memory_space<vmem>> -> memref<1x320xi32, #tpu.memory_space<vmem>>
    %dma_wait3A_575 = tpu.memref_squeeze %dma_wait3A_574 : memref<1x320xi32, #tpu.memory_space<vmem>> -> memref<320xi32, #tpu.memory_space<vmem>>
    %dma_wait3A_576 = arith.constant 0 : i32
    %dma_wait3A_577 = tpu.memref_slice %arg3[%dma_wait3A_576] : memref<6400000xi32, #tpu.memory_space<hbm>> -> memref<320xi32, #tpu.memory_space<hbm>>
    tpu.wait_dma2 semaphore(%arg17 : memref<!tpu.dma_semaphore, #tpu.memory_space<semaphore_mem>>) src(%dma_wait3A_577 : memref<320xi32, #tpu.memory_space<hbm>>) dst(%dma_wait3A_575 : memref<320xi32, #tpu.memory_space<vmem>>)
    %dma_wait3A_578 = arith.constant 1 : i32
    %dma_wait3A_579 = arith.constant 0 : i32
    %dma_wait3A_580 = tpu.memref_slice %arg11[%dma_wait3A_578, %dma_wait3A_579] : memref<3x320xi32, #tpu.memory_space<vmem>> -> memref<1x320xi32, #tpu.memory_space<vmem>>
    %dma_wait3A_581 = tpu.memref_squeeze %dma_wait3A_580 : memref<1x320xi32, #tpu.memory_space<vmem>> -> memref<320xi32, #tpu.memory_space<vmem>>
    %dma_wait3A_582 = arith.constant 0 : i32
    %dma_wait3A_583 = tpu.memref_slice %arg3[%dma_wait3A_582] : memref<6400000xi32, #tpu.memory_space<hbm>> -> memref<320xi32, #tpu.memory_space<hbm>>
    %dma_wait3A_584 = arith.constant 0 : i32
    %dma_wait3A_585 = tpu.memref_slice %arg11[%dma_wait3A_578, %dma_wait3A_584] : memref<3x320xi32, #tpu.memory_space<vmem>> -> memref<1x320xi32, #tpu.memory_space<vmem>>
    %dma_wait3A_586 = tpu.memref_squeeze %dma_wait3A_585 : memref<1x320xi32, #tpu.memory_space<vmem>> -> memref<320xi32, #tpu.memory_space<vmem>>
    %dma_wait3A_587 = arith.constant 0 : i32
    %dma_wait3A_588 = tpu.memref_slice %arg3[%dma_wait3A_587] : memref<6400000xi32, #tpu.memory_space<hbm>> -> memref<320xi32, #tpu.memory_space<hbm>>
    tpu.wait_dma2 semaphore(%arg17 : memref<!tpu.dma_semaphore, #tpu.memory_space<semaphore_mem>>) src(%dma_wait3A_588 : memref<320xi32, #tpu.memory_space<hbm>>) dst(%dma_wait3A_586 : memref<320xi32, #tpu.memory_space<vmem>>)
    %barrier3A_589 = arith.constant 0 : index
    tpu.barrier barrier_id(%barrier3A_589)
    %mul3A_590 = arith.constant 6256 : i32
    %mul3A_591 = arith.muli %arg1, %mul3A_590 : i32
    %mul3A_592 = arith.constant 100096 : i32
    %mul3A_593 = arith.muli %arg0, %mul3A_592 : i32
    %mul3A_594 = arith.constant 6256 : i32
    %mul3A_595 = arith.muli %arg1, %mul3A_594 : i32
    %add3A_596 = arith.addi %mul3A_593, %mul3A_595 : i32
    "tpu.region"() ({
      %run_scoped3A = tpu.sem_alloc : memref<!tpu.dma_semaphore, #tpu.memory_space<semaphore_mem>>
      %dma_start3A_616 = arith.constant 0 : i32
      %dma_start3A_617 = tpu.memref_slice %arg9[%add3A_596, %dma_start3A_616] : memref<200192x16xf32, #tpu.memory_space<hbm>> -> memref<6256x16xf32, #tpu.memory_space<hbm>>
      %dma_start3A_618 = arith.constant 0 : i32
      %dma_start3A_619 = tpu.memref_slice %arg16[%mul3A_591, %dma_start3A_618] : memref<100096x16xf32, #tpu.memory_space<vmem_shared>> -> memref<6256x16xf32, #tpu.memory_space<vmem_shared>>
      tpu.enqueue_dma source(%dma_start3A_619 : memref<6256x16xf32, #tpu.memory_space<vmem_shared>>) target(%dma_start3A_617 : memref<6256x16xf32, #tpu.memory_space<hbm>>) target_semaphore(%run_scoped3A : memref<!tpu.dma_semaphore, #tpu.memory_space<semaphore_mem>>)
      %dma_wait3A_620 = arith.constant 0 : i32
      %dma_wait3A_621 = tpu.memref_slice %arg9[%add3A_596, %dma_wait3A_620] : memref<200192x16xf32, #tpu.memory_space<hbm>> -> memref<6256x16xf32, #tpu.memory_space<hbm>>
      %dma_wait3A_622 = arith.constant 0 : i32
      %dma_wait3A_623 = tpu.memref_slice %arg16[%mul3A_591, %dma_wait3A_622] : memref<100096x16xf32, #tpu.memory_space<vmem_shared>> -> memref<6256x16xf32, #tpu.memory_space<vmem_shared>>
      tpu.wait_dma2 semaphore(%run_scoped3A : memref<!tpu.dma_semaphore, #tpu.memory_space<semaphore_mem>>) src(%dma_wait3A_623 : memref<6256x16xf32, #tpu.memory_space<vmem_shared>>) dst(%dma_wait3A_621 : memref<6256x16xf32, #tpu.memory_space<hbm>>)
      tpu.yield
    }) : () -> ()
    %barrier3A_597 = arith.constant 0 : index
    tpu.barrier barrier_id(%barrier3A_597)
    %eq3A_598 = arith.constant 0 : i32
    %eq3A_599 = arith.cmpi eq, %arg1, %eq3A_598 : i32
    %convert_element_type3A_600 = arith.extui %eq3A_599 : i1 to i32
    %cond3A_601 = arith.constant 0 : i32
    %cond3A_602 = arith.cmpi ne, %convert_element_type3A_600, %cond3A_601 : i32
    scf.if %cond3A_602 {
      %sub3A = arith.constant 1 : i32
      %sub3A_616 = arith.subi %sub3A, %arg0 : i32
      %semaphore_signal3A = arith.constant 1 : i32
      tpu.sem_signal %arg20, %semaphore_signal3A core_id %sub3A_616 : memref<!tpu.semaphore, #tpu.memory_space<semaphore_mem>>
      %semaphore_wait3A = arith.constant 1 : i32
      %semaphore_wait3A_617 = arith.constant true
      tpu.sem_wait %arg20, %semaphore_wait3A : memref<!tpu.semaphore, #tpu.memory_space<semaphore_mem>>
    } else {
    }
    %barrier3A_603 = arith.constant 0 : index
    tpu.barrier barrier_id(%barrier3A_603)
    %scan3A_604 = arith.constant 0 : i32
    %scan3A_605 = arith.constant 17 : i32
    %scan3A_606 = arith.addi %scan3A_604, %scan3A_605 : i32
    %scan3A_607 = arith.constant 1 : i32
    scf.for %scan3A_616 = %scan3A_604 to %scan3A_606 step %scan3A_607  : i32 {
      %mul3A_617 = arith.constant 1 : i32
      %mul3A_618 = arith.muli %scan3A_616, %mul3A_617 : i32
      %add3A_619 = arith.constant 0 : i32
      %add3A_620 = arith.addi %add3A_619, %mul3A_618 : i32
      %mul3A_621 = arith.constant 3128 : i32
      %mul3A_622 = arith.muli %add3A, %mul3A_621 : i32
      %mul3A_623 = arith.constant 184 : i32
      %mul3A_624 = arith.muli %add3A_620, %mul3A_623 : i32
      %add3A_625 = arith.addi %mul3A_622, %mul3A_624 : i32
      %sub3A = arith.constant 1 : i32
      %sub3A_626 = arith.subi %sub3A, %arg0 : i32
      %mul3A_627 = arith.constant 100096 : i32
      %mul3A_628 = arith.muli %sub3A_626, %mul3A_627 : i32
      %add3A_629 = arith.addi %mul3A_628, %add3A_625 : i32
      "tpu.region"() ({
        %run_scoped3A = tpu.sem_alloc : memref<!tpu.dma_semaphore, #tpu.memory_space<semaphore_mem>>
        %dma_start3A_635 = arith.constant 0 : i32
        %dma_start3A_636 = tpu.memref_slice %arg9[%add3A_629, %dma_start3A_635] : memref<200192x16xf32, #tpu.memory_space<hbm>> -> memref<184x16xf32, #tpu.memory_space<hbm>>
        %dma_start3A_637 = arith.constant 0 : i32
        %dma_start3A_638 = tpu.memref_slice %arg9[%add3A_629, %dma_start3A_637] : memref<200192x16xf32, #tpu.memory_space<hbm>> -> memref<184x16xf32, #tpu.memory_space<hbm>>
        tpu.enqueue_dma source(%dma_start3A_638 : memref<184x16xf32, #tpu.memory_space<hbm>>) target(%arg13 : memref<184x16xf32, #tpu.memory_space<vmem>>) target_semaphore(%run_scoped3A : memref<!tpu.dma_semaphore, #tpu.memory_space<semaphore_mem>>)
        %dma_wait3A_639 = arith.constant 0 : i32
        %dma_wait3A_640 = tpu.memref_slice %arg9[%add3A_629, %dma_wait3A_639] : memref<200192x16xf32, #tpu.memory_space<hbm>> -> memref<184x16xf32, #tpu.memory_space<hbm>>
        %dma_wait3A_641 = arith.constant 0 : i32
        %dma_wait3A_642 = tpu.memref_slice %arg9[%add3A_629, %dma_wait3A_641] : memref<200192x16xf32, #tpu.memory_space<hbm>> -> memref<184x16xf32, #tpu.memory_space<hbm>>
        tpu.wait_dma2 semaphore(%run_scoped3A : memref<!tpu.dma_semaphore, #tpu.memory_space<semaphore_mem>>) src(%dma_wait3A_642 : memref<184x16xf32, #tpu.memory_space<hbm>>) dst(%arg13 : memref<184x16xf32, #tpu.memory_space<vmem>>)
        tpu.yield
      }) : () -> ()
      "tpu.region"() ({
        %run_scoped3A = tpu.sem_alloc : memref<!tpu.dma_semaphore, #tpu.memory_space<semaphore_mem>>
        %dma_start3A_635 = arith.constant 0 : i32
        %dma_start3A_636 = tpu.memref_slice %arg16[%add3A_625, %dma_start3A_635] : memref<100096x16xf32, #tpu.memory_space<vmem_shared>> -> memref<184x16xf32, #tpu.memory_space<vmem_shared>>
        %dma_start3A_637 = arith.constant 0 : i32
        %dma_start3A_638 = tpu.memref_slice %arg16[%add3A_625, %dma_start3A_637] : memref<100096x16xf32, #tpu.memory_space<vmem_shared>> -> memref<184x16xf32, #tpu.memory_space<vmem_shared>>
        tpu.enqueue_dma source(%dma_start3A_638 : memref<184x16xf32, #tpu.memory_space<vmem_shared>>) target(%arg14 : memref<184x16xf32, #tpu.memory_space<vmem>>) target_semaphore(%run_scoped3A : memref<!tpu.dma_semaphore, #tpu.memory_space<semaphore_mem>>)
        %dma_wait3A_639 = arith.constant 0 : i32
        %dma_wait3A_640 = tpu.memref_slice %arg16[%add3A_625, %dma_wait3A_639] : memref<100096x16xf32, #tpu.memory_space<vmem_shared>> -> memref<184x16xf32, #tpu.memory_space<vmem_shared>>
        %dma_wait3A_641 = arith.constant 0 : i32
        %dma_wait3A_642 = tpu.memref_slice %arg16[%add3A_625, %dma_wait3A_641] : memref<100096x16xf32, #tpu.memory_space<vmem_shared>> -> memref<184x16xf32, #tpu.memory_space<vmem_shared>>
        tpu.wait_dma2 semaphore(%run_scoped3A : memref<!tpu.dma_semaphore, #tpu.memory_space<semaphore_mem>>) src(%dma_wait3A_642 : memref<184x16xf32, #tpu.memory_space<vmem_shared>>) dst(%arg14 : memref<184x16xf32, #tpu.memory_space<vmem>>)
        tpu.yield
      }) : () -> ()
      "tpu.region"() ({
        %run_scoped3A = tpu.sem_alloc : memref<!tpu.dma_semaphore, #tpu.memory_space<semaphore_mem>>
        %dma_start3A_635 = arith.constant 0 : i32
        %dma_start3A_636 = tpu.memref_slice %arg7[%add3A_625, %dma_start3A_635] : memref<100096x16xf32, #tpu.memory_space<hbm>> -> memref<184x16xf32, #tpu.memory_space<hbm>>
        %dma_start3A_637 = arith.constant 0 : i32
        %dma_start3A_638 = tpu.memref_slice %arg7[%add3A_625, %dma_start3A_637] : memref<100096x16xf32, #tpu.memory_space<hbm>> -> memref<184x16xf32, #tpu.memory_space<hbm>>
        tpu.enqueue_dma source(%dma_start3A_638 : memref<184x16xf32, #tpu.memory_space<hbm>>) target(%arg15 : memref<184x16xf32, #tpu.memory_space<vmem>>) target_semaphore(%run_scoped3A : memref<!tpu.dma_semaphore, #tpu.memory_space<semaphore_mem>>)
        %dma_wait3A_639 = arith.constant 0 : i32
        %dma_wait3A_640 = tpu.memref_slice %arg7[%add3A_625, %dma_wait3A_639] : memref<100096x16xf32, #tpu.memory_space<hbm>> -> memref<184x16xf32, #tpu.memory_space<hbm>>
        %dma_wait3A_641 = arith.constant 0 : i32
        %dma_wait3A_642 = tpu.memref_slice %arg7[%add3A_625, %dma_wait3A_641] : memref<100096x16xf32, #tpu.memory_space<hbm>> -> memref<184x16xf32, #tpu.memory_space<hbm>>
        tpu.wait_dma2 semaphore(%run_scoped3A : memref<!tpu.dma_semaphore, #tpu.memory_space<semaphore_mem>>) src(%dma_wait3A_642 : memref<184x16xf32, #tpu.memory_space<hbm>>) dst(%arg15 : memref<184x16xf32, #tpu.memory_space<vmem>>)
        tpu.yield
      }) : () -> ()
      %scan3A_630 = arith.constant 0 : i32
      %scan3A_631 = arith.constant 184 : i32
      %scan3A_632 = arith.addi %scan3A_630, %scan3A_631 : i32
      %scan3A_633 = arith.constant 1 : i32
      scf.for %scan3A_635 = %scan3A_630 to %scan3A_632 step %scan3A_633  : i32 {
        %mul3A_636 = arith.constant 1 : i32
        %mul3A_637 = arith.muli %scan3A_635, %mul3A_636 : i32
        %add3A_638 = arith.constant 0 : i32
        %add3A_639 = arith.addi %add3A_638, %mul3A_637 : i32
        %get3A = arith.index_cast %add3A_639 : i32 to index
        %get3A_640 = arith.constant 0 : index
        %get3A_641 = tpu.vector_load %arg14[%get3A, %get3A_640] {strides = array<i32>} : memref<184x16xf32, #tpu.memory_space<vmem>>, vector<16xf32>,
        %get3A_642 = arith.index_cast %add3A_639 : i32 to index
        %get3A_643 = arith.constant 0 : index
        %get3A_644 = tpu.vector_load %arg13[%get3A_642, %get3A_643] {strides = array<i32>} : memref<184x16xf32, #tpu.memory_space<vmem>>, vector<16xf32>,
        %add3A_645 = arith.addf %get3A_641, %get3A_644 : vector<16xf32>
        %eq3A_646 = arith.constant 15 : i32
        %eq3A_647 = vector.broadcast %eq3A_646 : i32 to vector<16xi32>
        %eq3A_648 = arith.cmpi eq, %iota3A, %eq3A_647 : vector<16xi32>
        %jit3A = arith.constant -1.000000e+00 : f32
        %broadcast_in_dim3A = vector.broadcast %jit3A : f32 to vector<16xf32>
        %select_n3A = arith.select %eq3A_648, %add3A_645, %broadcast_in_dim3A : vector<16xi1>, vector<16xf32>
        %reduce_max3A = arith.constant true
        %reduce_max3A_649 = vector.broadcast %reduce_max3A : i1 to vector<16xi1>
        %reduce_max3A_650 = tpu.scan <max>, %select_n3A masked %reduce_max3A_649 : vector<16xf32>, vector<16xi1> -> vector<16xf32>
        %reduce_max3A_651 = vector.extract %reduce_max3A_650[15] : f32 from vector<16xf32>
        %max3A = arith.constant 1.000000e+00 : f32
        %max3A_652 = arith.maximumf %reduce_max3A_651, %max3A : f32
        %get3A_653 = arith.index_cast %add3A_639 : i32 to index
        %get3A_654 = arith.constant 0 : index
        %get3A_655 = tpu.vector_load %arg15[%get3A_653, %get3A_654] {strides = array<i32>} : memref<184x16xf32, #tpu.memory_space<vmem>>, vector<16xf32>,
        %div3A = vector.broadcast %max3A_652 : f32 to vector<16xf32>
        %div3A_656 = arith.divf %add3A_645, %div3A : vector<16xf32>
        %add3A_657 = arith.addf %get3A_655, %div3A_656 : vector<16xf32>
        %mul3A_658 = arith.constant 5.000000e-01 : f32
        %mul3A_659 = vector.broadcast %mul3A_658 : f32 to vector<16xf32>
        %mul3A_660 = arith.mulf %mul3A_659, %add3A_657 : vector<16xf32>
        %eq3A_661 = arith.constant 15 : i32
        %eq3A_662 = vector.broadcast %eq3A_661 : i32 to vector<16xi32>
        %eq3A_663 = arith.cmpi eq, %iota3A, %eq3A_662 : vector<16xi32>
        %jit3A_664 = arith.constant 1.000000e+00 : f32
        %broadcast_in_dim3A_665 = vector.broadcast %jit3A_664 : f32 to vector<16xf32>
        %select_n3A_666 = arith.select %eq3A_663, %broadcast_in_dim3A_665, %mul3A_660 : vector<16xi1>, vector<16xf32>
        %swap3A = arith.index_cast %add3A_639 : i32 to index
        %swap3A_667 = arith.constant 0 : index
        %swap3A_668 = tpu.vector_load %arg15[%swap3A, %swap3A_667] {strides = array<i32>} : memref<184x16xf32, #tpu.memory_space<vmem>>, vector<16xf32>,
        tpu.vector_store %arg15[%swap3A, %swap3A_667], %select_n3A_666 {strides = array<i32>} : memref<184x16xf32, #tpu.memory_space<vmem>>, vector<16xf32>,
      }
      %scan3A_634 = arith.constant 184 : i32
      "tpu.region"() ({
        %run_scoped3A = tpu.sem_alloc : memref<!tpu.dma_semaphore, #tpu.memory_space<semaphore_mem>>
        %dma_start3A_635 = arith.constant 0 : i32
        %dma_start3A_636 = tpu.memref_slice %arg8[%add3A_625, %dma_start3A_635] : memref<100096x16xf32, #tpu.memory_space<hbm>> -> memref<184x16xf32, #tpu.memory_space<hbm>>
        %dma_start3A_637 = arith.constant 0 : i32
        %dma_start3A_638 = tpu.memref_slice %arg8[%add3A_625, %dma_start3A_637] : memref<100096x16xf32, #tpu.memory_space<hbm>> -> memref<184x16xf32, #tpu.memory_space<hbm>>
        tpu.enqueue_dma source(%arg15 : memref<184x16xf32, #tpu.memory_space<vmem>>) target(%dma_start3A_638 : memref<184x16xf32, #tpu.memory_space<hbm>>) target_semaphore(%run_scoped3A : memref<!tpu.dma_semaphore, #tpu.memory_space<semaphore_mem>>)
        %dma_wait3A_639 = arith.constant 0 : i32
        %dma_wait3A_640 = tpu.memref_slice %arg8[%add3A_625, %dma_wait3A_639] : memref<100096x16xf32, #tpu.memory_space<hbm>> -> memref<184x16xf32, #tpu.memory_space<hbm>>
        %dma_wait3A_641 = arith.constant 0 : i32
        %dma_wait3A_642 = tpu.memref_slice %arg8[%add3A_625, %dma_wait3A_641] : memref<100096x16xf32, #tpu.memory_space<hbm>> -> memref<184x16xf32, #tpu.memory_space<hbm>>
        tpu.wait_dma2 semaphore(%run_scoped3A : memref<!tpu.dma_semaphore, #tpu.memory_space<semaphore_mem>>) src(%arg15 : memref<184x16xf32, #tpu.memory_space<vmem>>) dst(%dma_wait3A_642 : memref<184x16xf32, #tpu.memory_space<hbm>>)
        tpu.yield
      }) : () -> ()
    }
    %scan3A_608 = arith.constant 17 : i32
    %barrier3A_609 = arith.constant 0 : index
    tpu.barrier barrier_id(%barrier3A_609)
    %eq3A_610 = arith.constant 0 : i32
    %eq3A_611 = arith.cmpi eq, %arg1, %eq3A_610 : i32
    %convert_element_type3A_612 = arith.extui %eq3A_611 : i1 to i32
    %cond3A_613 = arith.constant 0 : i32
    %cond3A_614 = arith.cmpi ne, %convert_element_type3A_612, %cond3A_613 : i32
    scf.if %cond3A_614 {
      %sub3A = arith.constant 1 : i32
      %sub3A_616 = arith.subi %sub3A, %arg0 : i32
      %semaphore_signal3A = arith.constant 1 : i32
      tpu.sem_signal %arg20, %semaphore_signal3A core_id %sub3A_616 : memref<!tpu.semaphore, #tpu.memory_space<semaphore_mem>>
      %semaphore_wait3A = arith.constant 1 : i32
      %semaphore_wait3A_617 = arith.constant true
      tpu.sem_wait %arg20, %semaphore_wait3A : memref<!tpu.semaphore, #tpu.memory_space<semaphore_mem>>
    } else {
    }
    %barrier3A_615 = arith.constant 0 : index
    tpu.barrier barrier_id(%barrier3A_615)
    return
  }
}

</mosaic_0001>

<sc_bundles>
// kernel: kernel.3.cloned.1.call-start
scs
__scs_entry_jumppad:
0x0: {  	(pc) =	sbr.rel $0x88, $3  }
0x1: {  	(tag) =	ssettag $0x0;
	lr =	simm.s32 $0x1  }
0x2: {  	[smem:$0x3F9F] =	sst lr;
	_ =	strace $0xD0000000  }
0x3: {  	_ = 	snop  }
0x4: {  	_ = 	snop  }
0x5: {  	_ = 	snop  }
0x6: {  	_ = 	snop  }
0x7: {  	_ = 	snop  }
__scs_overlays_trampoline_lowered:
0x8: {  	[smem:$0x3FAE] =	sst s0  }
0x9: {  	[smem:$0x3FAF] =	sst s1  }
0xa: {  	[smem:$0x3FB0] =	sst s2  }
0xb: {  	[smem:$0x3FB1] =	sst s3  }
0xc: {  	[smem:$0x3FB2] =	sst s4  }
0xd: {  	[smem:$0x3FB3] =	sst s5  }
0xe: {  	[smem:$0x3FB4] =	sst s6  }
0xf: {  	[smem:$0x3FB5] =	sst s7  }
0x10: {  	[smem:$0x3FB6] =	sst s8  }
0x11: {  	[smem:$0x3FB7] =	sst s9;
	s0 =	simm.s32 @!p0 $0x0  }
0x12: {  	s1 =	sld [smem:$0x3F9D];
	s0 =	simm.s32 @p0 $0x1  }
0x13: {  	[smem:$0x3FB8] =	sst s0;
	s0 =	simm.s32 @!p1 $0x0  }
0x14: {  	s2 =	sld [smem:$0x3F9C];
	s0 =	simm.s32 @p1 $0x1  }
0x15: {  	[smem:$0x3FB9] =	sst s0;
	s0 =	simm.s32 @!p2 $0x0  }
0x16: {  	s3 =	sld [smem:$0x3FDB];
	s0 =	simm.s32 @p2 $0x1  }
0x17: {  	s4 =	simm.s32 $0x1BF5;
	[smem:$0x3FBB] =	sst s0  }
0x18: {  	s0 =	sld [smem:$0x3F9E];
	_ =	swait.ge [sflag:s4], $0x0  }
0x19: {  	s7 =	sld [smem:$0x3F9F]  }
0x1a: {  	s8 =	sadd.s32 $0xFFFFE003, lr  }
0x1b: {  	s9 =	sadd.s32 $0xFFFFFEF7, lr;
	s5 =	simm.s32 $0xFFFFFFFF;
	p2 =	slt.u32 s8, $0xFFFFF086  }
0x1c: {  	p1 =	slt.u32 s9, $0xF7A;
	s5 =	simm.s32 @!p2 $0x0  }
0x1d: {  	s5 =	simm.s32 @p1 $0x1;
	p0 =	seq.s32 s7, s2  }
0x1e: {  	s7 =	smul.u32 @!p0 $0xF7A, s2;
	p2 =	seq.s32 @!p0 s5, $0x0  }
0x1f: {  	s9 =	smul.u32 $0xF7A, s1;
	s8 =	simm.s32 @!p0 $0x1BF5;
	p2 =	por !p2, p0  }
0x20: {  	[sflag:s8] =	ssyncset.s32 @!p0 $0xFFFFF086;
	s6 =	sadd.s32 @!p0 s3, s7;
	s7 =	simm.s32 @!p0 $0x108  }
0x21: {  	s3 =	sadd.s32 s3, s9;
	s6 =	sadd.s32 @!p0 $0x88, s6;
	s7 =	simm.s32 @p2 $0x1082  }
0x22: {  	[simem:s7], [sflag:s8] =	dma.local @!p0 [hbm:s6], $0xF7A  }
0x23: {  	s9 =	sor.u32 $0xD0000000, s2;
	s6 =	simm.s32 $0x108;
	_ =	swait.ge @!p0 [sflag:s8], $0x0  }
0x24: {  	s3 =	sadd.s32 $0x88, s3;
	s6 =	simm.s32 @!p1 $0x1082;
	[sflag:s4] =	ssyncset.s32 $0xFFFFF086  }
0x25: {  	[simem:s6], [sflag:s4] =	dma.local [hbm:s3], $0xF7A  }
0x26: {  	[smem:$0x3F9F] =	sst s1;
	(tag) =	ssettag s2;
	_ =	strace s9  }
0x27: {  	s1 =	sld [smem:$0x3FAF]  }
0x28: {  	s2 =	sld [smem:$0x3FB0]  }
0x29: {  	s4 =	sld [smem:$0x3FB2]  }
0x2a: {  	p0 =	seq.s32 s5, $0x0;
	s5 =	sld [smem:$0x3FB3]  }
0x2b: {  	s6 =	sld [smem:$0x3FB4]  }
0x2c: {  	s7 =	sld [smem:$0x3FB5]  }
0x2d: {  	s3 =	simm.s32 $0x108;
	s8 =	sld [smem:$0x3FB6]  }
0x2e: {  	s3 =	simm.s32 @!p0 $0x1082;
	s9 =	sld [smem:$0x3FB7]  }
0x2f: {  	lr =	sadd.s32 s0, s3;
	s0 =	sld [smem:$0x3FAE]  }
0x30: {  	s3 =	sld [smem:$0x3FB1]  }
0x31: {  	[smem:$0x3FBA] =	sst s10  }
0x32: {  	s10 =	sld [smem:$0x3FB8];
	_ =	sdelay $0x3  }
0x33: {  	p0 =	seq.s32 s10, $0x1;
	s10 =	sld [smem:$0x3FBA];
	_ =	sdelay $0x3  }
0x34: {  	[smem:$0x3FBA] =	sst s10  }
0x35: {  	s10 =	sld [smem:$0x3FB9];
	_ =	sdelay $0x3  }
0x36: {  	p1 =	seq.s32 s10, $0x1;
	s10 =	sld [smem:$0x3FBA];
	_ =	sdelay $0x3  }
0x37: {  	[smem:$0x3FBA] =	sst s10  }
0x38: {  	s10 =	sld [smem:$0x3FBB]  }
0x39: {  	_ = 	snop;
	(pc) =	sbr.ind lr, $3  }
0x3a: {  	_ = 	snop  }
0x3b: {  	_ = 	snop  }
0x3c: {  	p2 =	seq.s32 s10, $0x1;
	s10 =	sld [smem:$0x3FBA]  }
0x3d: {  	_ =	shalt  }
0x3e: {  	_ =	shalt  }
0x3f: {  	_ =	shalt  }
0x40: {  	_ =	shalt  }
0x41: {  	_ =	shalt  }
0x42: {  	_ =	shalt  }
0x43: {  	_ =	shalt  }
0x44: {  	_ =	shalt  }
0x45: {  	_ =	shalt  }
0x46: {  	_ =	shalt  }
0x47: {  	_ =	shalt  }
0x48: {  	_ =	shalt  }
0x49: {  	_ =	shalt  }
0x4a: {  	_ =	shalt  }
0x4b: {  	_ =	shalt  }
0x4c: {  	_ =	shalt  }
0x4d: {  	_ =	shalt  }
0x4e: {  	_ =	shalt  }
0x4f: {  	_ =	shalt  }
0x50: {  	_ =	shalt  }
0x51: {  	_ =	shalt  }
0x52: {  	_ =	shalt  }
0x53: {  	_ =	shalt  }
0x54: {  	_ =	shalt  }
0x55: {  	_ =	shalt  }
0x56: {  	_ =	shalt  }
0x57: {  	_ =	shalt  }
0x58: {  	_ =	shalt  }
0x59: {  	_ =	shalt  }
0x5a: {  	_ =	shalt  }
0x5b: {  	_ =	shalt  }
0x5c: {  	_ =	shalt  }
0x5d: {  	_ =	shalt  }
0x5e: {  	_ =	shalt  }
0x5f: {  	_ =	shalt  }
0x60: {  	_ =	shalt  }
0x61: {  	_ =	shalt  }
0x62: {  	_ =	shalt  }
0x63: {  	_ =	shalt  }
0x64: {  	_ =	shalt  }
0x65: {  	_ =	shalt  }
0x66: {  	_ =	shalt  }
0x67: {  	_ =	shalt  }
0x68: {  	_ =	shalt  }
0x69: {  	_ =	shalt  }
0x6a: {  	_ =	shalt  }
0x6b: {  	_ =	shalt  }
0x6c: {  	_ =	shalt  }
0x6d: {  	_ =	shalt  }
0x6e: {  	_ =	shalt  }
0x6f: {  	_ =	shalt  }
0x70: {  	_ =	shalt  }
0x71: {  	_ =	shalt  }
0x72: {  	_ =	shalt  }
0x73: {  	_ =	shalt  }
0x74: {  	_ =	shalt  }
0x75: {  	_ =	shalt  }
0x76: {  	_ =	shalt  }
0x77: {  	_ =	shalt  }
0x78: {  	_ =	shalt  }
0x79: {  	_ =	shalt  }
0x7a: {  	_ =	shalt  }
0x7b: {  	_ =	shalt  }
0x7c: {  	_ =	shalt  }
0x7d: {  	_ =	shalt  }
0x7e: {  	_ =	shalt  }
0x7f: {  	_ =	shalt  }
0x80: {  	_ =	shalt  }
0x81: {  	_ =	shalt  }
0x82: {  	_ =	shalt  }
0x83: {  	_ =	shalt  }
0x84: {  	_ =	shalt  }
0x85: {  	_ =	shalt  }
0x86: {  	_ =	shalt  }
0x87: {  	_ =	shalt  }
.Lfunc_end0:
.L_simem_size_0:
called_computation_lowered:
.L_overlay_start_0:
0x88: {  	s2 =	sld [smem:$0x3FD9]  }
0x89: {  	s3 =	sld [smem:$0x3FFE];
	_ =	sdelay $0x1  }
0x8a: {  	s1 =	srdreg.scid  }
0x8b: {  	s0 =	sand.u32 $0x1, s1  }
0x8c: {  	s17 =	sshll.u32 s0, $0xA;
	s2 =	sadd.s32 s3, s2  }
0x8d: {  	s2 =	sadd.s32 s2, s17  }
0x8e: {  	[smem:$0x3FC6] =	sst s2  }
0x8f: {  	_ = 	snop  }
0x90: {  	s2 =	sld [smem:$0x3FD0];
	(tm) =	ssettm $0x1  }
0x91: {  	s18 =	sld [smem:$0x3FFB];
	_ =	sdelay $0x3  }
0x92: {  	_ =	strace s18  }
0x93: {  	s3 =	sld [smem:$0x3FFC];
	_ =	sdelay $0x3  }
0x94: {  	_ =	strace s3  }
0x95: {  	s3 =	sld [smem:$0x3FFD];
	_ =	sdelay $0x3  }
0x96: {  	_ =	strace s3  }
0x97: {  	_ =	strace $0x8FFFFFFF  }
0x98: {  	s19 =	sld [smem:$0x3FDB];
	_ =	sdelay $0x1  }
0x99: {  	s4 =	simm.s32 $_scs_section_size  }
0x9a: {  	s5 =	simm.s32 $_size__tile_overlayer_lowered;
	s6 =	simm.s32 $_tile_overlayer_lowered  }
0x9b: {  	s22 =	simm.s32 $0x1BFF;
	s21 =	sshll.u32 s6, $0x1;
	s3 =	sadd.s32 s4, s19  }
0x9c: {  	s7 =	simm.s32 $0x0;
	s20 =	sshll.u32 s5, $0x1;
	s5 =	sadd.s32 s21, s3  }
0x9d: {  	[timem:s7], [sflag:s22] =	dma.local [hbm:s5], s20  }
0x9e: {  	_ =	swait.ge [sflag:s22], s20  }
0x9f: {  	s4 =	ssub.s32 $0x0, s20;
	[sflag:s22] =	ssyncset.done $0x0  }
0xa0: {  	[sflag:s22] =	ssyncadd.s32 s4;
	_ =	sdelay $0x1  }
0xa1: {  	s23 =	simm.s32 $0x1B8B  }
0xa2: {  	_ =	swait.ge [sflag:s23], $0x1  }
0xa3: {  	[sflag:s23] =	ssyncset.done $0x0  }
0xa4: {  	s25 =	simm.s32 $0x1B8E;
	s24 =	sld [smem:$0x3FFE];
	[sflag:s23] =	ssyncadd.s32 $0xFFFFFFFF  }
0xa5: {  	s26 =	simm.s32 $execute0_lowered;
	[smem:$0x3FD2] =	sst s25  }
0xa6: {  	s5 =	sshll.u32 s26, $0x1;
	_ =	strace $0x80000046;
	[dreg:$0x1] =	wrdreg $0xFFFFFFFF  }
0xa7: {  	s28 =	simm.s32 $_size_execute0_lowered;
	s3 =	sadd.s32 s3, s5;
	[dreg:$0x0] =	wrdreg $0x0  }
0xa8: {  	s5 =	sshll.u32 s28, $0x1;
	[dreg:$0x2] =	wrdreg s3  }
0xa9: {  	[dreg:$0x3] =	wrdreg s5  }
0xaa: {  	[dreg:$0x4] =	wrdreg $0xC0  }
0xab: {  	_ =	task [dreg:s7], $0x5FFFF  }
0xac: {  	[dreg:$0x1] =	wrdreg $0xFFFFFFFF  }
0xad: {  	[dreg:$0x0] =	wrdreg $0x60  }
0xae: {  	[dreg:$0x2] =	wrdreg s24  }
0xaf: {  	[dreg:$0x3] =	wrdreg s2  }
0xb0: {  	[dreg:$0x4] =	wrdreg $0x66000  }
0xb1: {  	[dreg:$0x5] =	wrdreg $0x9  }
0xb2: {  	_ =	task.clear_ibuf [dreg:s7], $0x6FFFF;
	_ =	strace $0x90000046  }
0xb3: {  	s29 =	simm.s32 $0x9;
	_ =	strace $0x80000048  }
0xb4: {  	_ =	swait.ge [sflag:s29], $0x1  }
0xb5: {  	[sflag:s29] =	ssyncadd.s32 $0xFFFFFFFF  }
0xb6: {  	_ =	strace $0x90000048  }
0xb7: {  	_ =	sfence  }
0xb8: {  	s30 =	sld [smem:$0x0];
	_ =	sdelay $0x2  }
0xb9: {  	s31 =	sshll.u32 s1, $0xD;
	s1 =	sshrl.u32 s1, $0x2  }
0xba: {  	s3 =	sand.u32 $0x4000, s31;
	s1 =	sadd.s32 s1, s30  }
0xbb: {  	s0 =	sor.u32 s3, s0;
	s1 =	sshll.u32 s1, $0x11  }
0xbc: {  	s0 =	sor.u32 s1, s0  }
0xbd: {  	s0 =	sadd.s32 $0x8F2B, s0  }
0xbe: {  	[sflag:s0] =	ssyncadd.remote.s32 $0x1  }
0xbf: {  	_ =	sfence.sel $0xFFFF  }
0xc0: {  	[dreg:$0x0] =	wrdreg $0xFFFFFFFF;
	(pc) =	sbr.abs _section_cstart, $3  }
0xc1: {  	[dreg:$0x1] =	wrdreg $0xFFFFFFFF  }
0xc2: {  	_ =	task.clear_ibuf [dreg:s7], $0x2FFFF;
	_ =	strace $0x9FFFFFFF  }
0xc3: {  	(tm) =	ssettm $0x7FFFFFFF  }
tec
execute0_lowered:
.L_overlay_start_1:
0x0: {  	(tag) =	ssettag $0x1  }
0x1: {  	s0 =	rddreg [dreg:$0x0]  }
0x2: {  	s16 =	rddreg [dreg:$0x1]  }
0x3: {  	s2 =	rddreg [dreg:$0x2];
	s3 =	simm.s32 $0x0;
	s1 =	srdreg.scid  }
0x4: {  	s10 =	stileid.u32;
	s28 =	simm.s32 $0x3C0;
	s29 =	simm.s32 $0x140  }
0x5: {  	s30 =	simm.s32 $0x500;
	s31 =	simm.s32 $0x1;
	[smem:$0x7FF] =	sst s3  }
0x6: {  	s4 =	sadd.s32 $0x20E00, s0;
	s7 =	sand.u32 $0x1, s1;
	s5 =	sadd.s32 $0x115200, s0  }
0x7: {  	s6 =	sadd.s32 $0x51C00, s0;
	s9 =	sadd.s32 $0x1D8800, s0;
	s15 =	smul.u32 $0x61C00, s10  }
0x8: {  	s20 =	smul.u32 $0x30E0, s10;
	s22 =	sshll.u32 s10, $0x6;
	s18 =	sand.u32 $0x2, s1  }
0x9: {  	p0 =	sne.s32 s10, $0x0;
	_ =	strace $0x80000047;
	s8 =	sshll.u32 s7, $0x4  }
0xa: {  	[dreg:$0x4] =	wrdreg s9;
	s9 =	sadd.s32 $0x23D600, s0;
	s25 =	smul.u32 $0x30E00, s7  }
0xb: {  	s12 =	ssub.s32 $0x2, s7;
	s19 =	sor.u32 $0x1C05, s22;
	s17 =	smul.u32 $0x30D400, s7  }
0xc: {  	s11 =	sor.u32 s10, s8;
	s8 =	sadd.s32 $0x20C800, s0;
	s14 =	sshrl.u32 s12, $0x1  }
0xd: {  	s0 =	sadd.s32 $0x1DBA00, s0;
	s21 =	sshrl.u32 s15, $0x2;
	[dreg:$0x7] =	wrdreg s19  }
0xe: {  	s13 =	smul.u32 $0x30D40, s11;
	[dreg:$0x5] =	wrdreg s0;
	s0 =	ssub.s32 s12, s14  }
0xf: {  	s14 =	sadd.s32 s21, s2;
	s12 =	sadd.s32 s20, s25;
	s20 =	smul.u32 $0x30D40, s10  }
0x10: {  	s21 =	ssub.s32 s18, s7;
	s7 =	sxor.u32 $0x1, s7;
	s10 =	simm.s32 $0x0  }
0x11: {  	[dreg:$0x6] =	wrdreg s14;
	s12 =	sadd.s32 s16, s12;
	s16 =	sshrl.u32 s1, $0x2  }
0x12: {  	s22 =	smul.u32 $0x18700, s7;
	s0 =	smax.u32 s0, $0x1;
	[dreg:$0xc] =	wrdreg s12  }
0x13: {  	s7 =	simm.s32 $0x2;
	s14 =	simm.s32 $0x3;
	[dreg:$0x11] =	wrdreg s0  }
0x14: {  	s13 =	sshrl.u32 s13, $0x3;
	s20 =	sadd.s32 s20, s17;
	[dreg:$0xd] =	wrdreg s16  }
0x15: {  	s17 =	simm.s32 $0x5A80;
	s23 =	sadd.s32 s5, s13;
	[dreg:$0xe] =	wrdreg s22  }
0x16: {  	s24 =	sadd.s32 s6, s13;
	s13 =	sadd.s32 $0x28, s13;
	[dreg:$0x8] =	wrdreg s23  }
0x17: {  	s25 =	sadd.s32 $0x280, s20;
	[dreg:$0x9] =	wrdreg s24;
	s26 =	sadd.s32 s5, s13  }
0x18: {  	s13 =	sadd.s32 s6, s13;
	s23 =	sadd.s32 $0x5, s21;
	[dreg:$0xa] =	wrdreg s26  }
0x19: {  	s24 =	smul.u32 $0xC38, s11;
	s11 =	simm.s32 $0x280;
	[dreg:$0xb] =	wrdreg s13  }
0x1a: {  	s21 =	simm.s32 $0x640;
	[dreg:$0xf] =	wrdreg s23;
	s26 =	sshrl.u32 s25, $0x3  }
0x1b: {  	s23 =	simm.s32 $0x1B80;
	[dreg:$0x10] =	wrdreg s24;
	s1 =	sadd.s32 s26, s6  }
0x1c: {  	s13 =	simm.s32 $0x2F80;
	s0 =	sadd.s32 s26, s5;
	[dreg:$0x12] =	wrdreg s1  }
0x1d: {  	vm0 =	vmmov $0x7fff;
	v0 =	vlaneseq.u32;
	s26 =	simm.s32 $0x5;
	[dreg:$0x13] =	wrdreg s0;
	s0 =	simm.s32 $0x780  }
.LBB2_1:
0x1e: {  	[dreg:$0x14] =	wrdreg s10  }
0x1f: {  	s1 =	rddreg [dreg:$0x6]  }
0x20: {  	s10 =	rddreg [dreg:$0x4];
	s22 =	sshrl.u32 s1, $0x3  }
0x21: {  	[spmem:s22], [sflag:s19] =	dma.local [hbm:s10], $0x30E0  }
0x22: {  	_ =	swait.ge [sflag:s26], $0x30E0  }
0x23: {  	[sflag:s26] =	ssyncset.done $0x0  }
0x24: {  	[sflag:s26] =	ssyncadd.s32 $0xFFFFCF20  }
0x25: {  	[bflag:$0x0] =	sbarrier.arrive $0xFFFF  }
0x26: {  	s12 =	rddreg [dreg:$0x8]  }
0x27: {  	[tilespmem:s3], [sflag:$0x1] =	stream.linear.gather [hbm4b:s12+s3], $0x140, $0x38;
	[tilespmem:$0x1ED00] =	vst v63  }
0x28: {  	s15 =	rddreg [dreg:$0x9]  }
0x29: {  	[tilespmem:s28], [sflag:$0x1] =	stream.linear.gather [hbm4b:s15+s3], $0x140, $0x38;
	[tilespmem:$0x1ED00] =	vst v63  }
0x2a: {  	s18 =	rddreg [dreg:$0xa]  }
0x2b: {  	[tilespmem:s29], [sflag:$0x1] =	stream.linear.gather [hbm4b:s18+s3], $0x140, $0x38;
	[tilespmem:$0x1ED00] =	vst v63  }
0x2c: {  	s24 =	rddreg [dreg:$0xb]  }
0x2d: {  	[tilespmem:s30], [sflag:$0x1] =	stream.linear.gather [hbm4b:s24+s3], $0x140, $0x38;
	[tilespmem:$0x1ED00] =	vst v63  }
0x2e: {  	_ =	swait.ge [sflag:s31], $0x140  }
0x2f: {  	[sflag:s31] =	ssyncset.done $0x0  }
0x30: {  	[sflag:s31] =	ssyncadd.s32 $0xFFFFFEC0  }
0x31: {  	_ =	swait.ge [sflag:s31], $0x140  }
0x32: {  	p1 =	por $0x1, $0x1;
	[sflag:s31] =	ssyncset.done $0x0  }
0x33: {  	s1 =	simm.s32 @!p1 $0x3;
	[sflag:s31] =	ssyncadd.s32 $0xFFFFFEC0  }
0x34: {  	[tilespmem:s0], [sflag:$0x2] =	stream.indirect.gather [hbm4b:s4+s29], $0x10, s3, s29, $0xb8;
	[tilespmem:$0x1ED00] =	vst v63  }
0x35: {  	_ =	swait.ge @!p1 [sflag:s1], $0x1400  }
0x36: {  	[sflag:s1] =	ssyncset.done @!p1 $0x0  }
0x37: {  	s18 =	rddreg [dreg:$0x13];
	[sflag:s1] =	ssyncadd.s32 @!p1 $0xFFFFEC00  }
0x38: {  	[tilespmem:s11], [sflag:$0x1] =	stream.linear.gather [hbm4b:s18+s3], $0x140, $0x38;
	[tilespmem:$0x1ED00] =	vst v63  }
0x39: {  	s15 =	rddreg [dreg:$0x12]  }
0x3a: {  	[tilespmem:s21], [sflag:$0x1] =	stream.linear.gather [hbm4b:s15+s3], $0x140, $0x38;
	[tilespmem:$0x1ED00] =	vst v63  }
0x3b: {  	_ =	swait.ge [sflag:s31], $0x140  }
0x3c: {  	[sflag:s31] =	ssyncset.done $0x0  }
0x3d: {  	[sflag:s31] =	ssyncadd.s32 $0xFFFFFEC0  }
0x3e: {  	_ =	swait.ge [sflag:s31], $0x140  }
0x3f: {  	[sflag:s31] =	ssyncset.done $0x0  }
0x40: {  	[sflag:s31] =	ssyncadd.s32 $0xFFFFFEC0  }
0x41: {  	[tilespmem:s23], [sflag:$0x2] =	stream.indirect.gather [hbm4b:s4+s29], $0x10, s29, s29, $0xb8;
	[tilespmem:$0x1ED00] =	vst v63  }
0x42: {  	_ =	swait.ge [sflag:s7], $0x1400  }
0x43: {  	[sflag:s7] =	ssyncset.done $0x0  }
0x44: {  	s10 =	sadd.s32 $0x0, s20;
	[sflag:s7] =	ssyncadd.s32 $0xFFFFEC00  }
0x45: {  	[spmem:s2] =	stream.indirect.scatter.add.f32 [tilespmem:s0], [sflag:$0x3], $0x10, s28, s29, $0xb8;
	[tilespmem:$0x1ED00] =	vst v63  }
0x46: {  	s12 =	sadd.s32 $0x3C0, s10;
	_ =	swait.ge @!p1 [sflag:s1], $0x1400  }
0x47: {  	s12 =	sshrl.u32 s12, $0x3;
	[sflag:s1] =	ssyncset.done @!p1 $0x0  }
0x48: {  	s25 =	sadd.s32 s5, s12;
	[sflag:s1] =	ssyncadd.s32 @!p1 $0xFFFFEC00  }
0x49: {  	[tilespmem:s3], [sflag:$0x1] =	stream.linear.gather [hbm4b:s25+s3], $0x140, $0x38;
	[tilespmem:$0x1ED00] =	vst v63  }
0x4a: {  	s24 =	sadd.s32 s6, s12  }
0x4b: {  	[tilespmem:s28], [sflag:$0x1] =	stream.linear.gather [hbm4b:s24+s3], $0x140, $0x38;
	[tilespmem:$0x1ED00] =	vst v63  }
0x4c: {  	_ =	swait.ge [sflag:s31], $0x140  }
0x4d: {  	[sflag:s31] =	ssyncset.done $0x0  }
0x4e: {  	[sflag:s31] =	ssyncadd.s32 $0xFFFFFEC0  }
0x4f: {  	_ =	swait.ge [sflag:s31], $0x140  }
0x50: {  	[sflag:s31] =	ssyncset.done $0x0  }
0x51: {  	[sflag:s31] =	ssyncadd.s32 $0xFFFFFEC0  }
0x52: {  	[tilespmem:s13], [sflag:$0x2] =	stream.indirect.gather [hbm4b:s4+s29], $0x10, s11, s29, $0xb8;
	[tilespmem:$0x1ED00] =	vst v63  }
0x53: {  	_ =	swait.ge [sflag:s7], $0x1400  }
0x54: {  	s1 =	sadd.s32 $0x500, s10;
	[sflag:s7] =	ssyncset.done $0x0  }
0x55: {  	p1 =	slt.s32 s1, $0x61A6C0;
	[sflag:s7] =	ssyncadd.s32 $0xFFFFEC00  }
0x56: {  	[spmem:s2] =	stream.indirect.scatter.add.f32 [tilespmem:s23], [sflag:$0x3], $0x10, s30, s29, $0xb8;
	[tilespmem:$0x1ED00] =	vst v63  }
0x57: {  	s1 =	simm.s32 @!p1 $0x61A6C0;
	_ =	swait.ge [sflag:s14], $0x1400  }
0x58: {  	s1 =	sshrl.u32 s1, $0x3;
	[sflag:s14] =	ssyncset.done $0x0  }
0x59: {  	s25 =	sadd.s32 s5, s1;
	[sflag:s14] =	ssyncadd.s32 $0xFFFFEC00  }
0x5a: {  	[tilespmem:s29], [sflag:$0x1] =	stream.linear.gather [hbm4b:s25+s3], $0x140, $0x38;
	[tilespmem:$0x1ED00] =	vst v63  }
0x5b: {  	s1 =	sadd.s32 s6, s1  }
0x5c: {  	[tilespmem:s30], [sflag:$0x1] =	stream.linear.gather [hbm4b:s1+s3], $0x140, $0x38;
	[tilespmem:$0x1ED00] =	vst v63  }
0x5d: {  	_ =	swait.ge [sflag:s31], $0x140  }
0x5e: {  	[sflag:s31] =	ssyncset.done $0x0  }
0x5f: {  	[sflag:s31] =	ssyncadd.s32 $0xFFFFFEC0  }
0x60: {  	_ =	swait.ge [sflag:s31], $0x140  }
0x61: {  	[sflag:s31] =	ssyncset.done $0x0  }
0x62: {  	p2 =	por $0x0, $0x0;
	[sflag:s31] =	ssyncadd.s32 $0xFFFFFEC0  }
0x63: {  	[tilespmem:s0], [sflag:$0x2] =	stream.indirect.gather [hbm4b:s4+s29], $0x10, s3, s29, $0xb8;
	[tilespmem:$0x1ED00] =	vst v63  }
0x64: {  	s12 =	simm.s32 $0x3C0;
	s18 =	sadd.s32 $0x78, s18;
	_ =	swait.ge [sflag:s7], $0x1400  }
0x65: {  	s24 =	sadd.s32 $0x78, s15;
	s25 =	simm.s32 $0x780;
	[sflag:s7] =	ssyncset.done $0x0  }
.LBB2_2:
0x66: {  	s1 =	simm.s32 @!p2 $0x3  }
0x67: {  	[sflag:s7] =	ssyncadd.s32 $0xFFFFEC00;
	s10 =	smov.u32 s25;
	s25 =	sadd.s32 $0x3C0, s25  }
0x68: {  	[spmem:s2] =	stream.indirect.scatter.add.f32 [tilespmem:s13], [sflag:$0x3], $0x10, s21, s29, $0xb8;
	[tilespmem:$0x1ED00] =	vst v63  }
0x69: {  	p1 =	sne.s32 s25, $0x30C00;
	_ =	swait.ge @!p2 [sflag:s1], $0x1400  }
0x6a: {  	[sflag:s1] =	ssyncset.done @!p2 $0x0  }
0x6b: {  	[sflag:s1] =	ssyncadd.s32 @!p2 $0xFFFFEC00  }
0x6c: {  	[tilespmem:s11], [sflag:$0x1] =	stream.linear.gather [hbm4b:s18+s3], $0x140, $0x38;
	[tilespmem:$0x1ED00] =	vst v63  }
0x6d: {  	_ = 	snop  }
0x6e: {  	[tilespmem:s21], [sflag:$0x1] =	stream.linear.gather [hbm4b:s24+s3], $0x140, $0x38;
	[tilespmem:$0x1ED00] =	vst v63  }
0x6f: {  	_ =	swait.ge [sflag:s31], $0x140  }
0x70: {  	[sflag:s31] =	ssyncset.done $0x0  }
0x71: {  	[sflag:s31] =	ssyncadd.s32 $0xFFFFFEC0  }
0x72: {  	_ =	swait.ge [sflag:s31], $0x140  }
0x73: {  	[sflag:s31] =	ssyncset.done $0x0  }
0x74: {  	[sflag:s31] =	ssyncadd.s32 $0xFFFFFEC0  }
0x75: {  	[tilespmem:s23], [sflag:$0x2] =	stream.indirect.gather [hbm4b:s4+s29], $0x10, s29, s29, $0xb8;
	[tilespmem:$0x1ED00] =	vst v63  }
0x76: {  	_ =	swait.ge [sflag:s7], $0x1400  }
0x77: {  	[sflag:s7] =	ssyncset.done $0x0  }
0x78: {  	s15 =	sadd.s32 s12, s20;
	s12 =	smov.u32 s10;
	[sflag:s7] =	ssyncadd.s32 $0xFFFFEC00  }
0x79: {  	[spmem:s2] =	stream.indirect.scatter.add.f32 [tilespmem:s0], [sflag:$0x3], $0x10, s28, s29, $0xb8;
	[tilespmem:$0x1ED00] =	vst v63  }
0x7a: {  	s10 =	sadd.s32 $0x3C0, s15;
	s15 =	sadd.s32 $0x500, s15;
	_ =	swait.ge @!p2 [sflag:s1], $0x1400  }
0x7b: {  	s10 =	sshrl.u32 s10, $0x3;
	p3 =	slt.s32 s15, $0x61A6C0;
	[sflag:s1] =	ssyncset.done @!p2 $0x0  }
0x7c: {  	s15 =	simm.s32 @!p3 $0x61A6C0;
	[sflag:s1] =	ssyncadd.s32 @!p2 $0xFFFFEC00;
	s1 =	sadd.s32 s5, s10  }
0x7d: {  	[tilespmem:s3], [sflag:$0x1] =	stream.linear.gather [hbm4b:s1+s3], $0x140, $0x38;
	[tilespmem:$0x1ED00] =	vst v63  }
0x7e: {  	s1 =	sadd.s32 s6, s10;
	s10 =	sshrl.u32 s15, $0x3  }
0x7f: {  	[tilespmem:s28], [sflag:$0x1] =	stream.linear.gather [hbm4b:s1+s3], $0x140, $0x38;
	[tilespmem:$0x1ED00] =	vst v63  }
0x80: {  	_ =	swait.ge [sflag:s31], $0x140  }
0x81: {  	[sflag:s31] =	ssyncset.done $0x0  }
0x82: {  	[sflag:s31] =	ssyncadd.s32 $0xFFFFFEC0  }
0x83: {  	_ =	swait.ge [sflag:s31], $0x140  }
0x84: {  	[sflag:s31] =	ssyncset.done $0x0  }
0x85: {  	[sflag:s31] =	ssyncadd.s32 $0xFFFFFEC0  }
0x86: {  	[tilespmem:s13], [sflag:$0x2] =	stream.indirect.gather [hbm4b:s4+s29], $0x10, s11, s29, $0xb8;
	[tilespmem:$0x1ED00] =	vst v63  }
0x87: {  	_ =	swait.ge [sflag:s7], $0x1400  }
0x88: {  	[sflag:s7] =	ssyncset.done $0x0  }
0x89: {  	[sflag:s7] =	ssyncadd.s32 $0xFFFFEC00  }
0x8a: {  	[spmem:s2] =	stream.indirect.scatter.add.f32 [tilespmem:s23], [sflag:$0x3], $0x10, s30, s29, $0xb8;
	[tilespmem:$0x1ED00] =	vst v63  }
0x8b: {  	_ =	swait.ge [sflag:s14], $0x1400  }
0x8c: {  	[sflag:s14] =	ssyncset.done $0x0  }
0x8d: {  	s1 =	sadd.s32 s5, s10;
	[sflag:s14] =	ssyncadd.s32 $0xFFFFEC00  }
0x8e: {  	[tilespmem:s29], [sflag:$0x1] =	stream.linear.gather [hbm4b:s1+s3], $0x140, $0x38;
	[tilespmem:$0x1ED00] =	vst v63  }
0x8f: {  	s1 =	sadd.s32 s6, s10  }
0x90: {  	[tilespmem:s30], [sflag:$0x1] =	stream.linear.gather [hbm4b:s1+s3], $0x140, $0x38;
	[tilespmem:$0x1ED00] =	vst v63  }
0x91: {  	_ =	swait.ge [sflag:s31], $0x140  }
0x92: {  	[sflag:s31] =	ssyncset.done $0x0  }
0x93: {  	[sflag:s31] =	ssyncadd.s32 $0xFFFFFEC0  }
0x94: {  	_ =	swait.ge [sflag:s31], $0x140  }
.Ltmp0:
0x95: {  	[sflag:s31] =	ssyncset.done $0x0;
	(pc) =	sbr.rel @p1 .LBB2_2-.Ltmp0, $4  }
0x96: {  	[sflag:s31] =	ssyncadd.s32 $0xFFFFFEC0  }
0x97: {  	[tilespmem:s0], [sflag:$0x2] =	stream.indirect.gather [hbm4b:s4+s29], $0x10, s3, s29, $0xb8;
	[tilespmem:$0x1ED00] =	vst v63  }
0x98: {  	s18 =	sadd.s32 $0x78, s18;
	_ =	swait.ge [sflag:s7], $0x1400  }
0x99: {  	s24 =	sadd.s32 $0x78, s24;
	p2 =	seq.s32 s12, $0x0;
	[sflag:s7] =	ssyncset.done $0x0  }
0x9a: {  	s1 =	simm.s32 @!p2 $0x3;
	[sflag:s7] =	ssyncadd.s32 $0xFFFFEC00  }
0x9b: {  	[spmem:s2] =	stream.indirect.scatter.add.f32 [tilespmem:s13], [sflag:$0x3], $0x10, s21, s29, $0xb8;
	[tilespmem:$0x1ED00] =	vst v63  }
0x9c: {  	_ =	swait.ge @!p2 [sflag:s1], $0x1400  }
0x9d: {  	[sflag:s1] =	ssyncset.done @!p2 $0x0  }
0x9e: {  	[sflag:s1] =	ssyncadd.s32 @!p2 $0xFFFFEC00  }
0x9f: {  	[tilespmem:s11], [sflag:$0x1] =	stream.linear.gather [hbm4b:s18+s3], $0x140, $0x38;
	[tilespmem:$0x1ED00] =	vst v63  }
0xa0: {  	_ = 	snop  }
0xa1: {  	[tilespmem:s21], [sflag:$0x1] =	stream.linear.gather [hbm4b:s24+s3], $0x140, $0x38;
	[tilespmem:$0x1ED00] =	vst v63  }
0xa2: {  	_ =	swait.ge [sflag:s31], $0x140  }
0xa3: {  	[sflag:s31] =	ssyncset.done $0x0  }
0xa4: {  	[sflag:s31] =	ssyncadd.s32 $0xFFFFFEC0  }
0xa5: {  	_ =	swait.ge [sflag:s31], $0x140  }
0xa6: {  	[sflag:s31] =	ssyncset.done $0x0  }
0xa7: {  	[sflag:s31] =	ssyncadd.s32 $0xFFFFFEC0  }
0xa8: {  	[tilespmem:s23], [sflag:$0x2] =	stream.indirect.gather [hbm4b:s4+s29], $0x10, s29, s29, $0xb8;
	[tilespmem:$0x1ED00] =	vst v63  }
0xa9: {  	_ =	swait.ge [sflag:s7], $0x1400  }
0xaa: {  	[sflag:s7] =	ssyncset.done $0x0  }
0xab: {  	s10 =	sadd.s32 s12, s20;
	[sflag:s7] =	ssyncadd.s32 $0xFFFFEC00  }
0xac: {  	[spmem:s2] =	stream.indirect.scatter.add.f32 [tilespmem:s0], [sflag:$0x3], $0x10, s28, s29, $0xb8;
	[tilespmem:$0x1ED00] =	vst v63  }
0xad: {  	s12 =	sadd.s32 $0x3C0, s10;
	_ =	swait.ge @!p2 [sflag:s1], $0x1400  }
0xae: {  	s12 =	sshrl.u32 s12, $0x3;
	[sflag:s1] =	ssyncset.done @!p2 $0x0  }
0xaf: {  	s15 =	sadd.s32 s5, s12;
	[sflag:s1] =	ssyncadd.s32 @!p2 $0xFFFFEC00  }
0xb0: {  	[tilespmem:s3], [sflag:$0x1] =	stream.linear.gather [hbm4b:s15+s3], $0x140, $0x38;
	[tilespmem:$0x1ED00] =	vst v63  }
0xb1: {  	s18 =	sadd.s32 s6, s12  }
0xb2: {  	[tilespmem:s28], [sflag:$0x1] =	stream.linear.gather [hbm4b:s18+s3], $0x140, $0x38;
	[tilespmem:$0x1ED00] =	vst v63  }
0xb3: {  	_ =	swait.ge [sflag:s31], $0x140  }
0xb4: {  	[sflag:s31] =	ssyncset.done $0x0  }
0xb5: {  	[sflag:s31] =	ssyncadd.s32 $0xFFFFFEC0  }
0xb6: {  	_ =	swait.ge [sflag:s31], $0x140  }
0xb7: {  	[sflag:s31] =	ssyncset.done $0x0  }
0xb8: {  	[sflag:s31] =	ssyncadd.s32 $0xFFFFFEC0  }
0xb9: {  	[tilespmem:s13], [sflag:$0x2] =	stream.indirect.gather [hbm4b:s4+s29], $0x10, s11, s29, $0xb8;
	[tilespmem:$0x1ED00] =	vst v63  }
0xba: {  	_ =	swait.ge [sflag:s7], $0x1400  }
0xbb: {  	s1 =	sadd.s32 $0x500, s10;
	[sflag:s7] =	ssyncset.done $0x0  }
0xbc: {  	p1 =	slt.s32 s1, $0x61A6C0;
	[sflag:s7] =	ssyncadd.s32 $0xFFFFEC00  }
0xbd: {  	[spmem:s2] =	stream.indirect.scatter.add.f32 [tilespmem:s23], [sflag:$0x3], $0x10, s30, s29, $0xb8;
	[tilespmem:$0x1ED00] =	vst v63  }
0xbe: {  	s1 =	simm.s32 @!p1 $0x61A6C0;
	_ =	swait.ge [sflag:s14], $0x1400  }
0xbf: {  	s1 =	sshrl.u32 s1, $0x3;
	[sflag:s14] =	ssyncset.done $0x0  }
0xc0: {  	s24 =	sadd.s32 s5, s1;
	[sflag:s14] =	ssyncadd.s32 $0xFFFFEC00  }
0xc1: {  	[tilespmem:s29], [sflag:$0x1] =	stream.linear.gather [hbm4b:s24+s3], $0x140, $0x38;
	[tilespmem:$0x1ED00] =	vst v63  }
0xc2: {  	s1 =	sadd.s32 s6, s1  }
0xc3: {  	[tilespmem:s30], [sflag:$0x1] =	stream.linear.gather [hbm4b:s1+s3], $0x140, $0x38;
	[tilespmem:$0x1ED00] =	vst v63  }
0xc4: {  	_ =	swait.ge [sflag:s31], $0x140  }
0xc5: {  	[sflag:s31] =	ssyncset.done $0x0  }
0xc6: {  	[sflag:s31] =	ssyncadd.s32 $0xFFFFFEC0  }
0xc7: {  	_ =	swait.ge [sflag:s31], $0x140  }
0xc8: {  	[sflag:s31] =	ssyncset.done $0x0  }
0xc9: {  	[sflag:s31] =	ssyncadd.s32 $0xFFFFFEC0  }
0xca: {  	[tilespmem:s0], [sflag:$0x2] =	stream.indirect.gather [hbm4b:s4+s29], $0x10, s3, s29, $0xb8;
	[tilespmem:$0x1ED00] =	vst v63  }
0xcb: {  	_ =	swait.ge [sflag:s7], $0x1400  }
0xcc: {  	[sflag:s7] =	ssyncset.done $0x0  }
0xcd: {  	[sflag:s7] =	ssyncadd.s32 $0xFFFFEC00  }
0xce: {  	[spmem:s2] =	stream.indirect.scatter.add.f32 [tilespmem:s13], [sflag:$0x3], $0x10, s21, s29, $0xb8;
	[tilespmem:$0x1ED00] =	vst v63  }
0xcf: {  	_ =	swait.ge [sflag:s7], $0x1400  }
0xd0: {  	[sflag:s7] =	ssyncset.done $0x0  }
0xd1: {  	[sflag:s7] =	ssyncadd.s32 $0xFFFFEC00  }
0xd2: {  	[spmem:s2] =	stream.indirect.scatter.add.f32 [tilespmem:s0], [sflag:$0x3], $0x10, s28, s29, $0xb8;
	[tilespmem:$0x1ED00] =	vst v63  }
0xd3: {  	_ =	swait.ge [sflag:s14], $0x1400  }
0xd4: {  	[sflag:s14] =	ssyncset.done $0x0  }
0xd5: {  	[sflag:s14] =	ssyncadd.s32 $0xFFFFEC00  }
0xd6: {  	_ =	swait.ge [sflag:s14], $0x1400  }
0xd7: {  	[sflag:s14] =	ssyncset.done $0x0  }
0xd8: {  	[sflag:s14] =	ssyncadd.s32 $0xFFFFEC00  }
0xd9: {  	_ =	swait.ge [sflag:s14], $0x1400  }
0xda: {  	[sflag:s14] =	ssyncset.done $0x0  }
0xdb: {  	[sflag:s14] =	ssyncadd.s32 $0xFFFFEC00  }
0xdc: {  	_ =	swait.ge [sflag:s31], $0x140  }
0xdd: {  	[sflag:s31] =	ssyncset.done $0x0  }
0xde: {  	[sflag:s31] =	ssyncadd.s32 $0xFFFFFEC0  }
0xdf: {  	_ =	swait.ge [sflag:s31], $0x140  }
0xe0: {  	[sflag:s31] =	ssyncset.done $0x0  }
0xe1: {  	[sflag:s31] =	ssyncadd.s32 $0xFFFFFEC0  }
0xe2: {  	[bflag:$0x0] =	sbarrier.arrive $0xFFFF  }
0xe3: {  	s25 =	rddreg [dreg:$0xc]  }
0xe4: {  	[dreg:$0x15] =	wrdreg s22  }
0xe5: {  	[hbm:s25], [sflag:s19] =	dma.local [spmem:s22], $0x30E0  }
0xe6: {  	_ =	swait.ge [sflag:s26], $0x30E0  }
0xe7: {  	[sflag:s26] =	ssyncset.done $0x0  }
0xe8: {  	[sflag:s26] =	ssyncadd.s32 $0xFFFFCF20  }
0xe9: {  	s1 =	simm.s32 @!p0 $0x100000;
	[bflag:$0x0] =	sbarrier.arrive $0xFFFF  }
0xea: {  	[smem:s1], [sflag:$0x0] =	smem.add.s32 @!p0 $0x0;
	s1 =	simm.s32 @!p0 $0x0  }
0xeb: {  	_ =	swait.done @!p0 [sflag:s1]  }
0xec: {  	s10 =	ssyncread @!p0 [sflag:$0x0];
	_ =	sdelay $0x2  }
0xed: {  	s12 =	rddreg [dreg:$0xf];
	s10 =	sadd.s32 @!p0 s16, s10  }
0xee: {  	s12 =	sshll.u32 @!p0 s12, $0xE;
	s10 =	sshll.u32 @!p0 s10, $0x11  }
0xef: {  	[sflag:s1] =	ssyncset.s32 @!p0 $0x0;
	s10 =	sor.u32 @!p0 s10, s12  }
0xf0: {  	[sflag:s1] =	ssyncset.done @!p0 $0x0;
	s1 =	sor.u32 @!p0 $0x1C04, s10  }
0xf1: {  	[dreg:$0x16] =	wrdreg s12;
	[sflag:s1] =	ssyncadd.remote.s32 @!p0 $0x1;
	s1 =	simm.s32 @!p0 $0x4  }
0xf2: {  	_ =	swait.ge @!p0 [sflag:s1], $0x1  }
0xf3: {  	[sflag:s1] =	ssyncset.done @!p0 $0x0  }
0xf4: {  	[sflag:s1] =	ssyncadd.s32 @!p0 $0xFFFFFFFF  }
0xf5: {  	s25 =	simm.s32 $0x0;
	s12 =	simm.s32 $0x0;
	[bflag:$0x0] =	sbarrier.arrive $0xFFFF  }
.LBB2_4:
0xf6: {  	s1 =	smul.u32 $0xB8, s12  }
0xf7: {  	s10 =	rddreg [dreg:$0x10]  }
0xf8: {  	s16 =	rddreg [dreg:$0xe];
	s1 =	sadd.s32 s10, s1  }
0xf9: {  	s10 =	sadd.s32 s16, s1  }
0xfa: {  	s10 =	sshll.u32 s10, $0x1  }
0xfb: {  	s15 =	rddreg [dreg:$0x1];
	s10 =	sand.u32 $0x1FFFFFF0, s10  }
0xfc: {  	s18 =	simm.s32 $0x4380;
	s10 =	sadd.s32 s15, s10  }
0xfd: {  	[tilespmem:s18], [sflag:$0x5] =	stream.linear.gather [hbm4b:s10+s25], $0xB80, $0x38;
	[tilespmem:$0x1ED00] =	vst v63  }
0xfe: {  	s19 =	sshll.u32 s1, $0x4;
	_ =	swait.ge [sflag:s26], $0xB80  }
0xff: {  	s10 =	sand.u32 $0x3FFFFFF0, s19;
	[sflag:s26] =	ssyncset.done $0x0  }
0x100: {  	s22 =	simm.s32 $0x4F00;
	s10 =	sadd.s32 s10, s2;
	[sflag:s26] =	ssyncadd.s32 $0xFFFFF480  }
0x101: {  	[tilespmem:s22], [sflag:$0x5] =	stream.linear.gather [spmem:s10], $0xB80, $0x38;
	[tilespmem:$0x1ED00] =	vst v63  }
0x102: {  	_ =	swait.ge [sflag:s26], $0xB80  }
0x103: {  	s18 =	sshll.u32 s1, $0x1;
	[sflag:s26] =	ssyncset.done $0x0  }
0x104: {  	s1 =	sadd.s32 s4, s18;
	[sflag:s26] =	ssyncadd.s32 $0xFFFFF480  }
0x105: {  	[tilespmem:s17], [sflag:$0x5] =	stream.linear.gather [hbm4b:s1+s25], $0xB80, $0x38;
	[tilespmem:$0x1ED00] =	vst v63  }
0x106: {  	_ =	swait.ge [sflag:s26], $0xB80  }
0x107: {  	[sflag:s26] =	ssyncset.done $0x0  }
0x108: {  	s16 =	simm.s32 $0x0;
	[sflag:s26] =	ssyncadd.s32 $0xFFFFF480  }
0x109: {  	v1 =	vld [tilespmem:s16+$0x4F00]  }
0x10a: {  	v2 =	vld [tilespmem:s16+$0x4380];
	_ =	sdelay $0x4  }
0x10b: {  	v6 =	vadd.f32 v2, v1;
	_ =	sdelay $0x1  }
0x10c: {  	v1 =	vsel vm0, $0xBF800000, v6  }
0x10d: {  	(xrf0) =	vmax.scan.msk.f32 $0xffff, v1  }
0x10e: {  	s10 =	simm.s32 $0x10  }
0x10f: {  	v2 =	vld [tilespmem:s10+$0x4380]  }
0x110: {  	v1 =	vld [tilespmem:s10+$0x4F00];
	_ =	sdelay $0x2  }
0x111: {  	v3, _, _ =	vpop (xrf0)  }
0x112: {  	(v2sf) =	vpush v3, $0xF  }
0x113: {  	v3 =	vadd.f32 v2, v1;
	_ =	sdelay $0x1  }
0x114: {  	v1 =	vsel vm0, $0xBF800000, v3  }
0x115: {  	(xrf0) =	vmax.scan.msk.f32 $0xffff, v1;
	_ =	sdelay $0x4  }
0x116: {  	s1 =	simm.s32 $0x20  }
0x117: {  	v2 =	vld [tilespmem:s1+$0x4F00];
	v1, _, _ =	vpop (xrf0)  }
0x118: {  	(v2sf) =	vpush v1, $0xF;
	v1 =	vld [tilespmem:s1+$0x4380];
	_ =	sdelay $0x3  }
0x119: {  	s24 =	spop (v2sf)  }
0x11a: {  	v2 =	vadd.f32 v1, v2;
	s15 =	smax.f32 s24, $1.000000000e+00  }
0x11b: {  	v1 =	vmov s15  }
0x11c: {  	(erf) = vrcp.f32 v1;
	v1 =	vsel vm0, $0xBF800000, v2  }
0x11d: {  	(xrf0) =	vmax.scan.msk.f32 $0xffff, v1  }
0x11e: {  	s24 =	simm.s32 $0x30  }
0x11f: {  	v4 =	vld [tilespmem:s24+$0x4F00]  }
0x120: {  	v1 =	vld [tilespmem:s24+$0x4380];
	_ =	sdelay $0x2  }
0x121: {  	v5, _, _ =	vpop (xrf0)  }
0x122: {  	(v2sf) =	vpush v5, $0xF  }
0x123: {  	v1 =	vadd.f32 v1, v4;
	_ =	sdelay $0x1  }
0x124: {  	v4 =	vld [tilespmem:s16+$0x5A80];
	v7 =	vsel vm0, $0xBF800000, v1  }
0x125: {  	s19 =	spop (v2sf);
	(xrf0) =	vmax.scan.msk.f32 $0xffff, v7  }
0x126: {  	s15 =	simm.s32 $0x40;
	s22 =	smax.f32 s19, $1.000000000e+00;
	v8 =	vpop (erf)  }
0x127: {  	v5 =	vld [tilespmem:s15+$0x4F00];
	s19 =	simm.s32 $0x140;
	v7 =	vmov s22;
	v6 =	vmul.f32 v8, v6  }
.LBB2_5:
0x128: {  	p1 =	sne.s32 s19, $0x2DC0;
	v8 =	vld [tilespmem:s15+$0x4380];
	(erf) = vrcp.f32 v7  }
0x129: {  	v4 =	vadd.f32 v6, v4;
	_ =	sdelay $0x1  }
0x12a: {  	v6, _, _ =	vpop (xrf0);
	v4 =	vmul.f32 $5.000000000e-01, v4  }
0x12b: {  	vm1 =	veq.s32 v0, $0xF;
	(v2sf) =	vpush v6, $0xF  }
0x12c: {  	v8 =	vadd.f32 v8, v5;
	v4 =	vsel vm1, $0x3F800000, v4  }
.Ltmp1:
0x12d: {  	[tilespmem:s16+$0x5A80] =	vst v4;
	s16 =	smov.u32 s10;
	s10 =	smov.u32 s1;
	(pc) =	sbr.rel @p1 .LBB2_5-.Ltmp1, $4  }
0x12e: {  	s1 =	smov.u32 s24;
	s24 =	smov.u32 s15;
	v5 =	vsel vm0, $0xBF800000, v8;
	v4 =	vld [tilespmem:s16+$0x5A80]  }
0x12f: {  	(xrf0) =	vmax.scan.msk.f32 $0xffff, v5;
	s22 =	spop (v2sf)  }
0x130: {  	s15 =	sshra.s32 s19, $0x2;
	s22 =	smax.f32 s22, $1.000000000e+00;
	v6 =	vpop (erf)  }
0x131: {  	s19 =	sadd.s32 $0x40, s19;
	v5 =	vld [tilespmem:s15+$0x4F00];
	v7 =	vmov s22;
	v6 =	vmul.f32 v6, v3;
	v3 =	vmovc v2;
	v2 =	vmovc v1;
	v1 =	vmov v8  }
0x132: {  	v8 =	vld [tilespmem:s15+$0x4380];
	(erf) = vrcp.f32 v7  }
0x133: {  	v4 =	vadd.f32 v6, v4;
	_ =	sdelay $0x1  }
0x134: {  	v55, _, _ =	vpop (xrf0);
	v4 =	vmul.f32 $5.000000000e-01, v4  }
0x135: {  	(v2sf) =	vpush v55, $0xF  }
0x136: {  	v5 =	vadd.f32 v8, v5;
	v4 =	vsel vm1, $0x3F800000, v4  }
0x137: {  	[tilespmem:s16+$0x5A80] =	vst v4  }
0x138: {  	v56 =	vsel vm0, $0xBF800000, v5;
	v57 =	vld [tilespmem:s10+$0x5A80]  }
0x139: {  	(xrf0) =	vmax.scan.msk.f32 $0xffff, v56;
	s22 =	spop (v2sf)  }
0x13a: {  	s16 =	smax.f32 s22, $1.000000000e+00;
	v58 =	vpop (erf)  }
0x13b: {  	v59 =	vmov s16;
	v3 =	vmul.f32 v58, v3  }
0x13c: {  	(erf) = vrcp.f32 v59  }
0x13d: {  	v3 =	vadd.f32 v3, v57;
	_ =	sdelay $0x1  }
0x13e: {  	v60, _, _ =	vpop (xrf0);
	v3 =	vmul.f32 $5.000000000e-01, v3  }
0x13f: {  	(v2sf) =	vpush v60, $0xF  }
0x140: {  	v3 =	vsel vm1, $0x3F800000, v3  }
0x141: {  	[tilespmem:s10+$0x5A80] =	vst v3  }
0x142: {  	v3 =	vld [tilespmem:s1+$0x5A80]  }
0x143: {  	s19 =	spop (v2sf)  }
0x144: {  	s10 =	smax.f32 s19, $1.000000000e+00;
	v61 =	vpop (erf)  }
0x145: {  	v62 =	vmov s10;
	v2 =	vmul.f32 v61, v2  }
0x146: {  	(erf) = vrcp.f32 v62  }
0x147: {  	v2 =	vadd.f32 v2, v3;
	_ =	sdelay $0x1  }
0x148: {  	v2 =	vmul.f32 $5.000000000e-01, v2;
	_ =	sdelay $0x1  }
0x149: {  	v2 =	vsel vm1, $0x3F800000, v2  }
0x14a: {  	[tilespmem:s1+$0x5A80] =	vst v2  }
0x14b: {  	v2 =	vld [tilespmem:s24+$0x5A80]  }
0x14c: {  	s22 =	spop (v2sf)  }
0x14d: {  	s1 =	smax.f32 s22, $1.000000000e+00;
	v3 =	vpop (erf)  }
0x14e: {  	v63 =	vmov s1;
	v1 =	vmul.f32 v3, v1  }
0x14f: {  	(erf) = vrcp.f32 v63  }
0x150: {  	v1 =	vadd.f32 v1, v2;
	_ =	sdelay $0x1  }
0x151: {  	v1 =	vmul.f32 $5.000000000e-01, v1;
	_ =	sdelay $0x1  }
0x152: {  	v1 =	vsel vm1, $0x3F800000, v1  }
0x153: {  	[tilespmem:s24+$0x5A80] =	vst v1  }
0x154: {  	v1 =	vld [tilespmem:s15+$0x5A80];
	_ =	sdelay $0x1  }
0x155: {  	v2 =	vpop (erf)  }
0x156: {  	v2 =	vmul.f32 v2, v5;
	_ =	sdelay $0x1  }
0x157: {  	v1 =	vadd.f32 v2, v1;
	_ =	sdelay $0x1  }
0x158: {  	v1 =	vmul.f32 $5.000000000e-01, v1  }
0x159: {  	s12 =	sadd.s32 $0x1, s12  }
0x15a: {  	p1 =	sne.s32 s12, $0x11;
	v1 =	vsel vm1, $0x3F800000, v1  }
.Ltmp2:
0x15b: {  	s24 =	sadd.s32 s8, s18;
	[tilespmem:s15+$0x5A80] =	vst v1;
	(pc) =	sbr.rel @p1 .LBB2_4-.Ltmp2, $4  }
0x15c: {  	[hbm4b:s24+s3] =	stream.linear.scatter [tilespmem:s17], [sflag:$0x5], $0xB80, $0x38;
	[tilespmem:$0x1ED00] =	vst v63  }
0x15d: {  	_ =	swait.ge [sflag:s26], $0xB80  }
0x15e: {  	[sflag:s26] =	ssyncset.done $0x0  }
0x15f: {  	[sflag:s26] =	ssyncadd.s32 $0xFFFFF480  }
0x160: {  	[bflag:$0x0] =	sbarrier.arrive $0xFFFF;
	s1 =	simm.s32 @!p0 $0x100000  }
0x161: {  	[smem:s1], [sflag:$0x0] =	smem.add.s32 @!p0 $0x0;
	s1 =	simm.s32 @!p0 $0x0  }
0x162: {  	_ =	swait.done @!p0 [sflag:s1]  }
0x163: {  	s10 =	ssyncread @!p0 [sflag:$0x0];
	_ =	sdelay $0x1  }
0x164: {  	s19 =	rddreg [dreg:$0xd]  }
0x165: {  	s10 =	sadd.s32 @!p0 s19, s10  }
0x166: {  	s12 =	rddreg [dreg:$0x16];
	s10 =	sshll.u32 @!p0 s10, $0x11  }
0x167: {  	[sflag:s1] =	ssyncset.s32 @!p0 $0x0;
	s10 =	sor.u32 @!p0 s10, s12  }
0x168: {  	[sflag:s1] =	ssyncset.done @!p0 $0x0;
	s1 =	sor.u32 @!p0 $0x1C04, s10  }
0x169: {  	[sflag:s1] =	ssyncadd.remote.s32 @!p0 $0x1;
	s1 =	simm.s32 @!p0 $0x4  }
0x16a: {  	_ =	swait.ge @!p0 [sflag:s1], $0x1  }
0x16b: {  	[sflag:s1] =	ssyncset.done @!p0 $0x0  }
0x16c: {  	[sflag:s1] =	ssyncadd.s32 @!p0 $0xFFFFFFFF  }
0x16d: {  	[bflag:$0x0] =	sbarrier.arrive $0xFFFF  }
0x16e: {  	s18 =	rddreg [dreg:$0x4]  }
0x16f: {  	s16 =	rddreg [dreg:$0x7]  }
0x170: {  	s22 =	rddreg [dreg:$0x15]  }
0x171: {  	[spmem:s22], [sflag:s16] =	dma.local [hbm:s18], $0x30E0  }
0x172: {  	_ =	swait.ge [sflag:s26], $0x30E0  }
0x173: {  	[sflag:s26] =	ssyncset.done $0x0  }
0x174: {  	[sflag:s26] =	ssyncadd.s32 $0xFFFFCF20  }
0x175: {  	[bflag:$0x0] =	sbarrier.arrive $0xFFFF  }
0x176: {  	s24 =	simm.s32 $0x0;
	s25 =	rddreg [dreg:$0x8]  }
0x177: {  	[tilespmem:s24], [sflag:$0x1] =	stream.linear.gather [hbm4b:s25+s24], $0x140, $0x38;
	[tilespmem:$0x1ED00] =	vst v63  }
0x178: {  	s12 =	rddreg [dreg:$0x9]  }
0x179: {  	[tilespmem:s28], [sflag:$0x1] =	stream.linear.gather [hbm4b:s12+s24], $0x140, $0x38;
	[tilespmem:$0x1ED00] =	vst v63  }
0x17a: {  	s15 =	rddreg [dreg:$0xa]  }
0x17b: {  	[tilespmem:s29], [sflag:$0x1] =	stream.linear.gather [hbm4b:s15+s24], $0x140, $0x38;
	[tilespmem:$0x1ED00] =	vst v63  }
0x17c: {  	s18 =	rddreg [dreg:$0xb]  }
0x17d: {  	[tilespmem:s30], [sflag:$0x1] =	stream.linear.gather [hbm4b:s18+s24], $0x140, $0x38;
	[tilespmem:$0x1ED00] =	vst v63  }
0x17e: {  	_ =	swait.ge [sflag:s31], $0x140  }
0x17f: {  	[sflag:s31] =	ssyncset.done $0x0  }
0x180: {  	[sflag:s31] =	ssyncadd.s32 $0xFFFFFEC0  }
0x181: {  	_ =	swait.ge [sflag:s31], $0x140  }
0x182: {  	p1 =	por $0x1, $0x1;
	[sflag:s31] =	ssyncset.done $0x0  }
0x183: {  	s1 =	simm.s32 @!p1 $0x3;
	[sflag:s31] =	ssyncadd.s32 $0xFFFFFEC0  }
0x184: {  	[tilespmem:s0], [sflag:$0x2] =	stream.indirect.gather [hbm4b:s8+s29], $0x10, s24, s29, $0xb8;
	[tilespmem:$0x1ED00] =	vst v63  }
0x185: {  	_ =	swait.ge @!p1 [sflag:s1], $0x1400  }
0x186: {  	[sflag:s1] =	ssyncset.done @!p1 $0x0  }
0x187: {  	s18 =	rddreg [dreg:$0x13];
	[sflag:s1] =	ssyncadd.s32 @!p1 $0xFFFFEC00  }
0x188: {  	[tilespmem:s11], [sflag:$0x1] =	stream.linear.gather [hbm4b:s18+s3], $0x140, $0x38;
	[tilespmem:$0x1ED00] =	vst v63  }
0x189: {  	s15 =	rddreg [dreg:$0x12]  }
0x18a: {  	[tilespmem:s21], [sflag:$0x1] =	stream.linear.gather [hbm4b:s15+s3], $0x140, $0x38;
	[tilespmem:$0x1ED00] =	vst v63  }
0x18b: {  	_ =	swait.ge [sflag:s31], $0x140  }
0x18c: {  	[sflag:s31] =	ssyncset.done $0x0  }
0x18d: {  	[sflag:s31] =	ssyncadd.s32 $0xFFFFFEC0  }
0x18e: {  	_ =	swait.ge [sflag:s31], $0x140  }
0x18f: {  	[sflag:s31] =	ssyncset.done $0x0  }
0x190: {  	[sflag:s31] =	ssyncadd.s32 $0xFFFFFEC0  }
0x191: {  	[tilespmem:s23], [sflag:$0x2] =	stream.indirect.gather [hbm4b:s8+s29], $0x10, s29, s29, $0xb8;
	[tilespmem:$0x1ED00] =	vst v63  }
0x192: {  	_ =	swait.ge [sflag:s7], $0x1400  }
0x193: {  	[sflag:s7] =	ssyncset.done $0x0  }
0x194: {  	s10 =	sadd.s32 $0x0, s20;
	[sflag:s7] =	ssyncadd.s32 $0xFFFFEC00  }
0x195: {  	[spmem:s2] =	stream.indirect.scatter.add.f32 [tilespmem:s0], [sflag:$0x3], $0x10, s28, s29, $0xb8;
	[tilespmem:$0x1ED00] =	vst v63  }
0x196: {  	s24 =	sadd.s32 $0x3C0, s10;
	_ =	swait.ge @!p1 [sflag:s1], $0x1400  }
0x197: {  	s12 =	sshrl.u32 s24, $0x3;
	[sflag:s1] =	ssyncset.done @!p1 $0x0  }
0x198: {  	s25 =	sadd.s32 s5, s12;
	[sflag:s1] =	ssyncadd.s32 @!p1 $0xFFFFEC00  }
0x199: {  	[tilespmem:s3], [sflag:$0x1] =	stream.linear.gather [hbm4b:s25+s3], $0x140, $0x38;
	[tilespmem:$0x1ED00] =	vst v63  }
0x19a: {  	s24 =	sadd.s32 s6, s12  }
0x19b: {  	[tilespmem:s28], [sflag:$0x1] =	stream.linear.gather [hbm4b:s24+s3], $0x140, $0x38;
	[tilespmem:$0x1ED00] =	vst v63  }
0x19c: {  	_ =	swait.ge [sflag:s31], $0x140  }
0x19d: {  	[sflag:s31] =	ssyncset.done $0x0  }
0x19e: {  	[sflag:s31] =	ssyncadd.s32 $0xFFFFFEC0  }
0x19f: {  	_ =	swait.ge [sflag:s31], $0x140  }
0x1a0: {  	[sflag:s31] =	ssyncset.done $0x0  }
0x1a1: {  	[sflag:s31] =	ssyncadd.s32 $0xFFFFFEC0  }
0x1a2: {  	[tilespmem:s13], [sflag:$0x2] =	stream.indirect.gather [hbm4b:s8+s29], $0x10, s11, s29, $0xb8;
	[tilespmem:$0x1ED00] =	vst v63  }
0x1a3: {  	_ =	swait.ge [sflag:s7], $0x1400  }
0x1a4: {  	s1 =	sadd.s32 $0x500, s10;
	[sflag:s7] =	ssyncset.done $0x0  }
0x1a5: {  	p1 =	slt.s32 s1, $0x61A6C0;
	[sflag:s7] =	ssyncadd.s32 $0xFFFFEC00  }
0x1a6: {  	[spmem:s2] =	stream.indirect.scatter.add.f32 [tilespmem:s23], [sflag:$0x3], $0x10, s30, s29, $0xb8;
	[tilespmem:$0x1ED00] =	vst v63  }
0x1a7: {  	s1 =	simm.s32 @!p1 $0x61A6C0;
	_ =	swait.ge [sflag:s14], $0x1400  }
0x1a8: {  	s1 =	sshrl.u32 s1, $0x3;
	[sflag:s14] =	ssyncset.done $0x0  }
0x1a9: {  	s25 =	sadd.s32 s5, s1;
	[sflag:s14] =	ssyncadd.s32 $0xFFFFEC00  }
0x1aa: {  	[tilespmem:s29], [sflag:$0x1] =	stream.linear.gather [hbm4b:s25+s3], $0x140, $0x38;
	[tilespmem:$0x1ED00] =	vst v63  }
0x1ab: {  	s1 =	sadd.s32 s6, s1  }
0x1ac: {  	[tilespmem:s30], [sflag:$0x1] =	stream.linear.gather [hbm4b:s1+s3], $0x140, $0x38;
	[tilespmem:$0x1ED00] =	vst v63  }
0x1ad: {  	_ =	swait.ge [sflag:s31], $0x140  }
0x1ae: {  	[sflag:s31] =	ssyncset.done $0x0  }
0x1af: {  	[sflag:s31] =	ssyncadd.s32 $0xFFFFFEC0  }
0x1b0: {  	_ =	swait.ge [sflag:s31], $0x140  }
0x1b1: {  	[sflag:s31] =	ssyncset.done $0x0  }
0x1b2: {  	p2 =	por $0x0, $0x0;
	[sflag:s31] =	ssyncadd.s32 $0xFFFFFEC0  }
0x1b3: {  	[tilespmem:s0], [sflag:$0x2] =	stream.indirect.gather [hbm4b:s8+s29], $0x10, s3, s29, $0xb8;
	[tilespmem:$0x1ED00] =	vst v63  }
0x1b4: {  	s12 =	simm.s32 $0x3C0;
	s18 =	sadd.s32 $0x78, s18;
	_ =	swait.ge [sflag:s7], $0x1400  }
0x1b5: {  	s24 =	simm.s32 $0x780;
	s25 =	sadd.s32 $0x78, s15;
	[sflag:s7] =	ssyncset.done $0x0  }
.LBB2_8:
0x1b6: {  	s1 =	simm.s32 @!p2 $0x3  }
0x1b7: {  	[sflag:s7] =	ssyncadd.s32 $0xFFFFEC00;
	s10 =	smov.u32 s24;
	s24 =	sadd.s32 $0x3C0, s24  }
0x1b8: {  	[spmem:s2] =	stream.indirect.scatter.add.f32 [tilespmem:s13], [sflag:$0x3], $0x10, s21, s29, $0xb8;
	[tilespmem:$0x1ED00] =	vst v63  }
0x1b9: {  	p1 =	sne.s32 s24, $0x30C00;
	_ =	swait.ge @!p2 [sflag:s1], $0x1400  }
0x1ba: {  	[sflag:s1] =	ssyncset.done @!p2 $0x0  }
0x1bb: {  	[sflag:s1] =	ssyncadd.s32 @!p2 $0xFFFFEC00  }
0x1bc: {  	[tilespmem:s11], [sflag:$0x1] =	stream.linear.gather [hbm4b:s18+s3], $0x140, $0x38;
	[tilespmem:$0x1ED00] =	vst v63  }
0x1bd: {  	_ = 	snop  }
0x1be: {  	[tilespmem:s21], [sflag:$0x1] =	stream.linear.gather [hbm4b:s25+s3], $0x140, $0x38;
	[tilespmem:$0x1ED00] =	vst v63  }
0x1bf: {  	_ =	swait.ge [sflag:s31], $0x140  }
0x1c0: {  	[sflag:s31] =	ssyncset.done $0x0  }
0x1c1: {  	[sflag:s31] =	ssyncadd.s32 $0xFFFFFEC0  }
0x1c2: {  	_ =	swait.ge [sflag:s31], $0x140  }
0x1c3: {  	[sflag:s31] =	ssyncset.done $0x0  }
0x1c4: {  	[sflag:s31] =	ssyncadd.s32 $0xFFFFFEC0  }
0x1c5: {  	[tilespmem:s23], [sflag:$0x2] =	stream.indirect.gather [hbm4b:s8+s29], $0x10, s29, s29, $0xb8;
	[tilespmem:$0x1ED00] =	vst v63  }
0x1c6: {  	_ =	swait.ge [sflag:s7], $0x1400  }
0x1c7: {  	[sflag:s7] =	ssyncset.done $0x0  }
0x1c8: {  	s15 =	sadd.s32 s12, s20;
	s12 =	smov.u32 s10;
	[sflag:s7] =	ssyncadd.s32 $0xFFFFEC00  }
0x1c9: {  	[spmem:s2] =	stream.indirect.scatter.add.f32 [tilespmem:s0], [sflag:$0x3], $0x10, s28, s29, $0xb8;
	[tilespmem:$0x1ED00] =	vst v63  }
0x1ca: {  	s10 =	sadd.s32 $0x3C0, s15;
	s15 =	sadd.s32 $0x500, s15;
	_ =	swait.ge @!p2 [sflag:s1], $0x1400  }
0x1cb: {  	s10 =	sshrl.u32 s10, $0x3;
	p3 =	slt.s32 s15, $0x61A6C0;
	[sflag:s1] =	ssyncset.done @!p2 $0x0  }
0x1cc: {  	s15 =	simm.s32 @!p3 $0x61A6C0;
	[sflag:s1] =	ssyncadd.s32 @!p2 $0xFFFFEC00;
	s1 =	sadd.s32 s5, s10  }
0x1cd: {  	[tilespmem:s3], [sflag:$0x1] =	stream.linear.gather [hbm4b:s1+s3], $0x140, $0x38;
	[tilespmem:$0x1ED00] =	vst v63  }
0x1ce: {  	s1 =	sadd.s32 s6, s10;
	s10 =	sshrl.u32 s15, $0x3  }
0x1cf: {  	[tilespmem:s28], [sflag:$0x1] =	stream.linear.gather [hbm4b:s1+s3], $0x140, $0x38;
	[tilespmem:$0x1ED00] =	vst v63  }
0x1d0: {  	_ =	swait.ge [sflag:s31], $0x140  }
0x1d1: {  	[sflag:s31] =	ssyncset.done $0x0  }
0x1d2: {  	[sflag:s31] =	ssyncadd.s32 $0xFFFFFEC0  }
0x1d3: {  	_ =	swait.ge [sflag:s31], $0x140  }
0x1d4: {  	[sflag:s31] =	ssyncset.done $0x0  }
0x1d5: {  	[sflag:s31] =	ssyncadd.s32 $0xFFFFFEC0  }
0x1d6: {  	[tilespmem:s13], [sflag:$0x2] =	stream.indirect.gather [hbm4b:s8+s29], $0x10, s11, s29, $0xb8;
	[tilespmem:$0x1ED00] =	vst v63  }
0x1d7: {  	_ =	swait.ge [sflag:s7], $0x1400  }
0x1d8: {  	[sflag:s7] =	ssyncset.done $0x0  }
0x1d9: {  	[sflag:s7] =	ssyncadd.s32 $0xFFFFEC00  }
0x1da: {  	[spmem:s2] =	stream.indirect.scatter.add.f32 [tilespmem:s23], [sflag:$0x3], $0x10, s30, s29, $0xb8;
	[tilespmem:$0x1ED00] =	vst v63  }
0x1db: {  	_ =	swait.ge [sflag:s14], $0x1400  }
0x1dc: {  	[sflag:s14] =	ssyncset.done $0x0  }
0x1dd: {  	s1 =	sadd.s32 s5, s10;
	[sflag:s14] =	ssyncadd.s32 $0xFFFFEC00  }
0x1de: {  	[tilespmem:s29], [sflag:$0x1] =	stream.linear.gather [hbm4b:s1+s3], $0x140, $0x38;
	[tilespmem:$0x1ED00] =	vst v63  }
0x1df: {  	s1 =	sadd.s32 s6, s10  }
0x1e0: {  	[tilespmem:s30], [sflag:$0x1] =	stream.linear.gather [hbm4b:s1+s3], $0x140, $0x38;
	[tilespmem:$0x1ED00] =	vst v63  }
0x1e1: {  	_ =	swait.ge [sflag:s31], $0x140  }
0x1e2: {  	[sflag:s31] =	ssyncset.done $0x0  }
0x1e3: {  	[sflag:s31] =	ssyncadd.s32 $0xFFFFFEC0  }
0x1e4: {  	_ =	swait.ge [sflag:s31], $0x140  }
.Ltmp3:
0x1e5: {  	[sflag:s31] =	ssyncset.done $0x0;
	(pc) =	sbr.rel @p1 .LBB2_8-.Ltmp3, $4  }
0x1e6: {  	[sflag:s31] =	ssyncadd.s32 $0xFFFFFEC0  }
0x1e7: {  	[tilespmem:s0], [sflag:$0x2] =	stream.indirect.gather [hbm4b:s8+s29], $0x10, s3, s29, $0xb8;
	[tilespmem:$0x1ED00] =	vst v63  }
0x1e8: {  	s18 =	sadd.s32 $0x78, s18;
	_ =	swait.ge [sflag:s7], $0x1400  }
0x1e9: {  	s25 =	sadd.s32 $0x78, s25;
	p2 =	seq.s32 s12, $0x0;
	[sflag:s7] =	ssyncset.done $0x0  }
0x1ea: {  	s1 =	simm.s32 @!p2 $0x3;
	[sflag:s7] =	ssyncadd.s32 $0xFFFFEC00  }
0x1eb: {  	[spmem:s2] =	stream.indirect.scatter.add.f32 [tilespmem:s13], [sflag:$0x3], $0x10, s21, s29, $0xb8;
	[tilespmem:$0x1ED00] =	vst v63  }
0x1ec: {  	_ =	swait.ge @!p2 [sflag:s1], $0x1400  }
0x1ed: {  	[sflag:s1] =	ssyncset.done @!p2 $0x0  }
0x1ee: {  	[sflag:s1] =	ssyncadd.s32 @!p2 $0xFFFFEC00  }
0x1ef: {  	[tilespmem:s11], [sflag:$0x1] =	stream.linear.gather [hbm4b:s18+s3], $0x140, $0x38;
	[tilespmem:$0x1ED00] =	vst v63  }
0x1f0: {  	_ = 	snop  }
0x1f1: {  	[tilespmem:s21], [sflag:$0x1] =	stream.linear.gather [hbm4b:s25+s3], $0x140, $0x38;
	[tilespmem:$0x1ED00] =	vst v63  }
0x1f2: {  	_ =	swait.ge [sflag:s31], $0x140  }
0x1f3: {  	[sflag:s31] =	ssyncset.done $0x0  }
0x1f4: {  	[sflag:s31] =	ssyncadd.s32 $0xFFFFFEC0  }
0x1f5: {  	_ =	swait.ge [sflag:s31], $0x140  }
0x1f6: {  	[sflag:s31] =	ssyncset.done $0x0  }
0x1f7: {  	[sflag:s31] =	ssyncadd.s32 $0xFFFFFEC0  }
0x1f8: {  	[tilespmem:s23], [sflag:$0x2] =	stream.indirect.gather [hbm4b:s8+s29], $0x10, s29, s29, $0xb8;
	[tilespmem:$0x1ED00] =	vst v63  }
0x1f9: {  	_ =	swait.ge [sflag:s7], $0x1400  }
0x1fa: {  	[sflag:s7] =	ssyncset.done $0x0  }
0x1fb: {  	s10 =	sadd.s32 s12, s20;
	[sflag:s7] =	ssyncadd.s32 $0xFFFFEC00  }
0x1fc: {  	[spmem:s2] =	stream.indirect.scatter.add.f32 [tilespmem:s0], [sflag:$0x3], $0x10, s28, s29, $0xb8;
	[tilespmem:$0x1ED00] =	vst v63  }
0x1fd: {  	s12 =	sadd.s32 $0x3C0, s10;
	_ =	swait.ge @!p2 [sflag:s1], $0x1400  }
0x1fe: {  	s12 =	sshrl.u32 s12, $0x3;
	[sflag:s1] =	ssyncset.done @!p2 $0x0  }
0x1ff: {  	s15 =	sadd.s32 s5, s12;
	[sflag:s1] =	ssyncadd.s32 @!p2 $0xFFFFEC00  }
0x200: {  	[tilespmem:s3], [sflag:$0x1] =	stream.linear.gather [hbm4b:s15+s3], $0x140, $0x38;
	[tilespmem:$0x1ED00] =	vst v63  }
0x201: {  	s18 =	sadd.s32 s6, s12  }
0x202: {  	[tilespmem:s28], [sflag:$0x1] =	stream.linear.gather [hbm4b:s18+s3], $0x140, $0x38;
	[tilespmem:$0x1ED00] =	vst v63  }
0x203: {  	_ =	swait.ge [sflag:s31], $0x140  }
0x204: {  	[sflag:s31] =	ssyncset.done $0x0  }
0x205: {  	[sflag:s31] =	ssyncadd.s32 $0xFFFFFEC0  }
0x206: {  	_ =	swait.ge [sflag:s31], $0x140  }
0x207: {  	[sflag:s31] =	ssyncset.done $0x0  }
0x208: {  	[sflag:s31] =	ssyncadd.s32 $0xFFFFFEC0  }
0x209: {  	[tilespmem:s13], [sflag:$0x2] =	stream.indirect.gather [hbm4b:s8+s29], $0x10, s11, s29, $0xb8;
	[tilespmem:$0x1ED00] =	vst v63  }
0x20a: {  	_ =	swait.ge [sflag:s7], $0x1400  }
0x20b: {  	s1 =	sadd.s32 $0x500, s10;
	[sflag:s7] =	ssyncset.done $0x0  }
0x20c: {  	p1 =	slt.s32 s1, $0x61A6C0;
	[sflag:s7] =	ssyncadd.s32 $0xFFFFEC00  }
0x20d: {  	[spmem:s2] =	stream.indirect.scatter.add.f32 [tilespmem:s23], [sflag:$0x3], $0x10, s30, s29, $0xb8;
	[tilespmem:$0x1ED00] =	vst v63  }
0x20e: {  	s1 =	simm.s32 @!p1 $0x61A6C0;
	_ =	swait.ge [sflag:s14], $0x1400  }
0x20f: {  	s1 =	sshrl.u32 s1, $0x3;
	[sflag:s14] =	ssyncset.done $0x0  }
0x210: {  	s24 =	sadd.s32 s5, s1;
	[sflag:s14] =	ssyncadd.s32 $0xFFFFEC00  }
0x211: {  	[tilespmem:s29], [sflag:$0x1] =	stream.linear.gather [hbm4b:s24+s3], $0x140, $0x38;
	[tilespmem:$0x1ED00] =	vst v63  }
0x212: {  	s1 =	sadd.s32 s6, s1  }
0x213: {  	[tilespmem:s30], [sflag:$0x1] =	stream.linear.gather [hbm4b:s1+s3], $0x140, $0x38;
	[tilespmem:$0x1ED00] =	vst v63  }
0x214: {  	_ =	swait.ge [sflag:s31], $0x140  }
0x215: {  	[sflag:s31] =	ssyncset.done $0x0  }
0x216: {  	[sflag:s31] =	ssyncadd.s32 $0xFFFFFEC0  }
0x217: {  	_ =	swait.ge [sflag:s31], $0x140  }
0x218: {  	[sflag:s31] =	ssyncset.done $0x0  }
0x219: {  	[sflag:s31] =	ssyncadd.s32 $0xFFFFFEC0  }
0x21a: {  	[tilespmem:s0], [sflag:$0x2] =	stream.indirect.gather [hbm4b:s8+s29], $0x10, s3, s29, $0xb8;
	[tilespmem:$0x1ED00] =	vst v63  }
0x21b: {  	_ =	swait.ge [sflag:s7], $0x1400  }
0x21c: {  	[sflag:s7] =	ssyncset.done $0x0  }
0x21d: {  	[sflag:s7] =	ssyncadd.s32 $0xFFFFEC00  }
0x21e: {  	[spmem:s2] =	stream.indirect.scatter.add.f32 [tilespmem:s13], [sflag:$0x3], $0x10, s21, s29, $0xb8;
	[tilespmem:$0x1ED00] =	vst v63  }
0x21f: {  	_ =	swait.ge [sflag:s7], $0x1400  }
0x220: {  	[sflag:s7] =	ssyncset.done $0x0  }
0x221: {  	[sflag:s7] =	ssyncadd.s32 $0xFFFFEC00  }
0x222: {  	[spmem:s2] =	stream.indirect.scatter.add.f32 [tilespmem:s0], [sflag:$0x3], $0x10, s28, s29, $0xb8;
	[tilespmem:$0x1ED00] =	vst v63  }
0x223: {  	_ =	swait.ge [sflag:s14], $0x1400  }
0x224: {  	[sflag:s14] =	ssyncset.done $0x0  }
0x225: {  	[sflag:s14] =	ssyncadd.s32 $0xFFFFEC00  }
0x226: {  	_ =	swait.ge [sflag:s14], $0x1400  }
0x227: {  	[sflag:s14] =	ssyncset.done $0x0  }
0x228: {  	[sflag:s14] =	ssyncadd.s32 $0xFFFFEC00  }
0x229: {  	_ =	swait.ge [sflag:s14], $0x1400  }
0x22a: {  	[sflag:s14] =	ssyncset.done $0x0  }
0x22b: {  	[sflag:s14] =	ssyncadd.s32 $0xFFFFEC00  }
0x22c: {  	_ =	swait.ge [sflag:s31], $0x140  }
0x22d: {  	[sflag:s31] =	ssyncset.done $0x0  }
0x22e: {  	[sflag:s31] =	ssyncadd.s32 $0xFFFFFEC0  }
0x22f: {  	_ =	swait.ge [sflag:s31], $0x140  }
0x230: {  	[sflag:s31] =	ssyncset.done $0x0  }
0x231: {  	[sflag:s31] =	ssyncadd.s32 $0xFFFFFEC0  }
0x232: {  	[bflag:$0x0] =	sbarrier.arrive $0xFFFF  }
0x233: {  	s25 =	rddreg [dreg:$0xc]  }
0x234: {  	[hbm:s25], [sflag:s16] =	dma.local [spmem:s22], $0x30E0  }
0x235: {  	_ =	swait.ge [sflag:s26], $0x30E0  }
0x236: {  	[sflag:s26] =	ssyncset.done $0x0  }
0x237: {  	[sflag:s26] =	ssyncadd.s32 $0xFFFFCF20  }
0x238: {  	s1 =	simm.s32 @!p0 $0x100000;
	[bflag:$0x0] =	sbarrier.arrive $0xFFFF  }
0x239: {  	[smem:s1], [sflag:$0x0] =	smem.add.s32 @!p0 $0x0;
	s1 =	simm.s32 @!p0 $0x0  }
0x23a: {  	_ =	swait.done @!p0 [sflag:s1]  }
0x23b: {  	s10 =	ssyncread @!p0 [sflag:$0x0];
	_ =	sdelay $0x2  }
0x23c: {  	s10 =	sadd.s32 @!p0 s19, s10  }
0x23d: {  	s12 =	rddreg [dreg:$0x16];
	s10 =	sshll.u32 @!p0 s10, $0x11  }
0x23e: {  	[sflag:s1] =	ssyncset.s32 @!p0 $0x0;
	s10 =	sor.u32 @!p0 s10, s12  }
0x23f: {  	[sflag:s1] =	ssyncset.done @!p0 $0x0;
	s1 =	sor.u32 @!p0 $0x1C04, s10  }
0x240: {  	[sflag:s1] =	ssyncadd.remote.s32 @!p0 $0x1;
	s1 =	simm.s32 @!p0 $0x4  }
0x241: {  	_ =	swait.ge @!p0 [sflag:s1], $0x1  }
0x242: {  	[sflag:s1] =	ssyncset.done @!p0 $0x0  }
0x243: {  	[sflag:s1] =	ssyncadd.s32 @!p0 $0xFFFFFFFF  }
0x244: {  	s25 =	simm.s32 $0x0;
	s12 =	simm.s32 $0x0;
	[bflag:$0x0] =	sbarrier.arrive $0xFFFF  }
.LBB2_10:
0x245: {  	s1 =	smul.u32 $0xB8, s12  }
0x246: {  	s10 =	rddreg [dreg:$0x10]  }
0x247: {  	s16 =	rddreg [dreg:$0xe];
	s1 =	sadd.s32 s10, s1  }
0x248: {  	s10 =	sadd.s32 s16, s1  }
0x249: {  	s10 =	sshll.u32 s10, $0x1  }
0x24a: {  	s15 =	rddreg [dreg:$0x1];
	s10 =	sand.u32 $0x1FFFFFF0, s10  }
0x24b: {  	s18 =	simm.s32 $0x4380;
	s10 =	sadd.s32 s15, s10  }
0x24c: {  	[tilespmem:s18], [sflag:$0x5] =	stream.linear.gather [hbm4b:s10+s25], $0xB80, $0x38;
	[tilespmem:$0x1ED00] =	vst v63  }
0x24d: {  	s19 =	sshll.u32 s1, $0x4;
	_ =	swait.ge [sflag:s26], $0xB80  }
0x24e: {  	s10 =	sand.u32 $0x3FFFFFF0, s19;
	[sflag:s26] =	ssyncset.done $0x0  }
0x24f: {  	s22 =	simm.s32 $0x4F00;
	s10 =	sadd.s32 s10, s2;
	[sflag:s26] =	ssyncadd.s32 $0xFFFFF480  }
0x250: {  	[tilespmem:s22], [sflag:$0x5] =	stream.linear.gather [spmem:s10], $0xB80, $0x38;
	[tilespmem:$0x1ED00] =	vst v63  }
0x251: {  	_ =	swait.ge [sflag:s26], $0xB80  }
0x252: {  	s18 =	sshll.u32 s1, $0x1;
	[sflag:s26] =	ssyncset.done $0x0  }
0x253: {  	s1 =	sadd.s32 s8, s18;
	[sflag:s26] =	ssyncadd.s32 $0xFFFFF480  }
0x254: {  	[tilespmem:s17], [sflag:$0x5] =	stream.linear.gather [hbm4b:s1+s25], $0xB80, $0x38;
	[tilespmem:$0x1ED00] =	vst v63  }
0x255: {  	_ =	swait.ge [sflag:s26], $0xB80  }
0x256: {  	[sflag:s26] =	ssyncset.done $0x0  }
0x257: {  	s16 =	simm.s32 $0x0;
	[sflag:s26] =	ssyncadd.s32 $0xFFFFF480  }
0x258: {  	v1 =	vld [tilespmem:s16+$0x4F00]  }
0x259: {  	v2 =	vld [tilespmem:s16+$0x4380];
	_ =	sdelay $0x4  }
0x25a: {  	v6 =	vadd.f32 v2, v1;
	_ =	sdelay $0x1  }
0x25b: {  	v1 =	vsel vm0, $0xBF800000, v6  }
0x25c: {  	(xrf0) =	vmax.scan.msk.f32 $0xffff, v1  }
0x25d: {  	s1 =	simm.s32 $0x10  }
0x25e: {  	v2 =	vld [tilespmem:s1+$0x4380]  }
0x25f: {  	v1 =	vld [tilespmem:s1+$0x4F00];
	_ =	sdelay $0x2  }
0x260: {  	v3, _, _ =	vpop (xrf0)  }
0x261: {  	(v2sf) =	vpush v3, $0xF  }
0x262: {  	v3 =	vadd.f32 v2, v1;
	_ =	sdelay $0x1  }
0x263: {  	v1 =	vsel vm0, $0xBF800000, v3  }
0x264: {  	(xrf0) =	vmax.scan.msk.f32 $0xffff, v1;
	_ =	sdelay $0x4  }
0x265: {  	s10 =	simm.s32 $0x20  }
0x266: {  	v2 =	vld [tilespmem:s10+$0x4F00];
	v1, _, _ =	vpop (xrf0)  }
0x267: {  	(v2sf) =	vpush v1, $0xF;
	v1 =	vld [tilespmem:s10+$0x4380];
	_ =	sdelay $0x3  }
0x268: {  	s24 =	spop (v2sf)  }
0x269: {  	v2 =	vadd.f32 v1, v2;
	s15 =	smax.f32 s24, $1.000000000e+00  }
0x26a: {  	v1 =	vmov s15  }
0x26b: {  	(erf) = vrcp.f32 v1;
	v1 =	vsel vm0, $0xBF800000, v2  }
0x26c: {  	(xrf0) =	vmax.scan.msk.f32 $0xffff, v1  }
0x26d: {  	s24 =	simm.s32 $0x30  }
0x26e: {  	v4 =	vld [tilespmem:s24+$0x4F00]  }
0x26f: {  	v1 =	vld [tilespmem:s24+$0x4380];
	_ =	sdelay $0x2  }
0x270: {  	v5, _, _ =	vpop (xrf0)  }
0x271: {  	(v2sf) =	vpush v5, $0xF  }
0x272: {  	v1 =	vadd.f32 v1, v4;
	_ =	sdelay $0x1  }
0x273: {  	v4 =	vld [tilespmem:s16+$0x5A80];
	v7 =	vsel vm0, $0xBF800000, v1  }
0x274: {  	s19 =	spop (v2sf);
	(xrf0) =	vmax.scan.msk.f32 $0xffff, v7  }
0x275: {  	s15 =	simm.s32 $0x40;
	s22 =	smax.f32 s19, $1.000000000e+00;
	v8 =	vpop (erf)  }
0x276: {  	v5 =	vld [tilespmem:s15+$0x4F00];
	s19 =	simm.s32 $0x140;
	v7 =	vmov s22;
	v6 =	vmul.f32 v8, v6  }
.LBB2_11:
0x277: {  	p1 =	sne.s32 s19, $0x2DC0;
	v8 =	vld [tilespmem:s15+$0x4380];
	(erf) = vrcp.f32 v7  }
0x278: {  	v4 =	vadd.f32 v6, v4;
	_ =	sdelay $0x1  }
0x279: {  	v6, _, _ =	vpop (xrf0);
	v4 =	vmul.f32 $5.000000000e-01, v4  }
0x27a: {  	vm1 =	veq.s32 v0, $0xF;
	(v2sf) =	vpush v6, $0xF  }
0x27b: {  	v8 =	vadd.f32 v8, v5;
	v4 =	vsel vm1, $0x3F800000, v4  }
.Ltmp4:
0x27c: {  	[tilespmem:s16+$0x5A80] =	vst v4;
	s16 =	smov.u32 s1;
	s1 =	smov.u32 s10;
	(pc) =	sbr.rel @p1 .LBB2_11-.Ltmp4, $4  }
0x27d: {  	s10 =	smov.u32 s24;
	s24 =	smov.u32 s15;
	v5 =	vsel vm0, $0xBF800000, v8;
	v4 =	vld [tilespmem:s16+$0x5A80]  }
0x27e: {  	(xrf0) =	vmax.scan.msk.f32 $0xffff, v5;
	s22 =	spop (v2sf)  }
0x27f: {  	s15 =	sshra.s32 s19, $0x2;
	s22 =	smax.f32 s22, $1.000000000e+00;
	v6 =	vpop (erf)  }
0x280: {  	s19 =	sadd.s32 $0x40, s19;
	v5 =	vld [tilespmem:s15+$0x4F00];
	v7 =	vmov s22;
	v6 =	vmul.f32 v6, v3;
	v3 =	vmovc v2;
	v2 =	vmovc v1;
	v1 =	vmov v8  }
0x281: {  	v8 =	vld [tilespmem:s15+$0x4380];
	(erf) = vrcp.f32 v7  }
0x282: {  	v4 =	vadd.f32 v6, v4;
	_ =	sdelay $0x1  }
0x283: {  	v55, _, _ =	vpop (xrf0);
	v4 =	vmul.f32 $5.000000000e-01, v4  }
0x284: {  	(v2sf) =	vpush v55, $0xF  }
0x285: {  	v5 =	vadd.f32 v8, v5;
	v4 =	vsel vm1, $0x3F800000, v4  }
0x286: {  	[tilespmem:s16+$0x5A80] =	vst v4  }
0x287: {  	v56 =	vsel vm0, $0xBF800000, v5;
	v57 =	vld [tilespmem:s1+$0x5A80]  }
0x288: {  	(xrf0) =	vmax.scan.msk.f32 $0xffff, v56;
	s22 =	spop (v2sf)  }
0x289: {  	s16 =	smax.f32 s22, $1.000000000e+00;
	v58 =	vpop (erf)  }
0x28a: {  	v59 =	vmov s16;
	v3 =	vmul.f32 v58, v3  }
0x28b: {  	(erf) = vrcp.f32 v59  }
0x28c: {  	v3 =	vadd.f32 v3, v57;
	_ =	sdelay $0x1  }
0x28d: {  	v60, _, _ =	vpop (xrf0);
	v3 =	vmul.f32 $5.000000000e-01, v3  }
0x28e: {  	(v2sf) =	vpush v60, $0xF  }
0x28f: {  	v3 =	vsel vm1, $0x3F800000, v3  }
0x290: {  	[tilespmem:s1+$0x5A80] =	vst v3  }
0x291: {  	v3 =	vld [tilespmem:s10+$0x5A80]  }
0x292: {  	s19 =	spop (v2sf)  }
0x293: {  	s1 =	smax.f32 s19, $1.000000000e+00;
	v61 =	vpop (erf)  }
0x294: {  	v62 =	vmov s1;
	v2 =	vmul.f32 v61, v2  }
0x295: {  	(erf) = vrcp.f32 v62  }
0x296: {  	v2 =	vadd.f32 v2, v3;
	_ =	sdelay $0x1  }
0x297: {  	v2 =	vmul.f32 $5.000000000e-01, v2;
	_ =	sdelay $0x1  }
0x298: {  	v2 =	vsel vm1, $0x3F800000, v2  }
0x299: {  	[tilespmem:s10+$0x5A80] =	vst v2  }
0x29a: {  	v2 =	vld [tilespmem:s24+$0x5A80]  }
0x29b: {  	s22 =	spop (v2sf)  }
0x29c: {  	s1 =	smax.f32 s22, $1.000000000e+00;
	v3 =	vpop (erf)  }
0x29d: {  	v63 =	vmov s1;
	v1 =	vmul.f32 v3, v1  }
0x29e: {  	(erf) = vrcp.f32 v63  }
0x29f: {  	v1 =	vadd.f32 v1, v2;
	_ =	sdelay $0x1  }
0x2a0: {  	v1 =	vmul.f32 $5.000000000e-01, v1;
	_ =	sdelay $0x1  }
0x2a1: {  	v1 =	vsel vm1, $0x3F800000, v1  }
0x2a2: {  	[tilespmem:s24+$0x5A80] =	vst v1  }
0x2a3: {  	v1 =	vld [tilespmem:s15+$0x5A80];
	_ =	sdelay $0x1  }
0x2a4: {  	v2 =	vpop (erf)  }
0x2a5: {  	v2 =	vmul.f32 v2, v5;
	_ =	sdelay $0x1  }
0x2a6: {  	v1 =	vadd.f32 v2, v1;
	_ =	sdelay $0x1  }
0x2a7: {  	v1 =	vmul.f32 $5.000000000e-01, v1  }
0x2a8: {  	s12 =	sadd.s32 $0x1, s12  }
0x2a9: {  	p1 =	sne.s32 s12, $0x11;
	v1 =	vsel vm1, $0x3F800000, v1  }
.Ltmp5:
0x2aa: {  	s24 =	sadd.s32 s9, s18;
	[tilespmem:s15+$0x5A80] =	vst v1;
	(pc) =	sbr.rel @p1 .LBB2_10-.Ltmp5, $4  }
0x2ab: {  	[hbm4b:s24+s3] =	stream.linear.scatter [tilespmem:s17], [sflag:$0x5], $0xB80, $0x38;
	[tilespmem:$0x1ED00] =	vst v63  }
0x2ac: {  	_ =	swait.ge [sflag:s26], $0xB80  }
0x2ad: {  	[sflag:s26] =	ssyncset.done $0x0  }
0x2ae: {  	[sflag:s26] =	ssyncadd.s32 $0xFFFFF480  }
0x2af: {  	[bflag:$0x0] =	sbarrier.arrive $0xFFFF;
	s1 =	simm.s32 @!p0 $0x100000  }
0x2b0: {  	[smem:s1], [sflag:$0x0] =	smem.add.s32 @!p0 $0x0;
	s1 =	simm.s32 @!p0 $0x0  }
0x2b1: {  	_ =	swait.done @!p0 [sflag:s1]  }
0x2b2: {  	s10 =	ssyncread @!p0 [sflag:$0x0];
	_ =	sdelay $0x1  }
0x2b3: {  	s19 =	rddreg [dreg:$0xd]  }
0x2b4: {  	s10 =	sadd.s32 @!p0 s19, s10  }
0x2b5: {  	s12 =	rddreg [dreg:$0x16];
	s10 =	sshll.u32 @!p0 s10, $0x11  }
0x2b6: {  	[sflag:s1] =	ssyncset.s32 @!p0 $0x0;
	s10 =	sor.u32 @!p0 s10, s12  }
0x2b7: {  	[sflag:s1] =	ssyncset.done @!p0 $0x0;
	s1 =	sor.u32 @!p0 $0x1C04, s10  }
0x2b8: {  	[sflag:s1] =	ssyncadd.remote.s32 @!p0 $0x1;
	s1 =	simm.s32 @!p0 $0x4  }
0x2b9: {  	_ =	swait.ge @!p0 [sflag:s1], $0x1  }
0x2ba: {  	[sflag:s1] =	ssyncset.done @!p0 $0x0  }
0x2bb: {  	[sflag:s1] =	ssyncadd.s32 @!p0 $0xFFFFFFFF  }
0x2bc: {  	[bflag:$0x0] =	sbarrier.arrive $0xFFFF  }
0x2bd: {  	s18 =	rddreg [dreg:$0x4]  }
0x2be: {  	s16 =	rddreg [dreg:$0x7]  }
0x2bf: {  	s22 =	rddreg [dreg:$0x15]  }
0x2c0: {  	[spmem:s22], [sflag:s16] =	dma.local [hbm:s18], $0x30E0  }
0x2c1: {  	_ =	swait.ge [sflag:s26], $0x30E0  }
0x2c2: {  	[sflag:s26] =	ssyncset.done $0x0  }
0x2c3: {  	[sflag:s26] =	ssyncadd.s32 $0xFFFFCF20  }
0x2c4: {  	[bflag:$0x0] =	sbarrier.arrive $0xFFFF  }
0x2c5: {  	s24 =	simm.s32 $0x0;
	s25 =	rddreg [dreg:$0x8]  }
0x2c6: {  	[tilespmem:s24], [sflag:$0x1] =	stream.linear.gather [hbm4b:s25+s24], $0x140, $0x38;
	[tilespmem:$0x1ED00] =	vst v63  }
0x2c7: {  	s12 =	rddreg [dreg:$0x9]  }
0x2c8: {  	[tilespmem:s28], [sflag:$0x1] =	stream.linear.gather [hbm4b:s12+s24], $0x140, $0x38;
	[tilespmem:$0x1ED00] =	vst v63  }
0x2c9: {  	s15 =	rddreg [dreg:$0xa]  }
0x2ca: {  	[tilespmem:s29], [sflag:$0x1] =	stream.linear.gather [hbm4b:s15+s24], $0x140, $0x38;
	[tilespmem:$0x1ED00] =	vst v63  }
0x2cb: {  	s18 =	rddreg [dreg:$0xb]  }
0x2cc: {  	[tilespmem:s30], [sflag:$0x1] =	stream.linear.gather [hbm4b:s18+s24], $0x140, $0x38;
	[tilespmem:$0x1ED00] =	vst v63  }
0x2cd: {  	_ =	swait.ge [sflag:s31], $0x140  }
0x2ce: {  	[sflag:s31] =	ssyncset.done $0x0  }
0x2cf: {  	[sflag:s31] =	ssyncadd.s32 $0xFFFFFEC0  }
0x2d0: {  	_ =	swait.ge [sflag:s31], $0x140  }
0x2d1: {  	p1 =	por $0x1, $0x1;
	[sflag:s31] =	ssyncset.done $0x0  }
0x2d2: {  	s1 =	simm.s32 @!p1 $0x3;
	[sflag:s31] =	ssyncadd.s32 $0xFFFFFEC0  }
0x2d3: {  	[tilespmem:s0], [sflag:$0x2] =	stream.indirect.gather [hbm4b:s9+s29], $0x10, s24, s29, $0xb8;
	[tilespmem:$0x1ED00] =	vst v63  }
0x2d4: {  	_ =	swait.ge @!p1 [sflag:s1], $0x1400  }
0x2d5: {  	[sflag:s1] =	ssyncset.done @!p1 $0x0  }
0x2d6: {  	s18 =	rddreg [dreg:$0x13];
	[sflag:s1] =	ssyncadd.s32 @!p1 $0xFFFFEC00  }
0x2d7: {  	[tilespmem:s11], [sflag:$0x1] =	stream.linear.gather [hbm4b:s18+s3], $0x140, $0x38;
	[tilespmem:$0x1ED00] =	vst v63  }
0x2d8: {  	s15 =	rddreg [dreg:$0x12]  }
0x2d9: {  	[tilespmem:s21], [sflag:$0x1] =	stream.linear.gather [hbm4b:s15+s3], $0x140, $0x38;
	[tilespmem:$0x1ED00] =	vst v63  }
0x2da: {  	_ =	swait.ge [sflag:s31], $0x140  }
0x2db: {  	[sflag:s31] =	ssyncset.done $0x0  }
0x2dc: {  	[sflag:s31] =	ssyncadd.s32 $0xFFFFFEC0  }
0x2dd: {  	_ =	swait.ge [sflag:s31], $0x140  }
0x2de: {  	[sflag:s31] =	ssyncset.done $0x0  }
0x2df: {  	[sflag:s31] =	ssyncadd.s32 $0xFFFFFEC0  }
0x2e0: {  	[tilespmem:s23], [sflag:$0x2] =	stream.indirect.gather [hbm4b:s9+s29], $0x10, s29, s29, $0xb8;
	[tilespmem:$0x1ED00] =	vst v63  }
0x2e1: {  	_ =	swait.ge [sflag:s7], $0x1400  }
0x2e2: {  	[sflag:s7] =	ssyncset.done $0x0  }
0x2e3: {  	s10 =	sadd.s32 $0x0, s20;
	[sflag:s7] =	ssyncadd.s32 $0xFFFFEC00  }
0x2e4: {  	[spmem:s2] =	stream.indirect.scatter.add.f32 [tilespmem:s0], [sflag:$0x3], $0x10, s28, s29, $0xb8;
	[tilespmem:$0x1ED00] =	vst v63  }
0x2e5: {  	s24 =	sadd.s32 $0x3C0, s10;
	_ =	swait.ge @!p1 [sflag:s1], $0x1400  }
0x2e6: {  	s12 =	sshrl.u32 s24, $0x3;
	[sflag:s1] =	ssyncset.done @!p1 $0x0  }
0x2e7: {  	s25 =	sadd.s32 s5, s12;
	[sflag:s1] =	ssyncadd.s32 @!p1 $0xFFFFEC00  }
0x2e8: {  	[tilespmem:s3], [sflag:$0x1] =	stream.linear.gather [hbm4b:s25+s3], $0x140, $0x38;
	[tilespmem:$0x1ED00] =	vst v63  }
0x2e9: {  	s24 =	sadd.s32 s6, s12  }
0x2ea: {  	[tilespmem:s28], [sflag:$0x1] =	stream.linear.gather [hbm4b:s24+s3], $0x140, $0x38;
	[tilespmem:$0x1ED00] =	vst v63  }
0x2eb: {  	_ =	swait.ge [sflag:s31], $0x140  }
0x2ec: {  	[sflag:s31] =	ssyncset.done $0x0  }
0x2ed: {  	[sflag:s31] =	ssyncadd.s32 $0xFFFFFEC0  }
0x2ee: {  	_ =	swait.ge [sflag:s31], $0x140  }
0x2ef: {  	[sflag:s31] =	ssyncset.done $0x0  }
0x2f0: {  	[sflag:s31] =	ssyncadd.s32 $0xFFFFFEC0  }
0x2f1: {  	[tilespmem:s13], [sflag:$0x2] =	stream.indirect.gather [hbm4b:s9+s29], $0x10, s11, s29, $0xb8;
	[tilespmem:$0x1ED00] =	vst v63  }
0x2f2: {  	_ =	swait.ge [sflag:s7], $0x1400  }
0x2f3: {  	s1 =	sadd.s32 $0x500, s10;
	[sflag:s7] =	ssyncset.done $0x0  }
0x2f4: {  	p1 =	slt.s32 s1, $0x61A6C0;
	[sflag:s7] =	ssyncadd.s32 $0xFFFFEC00  }
0x2f5: {  	[spmem:s2] =	stream.indirect.scatter.add.f32 [tilespmem:s23], [sflag:$0x3], $0x10, s30, s29, $0xb8;
	[tilespmem:$0x1ED00] =	vst v63  }
0x2f6: {  	s1 =	simm.s32 @!p1 $0x61A6C0;
	_ =	swait.ge [sflag:s14], $0x1400  }
0x2f7: {  	s1 =	sshrl.u32 s1, $0x3;
	[sflag:s14] =	ssyncset.done $0x0  }
0x2f8: {  	s25 =	sadd.s32 s5, s1;
	[sflag:s14] =	ssyncadd.s32 $0xFFFFEC00  }
0x2f9: {  	[tilespmem:s29], [sflag:$0x1] =	stream.linear.gather [hbm4b:s25+s3], $0x140, $0x38;
	[tilespmem:$0x1ED00] =	vst v63  }
0x2fa: {  	s1 =	sadd.s32 s6, s1  }
0x2fb: {  	[tilespmem:s30], [sflag:$0x1] =	stream.linear.gather [hbm4b:s1+s3], $0x140, $0x38;
	[tilespmem:$0x1ED00] =	vst v63  }
0x2fc: {  	_ =	swait.ge [sflag:s31], $0x140  }
0x2fd: {  	[sflag:s31] =	ssyncset.done $0x0  }
0x2fe: {  	[sflag:s31] =	ssyncadd.s32 $0xFFFFFEC0  }
0x2ff: {  	_ =	swait.ge [sflag:s31], $0x140  }
0x300: {  	[sflag:s31] =	ssyncset.done $0x0  }
0x301: {  	p2 =	por $0x0, $0x0;
	[sflag:s31] =	ssyncadd.s32 $0xFFFFFEC0  }
0x302: {  	[tilespmem:s0], [sflag:$0x2] =	stream.indirect.gather [hbm4b:s9+s29], $0x10, s3, s29, $0xb8;
	[tilespmem:$0x1ED00] =	vst v63  }
0x303: {  	s12 =	simm.s32 $0x3C0;
	s18 =	sadd.s32 $0x78, s18;
	_ =	swait.ge [sflag:s7], $0x1400  }
0x304: {  	s24 =	simm.s32 $0x780;
	s25 =	sadd.s32 $0x78, s15;
	[sflag:s7] =	ssyncset.done $0x0  }
.LBB2_14:
0x305: {  	s1 =	simm.s32 @!p2 $0x3  }
0x306: {  	[sflag:s7] =	ssyncadd.s32 $0xFFFFEC00;
	s10 =	smov.u32 s24;
	s24 =	sadd.s32 $0x3C0, s24  }
0x307: {  	[spmem:s2] =	stream.indirect.scatter.add.f32 [tilespmem:s13], [sflag:$0x3], $0x10, s21, s29, $0xb8;
	[tilespmem:$0x1ED00] =	vst v63  }
0x308: {  	p1 =	sne.s32 s24, $0x30C00;
	_ =	swait.ge @!p2 [sflag:s1], $0x1400  }
0x309: {  	[sflag:s1] =	ssyncset.done @!p2 $0x0  }
0x30a: {  	[sflag:s1] =	ssyncadd.s32 @!p2 $0xFFFFEC00  }
0x30b: {  	[tilespmem:s11], [sflag:$0x1] =	stream.linear.gather [hbm4b:s18+s3], $0x140, $0x38;
	[tilespmem:$0x1ED00] =	vst v63  }
0x30c: {  	_ = 	snop  }
0x30d: {  	[tilespmem:s21], [sflag:$0x1] =	stream.linear.gather [hbm4b:s25+s3], $0x140, $0x38;
	[tilespmem:$0x1ED00] =	vst v63  }
0x30e: {  	_ =	swait.ge [sflag:s31], $0x140  }
0x30f: {  	[sflag:s31] =	ssyncset.done $0x0  }
0x310: {  	[sflag:s31] =	ssyncadd.s32 $0xFFFFFEC0  }
0x311: {  	_ =	swait.ge [sflag:s31], $0x140  }
0x312: {  	[sflag:s31] =	ssyncset.done $0x0  }
0x313: {  	[sflag:s31] =	ssyncadd.s32 $0xFFFFFEC0  }
0x314: {  	[tilespmem:s23], [sflag:$0x2] =	stream.indirect.gather [hbm4b:s9+s29], $0x10, s29, s29, $0xb8;
	[tilespmem:$0x1ED00] =	vst v63  }
0x315: {  	_ =	swait.ge [sflag:s7], $0x1400  }
0x316: {  	[sflag:s7] =	ssyncset.done $0x0  }
0x317: {  	s15 =	sadd.s32 s12, s20;
	s12 =	smov.u32 s10;
	[sflag:s7] =	ssyncadd.s32 $0xFFFFEC00  }
0x318: {  	[spmem:s2] =	stream.indirect.scatter.add.f32 [tilespmem:s0], [sflag:$0x3], $0x10, s28, s29, $0xb8;
	[tilespmem:$0x1ED00] =	vst v63  }
0x319: {  	s10 =	sadd.s32 $0x3C0, s15;
	s15 =	sadd.s32 $0x500, s15;
	_ =	swait.ge @!p2 [sflag:s1], $0x1400  }
0x31a: {  	s10 =	sshrl.u32 s10, $0x3;
	p3 =	slt.s32 s15, $0x61A6C0;
	[sflag:s1] =	ssyncset.done @!p2 $0x0  }
0x31b: {  	s15 =	simm.s32 @!p3 $0x61A6C0;
	[sflag:s1] =	ssyncadd.s32 @!p2 $0xFFFFEC00;
	s1 =	sadd.s32 s5, s10  }
0x31c: {  	[tilespmem:s3], [sflag:$0x1] =	stream.linear.gather [hbm4b:s1+s3], $0x140, $0x38;
	[tilespmem:$0x1ED00] =	vst v63  }
0x31d: {  	s1 =	sadd.s32 s6, s10;
	s10 =	sshrl.u32 s15, $0x3  }
0x31e: {  	[tilespmem:s28], [sflag:$0x1] =	stream.linear.gather [hbm4b:s1+s3], $0x140, $0x38;
	[tilespmem:$0x1ED00] =	vst v63  }
0x31f: {  	_ =	swait.ge [sflag:s31], $0x140  }
0x320: {  	[sflag:s31] =	ssyncset.done $0x0  }
0x321: {  	[sflag:s31] =	ssyncadd.s32 $0xFFFFFEC0  }
0x322: {  	_ =	swait.ge [sflag:s31], $0x140  }
0x323: {  	[sflag:s31] =	ssyncset.done $0x0  }
0x324: {  	[sflag:s31] =	ssyncadd.s32 $0xFFFFFEC0  }
0x325: {  	[tilespmem:s13], [sflag:$0x2] =	stream.indirect.gather [hbm4b:s9+s29], $0x10, s11, s29, $0xb8;
	[tilespmem:$0x1ED00] =	vst v63  }
0x326: {  	_ =	swait.ge [sflag:s7], $0x1400  }
0x327: {  	[sflag:s7] =	ssyncset.done $0x0  }
0x328: {  	[sflag:s7] =	ssyncadd.s32 $0xFFFFEC00  }
0x329: {  	[spmem:s2] =	stream.indirect.scatter.add.f32 [tilespmem:s23], [sflag:$0x3], $0x10, s30, s29, $0xb8;
	[tilespmem:$0x1ED00] =	vst v63  }
0x32a: {  	_ =	swait.ge [sflag:s14], $0x1400  }
0x32b: {  	[sflag:s14] =	ssyncset.done $0x0  }
0x32c: {  	s1 =	sadd.s32 s5, s10;
	[sflag:s14] =	ssyncadd.s32 $0xFFFFEC00  }
0x32d: {  	[tilespmem:s29], [sflag:$0x1] =	stream.linear.gather [hbm4b:s1+s3], $0x140, $0x38;
	[tilespmem:$0x1ED00] =	vst v63  }
0x32e: {  	s1 =	sadd.s32 s6, s10  }
0x32f: {  	[tilespmem:s30], [sflag:$0x1] =	stream.linear.gather [hbm4b:s1+s3], $0x140, $0x38;
	[tilespmem:$0x1ED00] =	vst v63  }
0x330: {  	_ =	swait.ge [sflag:s31], $0x140  }
0x331: {  	[sflag:s31] =	ssyncset.done $0x0  }
0x332: {  	[sflag:s31] =	ssyncadd.s32 $0xFFFFFEC0  }
0x333: {  	_ =	swait.ge [sflag:s31], $0x140  }
.Ltmp6:
0x334: {  	[sflag:s31] =	ssyncset.done $0x0;
	(pc) =	sbr.rel @p1 .LBB2_14-.Ltmp6, $4  }
0x335: {  	[sflag:s31] =	ssyncadd.s32 $0xFFFFFEC0  }
0x336: {  	[tilespmem:s0], [sflag:$0x2] =	stream.indirect.gather [hbm4b:s9+s29], $0x10, s3, s29, $0xb8;
	[tilespmem:$0x1ED00] =	vst v63  }
0x337: {  	s18 =	sadd.s32 $0x78, s18;
	_ =	swait.ge [sflag:s7], $0x1400  }
0x338: {  	s25 =	sadd.s32 $0x78, s25;
	p2 =	seq.s32 s12, $0x0;
	[sflag:s7] =	ssyncset.done $0x0  }
0x339: {  	s1 =	simm.s32 @!p2 $0x3;
	[sflag:s7] =	ssyncadd.s32 $0xFFFFEC00  }
0x33a: {  	[spmem:s2] =	stream.indirect.scatter.add.f32 [tilespmem:s13], [sflag:$0x3], $0x10, s21, s29, $0xb8;
	[tilespmem:$0x1ED00] =	vst v63  }
0x33b: {  	_ =	swait.ge @!p2 [sflag:s1], $0x1400  }
0x33c: {  	[sflag:s1] =	ssyncset.done @!p2 $0x0  }
0x33d: {  	[sflag:s1] =	ssyncadd.s32 @!p2 $0xFFFFEC00  }
0x33e: {  	[tilespmem:s11], [sflag:$0x1] =	stream.linear.gather [hbm4b:s18+s3], $0x140, $0x38;
	[tilespmem:$0x1ED00] =	vst v63  }
0x33f: {  	_ = 	snop  }
0x340: {  	[tilespmem:s21], [sflag:$0x1] =	stream.linear.gather [hbm4b:s25+s3], $0x140, $0x38;
	[tilespmem:$0x1ED00] =	vst v63  }
0x341: {  	_ =	swait.ge [sflag:s31], $0x140  }
0x342: {  	[sflag:s31] =	ssyncset.done $0x0  }
0x343: {  	[sflag:s31] =	ssyncadd.s32 $0xFFFFFEC0  }
0x344: {  	_ =	swait.ge [sflag:s31], $0x140  }
0x345: {  	[sflag:s31] =	ssyncset.done $0x0  }
0x346: {  	[sflag:s31] =	ssyncadd.s32 $0xFFFFFEC0  }
0x347: {  	[tilespmem:s23], [sflag:$0x2] =	stream.indirect.gather [hbm4b:s9+s29], $0x10, s29, s29, $0xb8;
	[tilespmem:$0x1ED00] =	vst v63  }
0x348: {  	_ =	swait.ge [sflag:s7], $0x1400  }
0x349: {  	[sflag:s7] =	ssyncset.done $0x0  }
0x34a: {  	s10 =	sadd.s32 s12, s20;
	[sflag:s7] =	ssyncadd.s32 $0xFFFFEC00  }
0x34b: {  	[spmem:s2] =	stream.indirect.scatter.add.f32 [tilespmem:s0], [sflag:$0x3], $0x10, s28, s29, $0xb8;
	[tilespmem:$0x1ED00] =	vst v63  }
0x34c: {  	s12 =	sadd.s32 $0x3C0, s10;
	_ =	swait.ge @!p2 [sflag:s1], $0x1400  }
0x34d: {  	s12 =	sshrl.u32 s12, $0x3;
	[sflag:s1] =	ssyncset.done @!p2 $0x0  }
0x34e: {  	s15 =	sadd.s32 s5, s12;
	[sflag:s1] =	ssyncadd.s32 @!p2 $0xFFFFEC00  }
0x34f: {  	[tilespmem:s3], [sflag:$0x1] =	stream.linear.gather [hbm4b:s15+s3], $0x140, $0x38;
	[tilespmem:$0x1ED00] =	vst v63  }
0x350: {  	s18 =	sadd.s32 s6, s12  }
0x351: {  	[tilespmem:s28], [sflag:$0x1] =	stream.linear.gather [hbm4b:s18+s3], $0x140, $0x38;
	[tilespmem:$0x1ED00] =	vst v63  }
0x352: {  	_ =	swait.ge [sflag:s31], $0x140  }
0x353: {  	[sflag:s31] =	ssyncset.done $0x0  }
0x354: {  	[sflag:s31] =	ssyncadd.s32 $0xFFFFFEC0  }
0x355: {  	_ =	swait.ge [sflag:s31], $0x140  }
0x356: {  	[sflag:s31] =	ssyncset.done $0x0  }
0x357: {  	[sflag:s31] =	ssyncadd.s32 $0xFFFFFEC0  }
0x358: {  	[tilespmem:s13], [sflag:$0x2] =	stream.indirect.gather [hbm4b:s9+s29], $0x10, s11, s29, $0xb8;
	[tilespmem:$0x1ED00] =	vst v63  }
0x359: {  	_ =	swait.ge [sflag:s7], $0x1400  }
0x35a: {  	s1 =	sadd.s32 $0x500, s10;
	[sflag:s7] =	ssyncset.done $0x0  }
0x35b: {  	p1 =	slt.s32 s1, $0x61A6C0;
	[sflag:s7] =	ssyncadd.s32 $0xFFFFEC00  }
0x35c: {  	[spmem:s2] =	stream.indirect.scatter.add.f32 [tilespmem:s23], [sflag:$0x3], $0x10, s30, s29, $0xb8;
	[tilespmem:$0x1ED00] =	vst v63  }
0x35d: {  	s1 =	simm.s32 @!p1 $0x61A6C0;
	_ =	swait.ge [sflag:s14], $0x1400  }
0x35e: {  	s1 =	sshrl.u32 s1, $0x3;
	[sflag:s14] =	ssyncset.done $0x0  }
0x35f: {  	s24 =	sadd.s32 s5, s1;
	[sflag:s14] =	ssyncadd.s32 $0xFFFFEC00  }
0x360: {  	[tilespmem:s29], [sflag:$0x1] =	stream.linear.gather [hbm4b:s24+s3], $0x140, $0x38;
	[tilespmem:$0x1ED00] =	vst v63  }
0x361: {  	s1 =	sadd.s32 s6, s1  }
0x362: {  	[tilespmem:s30], [sflag:$0x1] =	stream.linear.gather [hbm4b:s1+s3], $0x140, $0x38;
	[tilespmem:$0x1ED00] =	vst v63  }
0x363: {  	_ =	swait.ge [sflag:s31], $0x140  }
0x364: {  	[sflag:s31] =	ssyncset.done $0x0  }
0x365: {  	[sflag:s31] =	ssyncadd.s32 $0xFFFFFEC0  }
0x366: {  	_ =	swait.ge [sflag:s31], $0x140  }
0x367: {  	[sflag:s31] =	ssyncset.done $0x0  }
0x368: {  	[sflag:s31] =	ssyncadd.s32 $0xFFFFFEC0  }
0x369: {  	[tilespmem:s0], [sflag:$0x2] =	stream.indirect.gather [hbm4b:s9+s29], $0x10, s3, s29, $0xb8;
	[tilespmem:$0x1ED00] =	vst v63  }
0x36a: {  	_ =	swait.ge [sflag:s7], $0x1400  }
0x36b: {  	[sflag:s7] =	ssyncset.done $0x0  }
0x36c: {  	[sflag:s7] =	ssyncadd.s32 $0xFFFFEC00  }
0x36d: {  	[spmem:s2] =	stream.indirect.scatter.add.f32 [tilespmem:s13], [sflag:$0x3], $0x10, s21, s29, $0xb8;
	[tilespmem:$0x1ED00] =	vst v63  }
0x36e: {  	_ =	swait.ge [sflag:s7], $0x1400  }
0x36f: {  	[sflag:s7] =	ssyncset.done $0x0  }
0x370: {  	[sflag:s7] =	ssyncadd.s32 $0xFFFFEC00  }
0x371: {  	[spmem:s2] =	stream.indirect.scatter.add.f32 [tilespmem:s0], [sflag:$0x3], $0x10, s28, s29, $0xb8;
	[tilespmem:$0x1ED00] =	vst v63  }
0x372: {  	_ =	swait.ge [sflag:s14], $0x1400  }
0x373: {  	[sflag:s14] =	ssyncset.done $0x0  }
0x374: {  	[sflag:s14] =	ssyncadd.s32 $0xFFFFEC00  }
0x375: {  	_ =	swait.ge [sflag:s14], $0x1400  }
0x376: {  	[sflag:s14] =	ssyncset.done $0x0  }
0x377: {  	[sflag:s14] =	ssyncadd.s32 $0xFFFFEC00  }
0x378: {  	_ =	swait.ge [sflag:s14], $0x1400  }
0x379: {  	[sflag:s14] =	ssyncset.done $0x0  }
0x37a: {  	[sflag:s14] =	ssyncadd.s32 $0xFFFFEC00  }
0x37b: {  	_ =	swait.ge [sflag:s31], $0x140  }
0x37c: {  	[sflag:s31] =	ssyncset.done $0x0  }
0x37d: {  	[sflag:s31] =	ssyncadd.s32 $0xFFFFFEC0  }
0x37e: {  	_ =	swait.ge [sflag:s31], $0x140  }
0x37f: {  	[sflag:s31] =	ssyncset.done $0x0  }
0x380: {  	[sflag:s31] =	ssyncadd.s32 $0xFFFFFEC0  }
0x381: {  	[bflag:$0x0] =	sbarrier.arrive $0xFFFF  }
0x382: {  	s25 =	rddreg [dreg:$0xc]  }
0x383: {  	[hbm:s25], [sflag:s16] =	dma.local [spmem:s22], $0x30E0  }
0x384: {  	_ =	swait.ge [sflag:s26], $0x30E0  }
0x385: {  	[sflag:s26] =	ssyncset.done $0x0  }
0x386: {  	[sflag:s26] =	ssyncadd.s32 $0xFFFFCF20  }
0x387: {  	s1 =	simm.s32 @!p0 $0x100000;
	[bflag:$0x0] =	sbarrier.arrive $0xFFFF  }
0x388: {  	[smem:s1], [sflag:$0x0] =	smem.add.s32 @!p0 $0x0;
	s1 =	simm.s32 @!p0 $0x0  }
0x389: {  	_ =	swait.done @!p0 [sflag:s1]  }
0x38a: {  	s10 =	ssyncread @!p0 [sflag:$0x0];
	_ =	sdelay $0x2  }
0x38b: {  	s10 =	sadd.s32 @!p0 s19, s10  }
0x38c: {  	s12 =	rddreg [dreg:$0x16];
	s10 =	sshll.u32 @!p0 s10, $0x11  }
0x38d: {  	[sflag:s1] =	ssyncset.s32 @!p0 $0x0;
	s10 =	sor.u32 @!p0 s10, s12  }
0x38e: {  	[sflag:s1] =	ssyncset.done @!p0 $0x0;
	s1 =	sor.u32 @!p0 $0x1C04, s10  }
0x38f: {  	[sflag:s1] =	ssyncadd.remote.s32 @!p0 $0x1;
	s1 =	simm.s32 @!p0 $0x4  }
0x390: {  	_ =	swait.ge @!p0 [sflag:s1], $0x1  }
0x391: {  	[sflag:s1] =	ssyncset.done @!p0 $0x0  }
0x392: {  	[sflag:s1] =	ssyncadd.s32 @!p0 $0xFFFFFFFF  }
0x393: {  	s18 =	simm.s32 $0x0;
	s12 =	simm.s32 $0x0;
	[bflag:$0x0] =	sbarrier.arrive $0xFFFF  }
.LBB2_16:
0x394: {  	s1 =	smul.u32 $0xB8, s12  }
0x395: {  	s10 =	rddreg [dreg:$0x10]  }
0x396: {  	s15 =	rddreg [dreg:$0xe];
	s1 =	sadd.s32 s10, s1  }
0x397: {  	s10 =	sadd.s32 s15, s1  }
0x398: {  	s10 =	sshll.u32 s10, $0x1  }
0x399: {  	s15 =	rddreg [dreg:$0x1];
	s10 =	sand.u32 $0x1FFFFFF0, s10  }
0x39a: {  	s16 =	simm.s32 $0x4380;
	s10 =	sadd.s32 s15, s10  }
0x39b: {  	[tilespmem:s16], [sflag:$0x5] =	stream.linear.gather [hbm4b:s10+s18], $0xB80, $0x38;
	[tilespmem:$0x1ED00] =	vst v63  }
0x39c: {  	s19 =	sshll.u32 s1, $0x4;
	_ =	swait.ge [sflag:s26], $0xB80  }
0x39d: {  	s10 =	sand.u32 $0x3FFFFFF0, s19;
	[sflag:s26] =	ssyncset.done $0x0  }
0x39e: {  	s22 =	simm.s32 $0x4F00;
	s10 =	sadd.s32 s10, s2;
	[sflag:s26] =	ssyncadd.s32 $0xFFFFF480  }
0x39f: {  	[tilespmem:s22], [sflag:$0x5] =	stream.linear.gather [spmem:s10], $0xB80, $0x38;
	[tilespmem:$0x1ED00] =	vst v63  }
0x3a0: {  	_ =	swait.ge [sflag:s26], $0xB80  }
0x3a1: {  	s25 =	sshll.u32 s1, $0x1;
	[sflag:s26] =	ssyncset.done $0x0  }
0x3a2: {  	s1 =	sadd.s32 s9, s25;
	[sflag:s26] =	ssyncadd.s32 $0xFFFFF480  }
0x3a3: {  	[tilespmem:s17], [sflag:$0x5] =	stream.linear.gather [hbm4b:s1+s18], $0xB80, $0x38;
	[tilespmem:$0x1ED00] =	vst v63  }
0x3a4: {  	_ =	swait.ge [sflag:s26], $0xB80  }
0x3a5: {  	[sflag:s26] =	ssyncset.done $0x0  }
0x3a6: {  	s16 =	simm.s32 $0x0;
	[sflag:s26] =	ssyncadd.s32 $0xFFFFF480  }
0x3a7: {  	v1 =	vld [tilespmem:s16+$0x4F00]  }
0x3a8: {  	v2 =	vld [tilespmem:s16+$0x4380];
	_ =	sdelay $0x4  }
0x3a9: {  	v6 =	vadd.f32 v2, v1;
	_ =	sdelay $0x1  }
0x3aa: {  	v1 =	vsel vm0, $0xBF800000, v6  }
0x3ab: {  	(xrf0) =	vmax.scan.msk.f32 $0xffff, v1  }
0x3ac: {  	s1 =	simm.s32 $0x10  }
0x3ad: {  	v2 =	vld [tilespmem:s1+$0x4380]  }
0x3ae: {  	v1 =	vld [tilespmem:s1+$0x4F00];
	_ =	sdelay $0x2  }
0x3af: {  	v3, _, _ =	vpop (xrf0)  }
0x3b0: {  	(v2sf) =	vpush v3, $0xF  }
0x3b1: {  	v3 =	vadd.f32 v2, v1;
	_ =	sdelay $0x1  }
0x3b2: {  	v1 =	vsel vm0, $0xBF800000, v3  }
0x3b3: {  	(xrf0) =	vmax.scan.msk.f32 $0xffff, v1;
	_ =	sdelay $0x4  }
0x3b4: {  	s10 =	simm.s32 $0x20  }
0x3b5: {  	v2 =	vld [tilespmem:s10+$0x4F00];
	v1, _, _ =	vpop (xrf0)  }
0x3b6: {  	(v2sf) =	vpush v1, $0xF;
	v1 =	vld [tilespmem:s10+$0x4380];
	_ =	sdelay $0x3  }
0x3b7: {  	s24 =	spop (v2sf)  }
0x3b8: {  	v2 =	vadd.f32 v1, v2;
	s15 =	smax.f32 s24, $1.000000000e+00  }
0x3b9: {  	v1 =	vmov s15  }
0x3ba: {  	(erf) = vrcp.f32 v1;
	v1 =	vsel vm0, $0xBF800000, v2  }
0x3bb: {  	(xrf0) =	vmax.scan.msk.f32 $0xffff, v1  }
0x3bc: {  	s24 =	simm.s32 $0x30  }
0x3bd: {  	v4 =	vld [tilespmem:s24+$0x4F00]  }
0x3be: {  	v1 =	vld [tilespmem:s24+$0x4380];
	_ =	sdelay $0x2  }
0x3bf: {  	v5, _, _ =	vpop (xrf0)  }
0x3c0: {  	(v2sf) =	vpush v5, $0xF  }
0x3c1: {  	v1 =	vadd.f32 v1, v4;
	_ =	sdelay $0x1  }
0x3c2: {  	v4 =	vld [tilespmem:s16+$0x5A80];
	v7 =	vsel vm0, $0xBF800000, v1  }
0x3c3: {  	s19 =	spop (v2sf);
	(xrf0) =	vmax.scan.msk.f32 $0xffff, v7  }
0x3c4: {  	s15 =	simm.s32 $0x40;
	s22 =	smax.f32 s19, $1.000000000e+00;
	v8 =	vpop (erf)  }
0x3c5: {  	v5 =	vld [tilespmem:s15+$0x4F00];
	s19 =	simm.s32 $0x140;
	v7 =	vmov s22;
	v6 =	vmul.f32 v8, v6  }
.LBB2_17:
0x3c6: {  	p1 =	sne.s32 s19, $0x2DC0;
	v8 =	vld [tilespmem:s15+$0x4380];
	(erf) = vrcp.f32 v7  }
0x3c7: {  	v4 =	vadd.f32 v6, v4;
	_ =	sdelay $0x1  }
0x3c8: {  	v6, _, _ =	vpop (xrf0);
	v4 =	vmul.f32 $5.000000000e-01, v4  }
0x3c9: {  	vm1 =	veq.s32 v0, $0xF;
	(v2sf) =	vpush v6, $0xF  }
0x3ca: {  	v8 =	vadd.f32 v8, v5;
	v4 =	vsel vm1, $0x3F800000, v4  }
.Ltmp7:
0x3cb: {  	[tilespmem:s16+$0x5A80] =	vst v4;
	s16 =	smov.u32 s1;
	s1 =	smov.u32 s10;
	(pc) =	sbr.rel @p1 .LBB2_17-.Ltmp7, $4  }
0x3cc: {  	s10 =	smov.u32 s24;
	s24 =	smov.u32 s15;
	v5 =	vsel vm0, $0xBF800000, v8;
	v4 =	vld [tilespmem:s16+$0x5A80]  }
0x3cd: {  	(xrf0) =	vmax.scan.msk.f32 $0xffff, v5;
	s22 =	spop (v2sf)  }
0x3ce: {  	s15 =	sshra.s32 s19, $0x2;
	s22 =	smax.f32 s22, $1.000000000e+00;
	v6 =	vpop (erf)  }
0x3cf: {  	s19 =	sadd.s32 $0x40, s19;
	v5 =	vld [tilespmem:s15+$0x4F00];
	v7 =	vmov s22;
	v6 =	vmul.f32 v6, v3;
	v3 =	vmovc v2;
	v2 =	vmovc v1;
	v1 =	vmov v8  }
0x3d0: {  	v8 =	vld [tilespmem:s15+$0x4380];
	(erf) = vrcp.f32 v7  }
0x3d1: {  	v4 =	vadd.f32 v6, v4;
	_ =	sdelay $0x1  }
0x3d2: {  	v55, _, _ =	vpop (xrf0);
	v4 =	vmul.f32 $5.000000000e-01, v4  }
0x3d3: {  	(v2sf) =	vpush v55, $0xF  }
0x3d4: {  	v5 =	vadd.f32 v8, v5;
	v4 =	vsel vm1, $0x3F800000, v4  }
0x3d5: {  	[tilespmem:s16+$0x5A80] =	vst v4  }
0x3d6: {  	v56 =	vsel vm0, $0xBF800000, v5;
	v57 =	vld [tilespmem:s1+$0x5A80]  }
0x3d7: {  	(xrf0) =	vmax.scan.msk.f32 $0xffff, v56;
	s22 =	spop (v2sf)  }
0x3d8: {  	s16 =	smax.f32 s22, $1.000000000e+00;
	v58 =	vpop (erf)  }
0x3d9: {  	v59 =	vmov s16;
	v3 =	vmul.f32 v58, v3  }
0x3da: {  	(erf) = vrcp.f32 v59  }
0x3db: {  	v3 =	vadd.f32 v3, v57;
	_ =	sdelay $0x1  }
0x3dc: {  	v60, _, _ =	vpop (xrf0);
	v3 =	vmul.f32 $5.000000000e-01, v3  }
0x3dd: {  	(v2sf) =	vpush v60, $0xF  }
0x3de: {  	v3 =	vsel vm1, $0x3F800000, v3  }
0x3df: {  	[tilespmem:s1+$0x5A80] =	vst v3  }
0x3e0: {  	v3 =	vld [tilespmem:s10+$0x5A80]  }
0x3e1: {  	s19 =	spop (v2sf)  }
0x3e2: {  	s1 =	smax.f32 s19, $1.000000000e+00;
	v61 =	vpop (erf)  }
0x3e3: {  	v62 =	vmov s1;
	v2 =	vmul.f32 v61, v2  }
0x3e4: {  	(erf) = vrcp.f32 v62  }
0x3e5: {  	v2 =	vadd.f32 v2, v3;
	_ =	sdelay $0x1  }
0x3e6: {  	v2 =	vmul.f32 $5.000000000e-01, v2;
	_ =	sdelay $0x1  }
0x3e7: {  	v2 =	vsel vm1, $0x3F800000, v2  }
0x3e8: {  	[tilespmem:s10+$0x5A80] =	vst v2  }
0x3e9: {  	v2 =	vld [tilespmem:s24+$0x5A80]  }
0x3ea: {  	s22 =	spop (v2sf)  }
0x3eb: {  	s1 =	smax.f32 s22, $1.000000000e+00;
	v3 =	vpop (erf)  }
0x3ec: {  	v63 =	vmov s1;
	v1 =	vmul.f32 v3, v1  }
0x3ed: {  	(erf) = vrcp.f32 v63  }
0x3ee: {  	v1 =	vadd.f32 v1, v2;
	_ =	sdelay $0x1  }
0x3ef: {  	v1 =	vmul.f32 $5.000000000e-01, v1;
	_ =	sdelay $0x1  }
0x3f0: {  	v1 =	vsel vm1, $0x3F800000, v1  }
0x3f1: {  	[tilespmem:s24+$0x5A80] =	vst v1  }
0x3f2: {  	v1 =	vld [tilespmem:s15+$0x5A80];
	_ =	sdelay $0x1  }
0x3f3: {  	v2 =	vpop (erf)  }
0x3f4: {  	v2 =	vmul.f32 v2, v5;
	_ =	sdelay $0x1  }
0x3f5: {  	v1 =	vadd.f32 v2, v1;
	_ =	sdelay $0x1  }
0x3f6: {  	v1 =	vmul.f32 $5.000000000e-01, v1  }
0x3f7: {  	s12 =	sadd.s32 $0x1, s12  }
0x3f8: {  	p1 =	sne.s32 s12, $0x11;
	s24 =	rddreg [dreg:$0x5];
	v1 =	vsel vm1, $0x3F800000, v1  }
.Ltmp8:
0x3f9: {  	s1 =	sadd.s32 s24, s25;
	[tilespmem:s15+$0x5A80] =	vst v1;
	(pc) =	sbr.rel @p1 .LBB2_16-.Ltmp8, $4  }
0x3fa: {  	[hbm4b:s1+s3] =	stream.linear.scatter [tilespmem:s17], [sflag:$0x5], $0xB80, $0x38;
	[tilespmem:$0x1ED00] =	vst v63  }
0x3fb: {  	_ =	swait.ge [sflag:s26], $0xB80  }
0x3fc: {  	[sflag:s26] =	ssyncset.done $0x0  }
0x3fd: {  	[sflag:s26] =	ssyncadd.s32 $0xFFFFF480  }
0x3fe: {  	[bflag:$0x0] =	sbarrier.arrive $0xFFFF;
	s1 =	simm.s32 @!p0 $0x100000  }
0x3ff: {  	[smem:s1], [sflag:$0x0] =	smem.add.s32 @!p0 $0x0;
	s1 =	simm.s32 @!p0 $0x0  }
0x400: {  	_ =	swait.done @!p0 [sflag:s1]  }
0x401: {  	s10 =	ssyncread @!p0 [sflag:$0x0];
	_ =	sdelay $0x1  }
0x402: {  	s16 =	rddreg [dreg:$0xd]  }
0x403: {  	s10 =	sadd.s32 @!p0 s16, s10  }
0x404: {  	s12 =	rddreg [dreg:$0x16];
	s10 =	sshll.u32 @!p0 s10, $0x11  }
0x405: {  	[sflag:s1] =	ssyncset.s32 @!p0 $0x0;
	s10 =	sor.u32 @!p0 s10, s12  }
0x406: {  	[sflag:s1] =	ssyncset.done @!p0 $0x0;
	s1 =	sor.u32 @!p0 $0x1C04, s10  }
0x407: {  	[sflag:s1] =	ssyncadd.remote.s32 @!p0 $0x1;
	s1 =	simm.s32 @!p0 $0x4  }
0x408: {  	_ =	swait.ge @!p0 [sflag:s1], $0x1  }
0x409: {  	s24 =	rddreg [dreg:$0x14]  }
0x40a: {  	s25 =	rddreg [dreg:$0x11];
	s10 =	sadd.s32 $0x1, s24  }
0x40b: {  	p1 =	sne.s32 s10, s25  }
.Ltmp9:
0x40c: {  	_ = 	snop;
	(pc) =	sbr.rel @p1 .LBB2_1-.Ltmp9, $4  }
0x40d: {  	[sflag:s1] =	ssyncset.done @!p0 $0x0  }
0x40e: {  	[sflag:s1] =	ssyncadd.s32 @!p0 $0xFFFFFFFF  }
0x40f: {  	[bflag:$0x0] =	sbarrier.arrive $0xFFFF  }
0x410: {  	s19 =	rddreg [dreg:$0x7]  }
0x411: {  	_ =	sfence.sel $0x180000  }
0x412: {  	[bflag:$0x0] =	sbarrier.arrive $0xFFFF  }
0x413: {  	_ =	strace $0x90000047  }
0x414: {  	[bflag:$0x2] =	sbarrier.arrive $0xFFFF  }
0x415: {  	s0 =	rddreg [dreg:$0x3]  }
0x416: {  	s0 =	sadd.s32 @!p0 $0x100000, s0  }
0x417: {  	[sflag:s0] =	ssyncadd.tile.s32 @!p0 $0x1;
	_ =	shalt  }
.Lfunc_end2:
_tile_overlayer_lowered:
.L_overlay_start_2:
0x418: {  	(tag) =	ssettag $0x2  }
0x419: {  	s0 =	rddreg [dreg:$0x0];
	s2 =	stileid.u32  }
0x41a: {  	s1 =	rddreg [dreg:$0x1];
	p0 =	sne.s32 s2, $0x0  }
0x41b: {  	s3 =	rddreg [dreg:$0x2];
	[bflag:$0x3] =	sbarrier.arrive $0xFFFF;
	s2 =	simm.s32 @!p0 $0x1C05  }
0x41c: {  	[timem:s3], [sflag:s2] =	dma.local @!p0 [hbm:s0], s1  }
0x41d: {  	s0 =	simm.s32 @!p0 $0x5  }
0x41e: {  	_ =	swait.ge @!p0 [sflag:s0], s1  }
0x41f: {  	s1 =	ssub.s32 @!p0 $0x0, s1;
	[sflag:s0] =	ssyncset.done @!p0 $0x0  }
0x420: {  	[sflag:s0] =	ssyncadd.s32 @!p0 s1  }
0x421: {  	[bflag:$0x3] =	sbarrier.arrive $0xFFFF  }
0x422: {  	_ =	shalt  }

</sc_bundles>
